<compile_context>
chip_gen: v7x
topology: tpu7x:2x2x1
jax: 0.10.2.dev20260603
libtpu: 0.0.44.dev20260713+nightly
codegen_flags: <defaults>
</compile_context>

<pallas_src>
import functools
import jax
import jax.numpy as jnp
from jax import lax
from jax.experimental import pallas as pl
from jax.experimental.pallas import tpu as pltpu
from jax.experimental.pallas import tpu_sc as plsc

_H = 128
_SEQ = 20
_EMB = 256
_NF = 128
_HEADS = 4

_NCORE = 2
_NSUB = 16
_NW = _NCORE * _NSUB


def _sc_mesh():
    return plsc.VectorSubcoreMesh(core_axis_name="c", subcore_axis_name="s")


def _chunks(per_w, cmax=128):
    out = []
    nfull = per_w // cmax
    if nfull:
        out.append((cmax, nfull))
    rem = per_w - nfull * cmax
    if rem:
        assert rem % 8 == 0, rem
        out.append((rem, 1))
    return out


def _seg_sum_sc(feat, src, dst, N):
    E = src.shape[0]
    D = feat.shape[1]
    per_w = E // _NW
    assert per_w * _NW == E and (D * 4) % 64 == 0
    Np = ((N + 127) // 128) * 128
    rows_pw = Np // _NSUB
    C = 128
    pieces = _chunks(per_w, C)

    idx_scratch = []
    for (csz, _) in pieces:
        idx_scratch += [pltpu.VMEM((csz,), jnp.int32),
                        pltpu.VMEM((csz,), jnp.int32)]

    @functools.partial(
        pl.kernel, mesh=_sc_mesh(),
        out_type=jax.ShapeDtypeStruct((2 * Np, D), jnp.float32),
        scratch_types=[
            pltpu.VMEM((C, D), jnp.float32),
            pltpu.VMEM_SHARED((Np, D), jnp.float32),
            pltpu.SemaphoreType.DMA,
        ] + idx_scratch,
    )
    def k(feat_hbm, src_hbm, dst_hbm, zeros_hbm, out_hbm,
          rows_v, acc_sh, sem, *idx_vs):
        ci = lax.axis_index("c")
        si = lax.axis_index("s")
        wid = si * _NCORE + ci
        pltpu.sync_copy(zeros_hbm, acc_sh.at[pl.ds(si * rows_pw, rows_pw)])
        plsc.subcore_barrier()
        base = wid * per_w
        off = 0
        for pi, (csz, cnt) in enumerate(pieces):
            sidx_v = idx_vs[2 * pi]
            didx_v = idx_vs[2 * pi + 1]

            def body(i, _, off=off, csz=csz, sidx_v=sidx_v, didx_v=didx_v):
                b = base + off + i * csz
                pltpu.sync_copy(src_hbm.at[pl.ds(b, csz)], sidx_v)
                pltpu.sync_copy(dst_hbm.at[pl.ds(b, csz)], didx_v)
                pltpu.async_copy(feat_hbm.at[sidx_v],
                                 rows_v.at[pl.ds(0, csz)], sem).wait()
                pltpu.sync_copy(rows_v.at[pl.ds(0, csz)],
                                acc_sh.at[didx_v], add=True)
                return 0
            lax.fori_loop(0, cnt, body, 0)
            off += csz * cnt
        plsc.subcore_barrier()
        r0 = si * rows_pw
        pltpu.sync_copy(acc_sh.at[pl.ds(r0, rows_pw)],
                        out_hbm.at[pl.ds(ci * Np + r0, rows_pw)])

    zeros = jnp.zeros((rows_pw, D), jnp.float32)
    out = k(feat, src, dst, zeros).reshape(2, Np, D)
    return out[:, :N]


def _gat1_sc(el_t, er_t, src, dst, shift, N):
    E = src.shape[0]
    per_w = E // _NW
    assert per_w * _NW == E
    Np = ((N + 127) // 128) * 128
    rows_pw = Np // _NSUB
    C = 128
    pieces = _chunks(per_w, C)

    idx_scratch = []
    for (csz, _) in pieces:
        idx_scratch += [pltpu.VMEM((csz,), jnp.int32),
                        pltpu.VMEM((csz,), jnp.int32)]

    @functools.partial(
        pl.kernel, mesh=_sc_mesh(),
        out_type=[jax.ShapeDtypeStruct((2 * Np, 16), jnp.float32),
                  jax.ShapeDtypeStruct((E, 16), jnp.float32)],
        scratch_types=[
            pltpu.VMEM((C, 128), jnp.float32),
            pltpu.VMEM((C, 128), jnp.float32),
            pltpu.VMEM((C, 16), jnp.float32),
            pltpu.VMEM((16,), jnp.float32),
            pltpu.VMEM_SHARED((Np, 16), jnp.float32),
            pltpu.SemaphoreType.DMA,
            pltpu.SemaphoreType.DMA,
        ] + idx_scratch,
    )
    def k(el_hbm, er_hbm, src_hbm, dst_hbm, shift_hbm, zeros_hbm,
          esum_hbm, exbuf_hbm,
          a_v, b_v, exb_v, sh_v, acc_sh, sem, sem2, *idx_vs):
        ci = lax.axis_index("c")
        si = lax.axis_index("s")
        wid = si * _NCORE + ci
        pltpu.sync_copy(zeros_hbm, acc_sh.at[pl.ds(si * rows_pw, rows_pw)])
        pltpu.sync_copy(shift_hbm, sh_v)
        plsc.subcore_barrier()
        base = wid * per_w
        off = 0
        for pi, (csz, cnt) in enumerate(pieces):
            sidx_v = idx_vs[2 * pi]
            didx_v = idx_vs[2 * pi + 1]

            def body(i, _, off=off, csz=csz, sidx_v=sidx_v, didx_v=didx_v):
                b = base + off + i * csz
                pltpu.sync_copy(src_hbm.at[pl.ds(b, csz)], sidx_v)
                pltpu.sync_copy(dst_hbm.at[pl.ds(b, csz)], didx_v)
                cp1 = pltpu.async_copy(el_hbm.at[sidx_v], a_v.at[pl.ds(0, csz)], sem)
                cp2 = pltpu.async_copy(er_hbm.at[didx_v], b_v.at[pl.ds(0, csz)], sem2)
                cp1.wait()
                cp2.wait()
                shv = sh_v[...]

                def row(r, _):
                    v = a_v[r, pl.ds(0, 16)] + b_v[r, pl.ds(0, 16)]
                    v = jnp.maximum(v, 0.0) + 0.2 * jnp.minimum(v, 0.0)
                    ex = jnp.exp(v - shv)
                    exb_v[r] = ex
                    return 0
                lax.fori_loop(0, csz, row, 0)
                pltpu.sync_copy(exb_v.at[pl.ds(0, csz)],
                                acc_sh.at[didx_v], add=True)
                pltpu.sync_copy(exb_v.at[pl.ds(0, csz)],
                                exbuf_hbm.at[pl.ds(b, csz)])
                return 0
            lax.fori_loop(0, cnt, body, 0)
            off += csz * cnt
        plsc.subcore_barrier()
        r0 = si * rows_pw
        pltpu.sync_copy(acc_sh.at[pl.ds(r0, rows_pw)],
                        esum_hbm.at[pl.ds(ci * Np + r0, rows_pw)])

    zeros = jnp.zeros((rows_pw, 16), jnp.float32)
    esum, exbuf = k(el_t, er_t, src, dst, shift, zeros)
    return esum.reshape(2, Np, 16)[:, :N], exbuf


def _gat2_sc(feat_h, src, dst, exbuf, head, N):
    E = src.shape[0]
    per_w = E // _NW
    assert per_w * _NW == E
    Np = ((N + 127) // 128) * 128
    rows_pw = Np // _NSUB
    C = 128
    pieces = _chunks(per_w, C)

    idx_scratch = []
    for (csz, _) in pieces:
        idx_scratch += [pltpu.VMEM((csz,), jnp.int32),
                        pltpu.VMEM((csz,), jnp.int32)]

    bidx = jnp.full((16,), head, jnp.int32)

    @functools.partial(
        pl.kernel, mesh=_sc_mesh(),
        out_type=jax.ShapeDtypeStruct((2 * Np, 128), jnp.float32),
        scratch_types=[
            pltpu.VMEM((C, 128), jnp.float32),
            pltpu.VMEM((C, 16), jnp.float32),
            pltpu.VMEM((16,), jnp.int32),
            pltpu.VMEM_SHARED((Np, 128), jnp.float32),
            pltpu.SemaphoreType.DMA,
        ] + idx_scratch,
    )
    def k(feat_hbm, src_hbm, dst_hbm, exbuf_hbm, oh_hbm, zeros_hbm, out_hbm,
          rows_v, exb_v, oh_v, acc_sh, sem, *idx_vs):
        ci = lax.axis_index("c")
        si = lax.axis_index("s")
        wid = si * _NCORE + ci
        pltpu.sync_copy(zeros_hbm, acc_sh.at[pl.ds(si * rows_pw, rows_pw)])
        pltpu.sync_copy(oh_hbm, oh_v)
        plsc.subcore_barrier()
        base = wid * per_w
        off = 0
        for pi, (csz, cnt) in enumerate(pieces):
            sidx_v = idx_vs[2 * pi]
            didx_v = idx_vs[2 * pi + 1]

            def body(i, _, off=off, csz=csz, sidx_v=sidx_v, didx_v=didx_v):
                b = base + off + i * csz
                pltpu.sync_copy(src_hbm.at[pl.ds(b, csz)], sidx_v)
                pltpu.sync_copy(dst_hbm.at[pl.ds(b, csz)], didx_v)
                pltpu.sync_copy(exbuf_hbm.at[pl.ds(b, csz)], exb_v.at[pl.ds(0, csz)])
                pltpu.async_copy(feat_hbm.at[sidx_v],
                                 rows_v.at[pl.ds(0, csz)], sem).wait()
                ohv = oh_v[...]

                def row(r, _):
                    s = exb_v[r].at[ohv].get(mode='promise_in_bounds')
                    for v in range(8):
                        rows_v[r, pl.ds(v * 16, 16)] = rows_v[r, pl.ds(v * 16, 16)] * s
                    return 0
                lax.fori_loop(0, csz, row, 0)
                pltpu.sync_copy(rows_v.at[pl.ds(0, csz)],
                                acc_sh.at[didx_v], add=True)
                return 0
            lax.fori_loop(0, cnt, body, 0)
            off += csz * cnt
        plsc.subcore_barrier()
        r0 = si * rows_pw
        pltpu.sync_copy(acc_sh.at[pl.ds(r0, rows_pw)],
                        out_hbm.at[pl.ds(ci * Np + r0, rows_pw)])

    zeros = jnp.zeros((rows_pw, 128), jnp.float32)
    out = k(feat_h, src, dst, exbuf, bidx, zeros).reshape(2, Np, 128)
    return out[:, :N]


def _enc_body(xe_ref, pinv_ref, wihT_ref, whhT_ref, bias_ref,
              cw2_ref, cw3_ref, cw4_ref, cb_ref,
              fcW_ref, fcb_ref, fc1W_ref, fc1b_ref,
              out_ref, hsf_ref, hsb_ref, hseq_ref):
    B = xe_ref.shape[1]
    f32 = jnp.float32
    for l in range(2):
        in_ref = xe_ref if l == 0 else hseq_ref
        for d in range(2):
            wihT = wihT_ref[l, d]
            whhT = whhT_ref[l, d]
            bias = bias_ref[l, d]
            hs_ref = hsf_ref if d == 0 else hsb_ref

            def step(i, carry, in_ref=in_ref, wihT=wihT, whhT=whhT,
                     bias=bias, hs_ref=hs_ref, d=d):
                h, c = carry
                t = i if d == 0 else (_SEQ - 1 - i)
                xt = in_ref[t]
                g = (jnp.dot(xt, wihT, preferred_element_type=f32)
                     + jnp.dot(h, whhT, preferred_element_type=f32) + bias)
                gi = jax.nn.sigmoid(g[:, 0 * _H:1 * _H])
                gf = jax.nn.sigmoid(g[:, 1 * _H:2 * _H])
                gg = jnp.tanh(g[:, 2 * _H:3 * _H])
                go = jax.nn.sigmoid(g[:, 3 * _H:4 * _H])
                c = gf * c + gi * gg
                h = go * jnp.tanh(c)
                hs_ref[t] = h
                return (h, c)

            z = jnp.zeros((B, _H), f32)
            lax.fori_loop(0, _SEQ, step, (z, z))
        hseq_ref[...] = jnp.concatenate([hsf_ref[...], hsb_ref[...]], axis=-1)

    hseq2 = hseq_ref[...].reshape(_SEQ * B, 2 * _H)
    feats = []
    for ci, (cw_ref, k) in enumerate(((cw2_ref, 2), (cw3_ref, 3), (cw4_ref, 4))):
        Ps = [jnp.dot(hseq2, cw_ref[j], preferred_element_type=f32)
              .reshape(_SEQ, B, _NF) for j in range(k)]
        m = None
        for t in range(_SEQ - k + 1):
            y = Ps[0][t]
            for j in range(1, k):
                y = y + Ps[j][t + j]
            m = y if m is None else jnp.maximum(m, y)
        feats.append(jax.nn.relu(m + cb_ref[ci]))
    o = jnp.concatenate(feats, axis=-1)
    o = jnp.tanh(jnp.dot(o, fcW_ref[...], preferred_element_type=f32) + fcb_ref[...])
    o = o * pinv_ref[...]
    o = jnp.tanh(jnp.dot(o, fc1W_ref[...], preferred_element_type=f32) + fc1b_ref[...])
    out_ref[...] = o


def _encoder(xeT, pinv, wihT, whhT, bias, cw2, cw3, cw4, cb,
             fcW, fcb, fc1W, fc1b, block=128):
    NP = xeT.shape[1]
    grid = (NP // block,)
    c0 = lambda i: (0, 0, 0)
    return pl.pallas_call(
        _enc_body,
        grid=grid,
        in_specs=[
            pl.BlockSpec((_SEQ, block, _EMB), lambda i: (0, i, 0)),
            pl.BlockSpec((block, 1), lambda i: (i, 0)),
            pl.BlockSpec((2, 2, _EMB, 4 * _H), lambda i: (0, 0, 0, 0)),
            pl.BlockSpec((2, 2, _H, 4 * _H), lambda i: (0, 0, 0, 0)),
            pl.BlockSpec((2, 2, 4 * _H), c0),
            pl.BlockSpec((2, _EMB, _NF), c0),
            pl.BlockSpec((3, _EMB, _NF), c0),
            pl.BlockSpec((4, _EMB, _NF), c0),
            pl.BlockSpec((3, _NF), lambda i: (0, 0)),
            pl.BlockSpec((3 * _NF, _H), lambda i: (0, 0)),
            pl.BlockSpec((1, _H), lambda i: (0, 0)),
            pl.BlockSpec((_H, _H), lambda i: (0, 0)),
            pl.BlockSpec((1, _H), lambda i: (0, 0)),
        ],
        out_specs=pl.BlockSpec((block, _H), lambda i: (i, 0)),
        out_shape=jax.ShapeDtypeStruct((NP, _H), jnp.float32),
        scratch_shapes=[
            pltpu.VMEM((_SEQ, block, _H), jnp.float32),
            pltpu.VMEM((_SEQ, block, _H), jnp.float32),
            pltpu.VMEM((_SEQ, block, 2 * _H), jnp.float32),
        ],
    )(xeT, pinv, wihT, whhT, bias, cw2, cw3, cw4, cb, fcW, fcb, fc1W, fc1b)


def _graph(o, price, edge_index, gc1W, gc1b, gc2W, gc2b, gatW, attn_l,
           attn_r, gatb, outW, outb):
    N = o.shape[0]
    o = jnp.concatenate([o, price], axis=1)
    esrc = edge_index[0]
    edst = edge_index[1]
    ones = jnp.ones((N, 128), jnp.float32)
    cnt_src = _seg_sum_sc(ones, esrc, esrc, N).sum(0)[:, 0]
    cnt_dst = _seg_sum_sc(ones, edst, edst, N).sum(0)[:, 0]
    norm_src = lax.rsqrt(cnt_src + 1.0)
    norm_dst = lax.rsqrt(cnt_dst + 1.0)

    def gcn(hh, W, b):
        hs = (hh * norm_src[:, None]) @ W
        parts = _seg_sum_sc(hs, esrc, edst, N)
        agg = parts[0] + parts[1] + hs
        return agg * norm_dst[:, None] + b

    o = jnp.tanh(gcn(o, gc1W, gc1b))
    o = jnp.tanh(gcn(o, gc2W, gc2b))
    src = jnp.concatenate([esrc, jnp.arange(N)])
    dst = jnp.concatenate([edst, jnp.arange(N)])
    feat = (o @ gatW).reshape(N, _HEADS, _H)
    el = jnp.sum(feat * attn_l[None], axis=-1)
    er = jnp.sum(feat * attn_r[None], axis=-1)
    e = jax.nn.leaky_relu(el[src] + er[dst], 0.2)
    emax = jax.ops.segment_max(e, dst, num_segments=N)
    ex = jnp.exp(e - emax[dst])
    esum = jax.ops.segment_sum(ex, dst, num_segments=N)
    alpha = ex / jnp.maximum(esum[dst], 1e-9)
    rst = jax.ops.segment_sum(feat[src] * alpha[:, :, None], dst, num_segments=N)
    rst = rst + gatb.reshape(_HEADS, _H)[None]
    o = jnp.tanh(jnp.mean(rst, axis=1))
    return o @ outW + outb


def kernel(x, period, price, edge_index, emb, value, lstm_Wih, lstm_Whh,
           lstm_bih, lstm_bhh, convW2, convb2, convW3, convb3, convW4,
           convb4, fcW, fcb, fc1W, fc1b, gc1W, gc1b, gc2W, gc2b, gatW,
           attn_l, attn_r, gatb, outW, outb):
    N = x.shape[0]
    block = 128
    NP = ((N + block - 1) // block) * block

    h0 = emb[x]
    xeT = jnp.swapaxes(h0, 0, 1)
    xeT = jnp.pad(xeT, ((0, 0), (0, NP - N), (0, 0)))
    pinv = jnp.exp(-value * period / 30.0)[:, None]
    pinv = jnp.pad(pinv, ((0, NP - N), (0, 0)))

    wihT = jnp.swapaxes(lstm_Wih, 2, 3)
    whhT = jnp.swapaxes(lstm_Whh, 2, 3)
    bias = lstm_bih + lstm_bhh
    cw2 = jnp.transpose(convW2[:, 0], (1, 2, 0))
    cw3 = jnp.transpose(convW3[:, 0], (1, 2, 0))
    cw4 = jnp.transpose(convW4[:, 0], (1, 2, 0))
    cb = jnp.stack([convb2, convb3, convb4])

    o = _encoder(xeT, pinv, wihT, whhT, bias, cw2, cw3, cw4, cb,
                 fcW, fcb[None], fc1W, fc1b[None], block=block)[:N]

    return _graph(o, price, edge_index, gc1W, gc1b, gc2W, gc2b, gatW,
                  attn_l, attn_r, gatb, outW, outb)

# --- scband reference (transcript-rebuilt; emitter-appended) ---
"""Pipeline reference for scband-graph-model-83571473645739 (READ-ONLY COPY).

The authoritative reference and input builder live on the scoring server;
editing this copy changes nothing except your own understanding.
"""

import jax, jax.numpy as jnp
import numpy as np

N = 10000
E = 640000
SEQ = 20
VOCAB = 100000
EMBED = 256
H = 128
NF = 128
HEADS = 4
NC = 16


def _w(k, shape):
    return jax.random.normal(k, shape, dtype=jnp.float32) * 0.05


def setup_inputs(seed: int = 0):
    key = jax.random.key(seed)
    ks = jax.random.split(key, 40)
    inp = {}
    inp['x'] = jax.random.randint(ks[0], (N, SEQ), 0, VOCAB)
    inp['period'] = jax.random.uniform(ks[1], (N,), dtype=jnp.float32)
    inp['price'] = jax.random.normal(ks[2], (N, 4), dtype=jnp.float32)
    inp['edge_index'] = jax.random.randint(ks[3], (2, E), 0, N)
    inp['emb'] = _w(ks[4], (VOCAB, EMBED))
    inp['value'] = jnp.float32(1.0)
    inp['lstm_Wih'] = _w(ks[5], (2, 2, 4 * H, EMBED))
    inp['lstm_Whh'] = _w(ks[6], (2, 2, 4 * H, H))
    inp['lstm_bih'] = _w(ks[7], (2, 2, 4 * H))
    inp['lstm_bhh'] = _w(ks[8], (2, 2, 4 * H))
    inp['convW2'] = _w(ks[9], (NF, 1, 2, EMBED))
    inp['convb2'] = _w(ks[10], (NF,))
    inp['convW3'] = _w(ks[11], (NF, 1, 3, EMBED))
    inp['convb3'] = _w(ks[12], (NF,))
    inp['convW4'] = _w(ks[13], (NF, 1, 4, EMBED))
    inp['convb4'] = _w(ks[14], (NF,))
    inp['fcW'] = _w(ks[15], (3 * NF, H))
    inp['fcb'] = _w(ks[16], (H,))
    inp['fc1W'] = _w(ks[17], (H, H))
    inp['fc1b'] = _w(ks[18], (H,))
    inp['gc1W'] = _w(ks[19], (H + 4, H))
    inp['gc1b'] = _w(ks[20], (H,))
    inp['gc2W'] = _w(ks[21], (H, H))
    inp['gc2b'] = _w(ks[22], (H,))
    inp['gatW'] = _w(ks[23], (H, HEADS * H))
    inp['attn_l'] = _w(ks[24], (HEADS, H))
    inp['attn_r'] = _w(ks[25], (HEADS, H))
    inp['gatb'] = _w(ks[26], (HEADS * H,))
    inp['outW'] = _w(ks[27], (H, NC))
    inp['outb'] = _w(ks[28], (NC,))
    return inp


def _lstm_dir(xseq, Wih, Whh, bih, bhh, reverse):
    n = xseq.shape[0]
    h0 = jnp.zeros((n, H), jnp.float32)
    c0 = jnp.zeros((n, H), jnp.float32)
    xs = jnp.swapaxes(xseq, 0, 1)
    if reverse:
        xs = xs[::-1]
    def step(carry, xt):
        h, c = carry
        g = xt @ Wih.T + h @ Whh.T + bih + bhh
        i, f, gg, o = jnp.split(g, 4, axis=-1)
        c = jax.nn.sigmoid(f) * c + jax.nn.sigmoid(i) * jnp.tanh(gg)
        h = jax.nn.sigmoid(o) * jnp.tanh(c)
        return (h, c), h
    _, hs = jax.lax.scan(step, (h0, c0), xs)
    if reverse:
        hs = hs[::-1]
    return jnp.swapaxes(hs, 0, 1)


def _conv_pool(h4, W, b):
    y = jax.lax.conv_general_dilated(h4, W, (1, 1), 'VALID', dimension_numbers=('NCHW', 'OIHW', 'NCHW'))
    y = jax.nn.relu(y + b[None, :, None, None])
    y = jnp.squeeze(y, 3)
    return jnp.max(y, axis=2)


def _forward(x, edge_index, period, price, emb, value, lstm_Wih, lstm_Whh, lstm_bih, lstm_bhh, convW2, convb2, convW3, convb3, convW4, convb4, fcW, fcb, fc1W, fc1b, gc1W, gc1b, gc2W, gc2b, gatW, attn_l, attn_r, gatb, outW, outb):
    h = emb[x]
    for l in range(2):
        fdir = _lstm_dir(h, lstm_Wih[l, 0], lstm_Whh[l, 0], lstm_bih[l, 0], lstm_bhh[l, 0], False)
        bdir = _lstm_dir(h, lstm_Wih[l, 1], lstm_Whh[l, 1], lstm_bih[l, 1], lstm_bhh[l, 1], True)
        h = jnp.concatenate([fdir, bdir], axis=-1)
    per = jnp.exp(value * period / 30.0)
    h4 = h[:, None, :, :]
    o = jnp.concatenate([_conv_pool(h4, convW2, convb2), _conv_pool(h4, convW3, convb3), _conv_pool(h4, convW4, convb4)], axis=1)
    o = jnp.tanh(o @ fcW + fcb)
    o = o / per[:, None]
    o = jnp.tanh(o @ fc1W + fc1b)
    o = jnp.concatenate([o, price], axis=1)
    src = jnp.concatenate([edge_index[0], jnp.arange(N)])
    dst = jnp.concatenate([edge_index[1], jnp.arange(N)])
    norm_src = jax.lax.rsqrt(jnp.maximum(jnp.bincount(src, length=N).astype(jnp.float32), 1.0))
    norm_dst = jax.lax.rsqrt(jnp.maximum(jnp.bincount(dst, length=N).astype(jnp.float32), 1.0))
    def gcn(hh, W, b):
        m = (hh * norm_src[:, None])[src]
        agg = jax.ops.segment_sum(m, dst, num_segments=N)
        return (agg * norm_dst[:, None]) @ W + b
    o = jnp.tanh(gcn(o, gc1W, gc1b))
    o = jnp.tanh(gcn(o, gc2W, gc2b))
    feat = (o @ gatW).reshape(N, HEADS, H)
    el = jnp.sum(feat * attn_l[None], axis=-1)
    er = jnp.sum(feat * attn_r[None], axis=-1)
    e = jax.nn.leaky_relu(el[src] + er[dst], 0.2)
    emax = jax.ops.segment_max(e, dst, num_segments=N)
    ex = jnp.exp(e - emax[dst])
    esum = jax.ops.segment_sum(ex, dst, num_segments=N)
    alpha = ex / jnp.maximum(esum[dst], 1e-9)
    rst = jax.ops.segment_sum(feat[src] * alpha[:, :, None], dst, num_segments=N)
    rst = rst + gatb.reshape(HEADS, H)[None]
    o = jnp.tanh(jnp.mean(rst, axis=1))
    return o @ outW + outb


def reference(x, period, price, edge_index, emb, value, lstm_Wih, lstm_Whh, lstm_bih, lstm_bhh, convW2, convb2, convW3, convb3, convW4, convb4, fcW, fcb, fc1W, fc1b, gc1W, gc1b, gc2W, gc2b, gatW, attn_l, attn_r, gatb, outW, outb):
    return _forward(x, edge_index, period, price, emb, value, lstm_Wih, lstm_Whh, lstm_bih, lstm_bhh, convW2, convb2, convW3, convb3, convW4, convb4, fcW, fcb, fc1W, fc1b, gc1W, gc1b, gc2W, gc2b, gatW, attn_l, attn_r, gatb, outW, outb)

if __name__ == "__main__":
    import jax
    _d = setup_inputs()
    print(jax.jit(kernel)(*tuple(_d.values())))

</pallas_src>

<mosaic_0001>
#map = affine_map<(d0, d1) -> (0, 0)>
#map1 = affine_map<(d0, d1) -> (0)>
module attributes {stable_mosaic.version = 14 : i64} {
  func.func @k(%arg0: i32, %arg1: i32, %arg2: memref<10000x128xf32, #tpu.memory_space<hbm>>, %arg3: memref<640000xi32, #tpu.memory_space<hbm>>, %arg4: memref<640000xi32, #tpu.memory_space<hbm>>, %arg5: memref<632x128xf32, #tpu.memory_space<hbm>>, %arg6: memref<20224x128xf32, #tpu.memory_space<hbm>>, %arg7: memref<128x128xf32, #tpu.memory_space<vmem>>, %arg8: memref<10112x128xf32, #tpu.memory_space<vmem_shared>>, %arg9: memref<!tpu.dma_semaphore, #tpu.memory_space<semaphore_mem>>, %arg10: memref<128xi32, #tpu.memory_space<vmem>>, %arg11: memref<128xi32, #tpu.memory_space<vmem>>, %arg12: memref<32xi32, #tpu.memory_space<vmem>>, %arg13: memref<32xi32, #tpu.memory_space<vmem>>) attributes {dimension_semantics = [#tpu.dimension_semantics<core_parallel>, #tpu.dimension_semantics<subcore_parallel>], iteration_bounds = array<i64: 2, 16>, scalar_prefetch = 0 : i64, scratch_operands = 7 : i64, tpu.core_type = #tpu.core_type<sc_vector_subcore>, window_params = [{transform_indices = #map}, {transform_indices = #map1}, {transform_indices = #map1}, {transform_indices = #map}, {transform_indices = #map}]} {
    %mul3A = arith.constant 2 : i32
    %mul3A_0 = arith.muli %arg1, %mul3A : i32
    %add3A = arith.addi %mul3A_0, %arg0 : i32
    %mul3A_1 = arith.constant 632 : i32
    %mul3A_2 = arith.muli %arg1, %mul3A_1 : i32
    "tpu.region"() ({
      %run_scoped3A = tpu.sem_alloc : memref<!tpu.dma_semaphore, #tpu.memory_space<semaphore_mem>>
      %dma_start3A_36 = arith.constant 0 : i32
      %dma_start3A_37 = tpu.memref_slice %arg8[%mul3A_2, %dma_start3A_36] : memref<10112x128xf32, #tpu.memory_space<vmem_shared>> -> memref<632x128xf32, #tpu.memory_space<vmem_shared>>
      tpu.enqueue_dma source(%arg5 : memref<632x128xf32, #tpu.memory_space<hbm>>) target(%dma_start3A_37 : memref<632x128xf32, #tpu.memory_space<vmem_shared>>) target_semaphore(%run_scoped3A : memref<!tpu.dma_semaphore, #tpu.memory_space<semaphore_mem>>)
      %dma_wait3A_38 = arith.constant 0 : i32
      %dma_wait3A_39 = tpu.memref_slice %arg8[%mul3A_2, %dma_wait3A_38] : memref<10112x128xf32, #tpu.memory_space<vmem_shared>> -> memref<632x128xf32, #tpu.memory_space<vmem_shared>>
      tpu.wait_dma2 semaphore(%run_scoped3A : memref<!tpu.dma_semaphore, #tpu.memory_space<semaphore_mem>>) src(%arg5 : memref<632x128xf32, #tpu.memory_space<hbm>>) dst(%dma_wait3A_39 : memref<632x128xf32, #tpu.memory_space<vmem_shared>>)
      tpu.yield
    }) : () -> ()
    %barrier3A = arith.constant 0 : index
    tpu.barrier barrier_id(%barrier3A)
    %mul3A_3 = arith.constant 20000 : i32
    %mul3A_4 = arith.muli %add3A, %mul3A_3 : i32
    %scan3A = arith.constant 0 : i32
    %scan3A_5 = arith.constant 0 : i32
    %scan3A_6 = arith.constant 156 : i32
    %scan3A_7 = arith.addi %scan3A_5, %scan3A_6 : i32
    %scan3A_8 = arith.constant 1 : i32
    %scan3A_9 = scf.for %scan3A_36 = %scan3A_5 to %scan3A_7 step %scan3A_8 iter_args(%scan3A_37 = %scan3A) -> (i32)  : i32 {
      %add3A_38 = arith.constant 0 : i32
      %add3A_39 = arith.addi %mul3A_4, %add3A_38 : i32
      %mul3A_40 = arith.constant 128 : i32
      %mul3A_41 = arith.muli %scan3A_36, %mul3A_40 : i32
      %add3A_42 = arith.addi %add3A_39, %mul3A_41 : i32
      "tpu.region"() ({
        %run_scoped3A = tpu.sem_alloc : memref<!tpu.dma_semaphore, #tpu.memory_space<semaphore_mem>>
        %dma_start3A_56 = tpu.memref_slice %arg3[%add3A_42] : memref<640000xi32, #tpu.memory_space<hbm>> -> memref<128xi32, #tpu.memory_space<hbm>>
        %dma_start3A_57 = tpu.memref_slice %arg3[%add3A_42] : memref<640000xi32, #tpu.memory_space<hbm>> -> memref<128xi32, #tpu.memory_space<hbm>>
        tpu.enqueue_dma source(%dma_start3A_57 : memref<128xi32, #tpu.memory_space<hbm>>) target(%arg10 : memref<128xi32, #tpu.memory_space<vmem>>) target_semaphore(%run_scoped3A : memref<!tpu.dma_semaphore, #tpu.memory_space<semaphore_mem>>)
        %dma_wait3A_58 = tpu.memref_slice %arg3[%add3A_42] : memref<640000xi32, #tpu.memory_space<hbm>> -> memref<128xi32, #tpu.memory_space<hbm>>
        %dma_wait3A_59 = tpu.memref_slice %arg3[%add3A_42] : memref<640000xi32, #tpu.memory_space<hbm>> -> memref<128xi32, #tpu.memory_space<hbm>>
        tpu.wait_dma2 semaphore(%run_scoped3A : memref<!tpu.dma_semaphore, #tpu.memory_space<semaphore_mem>>) src(%dma_wait3A_59 : memref<128xi32, #tpu.memory_space<hbm>>) dst(%arg10 : memref<128xi32, #tpu.memory_space<vmem>>)
        tpu.yield
      }) : () -> ()
      "tpu.region"() ({
        %run_scoped3A = tpu.sem_alloc : memref<!tpu.dma_semaphore, #tpu.memory_space<semaphore_mem>>
        %dma_start3A_56 = tpu.memref_slice %arg4[%add3A_42] : memref<640000xi32, #tpu.memory_space<hbm>> -> memref<128xi32, #tpu.memory_space<hbm>>
        %dma_start3A_57 = tpu.memref_slice %arg4[%add3A_42] : memref<640000xi32, #tpu.memory_space<hbm>> -> memref<128xi32, #tpu.memory_space<hbm>>
        tpu.enqueue_dma source(%dma_start3A_57 : memref<128xi32, #tpu.memory_space<hbm>>) target(%arg11 : memref<128xi32, #tpu.memory_space<vmem>>) target_semaphore(%run_scoped3A : memref<!tpu.dma_semaphore, #tpu.memory_space<semaphore_mem>>)
        %dma_wait3A_58 = tpu.memref_slice %arg4[%add3A_42] : memref<640000xi32, #tpu.memory_space<hbm>> -> memref<128xi32, #tpu.memory_space<hbm>>
        %dma_wait3A_59 = tpu.memref_slice %arg4[%add3A_42] : memref<640000xi32, #tpu.memory_space<hbm>> -> memref<128xi32, #tpu.memory_space<hbm>>
        tpu.wait_dma2 semaphore(%run_scoped3A : memref<!tpu.dma_semaphore, #tpu.memory_space<semaphore_mem>>) src(%dma_wait3A_59 : memref<128xi32, #tpu.memory_space<hbm>>) dst(%arg11 : memref<128xi32, #tpu.memory_space<vmem>>)
        tpu.yield
      }) : () -> ()
      %dma_start3A_43 = arith.constant 0 : i32
      %dma_start3A_44 = arith.constant 0 : i32
      %dma_start3A_45 = tpu.memref_slice %arg7[%dma_start3A_43, %dma_start3A_44] : memref<128x128xf32, #tpu.memory_space<vmem>> -> memref<128x128xf32, #tpu.memory_space<vmem>>
      %dma_start3A_46 = arith.constant 0 : i32
      %dma_start3A_47 = arith.constant 0 : i32
      %dma_start3A_48 = tpu.memref_slice %arg2[%dma_start3A_46, %dma_start3A_47] : memref<10000x128xf32, #tpu.memory_space<hbm>> -> memref<10000x128xf32, #tpu.memory_space<hbm>>
      tpu.enqueue_indirect_dma source(%dma_start3A_48 : memref<10000x128xf32, #tpu.memory_space<hbm>>) target(%dma_start3A_45 : memref<128x128xf32, #tpu.memory_space<vmem>>) offsets(%arg10 : memref<128xi32, #tpu.memory_space<vmem>>) semaphore(%arg9 : memref<!tpu.dma_semaphore, #tpu.memory_space<semaphore_mem>>)
      %dma_wait3A_49 = arith.constant 0 : i32
      %dma_wait3A_50 = arith.constant 0 : i32
      %dma_wait3A_51 = tpu.memref_slice %arg7[%dma_wait3A_49, %dma_wait3A_50] : memref<128x128xf32, #tpu.memory_space<vmem>> -> memref<128x128xf32, #tpu.memory_space<vmem>>
      %dma_wait3A_52 = arith.constant 0 : i32
      %dma_wait3A_53 = arith.constant 0 : i32
      %dma_wait3A_54 = tpu.memref_slice %arg2[%dma_wait3A_52, %dma_wait3A_53] : memref<10000x128xf32, #tpu.memory_space<hbm>> -> memref<10000x128xf32, #tpu.memory_space<hbm>>
      tpu.wait_indirect_dma semaphore(%arg9 : memref<!tpu.dma_semaphore, #tpu.memory_space<semaphore_mem>>) src(%dma_wait3A_54 : memref<10000x128xf32, #tpu.memory_space<hbm>>) dst(%dma_wait3A_51 : memref<128x128xf32, #tpu.memory_space<vmem>>)
      "tpu.region"() ({
        %run_scoped3A = tpu.sem_alloc : memref<!tpu.dma_semaphore, #tpu.memory_space<semaphore_mem>>
        %dma_start3A_56 = arith.constant 0 : i32
        %dma_start3A_57 = arith.constant 0 : i32
        %dma_start3A_58 = tpu.memref_slice %arg7[%dma_start3A_56, %dma_start3A_57] : memref<128x128xf32, #tpu.memory_space<vmem>> -> memref<128x128xf32, #tpu.memory_space<vmem>>
        %dma_start3A_59 = arith.constant 0 : i32
        %dma_start3A_60 = arith.constant 0 : i32
        %dma_start3A_61 = tpu.memref_slice %arg8[%dma_start3A_59, %dma_start3A_60] : memref<10112x128xf32, #tpu.memory_space<vmem_shared>> -> memref<10112x128xf32, #tpu.memory_space<vmem_shared>>
        tpu.enqueue_indirect_dma source(%dma_start3A_58 : memref<128x128xf32, #tpu.memory_space<vmem>>) target(%dma_start3A_61 : memref<10112x128xf32, #tpu.memory_space<vmem_shared>>) offsets(%arg11 : memref<128xi32, #tpu.memory_space<vmem>>) semaphore(%run_scoped3A : memref<!tpu.dma_semaphore, #tpu.memory_space<semaphore_mem>>) {add = true}
        %dma_wait3A_62 = arith.constant 0 : i32
        %dma_wait3A_63 = arith.constant 0 : i32
        %dma_wait3A_64 = tpu.memref_slice %arg7[%dma_wait3A_62, %dma_wait3A_63] : memref<128x128xf32, #tpu.memory_space<vmem>> -> memref<128x128xf32, #tpu.memory_space<vmem>>
        %dma_wait3A_65 = arith.constant 0 : i32
        %dma_wait3A_66 = arith.constant 0 : i32
        %dma_wait3A_67 = tpu.memref_slice %arg8[%dma_wait3A_65, %dma_wait3A_66] : memref<10112x128xf32, #tpu.memory_space<vmem_shared>> -> memref<10112x128xf32, #tpu.memory_space<vmem_shared>>
        tpu.wait_indirect_dma semaphore(%run_scoped3A : memref<!tpu.dma_semaphore, #tpu.memory_space<semaphore_mem>>) src(%dma_wait3A_64 : memref<128x128xf32, #tpu.memory_space<vmem>>) dst(%dma_wait3A_67 : memref<10112x128xf32, #tpu.memory_space<vmem_shared>>)
        tpu.yield
      }) : () -> ()
      %scan3A_55 = arith.constant 0 : i32
      scf.yield %scan3A_55 : i32
    }
    %scan3A_10 = arith.constant 156 : i32
    %scan3A_11 = arith.constant 0 : i32
    %scan3A_12 = arith.constant 0 : i32
    %add3A_13 = arith.constant 19968 : i32
    %add3A_14 = arith.addi %mul3A_4, %add3A_13 : i32
    %mul3A_15 = arith.constant 32 : i32
    %mul3A_16 = arith.muli %scan3A_12, %mul3A_15 : i32
    %add3A_17 = arith.addi %add3A_14, %mul3A_16 : i32
    "tpu.region"() ({
      %run_scoped3A = tpu.sem_alloc : memref<!tpu.dma_semaphore, #tpu.memory_space<semaphore_mem>>
      %dma_start3A_36 = tpu.memref_slice %arg3[%add3A_17] : memref<640000xi32, #tpu.memory_space<hbm>> -> memref<32xi32, #tpu.memory_space<hbm>>
      %dma_start3A_37 = tpu.memref_slice %arg3[%add3A_17] : memref<640000xi32, #tpu.memory_space<hbm>> -> memref<32xi32, #tpu.memory_space<hbm>>
      tpu.enqueue_dma source(%dma_start3A_37 : memref<32xi32, #tpu.memory_space<hbm>>) target(%arg12 : memref<32xi32, #tpu.memory_space<vmem>>) target_semaphore(%run_scoped3A : memref<!tpu.dma_semaphore, #tpu.memory_space<semaphore_mem>>)
      %dma_wait3A_38 = tpu.memref_slice %arg3[%add3A_17] : memref<640000xi32, #tpu.memory_space<hbm>> -> memref<32xi32, #tpu.memory_space<hbm>>
      %dma_wait3A_39 = tpu.memref_slice %arg3[%add3A_17] : memref<640000xi32, #tpu.memory_space<hbm>> -> memref<32xi32, #tpu.memory_space<hbm>>
      tpu.wait_dma2 semaphore(%run_scoped3A : memref<!tpu.dma_semaphore, #tpu.memory_space<semaphore_mem>>) src(%dma_wait3A_39 : memref<32xi32, #tpu.memory_space<hbm>>) dst(%arg12 : memref<32xi32, #tpu.memory_space<vmem>>)
      tpu.yield
    }) : () -> ()
    "tpu.region"() ({
      %run_scoped3A = tpu.sem_alloc : memref<!tpu.dma_semaphore, #tpu.memory_space<semaphore_mem>>
      %dma_start3A_36 = tpu.memref_slice %arg4[%add3A_17] : memref<640000xi32, #tpu.memory_space<hbm>> -> memref<32xi32, #tpu.memory_space<hbm>>
      %dma_start3A_37 = tpu.memref_slice %arg4[%add3A_17] : memref<640000xi32, #tpu.memory_space<hbm>> -> memref<32xi32, #tpu.memory_space<hbm>>
      tpu.enqueue_dma source(%dma_start3A_37 : memref<32xi32, #tpu.memory_space<hbm>>) target(%arg13 : memref<32xi32, #tpu.memory_space<vmem>>) target_semaphore(%run_scoped3A : memref<!tpu.dma_semaphore, #tpu.memory_space<semaphore_mem>>)
      %dma_wait3A_38 = tpu.memref_slice %arg4[%add3A_17] : memref<640000xi32, #tpu.memory_space<hbm>> -> memref<32xi32, #tpu.memory_space<hbm>>
      %dma_wait3A_39 = tpu.memref_slice %arg4[%add3A_17] : memref<640000xi32, #tpu.memory_space<hbm>> -> memref<32xi32, #tpu.memory_space<hbm>>
      tpu.wait_dma2 semaphore(%run_scoped3A : memref<!tpu.dma_semaphore, #tpu.memory_space<semaphore_mem>>) src(%dma_wait3A_39 : memref<32xi32, #tpu.memory_space<hbm>>) dst(%arg13 : memref<32xi32, #tpu.memory_space<vmem>>)
      tpu.yield
    }) : () -> ()
    %dma_start3A = arith.constant 0 : i32
    %dma_start3A_18 = arith.constant 0 : i32
    %dma_start3A_19 = tpu.memref_slice %arg7[%dma_start3A, %dma_start3A_18] : memref<128x128xf32, #tpu.memory_space<vmem>> -> memref<32x128xf32, #tpu.memory_space<vmem>>
    %dma_start3A_20 = arith.constant 0 : i32
    %dma_start3A_21 = arith.constant 0 : i32
    %dma_start3A_22 = tpu.memref_slice %arg2[%dma_start3A_20, %dma_start3A_21] : memref<10000x128xf32, #tpu.memory_space<hbm>> -> memref<10000x128xf32, #tpu.memory_space<hbm>>
    tpu.enqueue_indirect_dma source(%dma_start3A_22 : memref<10000x128xf32, #tpu.memory_space<hbm>>) target(%dma_start3A_19 : memref<32x128xf32, #tpu.memory_space<vmem>>) offsets(%arg12 : memref<32xi32, #tpu.memory_space<vmem>>) semaphore(%arg9 : memref<!tpu.dma_semaphore, #tpu.memory_space<semaphore_mem>>)
    %dma_wait3A = arith.constant 0 : i32
    %dma_wait3A_23 = arith.constant 0 : i32
    %dma_wait3A_24 = tpu.memref_slice %arg7[%dma_wait3A, %dma_wait3A_23] : memref<128x128xf32, #tpu.memory_space<vmem>> -> memref<32x128xf32, #tpu.memory_space<vmem>>
    %dma_wait3A_25 = arith.constant 0 : i32
    %dma_wait3A_26 = arith.constant 0 : i32
    %dma_wait3A_27 = tpu.memref_slice %arg2[%dma_wait3A_25, %dma_wait3A_26] : memref<10000x128xf32, #tpu.memory_space<hbm>> -> memref<10000x128xf32, #tpu.memory_space<hbm>>
    tpu.wait_indirect_dma semaphore(%arg9 : memref<!tpu.dma_semaphore, #tpu.memory_space<semaphore_mem>>) src(%dma_wait3A_27 : memref<10000x128xf32, #tpu.memory_space<hbm>>) dst(%dma_wait3A_24 : memref<32x128xf32, #tpu.memory_space<vmem>>)
    "tpu.region"() ({
      %run_scoped3A = tpu.sem_alloc : memref<!tpu.dma_semaphore, #tpu.memory_space<semaphore_mem>>
      %dma_start3A_36 = arith.constant 0 : i32
      %dma_start3A_37 = arith.constant 0 : i32
      %dma_start3A_38 = tpu.memref_slice %arg7[%dma_start3A_36, %dma_start3A_37] : memref<128x128xf32, #tpu.memory_space<vmem>> -> memref<32x128xf32, #tpu.memory_space<vmem>>
      %dma_start3A_39 = arith.constant 0 : i32
      %dma_start3A_40 = arith.constant 0 : i32
      %dma_start3A_41 = tpu.memref_slice %arg8[%dma_start3A_39, %dma_start3A_40] : memref<10112x128xf32, #tpu.memory_space<vmem_shared>> -> memref<10112x128xf32, #tpu.memory_space<vmem_shared>>
      tpu.enqueue_indirect_dma source(%dma_start3A_38 : memref<32x128xf32, #tpu.memory_space<vmem>>) target(%dma_start3A_41 : memref<10112x128xf32, #tpu.memory_space<vmem_shared>>) offsets(%arg13 : memref<32xi32, #tpu.memory_space<vmem>>) semaphore(%run_scoped3A : memref<!tpu.dma_semaphore, #tpu.memory_space<semaphore_mem>>) {add = true}
      %dma_wait3A_42 = arith.constant 0 : i32
      %dma_wait3A_43 = arith.constant 0 : i32
      %dma_wait3A_44 = tpu.memref_slice %arg7[%dma_wait3A_42, %dma_wait3A_43] : memref<128x128xf32, #tpu.memory_space<vmem>> -> memref<32x128xf32, #tpu.memory_space<vmem>>
      %dma_wait3A_45 = arith.constant 0 : i32
      %dma_wait3A_46 = arith.constant 0 : i32
      %dma_wait3A_47 = tpu.memref_slice %arg8[%dma_wait3A_45, %dma_wait3A_46] : memref<10112x128xf32, #tpu.memory_space<vmem_shared>> -> memref<10112x128xf32, #tpu.memory_space<vmem_shared>>
      tpu.wait_indirect_dma semaphore(%run_scoped3A : memref<!tpu.dma_semaphore, #tpu.memory_space<semaphore_mem>>) src(%dma_wait3A_44 : memref<32x128xf32, #tpu.memory_space<vmem>>) dst(%dma_wait3A_47 : memref<10112x128xf32, #tpu.memory_space<vmem_shared>>)
      tpu.yield
    }) : () -> ()
    %scan3A_28 = arith.constant 0 : i32
    %scan3A_29 = arith.constant 1 : i32
    %barrier3A_30 = arith.constant 0 : index
    tpu.barrier barrier_id(%barrier3A_30)
    %mul3A_31 = arith.constant 632 : i32
    %mul3A_32 = arith.muli %arg1, %mul3A_31 : i32
    %mul3A_33 = arith.constant 10112 : i32
    %mul3A_34 = arith.muli %arg0, %mul3A_33 : i32
    %add3A_35 = arith.addi %mul3A_34, %mul3A_32 : i32
    "tpu.region"() ({
      %run_scoped3A = tpu.sem_alloc : memref<!tpu.dma_semaphore, #tpu.memory_space<semaphore_mem>>
      %dma_start3A_36 = arith.constant 0 : i32
      %dma_start3A_37 = tpu.memref_slice %arg6[%add3A_35, %dma_start3A_36] : memref<20224x128xf32, #tpu.memory_space<hbm>> -> memref<632x128xf32, #tpu.memory_space<hbm>>
      %dma_start3A_38 = arith.constant 0 : i32
      %dma_start3A_39 = tpu.memref_slice %arg8[%mul3A_32, %dma_start3A_38] : memref<10112x128xf32, #tpu.memory_space<vmem_shared>> -> memref<632x128xf32, #tpu.memory_space<vmem_shared>>
      tpu.enqueue_dma source(%dma_start3A_39 : memref<632x128xf32, #tpu.memory_space<vmem_shared>>) target(%dma_start3A_37 : memref<632x128xf32, #tpu.memory_space<hbm>>) target_semaphore(%run_scoped3A : memref<!tpu.dma_semaphore, #tpu.memory_space<semaphore_mem>>)
      %dma_wait3A_40 = arith.constant 0 : i32
      %dma_wait3A_41 = tpu.memref_slice %arg6[%add3A_35, %dma_wait3A_40] : memref<20224x128xf32, #tpu.memory_space<hbm>> -> memref<632x128xf32, #tpu.memory_space<hbm>>
      %dma_wait3A_42 = arith.constant 0 : i32
      %dma_wait3A_43 = tpu.memref_slice %arg8[%mul3A_32, %dma_wait3A_42] : memref<10112x128xf32, #tpu.memory_space<vmem_shared>> -> memref<632x128xf32, #tpu.memory_space<vmem_shared>>
      tpu.wait_dma2 semaphore(%run_scoped3A : memref<!tpu.dma_semaphore, #tpu.memory_space<semaphore_mem>>) src(%dma_wait3A_43 : memref<632x128xf32, #tpu.memory_space<vmem_shared>>) dst(%dma_wait3A_41 : memref<632x128xf32, #tpu.memory_space<hbm>>)
      tpu.yield
    }) : () -> ()
    return
  }
}

#map = affine_map<(d0, d1) -> (0, 0)>
#map1 = affine_map<(d0, d1) -> (0)>
module attributes {stable_mosaic.version = 14 : i64} {
  func.func @k(%arg0: i32, %arg1: i32, %arg2: memref<10000x128xf32, #tpu.memory_space<hbm>>, %arg3: memref<640000xi32, #tpu.memory_space<hbm>>, %arg4: memref<640000xi32, #tpu.memory_space<hbm>>, %arg5: memref<632x128xf32, #tpu.memory_space<hbm>>, %arg6: memref<20224x128xf32, #tpu.memory_space<hbm>>, %arg7: memref<128x128xf32, #tpu.memory_space<vmem>>, %arg8: memref<10112x128xf32, #tpu.memory_space<vmem_shared>>, %arg9: memref<!tpu.dma_semaphore, #tpu.memory_space<semaphore_mem>>, %arg10: memref<128xi32, #tpu.memory_space<vmem>>, %arg11: memref<128xi32, #tpu.memory_space<vmem>>, %arg12: memref<32xi32, #tpu.memory_space<vmem>>, %arg13: memref<32xi32, #tpu.memory_space<vmem>>) attributes {dimension_semantics = [#tpu.dimension_semantics<core_parallel>, #tpu.dimension_semantics<subcore_parallel>], iteration_bounds = array<i64: 2, 16>, scalar_prefetch = 0 : i64, scratch_operands = 7 : i64, tpu.core_type = #tpu.core_type<sc_vector_subcore>, window_params = [{transform_indices = #map}, {transform_indices = #map1}, {transform_indices = #map1}, {transform_indices = #map}, {transform_indices = #map}]} {
    %mul3A = arith.constant 2 : i32
    %mul3A_0 = arith.muli %arg1, %mul3A : i32
    %add3A = arith.addi %mul3A_0, %arg0 : i32
    %mul3A_1 = arith.constant 632 : i32
    %mul3A_2 = arith.muli %arg1, %mul3A_1 : i32
    "tpu.region"() ({
      %run_scoped3A = tpu.sem_alloc : memref<!tpu.dma_semaphore, #tpu.memory_space<semaphore_mem>>
      %dma_start3A_36 = arith.constant 0 : i32
      %dma_start3A_37 = tpu.memref_slice %arg8[%mul3A_2, %dma_start3A_36] : memref<10112x128xf32, #tpu.memory_space<vmem_shared>> -> memref<632x128xf32, #tpu.memory_space<vmem_shared>>
      tpu.enqueue_dma source(%arg5 : memref<632x128xf32, #tpu.memory_space<hbm>>) target(%dma_start3A_37 : memref<632x128xf32, #tpu.memory_space<vmem_shared>>) target_semaphore(%run_scoped3A : memref<!tpu.dma_semaphore, #tpu.memory_space<semaphore_mem>>)
      %dma_wait3A_38 = arith.constant 0 : i32
      %dma_wait3A_39 = tpu.memref_slice %arg8[%mul3A_2, %dma_wait3A_38] : memref<10112x128xf32, #tpu.memory_space<vmem_shared>> -> memref<632x128xf32, #tpu.memory_space<vmem_shared>>
      tpu.wait_dma2 semaphore(%run_scoped3A : memref<!tpu.dma_semaphore, #tpu.memory_space<semaphore_mem>>) src(%arg5 : memref<632x128xf32, #tpu.memory_space<hbm>>) dst(%dma_wait3A_39 : memref<632x128xf32, #tpu.memory_space<vmem_shared>>)
      tpu.yield
    }) : () -> ()
    %barrier3A = arith.constant 0 : index
    tpu.barrier barrier_id(%barrier3A)
    %mul3A_3 = arith.constant 20000 : i32
    %mul3A_4 = arith.muli %add3A, %mul3A_3 : i32
    %scan3A = arith.constant 0 : i32
    %scan3A_5 = arith.constant 0 : i32
    %scan3A_6 = arith.constant 156 : i32
    %scan3A_7 = arith.addi %scan3A_5, %scan3A_6 : i32
    %scan3A_8 = arith.constant 1 : i32
    %scan3A_9 = scf.for %scan3A_36 = %scan3A_5 to %scan3A_7 step %scan3A_8 iter_args(%scan3A_37 = %scan3A) -> (i32)  : i32 {
      %add3A_38 = arith.constant 0 : i32
      %add3A_39 = arith.addi %mul3A_4, %add3A_38 : i32
      %mul3A_40 = arith.constant 128 : i32
      %mul3A_41 = arith.muli %scan3A_36, %mul3A_40 : i32
      %add3A_42 = arith.addi %add3A_39, %mul3A_41 : i32
      "tpu.region"() ({
        %run_scoped3A = tpu.sem_alloc : memref<!tpu.dma_semaphore, #tpu.memory_space<semaphore_mem>>
        %dma_start3A_56 = tpu.memref_slice %arg3[%add3A_42] : memref<640000xi32, #tpu.memory_space<hbm>> -> memref<128xi32, #tpu.memory_space<hbm>>
        %dma_start3A_57 = tpu.memref_slice %arg3[%add3A_42] : memref<640000xi32, #tpu.memory_space<hbm>> -> memref<128xi32, #tpu.memory_space<hbm>>
        tpu.enqueue_dma source(%dma_start3A_57 : memref<128xi32, #tpu.memory_space<hbm>>) target(%arg10 : memref<128xi32, #tpu.memory_space<vmem>>) target_semaphore(%run_scoped3A : memref<!tpu.dma_semaphore, #tpu.memory_space<semaphore_mem>>)
        %dma_wait3A_58 = tpu.memref_slice %arg3[%add3A_42] : memref<640000xi32, #tpu.memory_space<hbm>> -> memref<128xi32, #tpu.memory_space<hbm>>
        %dma_wait3A_59 = tpu.memref_slice %arg3[%add3A_42] : memref<640000xi32, #tpu.memory_space<hbm>> -> memref<128xi32, #tpu.memory_space<hbm>>
        tpu.wait_dma2 semaphore(%run_scoped3A : memref<!tpu.dma_semaphore, #tpu.memory_space<semaphore_mem>>) src(%dma_wait3A_59 : memref<128xi32, #tpu.memory_space<hbm>>) dst(%arg10 : memref<128xi32, #tpu.memory_space<vmem>>)
        tpu.yield
      }) : () -> ()
      "tpu.region"() ({
        %run_scoped3A = tpu.sem_alloc : memref<!tpu.dma_semaphore, #tpu.memory_space<semaphore_mem>>
        %dma_start3A_56 = tpu.memref_slice %arg4[%add3A_42] : memref<640000xi32, #tpu.memory_space<hbm>> -> memref<128xi32, #tpu.memory_space<hbm>>
        %dma_start3A_57 = tpu.memref_slice %arg4[%add3A_42] : memref<640000xi32, #tpu.memory_space<hbm>> -> memref<128xi32, #tpu.memory_space<hbm>>
        tpu.enqueue_dma source(%dma_start3A_57 : memref<128xi32, #tpu.memory_space<hbm>>) target(%arg11 : memref<128xi32, #tpu.memory_space<vmem>>) target_semaphore(%run_scoped3A : memref<!tpu.dma_semaphore, #tpu.memory_space<semaphore_mem>>)
        %dma_wait3A_58 = tpu.memref_slice %arg4[%add3A_42] : memref<640000xi32, #tpu.memory_space<hbm>> -> memref<128xi32, #tpu.memory_space<hbm>>
        %dma_wait3A_59 = tpu.memref_slice %arg4[%add3A_42] : memref<640000xi32, #tpu.memory_space<hbm>> -> memref<128xi32, #tpu.memory_space<hbm>>
        tpu.wait_dma2 semaphore(%run_scoped3A : memref<!tpu.dma_semaphore, #tpu.memory_space<semaphore_mem>>) src(%dma_wait3A_59 : memref<128xi32, #tpu.memory_space<hbm>>) dst(%arg11 : memref<128xi32, #tpu.memory_space<vmem>>)
        tpu.yield
      }) : () -> ()
      %dma_start3A_43 = arith.constant 0 : i32
      %dma_start3A_44 = arith.constant 0 : i32
      %dma_start3A_45 = tpu.memref_slice %arg7[%dma_start3A_43, %dma_start3A_44] : memref<128x128xf32, #tpu.memory_space<vmem>> -> memref<128x128xf32, #tpu.memory_space<vmem>>
      %dma_start3A_46 = arith.constant 0 : i32
      %dma_start3A_47 = arith.constant 0 : i32
      %dma_start3A_48 = tpu.memref_slice %arg2[%dma_start3A_46, %dma_start3A_47] : memref<10000x128xf32, #tpu.memory_space<hbm>> -> memref<10000x128xf32, #tpu.memory_space<hbm>>
      tpu.enqueue_indirect_dma source(%dma_start3A_48 : memref<10000x128xf32, #tpu.memory_space<hbm>>) target(%dma_start3A_45 : memref<128x128xf32, #tpu.memory_space<vmem>>) offsets(%arg10 : memref<128xi32, #tpu.memory_space<vmem>>) semaphore(%arg9 : memref<!tpu.dma_semaphore, #tpu.memory_space<semaphore_mem>>)
      %dma_wait3A_49 = arith.constant 0 : i32
      %dma_wait3A_50 = arith.constant 0 : i32
      %dma_wait3A_51 = tpu.memref_slice %arg7[%dma_wait3A_49, %dma_wait3A_50] : memref<128x128xf32, #tpu.memory_space<vmem>> -> memref<128x128xf32, #tpu.memory_space<vmem>>
      %dma_wait3A_52 = arith.constant 0 : i32
      %dma_wait3A_53 = arith.constant 0 : i32
      %dma_wait3A_54 = tpu.memref_slice %arg2[%dma_wait3A_52, %dma_wait3A_53] : memref<10000x128xf32, #tpu.memory_space<hbm>> -> memref<10000x128xf32, #tpu.memory_space<hbm>>
      tpu.wait_indirect_dma semaphore(%arg9 : memref<!tpu.dma_semaphore, #tpu.memory_space<semaphore_mem>>) src(%dma_wait3A_54 : memref<10000x128xf32, #tpu.memory_space<hbm>>) dst(%dma_wait3A_51 : memref<128x128xf32, #tpu.memory_space<vmem>>)
      "tpu.region"() ({
        %run_scoped3A = tpu.sem_alloc : memref<!tpu.dma_semaphore, #tpu.memory_space<semaphore_mem>>
        %dma_start3A_56 = arith.constant 0 : i32
        %dma_start3A_57 = arith.constant 0 : i32
        %dma_start3A_58 = tpu.memref_slice %arg7[%dma_start3A_56, %dma_start3A_57] : memref<128x128xf32, #tpu.memory_space<vmem>> -> memref<128x128xf32, #tpu.memory_space<vmem>>
        %dma_start3A_59 = arith.constant 0 : i32
        %dma_start3A_60 = arith.constant 0 : i32
        %dma_start3A_61 = tpu.memref_slice %arg8[%dma_start3A_59, %dma_start3A_60] : memref<10112x128xf32, #tpu.memory_space<vmem_shared>> -> memref<10112x128xf32, #tpu.memory_space<vmem_shared>>
        tpu.enqueue_indirect_dma source(%dma_start3A_58 : memref<128x128xf32, #tpu.memory_space<vmem>>) target(%dma_start3A_61 : memref<10112x128xf32, #tpu.memory_space<vmem_shared>>) offsets(%arg11 : memref<128xi32, #tpu.memory_space<vmem>>) semaphore(%run_scoped3A : memref<!tpu.dma_semaphore, #tpu.memory_space<semaphore_mem>>) {add = true}
        %dma_wait3A_62 = arith.constant 0 : i32
        %dma_wait3A_63 = arith.constant 0 : i32
        %dma_wait3A_64 = tpu.memref_slice %arg7[%dma_wait3A_62, %dma_wait3A_63] : memref<128x128xf32, #tpu.memory_space<vmem>> -> memref<128x128xf32, #tpu.memory_space<vmem>>
        %dma_wait3A_65 = arith.constant 0 : i32
        %dma_wait3A_66 = arith.constant 0 : i32
        %dma_wait3A_67 = tpu.memref_slice %arg8[%dma_wait3A_65, %dma_wait3A_66] : memref<10112x128xf32, #tpu.memory_space<vmem_shared>> -> memref<10112x128xf32, #tpu.memory_space<vmem_shared>>
        tpu.wait_indirect_dma semaphore(%run_scoped3A : memref<!tpu.dma_semaphore, #tpu.memory_space<semaphore_mem>>) src(%dma_wait3A_64 : memref<128x128xf32, #tpu.memory_space<vmem>>) dst(%dma_wait3A_67 : memref<10112x128xf32, #tpu.memory_space<vmem_shared>>)
        tpu.yield
      }) : () -> ()
      %scan3A_55 = arith.constant 0 : i32
      scf.yield %scan3A_55 : i32
    }
    %scan3A_10 = arith.constant 156 : i32
    %scan3A_11 = arith.constant 0 : i32
    %scan3A_12 = arith.constant 0 : i32
    %add3A_13 = arith.constant 19968 : i32
    %add3A_14 = arith.addi %mul3A_4, %add3A_13 : i32
    %mul3A_15 = arith.constant 32 : i32
    %mul3A_16 = arith.muli %scan3A_12, %mul3A_15 : i32
    %add3A_17 = arith.addi %add3A_14, %mul3A_16 : i32
    "tpu.region"() ({
      %run_scoped3A = tpu.sem_alloc : memref<!tpu.dma_semaphore, #tpu.memory_space<semaphore_mem>>
      %dma_start3A_36 = tpu.memref_slice %arg3[%add3A_17] : memref<640000xi32, #tpu.memory_space<hbm>> -> memref<32xi32, #tpu.memory_space<hbm>>
      %dma_start3A_37 = tpu.memref_slice %arg3[%add3A_17] : memref<640000xi32, #tpu.memory_space<hbm>> -> memref<32xi32, #tpu.memory_space<hbm>>
      tpu.enqueue_dma source(%dma_start3A_37 : memref<32xi32, #tpu.memory_space<hbm>>) target(%arg12 : memref<32xi32, #tpu.memory_space<vmem>>) target_semaphore(%run_scoped3A : memref<!tpu.dma_semaphore, #tpu.memory_space<semaphore_mem>>)
      %dma_wait3A_38 = tpu.memref_slice %arg3[%add3A_17] : memref<640000xi32, #tpu.memory_space<hbm>> -> memref<32xi32, #tpu.memory_space<hbm>>
      %dma_wait3A_39 = tpu.memref_slice %arg3[%add3A_17] : memref<640000xi32, #tpu.memory_space<hbm>> -> memref<32xi32, #tpu.memory_space<hbm>>
      tpu.wait_dma2 semaphore(%run_scoped3A : memref<!tpu.dma_semaphore, #tpu.memory_space<semaphore_mem>>) src(%dma_wait3A_39 : memref<32xi32, #tpu.memory_space<hbm>>) dst(%arg12 : memref<32xi32, #tpu.memory_space<vmem>>)
      tpu.yield
    }) : () -> ()
    "tpu.region"() ({
      %run_scoped3A = tpu.sem_alloc : memref<!tpu.dma_semaphore, #tpu.memory_space<semaphore_mem>>
      %dma_start3A_36 = tpu.memref_slice %arg4[%add3A_17] : memref<640000xi32, #tpu.memory_space<hbm>> -> memref<32xi32, #tpu.memory_space<hbm>>
      %dma_start3A_37 = tpu.memref_slice %arg4[%add3A_17] : memref<640000xi32, #tpu.memory_space<hbm>> -> memref<32xi32, #tpu.memory_space<hbm>>
      tpu.enqueue_dma source(%dma_start3A_37 : memref<32xi32, #tpu.memory_space<hbm>>) target(%arg13 : memref<32xi32, #tpu.memory_space<vmem>>) target_semaphore(%run_scoped3A : memref<!tpu.dma_semaphore, #tpu.memory_space<semaphore_mem>>)
      %dma_wait3A_38 = tpu.memref_slice %arg4[%add3A_17] : memref<640000xi32, #tpu.memory_space<hbm>> -> memref<32xi32, #tpu.memory_space<hbm>>
      %dma_wait3A_39 = tpu.memref_slice %arg4[%add3A_17] : memref<640000xi32, #tpu.memory_space<hbm>> -> memref<32xi32, #tpu.memory_space<hbm>>
      tpu.wait_dma2 semaphore(%run_scoped3A : memref<!tpu.dma_semaphore, #tpu.memory_space<semaphore_mem>>) src(%dma_wait3A_39 : memref<32xi32, #tpu.memory_space<hbm>>) dst(%arg13 : memref<32xi32, #tpu.memory_space<vmem>>)
      tpu.yield
    }) : () -> ()
    %dma_start3A = arith.constant 0 : i32
    %dma_start3A_18 = arith.constant 0 : i32
    %dma_start3A_19 = tpu.memref_slice %arg7[%dma_start3A, %dma_start3A_18] : memref<128x128xf32, #tpu.memory_space<vmem>> -> memref<32x128xf32, #tpu.memory_space<vmem>>
    %dma_start3A_20 = arith.constant 0 : i32
    %dma_start3A_21 = arith.constant 0 : i32
    %dma_start3A_22 = tpu.memref_slice %arg2[%dma_start3A_20, %dma_start3A_21] : memref<10000x128xf32, #tpu.memory_space<hbm>> -> memref<10000x128xf32, #tpu.memory_space<hbm>>
    tpu.enqueue_indirect_dma source(%dma_start3A_22 : memref<10000x128xf32, #tpu.memory_space<hbm>>) target(%dma_start3A_19 : memref<32x128xf32, #tpu.memory_space<vmem>>) offsets(%arg12 : memref<32xi32, #tpu.memory_space<vmem>>) semaphore(%arg9 : memref<!tpu.dma_semaphore, #tpu.memory_space<semaphore_mem>>)
    %dma_wait3A = arith.constant 0 : i32
    %dma_wait3A_23 = arith.constant 0 : i32
    %dma_wait3A_24 = tpu.memref_slice %arg7[%dma_wait3A, %dma_wait3A_23] : memref<128x128xf32, #tpu.memory_space<vmem>> -> memref<32x128xf32, #tpu.memory_space<vmem>>
    %dma_wait3A_25 = arith.constant 0 : i32
    %dma_wait3A_26 = arith.constant 0 : i32
    %dma_wait3A_27 = tpu.memref_slice %arg2[%dma_wait3A_25, %dma_wait3A_26] : memref<10000x128xf32, #tpu.memory_space<hbm>> -> memref<10000x128xf32, #tpu.memory_space<hbm>>
    tpu.wait_indirect_dma semaphore(%arg9 : memref<!tpu.dma_semaphore, #tpu.memory_space<semaphore_mem>>) src(%dma_wait3A_27 : memref<10000x128xf32, #tpu.memory_space<hbm>>) dst(%dma_wait3A_24 : memref<32x128xf32, #tpu.memory_space<vmem>>)
    "tpu.region"() ({
      %run_scoped3A = tpu.sem_alloc : memref<!tpu.dma_semaphore, #tpu.memory_space<semaphore_mem>>
      %dma_start3A_36 = arith.constant 0 : i32
      %dma_start3A_37 = arith.constant 0 : i32
      %dma_start3A_38 = tpu.memref_slice %arg7[%dma_start3A_36, %dma_start3A_37] : memref<128x128xf32, #tpu.memory_space<vmem>> -> memref<32x128xf32, #tpu.memory_space<vmem>>
      %dma_start3A_39 = arith.constant 0 : i32
      %dma_start3A_40 = arith.constant 0 : i32
      %dma_start3A_41 = tpu.memref_slice %arg8[%dma_start3A_39, %dma_start3A_40] : memref<10112x128xf32, #tpu.memory_space<vmem_shared>> -> memref<10112x128xf32, #tpu.memory_space<vmem_shared>>
      tpu.enqueue_indirect_dma source(%dma_start3A_38 : memref<32x128xf32, #tpu.memory_space<vmem>>) target(%dma_start3A_41 : memref<10112x128xf32, #tpu.memory_space<vmem_shared>>) offsets(%arg13 : memref<32xi32, #tpu.memory_space<vmem>>) semaphore(%run_scoped3A : memref<!tpu.dma_semaphore, #tpu.memory_space<semaphore_mem>>) {add = true}
      %dma_wait3A_42 = arith.constant 0 : i32
      %dma_wait3A_43 = arith.constant 0 : i32
      %dma_wait3A_44 = tpu.memref_slice %arg7[%dma_wait3A_42, %dma_wait3A_43] : memref<128x128xf32, #tpu.memory_space<vmem>> -> memref<32x128xf32, #tpu.memory_space<vmem>>
      %dma_wait3A_45 = arith.constant 0 : i32
      %dma_wait3A_46 = arith.constant 0 : i32
      %dma_wait3A_47 = tpu.memref_slice %arg8[%dma_wait3A_45, %dma_wait3A_46] : memref<10112x128xf32, #tpu.memory_space<vmem_shared>> -> memref<10112x128xf32, #tpu.memory_space<vmem_shared>>
      tpu.wait_indirect_dma semaphore(%run_scoped3A : memref<!tpu.dma_semaphore, #tpu.memory_space<semaphore_mem>>) src(%dma_wait3A_44 : memref<32x128xf32, #tpu.memory_space<vmem>>) dst(%dma_wait3A_47 : memref<10112x128xf32, #tpu.memory_space<vmem_shared>>)
      tpu.yield
    }) : () -> ()
    %scan3A_28 = arith.constant 0 : i32
    %scan3A_29 = arith.constant 1 : i32
    %barrier3A_30 = arith.constant 0 : index
    tpu.barrier barrier_id(%barrier3A_30)
    %mul3A_31 = arith.constant 632 : i32
    %mul3A_32 = arith.muli %arg1, %mul3A_31 : i32
    %mul3A_33 = arith.constant 10112 : i32
    %mul3A_34 = arith.muli %arg0, %mul3A_33 : i32
    %add3A_35 = arith.addi %mul3A_34, %mul3A_32 : i32
    "tpu.region"() ({
      %run_scoped3A = tpu.sem_alloc : memref<!tpu.dma_semaphore, #tpu.memory_space<semaphore_mem>>
      %dma_start3A_36 = arith.constant 0 : i32
      %dma_start3A_37 = tpu.memref_slice %arg6[%add3A_35, %dma_start3A_36] : memref<20224x128xf32, #tpu.memory_space<hbm>> -> memref<632x128xf32, #tpu.memory_space<hbm>>
      %dma_start3A_38 = arith.constant 0 : i32
      %dma_start3A_39 = tpu.memref_slice %arg8[%mul3A_32, %dma_start3A_38] : memref<10112x128xf32, #tpu.memory_space<vmem_shared>> -> memref<632x128xf32, #tpu.memory_space<vmem_shared>>
      tpu.enqueue_dma source(%dma_start3A_39 : memref<632x128xf32, #tpu.memory_space<vmem_shared>>) target(%dma_start3A_37 : memref<632x128xf32, #tpu.memory_space<hbm>>) target_semaphore(%run_scoped3A : memref<!tpu.dma_semaphore, #tpu.memory_space<semaphore_mem>>)
      %dma_wait3A_40 = arith.constant 0 : i32
      %dma_wait3A_41 = tpu.memref_slice %arg6[%add3A_35, %dma_wait3A_40] : memref<20224x128xf32, #tpu.memory_space<hbm>> -> memref<632x128xf32, #tpu.memory_space<hbm>>
      %dma_wait3A_42 = arith.constant 0 : i32
      %dma_wait3A_43 = tpu.memref_slice %arg8[%mul3A_32, %dma_wait3A_42] : memref<10112x128xf32, #tpu.memory_space<vmem_shared>> -> memref<632x128xf32, #tpu.memory_space<vmem_shared>>
      tpu.wait_dma2 semaphore(%run_scoped3A : memref<!tpu.dma_semaphore, #tpu.memory_space<semaphore_mem>>) src(%dma_wait3A_43 : memref<632x128xf32, #tpu.memory_space<vmem_shared>>) dst(%dma_wait3A_41 : memref<632x128xf32, #tpu.memory_space<hbm>>)
      tpu.yield
    }) : () -> ()
    return
  }
}

#map = affine_map<(d0, d1) -> (0, 0)>
#map1 = affine_map<(d0, d1) -> (0)>
module attributes {stable_mosaic.version = 14 : i64} {
  func.func @k(%arg0: i32, %arg1: i32, %arg2: memref<10000x128xf32, #tpu.memory_space<hbm>>, %arg3: memref<640000xi32, #tpu.memory_space<hbm>>, %arg4: memref<640000xi32, #tpu.memory_space<hbm>>, %arg5: memref<632x128xf32, #tpu.memory_space<hbm>>, %arg6: memref<20224x128xf32, #tpu.memory_space<hbm>>, %arg7: memref<128x128xf32, #tpu.memory_space<vmem>>, %arg8: memref<10112x128xf32, #tpu.memory_space<vmem_shared>>, %arg9: memref<!tpu.dma_semaphore, #tpu.memory_space<semaphore_mem>>, %arg10: memref<128xi32, #tpu.memory_space<vmem>>, %arg11: memref<128xi32, #tpu.memory_space<vmem>>, %arg12: memref<32xi32, #tpu.memory_space<vmem>>, %arg13: memref<32xi32, #tpu.memory_space<vmem>>) attributes {dimension_semantics = [#tpu.dimension_semantics<core_parallel>, #tpu.dimension_semantics<subcore_parallel>], iteration_bounds = array<i64: 2, 16>, scalar_prefetch = 0 : i64, scratch_operands = 7 : i64, tpu.core_type = #tpu.core_type<sc_vector_subcore>, window_params = [{transform_indices = #map}, {transform_indices = #map1}, {transform_indices = #map1}, {transform_indices = #map}, {transform_indices = #map}]} {
    %mul3A = arith.constant 2 : i32
    %mul3A_0 = arith.muli %arg1, %mul3A : i32
    %add3A = arith.addi %mul3A_0, %arg0 : i32
    %mul3A_1 = arith.constant 632 : i32
    %mul3A_2 = arith.muli %arg1, %mul3A_1 : i32
    "tpu.region"() ({
      %run_scoped3A = tpu.sem_alloc : memref<!tpu.dma_semaphore, #tpu.memory_space<semaphore_mem>>
      %dma_start3A_36 = arith.constant 0 : i32
      %dma_start3A_37 = tpu.memref_slice %arg8[%mul3A_2, %dma_start3A_36] : memref<10112x128xf32, #tpu.memory_space<vmem_shared>> -> memref<632x128xf32, #tpu.memory_space<vmem_shared>>
      tpu.enqueue_dma source(%arg5 : memref<632x128xf32, #tpu.memory_space<hbm>>) target(%dma_start3A_37 : memref<632x128xf32, #tpu.memory_space<vmem_shared>>) target_semaphore(%run_scoped3A : memref<!tpu.dma_semaphore, #tpu.memory_space<semaphore_mem>>)
      %dma_wait3A_38 = arith.constant 0 : i32
      %dma_wait3A_39 = tpu.memref_slice %arg8[%mul3A_2, %dma_wait3A_38] : memref<10112x128xf32, #tpu.memory_space<vmem_shared>> -> memref<632x128xf32, #tpu.memory_space<vmem_shared>>
      tpu.wait_dma2 semaphore(%run_scoped3A : memref<!tpu.dma_semaphore, #tpu.memory_space<semaphore_mem>>) src(%arg5 : memref<632x128xf32, #tpu.memory_space<hbm>>) dst(%dma_wait3A_39 : memref<632x128xf32, #tpu.memory_space<vmem_shared>>)
      tpu.yield
    }) : () -> ()
    %barrier3A = arith.constant 0 : index
    tpu.barrier barrier_id(%barrier3A)
    %mul3A_3 = arith.constant 20000 : i32
    %mul3A_4 = arith.muli %add3A, %mul3A_3 : i32
    %scan3A = arith.constant 0 : i32
    %scan3A_5 = arith.constant 0 : i32
    %scan3A_6 = arith.constant 156 : i32
    %scan3A_7 = arith.addi %scan3A_5, %scan3A_6 : i32
    %scan3A_8 = arith.constant 1 : i32
    %scan3A_9 = scf.for %scan3A_36 = %scan3A_5 to %scan3A_7 step %scan3A_8 iter_args(%scan3A_37 = %scan3A) -> (i32)  : i32 {
      %add3A_38 = arith.constant 0 : i32
      %add3A_39 = arith.addi %mul3A_4, %add3A_38 : i32
      %mul3A_40 = arith.constant 128 : i32
      %mul3A_41 = arith.muli %scan3A_36, %mul3A_40 : i32
      %add3A_42 = arith.addi %add3A_39, %mul3A_41 : i32
      "tpu.region"() ({
        %run_scoped3A = tpu.sem_alloc : memref<!tpu.dma_semaphore, #tpu.memory_space<semaphore_mem>>
        %dma_start3A_56 = tpu.memref_slice %arg3[%add3A_42] : memref<640000xi32, #tpu.memory_space<hbm>> -> memref<128xi32, #tpu.memory_space<hbm>>
        %dma_start3A_57 = tpu.memref_slice %arg3[%add3A_42] : memref<640000xi32, #tpu.memory_space<hbm>> -> memref<128xi32, #tpu.memory_space<hbm>>
        tpu.enqueue_dma source(%dma_start3A_57 : memref<128xi32, #tpu.memory_space<hbm>>) target(%arg10 : memref<128xi32, #tpu.memory_space<vmem>>) target_semaphore(%run_scoped3A : memref<!tpu.dma_semaphore, #tpu.memory_space<semaphore_mem>>)
        %dma_wait3A_58 = tpu.memref_slice %arg3[%add3A_42] : memref<640000xi32, #tpu.memory_space<hbm>> -> memref<128xi32, #tpu.memory_space<hbm>>
        %dma_wait3A_59 = tpu.memref_slice %arg3[%add3A_42] : memref<640000xi32, #tpu.memory_space<hbm>> -> memref<128xi32, #tpu.memory_space<hbm>>
        tpu.wait_dma2 semaphore(%run_scoped3A : memref<!tpu.dma_semaphore, #tpu.memory_space<semaphore_mem>>) src(%dma_wait3A_59 : memref<128xi32, #tpu.memory_space<hbm>>) dst(%arg10 : memref<128xi32, #tpu.memory_space<vmem>>)
        tpu.yield
      }) : () -> ()
      "tpu.region"() ({
        %run_scoped3A = tpu.sem_alloc : memref<!tpu.dma_semaphore, #tpu.memory_space<semaphore_mem>>
        %dma_start3A_56 = tpu.memref_slice %arg4[%add3A_42] : memref<640000xi32, #tpu.memory_space<hbm>> -> memref<128xi32, #tpu.memory_space<hbm>>
        %dma_start3A_57 = tpu.memref_slice %arg4[%add3A_42] : memref<640000xi32, #tpu.memory_space<hbm>> -> memref<128xi32, #tpu.memory_space<hbm>>
        tpu.enqueue_dma source(%dma_start3A_57 : memref<128xi32, #tpu.memory_space<hbm>>) target(%arg11 : memref<128xi32, #tpu.memory_space<vmem>>) target_semaphore(%run_scoped3A : memref<!tpu.dma_semaphore, #tpu.memory_space<semaphore_mem>>)
        %dma_wait3A_58 = tpu.memref_slice %arg4[%add3A_42] : memref<640000xi32, #tpu.memory_space<hbm>> -> memref<128xi32, #tpu.memory_space<hbm>>
        %dma_wait3A_59 = tpu.memref_slice %arg4[%add3A_42] : memref<640000xi32, #tpu.memory_space<hbm>> -> memref<128xi32, #tpu.memory_space<hbm>>
        tpu.wait_dma2 semaphore(%run_scoped3A : memref<!tpu.dma_semaphore, #tpu.memory_space<semaphore_mem>>) src(%dma_wait3A_59 : memref<128xi32, #tpu.memory_space<hbm>>) dst(%arg11 : memref<128xi32, #tpu.memory_space<vmem>>)
        tpu.yield
      }) : () -> ()
      %dma_start3A_43 = arith.constant 0 : i32
      %dma_start3A_44 = arith.constant 0 : i32
      %dma_start3A_45 = tpu.memref_slice %arg7[%dma_start3A_43, %dma_start3A_44] : memref<128x128xf32, #tpu.memory_space<vmem>> -> memref<128x128xf32, #tpu.memory_space<vmem>>
      %dma_start3A_46 = arith.constant 0 : i32
      %dma_start3A_47 = arith.constant 0 : i32
      %dma_start3A_48 = tpu.memref_slice %arg2[%dma_start3A_46, %dma_start3A_47] : memref<10000x128xf32, #tpu.memory_space<hbm>> -> memref<10000x128xf32, #tpu.memory_space<hbm>>
      tpu.enqueue_indirect_dma source(%dma_start3A_48 : memref<10000x128xf32, #tpu.memory_space<hbm>>) target(%dma_start3A_45 : memref<128x128xf32, #tpu.memory_space<vmem>>) offsets(%arg10 : memref<128xi32, #tpu.memory_space<vmem>>) semaphore(%arg9 : memref<!tpu.dma_semaphore, #tpu.memory_space<semaphore_mem>>)
      %dma_wait3A_49 = arith.constant 0 : i32
      %dma_wait3A_50 = arith.constant 0 : i32
      %dma_wait3A_51 = tpu.memref_slice %arg7[%dma_wait3A_49, %dma_wait3A_50] : memref<128x128xf32, #tpu.memory_space<vmem>> -> memref<128x128xf32, #tpu.memory_space<vmem>>
      %dma_wait3A_52 = arith.constant 0 : i32
      %dma_wait3A_53 = arith.constant 0 : i32
      %dma_wait3A_54 = tpu.memref_slice %arg2[%dma_wait3A_52, %dma_wait3A_53] : memref<10000x128xf32, #tpu.memory_space<hbm>> -> memref<10000x128xf32, #tpu.memory_space<hbm>>
      tpu.wait_indirect_dma semaphore(%arg9 : memref<!tpu.dma_semaphore, #tpu.memory_space<semaphore_mem>>) src(%dma_wait3A_54 : memref<10000x128xf32, #tpu.memory_space<hbm>>) dst(%dma_wait3A_51 : memref<128x128xf32, #tpu.memory_space<vmem>>)
      "tpu.region"() ({
        %run_scoped3A = tpu.sem_alloc : memref<!tpu.dma_semaphore, #tpu.memory_space<semaphore_mem>>
        %dma_start3A_56 = arith.constant 0 : i32
        %dma_start3A_57 = arith.constant 0 : i32
        %dma_start3A_58 = tpu.memref_slice %arg7[%dma_start3A_56, %dma_start3A_57] : memref<128x128xf32, #tpu.memory_space<vmem>> -> memref<128x128xf32, #tpu.memory_space<vmem>>
        %dma_start3A_59 = arith.constant 0 : i32
        %dma_start3A_60 = arith.constant 0 : i32
        %dma_start3A_61 = tpu.memref_slice %arg8[%dma_start3A_59, %dma_start3A_60] : memref<10112x128xf32, #tpu.memory_space<vmem_shared>> -> memref<10112x128xf32, #tpu.memory_space<vmem_shared>>
        tpu.enqueue_indirect_dma source(%dma_start3A_58 : memref<128x128xf32, #tpu.memory_space<vmem>>) target(%dma_start3A_61 : memref<10112x128xf32, #tpu.memory_space<vmem_shared>>) offsets(%arg11 : memref<128xi32, #tpu.memory_space<vmem>>) semaphore(%run_scoped3A : memref<!tpu.dma_semaphore, #tpu.memory_space<semaphore_mem>>) {add = true}
        %dma_wait3A_62 = arith.constant 0 : i32
        %dma_wait3A_63 = arith.constant 0 : i32
        %dma_wait3A_64 = tpu.memref_slice %arg7[%dma_wait3A_62, %dma_wait3A_63] : memref<128x128xf32, #tpu.memory_space<vmem>> -> memref<128x128xf32, #tpu.memory_space<vmem>>
        %dma_wait3A_65 = arith.constant 0 : i32
        %dma_wait3A_66 = arith.constant 0 : i32
        %dma_wait3A_67 = tpu.memref_slice %arg8[%dma_wait3A_65, %dma_wait3A_66] : memref<10112x128xf32, #tpu.memory_space<vmem_shared>> -> memref<10112x128xf32, #tpu.memory_space<vmem_shared>>
        tpu.wait_indirect_dma semaphore(%run_scoped3A : memref<!tpu.dma_semaphore, #tpu.memory_space<semaphore_mem>>) src(%dma_wait3A_64 : memref<128x128xf32, #tpu.memory_space<vmem>>) dst(%dma_wait3A_67 : memref<10112x128xf32, #tpu.memory_space<vmem_shared>>)
        tpu.yield
      }) : () -> ()
      %scan3A_55 = arith.constant 0 : i32
      scf.yield %scan3A_55 : i32
    }
    %scan3A_10 = arith.constant 156 : i32
    %scan3A_11 = arith.constant 0 : i32
    %scan3A_12 = arith.constant 0 : i32
    %add3A_13 = arith.constant 19968 : i32
    %add3A_14 = arith.addi %mul3A_4, %add3A_13 : i32
    %mul3A_15 = arith.constant 32 : i32
    %mul3A_16 = arith.muli %scan3A_12, %mul3A_15 : i32
    %add3A_17 = arith.addi %add3A_14, %mul3A_16 : i32
    "tpu.region"() ({
      %run_scoped3A = tpu.sem_alloc : memref<!tpu.dma_semaphore, #tpu.memory_space<semaphore_mem>>
      %dma_start3A_36 = tpu.memref_slice %arg3[%add3A_17] : memref<640000xi32, #tpu.memory_space<hbm>> -> memref<32xi32, #tpu.memory_space<hbm>>
      %dma_start3A_37 = tpu.memref_slice %arg3[%add3A_17] : memref<640000xi32, #tpu.memory_space<hbm>> -> memref<32xi32, #tpu.memory_space<hbm>>
      tpu.enqueue_dma source(%dma_start3A_37 : memref<32xi32, #tpu.memory_space<hbm>>) target(%arg12 : memref<32xi32, #tpu.memory_space<vmem>>) target_semaphore(%run_scoped3A : memref<!tpu.dma_semaphore, #tpu.memory_space<semaphore_mem>>)
      %dma_wait3A_38 = tpu.memref_slice %arg3[%add3A_17] : memref<640000xi32, #tpu.memory_space<hbm>> -> memref<32xi32, #tpu.memory_space<hbm>>
      %dma_wait3A_39 = tpu.memref_slice %arg3[%add3A_17] : memref<640000xi32, #tpu.memory_space<hbm>> -> memref<32xi32, #tpu.memory_space<hbm>>
      tpu.wait_dma2 semaphore(%run_scoped3A : memref<!tpu.dma_semaphore, #tpu.memory_space<semaphore_mem>>) src(%dma_wait3A_39 : memref<32xi32, #tpu.memory_space<hbm>>) dst(%arg12 : memref<32xi32, #tpu.memory_space<vmem>>)
      tpu.yield
    }) : () -> ()
    "tpu.region"() ({
      %run_scoped3A = tpu.sem_alloc : memref<!tpu.dma_semaphore, #tpu.memory_space<semaphore_mem>>
      %dma_start3A_36 = tpu.memref_slice %arg4[%add3A_17] : memref<640000xi32, #tpu.memory_space<hbm>> -> memref<32xi32, #tpu.memory_space<hbm>>
      %dma_start3A_37 = tpu.memref_slice %arg4[%add3A_17] : memref<640000xi32, #tpu.memory_space<hbm>> -> memref<32xi32, #tpu.memory_space<hbm>>
      tpu.enqueue_dma source(%dma_start3A_37 : memref<32xi32, #tpu.memory_space<hbm>>) target(%arg13 : memref<32xi32, #tpu.memory_space<vmem>>) target_semaphore(%run_scoped3A : memref<!tpu.dma_semaphore, #tpu.memory_space<semaphore_mem>>)
      %dma_wait3A_38 = tpu.memref_slice %arg4[%add3A_17] : memref<640000xi32, #tpu.memory_space<hbm>> -> memref<32xi32, #tpu.memory_space<hbm>>
      %dma_wait3A_39 = tpu.memref_slice %arg4[%add3A_17] : memref<640000xi32, #tpu.memory_space<hbm>> -> memref<32xi32, #tpu.memory_space<hbm>>
      tpu.wait_dma2 semaphore(%run_scoped3A : memref<!tpu.dma_semaphore, #tpu.memory_space<semaphore_mem>>) src(%dma_wait3A_39 : memref<32xi32, #tpu.memory_space<hbm>>) dst(%arg13 : memref<32xi32, #tpu.memory_space<vmem>>)
      tpu.yield
    }) : () -> ()
    %dma_start3A = arith.constant 0 : i32
    %dma_start3A_18 = arith.constant 0 : i32
    %dma_start3A_19 = tpu.memref_slice %arg7[%dma_start3A, %dma_start3A_18] : memref<128x128xf32, #tpu.memory_space<vmem>> -> memref<32x128xf32, #tpu.memory_space<vmem>>
    %dma_start3A_20 = arith.constant 0 : i32
    %dma_start3A_21 = arith.constant 0 : i32
    %dma_start3A_22 = tpu.memref_slice %arg2[%dma_start3A_20, %dma_start3A_21] : memref<10000x128xf32, #tpu.memory_space<hbm>> -> memref<10000x128xf32, #tpu.memory_space<hbm>>
    tpu.enqueue_indirect_dma source(%dma_start3A_22 : memref<10000x128xf32, #tpu.memory_space<hbm>>) target(%dma_start3A_19 : memref<32x128xf32, #tpu.memory_space<vmem>>) offsets(%arg12 : memref<32xi32, #tpu.memory_space<vmem>>) semaphore(%arg9 : memref<!tpu.dma_semaphore, #tpu.memory_space<semaphore_mem>>)
    %dma_wait3A = arith.constant 0 : i32
    %dma_wait3A_23 = arith.constant 0 : i32
    %dma_wait3A_24 = tpu.memref_slice %arg7[%dma_wait3A, %dma_wait3A_23] : memref<128x128xf32, #tpu.memory_space<vmem>> -> memref<32x128xf32, #tpu.memory_space<vmem>>
    %dma_wait3A_25 = arith.constant 0 : i32
    %dma_wait3A_26 = arith.constant 0 : i32
    %dma_wait3A_27 = tpu.memref_slice %arg2[%dma_wait3A_25, %dma_wait3A_26] : memref<10000x128xf32, #tpu.memory_space<hbm>> -> memref<10000x128xf32, #tpu.memory_space<hbm>>
    tpu.wait_indirect_dma semaphore(%arg9 : memref<!tpu.dma_semaphore, #tpu.memory_space<semaphore_mem>>) src(%dma_wait3A_27 : memref<10000x128xf32, #tpu.memory_space<hbm>>) dst(%dma_wait3A_24 : memref<32x128xf32, #tpu.memory_space<vmem>>)
    "tpu.region"() ({
      %run_scoped3A = tpu.sem_alloc : memref<!tpu.dma_semaphore, #tpu.memory_space<semaphore_mem>>
      %dma_start3A_36 = arith.constant 0 : i32
      %dma_start3A_37 = arith.constant 0 : i32
      %dma_start3A_38 = tpu.memref_slice %arg7[%dma_start3A_36, %dma_start3A_37] : memref<128x128xf32, #tpu.memory_space<vmem>> -> memref<32x128xf32, #tpu.memory_space<vmem>>
      %dma_start3A_39 = arith.constant 0 : i32
      %dma_start3A_40 = arith.constant 0 : i32
      %dma_start3A_41 = tpu.memref_slice %arg8[%dma_start3A_39, %dma_start3A_40] : memref<10112x128xf32, #tpu.memory_space<vmem_shared>> -> memref<10112x128xf32, #tpu.memory_space<vmem_shared>>
      tpu.enqueue_indirect_dma source(%dma_start3A_38 : memref<32x128xf32, #tpu.memory_space<vmem>>) target(%dma_start3A_41 : memref<10112x128xf32, #tpu.memory_space<vmem_shared>>) offsets(%arg13 : memref<32xi32, #tpu.memory_space<vmem>>) semaphore(%run_scoped3A : memref<!tpu.dma_semaphore, #tpu.memory_space<semaphore_mem>>) {add = true}
      %dma_wait3A_42 = arith.constant 0 : i32
      %dma_wait3A_43 = arith.constant 0 : i32
      %dma_wait3A_44 = tpu.memref_slice %arg7[%dma_wait3A_42, %dma_wait3A_43] : memref<128x128xf32, #tpu.memory_space<vmem>> -> memref<32x128xf32, #tpu.memory_space<vmem>>
      %dma_wait3A_45 = arith.constant 0 : i32
      %dma_wait3A_46 = arith.constant 0 : i32
      %dma_wait3A_47 = tpu.memref_slice %arg8[%dma_wait3A_45, %dma_wait3A_46] : memref<10112x128xf32, #tpu.memory_space<vmem_shared>> -> memref<10112x128xf32, #tpu.memory_space<vmem_shared>>
      tpu.wait_indirect_dma semaphore(%run_scoped3A : memref<!tpu.dma_semaphore, #tpu.memory_space<semaphore_mem>>) src(%dma_wait3A_44 : memref<32x128xf32, #tpu.memory_space<vmem>>) dst(%dma_wait3A_47 : memref<10112x128xf32, #tpu.memory_space<vmem_shared>>)
      tpu.yield
    }) : () -> ()
    %scan3A_28 = arith.constant 0 : i32
    %scan3A_29 = arith.constant 1 : i32
    %barrier3A_30 = arith.constant 0 : index
    tpu.barrier barrier_id(%barrier3A_30)
    %mul3A_31 = arith.constant 632 : i32
    %mul3A_32 = arith.muli %arg1, %mul3A_31 : i32
    %mul3A_33 = arith.constant 10112 : i32
    %mul3A_34 = arith.muli %arg0, %mul3A_33 : i32
    %add3A_35 = arith.addi %mul3A_34, %mul3A_32 : i32
    "tpu.region"() ({
      %run_scoped3A = tpu.sem_alloc : memref<!tpu.dma_semaphore, #tpu.memory_space<semaphore_mem>>
      %dma_start3A_36 = arith.constant 0 : i32
      %dma_start3A_37 = tpu.memref_slice %arg6[%add3A_35, %dma_start3A_36] : memref<20224x128xf32, #tpu.memory_space<hbm>> -> memref<632x128xf32, #tpu.memory_space<hbm>>
      %dma_start3A_38 = arith.constant 0 : i32
      %dma_start3A_39 = tpu.memref_slice %arg8[%mul3A_32, %dma_start3A_38] : memref<10112x128xf32, #tpu.memory_space<vmem_shared>> -> memref<632x128xf32, #tpu.memory_space<vmem_shared>>
      tpu.enqueue_dma source(%dma_start3A_39 : memref<632x128xf32, #tpu.memory_space<vmem_shared>>) target(%dma_start3A_37 : memref<632x128xf32, #tpu.memory_space<hbm>>) target_semaphore(%run_scoped3A : memref<!tpu.dma_semaphore, #tpu.memory_space<semaphore_mem>>)
      %dma_wait3A_40 = arith.constant 0 : i32
      %dma_wait3A_41 = tpu.memref_slice %arg6[%add3A_35, %dma_wait3A_40] : memref<20224x128xf32, #tpu.memory_space<hbm>> -> memref<632x128xf32, #tpu.memory_space<hbm>>
      %dma_wait3A_42 = arith.constant 0 : i32
      %dma_wait3A_43 = tpu.memref_slice %arg8[%mul3A_32, %dma_wait3A_42] : memref<10112x128xf32, #tpu.memory_space<vmem_shared>> -> memref<632x128xf32, #tpu.memory_space<vmem_shared>>
      tpu.wait_dma2 semaphore(%run_scoped3A : memref<!tpu.dma_semaphore, #tpu.memory_space<semaphore_mem>>) src(%dma_wait3A_43 : memref<632x128xf32, #tpu.memory_space<vmem_shared>>) dst(%dma_wait3A_41 : memref<632x128xf32, #tpu.memory_space<hbm>>)
      tpu.yield
    }) : () -> ()
    return
  }
}

#map = affine_map<(d0, d1) -> (0, 0)>
#map1 = affine_map<(d0, d1) -> (0)>
module attributes {stable_mosaic.version = 14 : i64} {
  func.func @k(%arg0: i32, %arg1: i32, %arg2: memref<10000x128xf32, #tpu.memory_space<hbm>>, %arg3: memref<640000xi32, #tpu.memory_space<hbm>>, %arg4: memref<640000xi32, #tpu.memory_space<hbm>>, %arg5: memref<632x128xf32, #tpu.memory_space<hbm>>, %arg6: memref<20224x128xf32, #tpu.memory_space<hbm>>, %arg7: memref<128x128xf32, #tpu.memory_space<vmem>>, %arg8: memref<10112x128xf32, #tpu.memory_space<vmem_shared>>, %arg9: memref<!tpu.dma_semaphore, #tpu.memory_space<semaphore_mem>>, %arg10: memref<128xi32, #tpu.memory_space<vmem>>, %arg11: memref<128xi32, #tpu.memory_space<vmem>>, %arg12: memref<32xi32, #tpu.memory_space<vmem>>, %arg13: memref<32xi32, #tpu.memory_space<vmem>>) attributes {dimension_semantics = [#tpu.dimension_semantics<core_parallel>, #tpu.dimension_semantics<subcore_parallel>], iteration_bounds = array<i64: 2, 16>, scalar_prefetch = 0 : i64, scratch_operands = 7 : i64, tpu.core_type = #tpu.core_type<sc_vector_subcore>, window_params = [{transform_indices = #map}, {transform_indices = #map1}, {transform_indices = #map1}, {transform_indices = #map}, {transform_indices = #map}]} {
    %mul3A = arith.constant 2 : i32
    %mul3A_0 = arith.muli %arg1, %mul3A : i32
    %add3A = arith.addi %mul3A_0, %arg0 : i32
    %mul3A_1 = arith.constant 632 : i32
    %mul3A_2 = arith.muli %arg1, %mul3A_1 : i32
    "tpu.region"() ({
      %run_scoped3A = tpu.sem_alloc : memref<!tpu.dma_semaphore, #tpu.memory_space<semaphore_mem>>
      %dma_start3A_36 = arith.constant 0 : i32
      %dma_start3A_37 = tpu.memref_slice %arg8[%mul3A_2, %dma_start3A_36] : memref<10112x128xf32, #tpu.memory_space<vmem_shared>> -> memref<632x128xf32, #tpu.memory_space<vmem_shared>>
      tpu.enqueue_dma source(%arg5 : memref<632x128xf32, #tpu.memory_space<hbm>>) target(%dma_start3A_37 : memref<632x128xf32, #tpu.memory_space<vmem_shared>>) target_semaphore(%run_scoped3A : memref<!tpu.dma_semaphore, #tpu.memory_space<semaphore_mem>>)
      %dma_wait3A_38 = arith.constant 0 : i32
      %dma_wait3A_39 = tpu.memref_slice %arg8[%mul3A_2, %dma_wait3A_38] : memref<10112x128xf32, #tpu.memory_space<vmem_shared>> -> memref<632x128xf32, #tpu.memory_space<vmem_shared>>
      tpu.wait_dma2 semaphore(%run_scoped3A : memref<!tpu.dma_semaphore, #tpu.memory_space<semaphore_mem>>) src(%arg5 : memref<632x128xf32, #tpu.memory_space<hbm>>) dst(%dma_wait3A_39 : memref<632x128xf32, #tpu.memory_space<vmem_shared>>)
      tpu.yield
    }) : () -> ()
    %barrier3A = arith.constant 0 : index
    tpu.barrier barrier_id(%barrier3A)
    %mul3A_3 = arith.constant 20000 : i32
    %mul3A_4 = arith.muli %add3A, %mul3A_3 : i32
    %scan3A = arith.constant 0 : i32
    %scan3A_5 = arith.constant 0 : i32
    %scan3A_6 = arith.constant 156 : i32
    %scan3A_7 = arith.addi %scan3A_5, %scan3A_6 : i32
    %scan3A_8 = arith.constant 1 : i32
    %scan3A_9 = scf.for %scan3A_36 = %scan3A_5 to %scan3A_7 step %scan3A_8 iter_args(%scan3A_37 = %scan3A) -> (i32)  : i32 {
      %add3A_38 = arith.constant 0 : i32
      %add3A_39 = arith.addi %mul3A_4, %add3A_38 : i32
      %mul3A_40 = arith.constant 128 : i32
      %mul3A_41 = arith.muli %scan3A_36, %mul3A_40 : i32
      %add3A_42 = arith.addi %add3A_39, %mul3A_41 : i32
      "tpu.region"() ({
        %run_scoped3A = tpu.sem_alloc : memref<!tpu.dma_semaphore, #tpu.memory_space<semaphore_mem>>
        %dma_start3A_56 = tpu.memref_slice %arg3[%add3A_42] : memref<640000xi32, #tpu.memory_space<hbm>> -> memref<128xi32, #tpu.memory_space<hbm>>
        %dma_start3A_57 = tpu.memref_slice %arg3[%add3A_42] : memref<640000xi32, #tpu.memory_space<hbm>> -> memref<128xi32, #tpu.memory_space<hbm>>
        tpu.enqueue_dma source(%dma_start3A_57 : memref<128xi32, #tpu.memory_space<hbm>>) target(%arg10 : memref<128xi32, #tpu.memory_space<vmem>>) target_semaphore(%run_scoped3A : memref<!tpu.dma_semaphore, #tpu.memory_space<semaphore_mem>>)
        %dma_wait3A_58 = tpu.memref_slice %arg3[%add3A_42] : memref<640000xi32, #tpu.memory_space<hbm>> -> memref<128xi32, #tpu.memory_space<hbm>>
        %dma_wait3A_59 = tpu.memref_slice %arg3[%add3A_42] : memref<640000xi32, #tpu.memory_space<hbm>> -> memref<128xi32, #tpu.memory_space<hbm>>
        tpu.wait_dma2 semaphore(%run_scoped3A : memref<!tpu.dma_semaphore, #tpu.memory_space<semaphore_mem>>) src(%dma_wait3A_59 : memref<128xi32, #tpu.memory_space<hbm>>) dst(%arg10 : memref<128xi32, #tpu.memory_space<vmem>>)
        tpu.yield
      }) : () -> ()
      "tpu.region"() ({
        %run_scoped3A = tpu.sem_alloc : memref<!tpu.dma_semaphore, #tpu.memory_space<semaphore_mem>>
        %dma_start3A_56 = tpu.memref_slice %arg4[%add3A_42] : memref<640000xi32, #tpu.memory_space<hbm>> -> memref<128xi32, #tpu.memory_space<hbm>>
        %dma_start3A_57 = tpu.memref_slice %arg4[%add3A_42] : memref<640000xi32, #tpu.memory_space<hbm>> -> memref<128xi32, #tpu.memory_space<hbm>>
        tpu.enqueue_dma source(%dma_start3A_57 : memref<128xi32, #tpu.memory_space<hbm>>) target(%arg11 : memref<128xi32, #tpu.memory_space<vmem>>) target_semaphore(%run_scoped3A : memref<!tpu.dma_semaphore, #tpu.memory_space<semaphore_mem>>)
        %dma_wait3A_58 = tpu.memref_slice %arg4[%add3A_42] : memref<640000xi32, #tpu.memory_space<hbm>> -> memref<128xi32, #tpu.memory_space<hbm>>
        %dma_wait3A_59 = tpu.memref_slice %arg4[%add3A_42] : memref<640000xi32, #tpu.memory_space<hbm>> -> memref<128xi32, #tpu.memory_space<hbm>>
        tpu.wait_dma2 semaphore(%run_scoped3A : memref<!tpu.dma_semaphore, #tpu.memory_space<semaphore_mem>>) src(%dma_wait3A_59 : memref<128xi32, #tpu.memory_space<hbm>>) dst(%arg11 : memref<128xi32, #tpu.memory_space<vmem>>)
        tpu.yield
      }) : () -> ()
      %dma_start3A_43 = arith.constant 0 : i32
      %dma_start3A_44 = arith.constant 0 : i32
      %dma_start3A_45 = tpu.memref_slice %arg7[%dma_start3A_43, %dma_start3A_44] : memref<128x128xf32, #tpu.memory_space<vmem>> -> memref<128x128xf32, #tpu.memory_space<vmem>>
      %dma_start3A_46 = arith.constant 0 : i32
      %dma_start3A_47 = arith.constant 0 : i32
      %dma_start3A_48 = tpu.memref_slice %arg2[%dma_start3A_46, %dma_start3A_47] : memref<10000x128xf32, #tpu.memory_space<hbm>> -> memref<10000x128xf32, #tpu.memory_space<hbm>>
      tpu.enqueue_indirect_dma source(%dma_start3A_48 : memref<10000x128xf32, #tpu.memory_space<hbm>>) target(%dma_start3A_45 : memref<128x128xf32, #tpu.memory_space<vmem>>) offsets(%arg10 : memref<128xi32, #tpu.memory_space<vmem>>) semaphore(%arg9 : memref<!tpu.dma_semaphore, #tpu.memory_space<semaphore_mem>>)
      %dma_wait3A_49 = arith.constant 0 : i32
      %dma_wait3A_50 = arith.constant 0 : i32
      %dma_wait3A_51 = tpu.memref_slice %arg7[%dma_wait3A_49, %dma_wait3A_50] : memref<128x128xf32, #tpu.memory_space<vmem>> -> memref<128x128xf32, #tpu.memory_space<vmem>>
      %dma_wait3A_52 = arith.constant 0 : i32
      %dma_wait3A_53 = arith.constant 0 : i32
      %dma_wait3A_54 = tpu.memref_slice %arg2[%dma_wait3A_52, %dma_wait3A_53] : memref<10000x128xf32, #tpu.memory_space<hbm>> -> memref<10000x128xf32, #tpu.memory_space<hbm>>
      tpu.wait_indirect_dma semaphore(%arg9 : memref<!tpu.dma_semaphore, #tpu.memory_space<semaphore_mem>>) src(%dma_wait3A_54 : memref<10000x128xf32, #tpu.memory_space<hbm>>) dst(%dma_wait3A_51 : memref<128x128xf32, #tpu.memory_space<vmem>>)
      "tpu.region"() ({
        %run_scoped3A = tpu.sem_alloc : memref<!tpu.dma_semaphore, #tpu.memory_space<semaphore_mem>>
        %dma_start3A_56 = arith.constant 0 : i32
        %dma_start3A_57 = arith.constant 0 : i32
        %dma_start3A_58 = tpu.memref_slice %arg7[%dma_start3A_56, %dma_start3A_57] : memref<128x128xf32, #tpu.memory_space<vmem>> -> memref<128x128xf32, #tpu.memory_space<vmem>>
        %dma_start3A_59 = arith.constant 0 : i32
        %dma_start3A_60 = arith.constant 0 : i32
        %dma_start3A_61 = tpu.memref_slice %arg8[%dma_start3A_59, %dma_start3A_60] : memref<10112x128xf32, #tpu.memory_space<vmem_shared>> -> memref<10112x128xf32, #tpu.memory_space<vmem_shared>>
        tpu.enqueue_indirect_dma source(%dma_start3A_58 : memref<128x128xf32, #tpu.memory_space<vmem>>) target(%dma_start3A_61 : memref<10112x128xf32, #tpu.memory_space<vmem_shared>>) offsets(%arg11 : memref<128xi32, #tpu.memory_space<vmem>>) semaphore(%run_scoped3A : memref<!tpu.dma_semaphore, #tpu.memory_space<semaphore_mem>>) {add = true}
        %dma_wait3A_62 = arith.constant 0 : i32
        %dma_wait3A_63 = arith.constant 0 : i32
        %dma_wait3A_64 = tpu.memref_slice %arg7[%dma_wait3A_62, %dma_wait3A_63] : memref<128x128xf32, #tpu.memory_space<vmem>> -> memref<128x128xf32, #tpu.memory_space<vmem>>
        %dma_wait3A_65 = arith.constant 0 : i32
        %dma_wait3A_66 = arith.constant 0 : i32
        %dma_wait3A_67 = tpu.memref_slice %arg8[%dma_wait3A_65, %dma_wait3A_66] : memref<10112x128xf32, #tpu.memory_space<vmem_shared>> -> memref<10112x128xf32, #tpu.memory_space<vmem_shared>>
        tpu.wait_indirect_dma semaphore(%run_scoped3A : memref<!tpu.dma_semaphore, #tpu.memory_space<semaphore_mem>>) src(%dma_wait3A_64 : memref<128x128xf32, #tpu.memory_space<vmem>>) dst(%dma_wait3A_67 : memref<10112x128xf32, #tpu.memory_space<vmem_shared>>)
        tpu.yield
      }) : () -> ()
      %scan3A_55 = arith.constant 0 : i32
      scf.yield %scan3A_55 : i32
    }
    %scan3A_10 = arith.constant 156 : i32
    %scan3A_11 = arith.constant 0 : i32
    %scan3A_12 = arith.constant 0 : i32
    %add3A_13 = arith.constant 19968 : i32
    %add3A_14 = arith.addi %mul3A_4, %add3A_13 : i32
    %mul3A_15 = arith.constant 32 : i32
    %mul3A_16 = arith.muli %scan3A_12, %mul3A_15 : i32
    %add3A_17 = arith.addi %add3A_14, %mul3A_16 : i32
    "tpu.region"() ({
      %run_scoped3A = tpu.sem_alloc : memref<!tpu.dma_semaphore, #tpu.memory_space<semaphore_mem>>
      %dma_start3A_36 = tpu.memref_slice %arg3[%add3A_17] : memref<640000xi32, #tpu.memory_space<hbm>> -> memref<32xi32, #tpu.memory_space<hbm>>
      %dma_start3A_37 = tpu.memref_slice %arg3[%add3A_17] : memref<640000xi32, #tpu.memory_space<hbm>> -> memref<32xi32, #tpu.memory_space<hbm>>
      tpu.enqueue_dma source(%dma_start3A_37 : memref<32xi32, #tpu.memory_space<hbm>>) target(%arg12 : memref<32xi32, #tpu.memory_space<vmem>>) target_semaphore(%run_scoped3A : memref<!tpu.dma_semaphore, #tpu.memory_space<semaphore_mem>>)
      %dma_wait3A_38 = tpu.memref_slice %arg3[%add3A_17] : memref<640000xi32, #tpu.memory_space<hbm>> -> memref<32xi32, #tpu.memory_space<hbm>>
      %dma_wait3A_39 = tpu.memref_slice %arg3[%add3A_17] : memref<640000xi32, #tpu.memory_space<hbm>> -> memref<32xi32, #tpu.memory_space<hbm>>
      tpu.wait_dma2 semaphore(%run_scoped3A : memref<!tpu.dma_semaphore, #tpu.memory_space<semaphore_mem>>) src(%dma_wait3A_39 : memref<32xi32, #tpu.memory_space<hbm>>) dst(%arg12 : memref<32xi32, #tpu.memory_space<vmem>>)
      tpu.yield
    }) : () -> ()
    "tpu.region"() ({
      %run_scoped3A = tpu.sem_alloc : memref<!tpu.dma_semaphore, #tpu.memory_space<semaphore_mem>>
      %dma_start3A_36 = tpu.memref_slice %arg4[%add3A_17] : memref<640000xi32, #tpu.memory_space<hbm>> -> memref<32xi32, #tpu.memory_space<hbm>>
      %dma_start3A_37 = tpu.memref_slice %arg4[%add3A_17] : memref<640000xi32, #tpu.memory_space<hbm>> -> memref<32xi32, #tpu.memory_space<hbm>>
      tpu.enqueue_dma source(%dma_start3A_37 : memref<32xi32, #tpu.memory_space<hbm>>) target(%arg13 : memref<32xi32, #tpu.memory_space<vmem>>) target_semaphore(%run_scoped3A : memref<!tpu.dma_semaphore, #tpu.memory_space<semaphore_mem>>)
      %dma_wait3A_38 = tpu.memref_slice %arg4[%add3A_17] : memref<640000xi32, #tpu.memory_space<hbm>> -> memref<32xi32, #tpu.memory_space<hbm>>
      %dma_wait3A_39 = tpu.memref_slice %arg4[%add3A_17] : memref<640000xi32, #tpu.memory_space<hbm>> -> memref<32xi32, #tpu.memory_space<hbm>>
      tpu.wait_dma2 semaphore(%run_scoped3A : memref<!tpu.dma_semaphore, #tpu.memory_space<semaphore_mem>>) src(%dma_wait3A_39 : memref<32xi32, #tpu.memory_space<hbm>>) dst(%arg13 : memref<32xi32, #tpu.memory_space<vmem>>)
      tpu.yield
    }) : () -> ()
    %dma_start3A = arith.constant 0 : i32
    %dma_start3A_18 = arith.constant 0 : i32
    %dma_start3A_19 = tpu.memref_slice %arg7[%dma_start3A, %dma_start3A_18] : memref<128x128xf32, #tpu.memory_space<vmem>> -> memref<32x128xf32, #tpu.memory_space<vmem>>
    %dma_start3A_20 = arith.constant 0 : i32
    %dma_start3A_21 = arith.constant 0 : i32
    %dma_start3A_22 = tpu.memref_slice %arg2[%dma_start3A_20, %dma_start3A_21] : memref<10000x128xf32, #tpu.memory_space<hbm>> -> memref<10000x128xf32, #tpu.memory_space<hbm>>
    tpu.enqueue_indirect_dma source(%dma_start3A_22 : memref<10000x128xf32, #tpu.memory_space<hbm>>) target(%dma_start3A_19 : memref<32x128xf32, #tpu.memory_space<vmem>>) offsets(%arg12 : memref<32xi32, #tpu.memory_space<vmem>>) semaphore(%arg9 : memref<!tpu.dma_semaphore, #tpu.memory_space<semaphore_mem>>)
    %dma_wait3A = arith.constant 0 : i32
    %dma_wait3A_23 = arith.constant 0 : i32
    %dma_wait3A_24 = tpu.memref_slice %arg7[%dma_wait3A, %dma_wait3A_23] : memref<128x128xf32, #tpu.memory_space<vmem>> -> memref<32x128xf32, #tpu.memory_space<vmem>>
    %dma_wait3A_25 = arith.constant 0 : i32
    %dma_wait3A_26 = arith.constant 0 : i32
    %dma_wait3A_27 = tpu.memref_slice %arg2[%dma_wait3A_25, %dma_wait3A_26] : memref<10000x128xf32, #tpu.memory_space<hbm>> -> memref<10000x128xf32, #tpu.memory_space<hbm>>
    tpu.wait_indirect_dma semaphore(%arg9 : memref<!tpu.dma_semaphore, #tpu.memory_space<semaphore_mem>>) src(%dma_wait3A_27 : memref<10000x128xf32, #tpu.memory_space<hbm>>) dst(%dma_wait3A_24 : memref<32x128xf32, #tpu.memory_space<vmem>>)
    "tpu.region"() ({
      %run_scoped3A = tpu.sem_alloc : memref<!tpu.dma_semaphore, #tpu.memory_space<semaphore_mem>>
      %dma_start3A_36 = arith.constant 0 : i32
      %dma_start3A_37 = arith.constant 0 : i32
      %dma_start3A_38 = tpu.memref_slice %arg7[%dma_start3A_36, %dma_start3A_37] : memref<128x128xf32, #tpu.memory_space<vmem>> -> memref<32x128xf32, #tpu.memory_space<vmem>>
      %dma_start3A_39 = arith.constant 0 : i32
      %dma_start3A_40 = arith.constant 0 : i32
      %dma_start3A_41 = tpu.memref_slice %arg8[%dma_start3A_39, %dma_start3A_40] : memref<10112x128xf32, #tpu.memory_space<vmem_shared>> -> memref<10112x128xf32, #tpu.memory_space<vmem_shared>>
      tpu.enqueue_indirect_dma source(%dma_start3A_38 : memref<32x128xf32, #tpu.memory_space<vmem>>) target(%dma_start3A_41 : memref<10112x128xf32, #tpu.memory_space<vmem_shared>>) offsets(%arg13 : memref<32xi32, #tpu.memory_space<vmem>>) semaphore(%run_scoped3A : memref<!tpu.dma_semaphore, #tpu.memory_space<semaphore_mem>>) {add = true}
      %dma_wait3A_42 = arith.constant 0 : i32
      %dma_wait3A_43 = arith.constant 0 : i32
      %dma_wait3A_44 = tpu.memref_slice %arg7[%dma_wait3A_42, %dma_wait3A_43] : memref<128x128xf32, #tpu.memory_space<vmem>> -> memref<32x128xf32, #tpu.memory_space<vmem>>
      %dma_wait3A_45 = arith.constant 0 : i32
      %dma_wait3A_46 = arith.constant 0 : i32
      %dma_wait3A_47 = tpu.memref_slice %arg8[%dma_wait3A_45, %dma_wait3A_46] : memref<10112x128xf32, #tpu.memory_space<vmem_shared>> -> memref<10112x128xf32, #tpu.memory_space<vmem_shared>>
      tpu.wait_indirect_dma semaphore(%run_scoped3A : memref<!tpu.dma_semaphore, #tpu.memory_space<semaphore_mem>>) src(%dma_wait3A_44 : memref<32x128xf32, #tpu.memory_space<vmem>>) dst(%dma_wait3A_47 : memref<10112x128xf32, #tpu.memory_space<vmem_shared>>)
      tpu.yield
    }) : () -> ()
    %scan3A_28 = arith.constant 0 : i32
    %scan3A_29 = arith.constant 1 : i32
    %barrier3A_30 = arith.constant 0 : index
    tpu.barrier barrier_id(%barrier3A_30)
    %mul3A_31 = arith.constant 632 : i32
    %mul3A_32 = arith.muli %arg1, %mul3A_31 : i32
    %mul3A_33 = arith.constant 10112 : i32
    %mul3A_34 = arith.muli %arg0, %mul3A_33 : i32
    %add3A_35 = arith.addi %mul3A_34, %mul3A_32 : i32
    "tpu.region"() ({
      %run_scoped3A = tpu.sem_alloc : memref<!tpu.dma_semaphore, #tpu.memory_space<semaphore_mem>>
      %dma_start3A_36 = arith.constant 0 : i32
      %dma_start3A_37 = tpu.memref_slice %arg6[%add3A_35, %dma_start3A_36] : memref<20224x128xf32, #tpu.memory_space<hbm>> -> memref<632x128xf32, #tpu.memory_space<hbm>>
      %dma_start3A_38 = arith.constant 0 : i32
      %dma_start3A_39 = tpu.memref_slice %arg8[%mul3A_32, %dma_start3A_38] : memref<10112x128xf32, #tpu.memory_space<vmem_shared>> -> memref<632x128xf32, #tpu.memory_space<vmem_shared>>
      tpu.enqueue_dma source(%dma_start3A_39 : memref<632x128xf32, #tpu.memory_space<vmem_shared>>) target(%dma_start3A_37 : memref<632x128xf32, #tpu.memory_space<hbm>>) target_semaphore(%run_scoped3A : memref<!tpu.dma_semaphore, #tpu.memory_space<semaphore_mem>>)
      %dma_wait3A_40 = arith.constant 0 : i32
      %dma_wait3A_41 = tpu.memref_slice %arg6[%add3A_35, %dma_wait3A_40] : memref<20224x128xf32, #tpu.memory_space<hbm>> -> memref<632x128xf32, #tpu.memory_space<hbm>>
      %dma_wait3A_42 = arith.constant 0 : i32
      %dma_wait3A_43 = tpu.memref_slice %arg8[%mul3A_32, %dma_wait3A_42] : memref<10112x128xf32, #tpu.memory_space<vmem_shared>> -> memref<632x128xf32, #tpu.memory_space<vmem_shared>>
      tpu.wait_dma2 semaphore(%run_scoped3A : memref<!tpu.dma_semaphore, #tpu.memory_space<semaphore_mem>>) src(%dma_wait3A_43 : memref<632x128xf32, #tpu.memory_space<vmem_shared>>) dst(%dma_wait3A_41 : memref<632x128xf32, #tpu.memory_space<hbm>>)
      tpu.yield
    }) : () -> ()
    return
  }
}

module attributes {stable_mosaic.version = 14 : i64} {
  func.func @_enc_body(%arg0: i32, %arg1: memref<20x128x256xf32, #tpu.memory_space<vmem>>, %arg2: memref<128x1xf32, #tpu.memory_space<vmem>>, %arg3: memref<2x2x256x512xf32, #tpu.memory_space<vmem>>, %arg4: memref<2x2x128x512xf32, #tpu.memory_space<vmem>>, %arg5: memref<2x2x512xf32, #tpu.memory_space<vmem>>, %arg6: memref<2x256x128xf32, #tpu.memory_space<vmem>>, %arg7: memref<3x256x128xf32, #tpu.memory_space<vmem>>, %arg8: memref<4x256x128xf32, #tpu.memory_space<vmem>>, %arg9: memref<3x128xf32, #tpu.memory_space<vmem>>, %arg10: memref<384x128xf32, #tpu.memory_space<vmem>>, %arg11: memref<1x128xf32, #tpu.memory_space<vmem>>, %arg12: memref<128x128xf32, #tpu.memory_space<vmem>>, %arg13: memref<1x128xf32, #tpu.memory_space<vmem>>, %arg14: memref<128x128xf32, #tpu.memory_space<vmem>>, %arg15: memref<20x128x128xf32, #tpu.memory_space<vmem>>, %arg16: memref<20x128x128xf32, #tpu.memory_space<vmem>>, %arg17: memref<20x128x256xf32, #tpu.memory_space<vmem>>) attributes {dimension_semantics = [#tpu.dimension_semantics<arbitrary>], iteration_bounds = array<i64: 79>, scalar_prefetch = 0 : i64, scratch_operands = 3 : i64, tpu.core_type = #tpu.core_type<tc>, window_params = [{transform_indices = @transform_0, window_bounds = array<i64: 20, 128, 256>}, {transform_indices = @transform_1, window_bounds = array<i64: 128, 1>}, {pipeline_mode = #tpu.pipeline_mode<synchronous>, transform_indices = @transform_2, window_bounds = array<i64: 2, 2, 256, 512>}, {pipeline_mode = #tpu.pipeline_mode<synchronous>, transform_indices = @transform_3, window_bounds = array<i64: 2, 2, 128, 512>}, {pipeline_mode = #tpu.pipeline_mode<synchronous>, transform_indices = @transform_4, window_bounds = array<i64: 2, 2, 512>}, {pipeline_mode = #tpu.pipeline_mode<synchronous>, transform_indices = @transform_5, window_bounds = array<i64: 2, 256, 128>}, {pipeline_mode = #tpu.pipeline_mode<synchronous>, transform_indices = @transform_6, window_bounds = array<i64: 3, 256, 128>}, {pipeline_mode = #tpu.pipeline_mode<synchronous>, transform_indices = @transform_7, window_bounds = array<i64: 4, 256, 128>}, {pipeline_mode = #tpu.pipeline_mode<synchronous>, transform_indices = @transform_8, window_bounds = array<i64: 3, 128>}, {pipeline_mode = #tpu.pipeline_mode<synchronous>, transform_indices = @transform_9, window_bounds = array<i64: 384, 128>}, {pipeline_mode = #tpu.pipeline_mode<synchronous>, transform_indices = @transform_10, window_bounds = array<i64: 1, 128>}, {pipeline_mode = #tpu.pipeline_mode<synchronous>, transform_indices = @transform_11, window_bounds = array<i64: 128, 128>}, {pipeline_mode = #tpu.pipeline_mode<synchronous>, transform_indices = @transform_12, window_bounds = array<i64: 1, 128>}, {transform_indices = @transform_13, window_bounds = array<i64: 128, 128>}]} {
    %get3A = arith.constant 0 : index
    %get3A_0 = arith.constant 0 : index
    %get3A_1 = arith.constant 0 : index
    %get3A_2 = arith.constant 0 : index
    %get3A_3 = vector.load %arg3[%get3A, %get3A_0, %get3A_1, %get3A_2] : memref<2x2x256x512xf32, #tpu.memory_space<vmem>>, vector<1x1x256x512xf32>
    %get3A_4 = vector.shape_cast %get3A_3 : vector<1x1x256x512xf32> to vector<256x512xf32>
    %get3A_5 = arith.constant 0 : index
    %get3A_6 = arith.constant 0 : index
    %get3A_7 = arith.constant 0 : index
    %get3A_8 = arith.constant 0 : index
    %get3A_9 = vector.load %arg4[%get3A_5, %get3A_6, %get3A_7, %get3A_8] : memref<2x2x128x512xf32, #tpu.memory_space<vmem>>, vector<1x1x128x512xf32>
    %get3A_10 = vector.shape_cast %get3A_9 : vector<1x1x128x512xf32> to vector<128x512xf32>
    %get3A_11 = arith.constant 0 : index
    %get3A_12 = arith.constant 0 : index
    %get3A_13 = arith.constant 0 : index
    %get3A_14 = vector.load %arg5[%get3A_11, %get3A_12, %get3A_13] : memref<2x2x512xf32, #tpu.memory_space<vmem>>, vector<1x1x512xf32>
    %get3A_15 = vector.shape_cast %get3A_14 : vector<1x1x512xf32> to vector<512xf32>
    %broadcast_in_dim3A = arith.constant 0.000000e+00 : f32
    %broadcast_in_dim3A_16 = vector.broadcast %broadcast_in_dim3A : f32 to vector<128x128xf32>
    %scan3A = arith.constant 0 : i32
    %scan3A_17 = arith.constant 20 : i32
    %scan3A_18 = arith.addi %scan3A, %scan3A_17 : i32
    %scan3A_19 = arith.constant 1 : i32
    %scan3A_20:2 = scf.for %scan3A_728 = %scan3A to %scan3A_18 step %scan3A_19 iter_args(%scan3A_729 = %broadcast_in_dim3A_16, %scan3A_730 = %broadcast_in_dim3A_16) -> (vector<128x128xf32>, vector<128x128xf32>)  : i32 {
      %get3A_731 = arith.index_cast %scan3A_728 : i32 to index
      %get3A_732 = arith.constant 0 : index
      %get3A_733 = arith.constant 0 : index
      %get3A_734 = vector.load %arg1[%get3A_731, %get3A_732, %get3A_733] : memref<20x128x256xf32, #tpu.memory_space<vmem>>, vector<1x128x256xf32>
      %get3A_735 = vector.shape_cast %get3A_734 : vector<1x128x256xf32> to vector<128x256xf32>
      %dot_general3A_736 = arith.constant dense<0.000000e+00> : vector<128x512xf32>
      %dot_general3A_737 = tpu.matmul %get3A_735, %get3A_4, %dot_general3A_736 {dimension_numbers = #tpu.dot_dimension_numbers<[1], [0], [0], [1], [0, 0, 1, 1], [], []>, transpose_lhs_hint = false} : vector<128x256xf32>, vector<256x512xf32>, vector<128x512xf32> -> vector<128x512xf32>
      %dot_general3A_738 = arith.constant dense<0.000000e+00> : vector<128x512xf32>
      %dot_general3A_739 = tpu.matmul %scan3A_729, %get3A_10, %dot_general3A_738 {dimension_numbers = #tpu.dot_dimension_numbers<[1], [0], [0], [1], [0, 0, 1, 1], [], []>, transpose_lhs_hint = false} : vector<128x128xf32>, vector<128x512xf32>, vector<128x512xf32> -> vector<128x512xf32>
      %add3A_740 = arith.addf %dot_general3A_737, %dot_general3A_739 : vector<128x512xf32>
      %broadcast_in_dim3A_741 = vector.shape_cast %get3A_15 : vector<512xf32> to vector<1x512xf32>
      %add3A_742 = vector.broadcast %broadcast_in_dim3A_741 : vector<1x512xf32> to vector<128x512xf32>
      %add3A_743 = arith.addf %add3A_740, %add3A_742 : vector<128x512xf32>
      %slice3A_744 = vector.extract_strided_slice %add3A_743 {offsets = [0, 0], sizes = [128, 128], strides = [1, 1]} : vector<128x512xf32> to vector<128x128xf32>
      %logistic3A = arith.negf %slice3A_744 : vector<128x128xf32>
      %logistic3A_745 = math.exp %logistic3A : vector<128x128xf32>
      %logistic3A_746 = arith.constant 1.000000e+00 : f32
      %logistic3A_747 = vector.broadcast %logistic3A_746 : f32 to vector<128x128xf32>
      %logistic3A_748 = arith.addf %logistic3A_747, %logistic3A_745 : vector<128x128xf32>
      %logistic3A_749 = arith.divf %logistic3A_747, %logistic3A_748 : vector<128x128xf32>
      %slice3A_750 = vector.extract_strided_slice %add3A_743 {offsets = [0, 128], sizes = [128, 128], strides = [1, 1]} : vector<128x512xf32> to vector<128x128xf32>
      %logistic3A_751 = arith.negf %slice3A_750 : vector<128x128xf32>
      %logistic3A_752 = math.exp %logistic3A_751 : vector<128x128xf32>
      %logistic3A_753 = arith.constant 1.000000e+00 : f32
      %logistic3A_754 = vector.broadcast %logistic3A_753 : f32 to vector<128x128xf32>
      %logistic3A_755 = arith.addf %logistic3A_754, %logistic3A_752 : vector<128x128xf32>
      %logistic3A_756 = arith.divf %logistic3A_754, %logistic3A_755 : vector<128x128xf32>
      %slice3A_757 = vector.extract_strided_slice %add3A_743 {offsets = [0, 256], sizes = [128, 128], strides = [1, 1]} : vector<128x512xf32> to vector<128x128xf32>
      %tanh3A_758 = math.tanh %slice3A_757 : vector<128x128xf32>
      %slice3A_759 = vector.extract_strided_slice %add3A_743 {offsets = [0, 384], sizes = [128, 128], strides = [1, 1]} : vector<128x512xf32> to vector<128x128xf32>
      %logistic3A_760 = arith.negf %slice3A_759 : vector<128x128xf32>
      %logistic3A_761 = math.exp %logistic3A_760 : vector<128x128xf32>
      %logistic3A_762 = arith.constant 1.000000e+00 : f32
      %logistic3A_763 = vector.broadcast %logistic3A_762 : f32 to vector<128x128xf32>
      %logistic3A_764 = arith.addf %logistic3A_763, %logistic3A_761 : vector<128x128xf32>
      %logistic3A_765 = arith.divf %logistic3A_763, %logistic3A_764 : vector<128x128xf32>
      %mul3A_766 = arith.mulf %logistic3A_756, %scan3A_730 : vector<128x128xf32>
      %mul3A_767 = arith.mulf %logistic3A_749, %tanh3A_758 : vector<128x128xf32>
      %add3A_768 = arith.addf %mul3A_766, %mul3A_767 : vector<128x128xf32>
      %tanh3A_769 = math.tanh %add3A_768 : vector<128x128xf32>
      %mul3A_770 = arith.mulf %logistic3A_765, %tanh3A_769 : vector<128x128xf32>
      %swap3A_771 = arith.index_cast %scan3A_728 : i32 to index
      %swap3A_772 = arith.constant 0 : index
      %swap3A_773 = arith.constant 0 : index
      %swap3A_774 = vector.load %arg15[%swap3A_771, %swap3A_772, %swap3A_773] : memref<20x128x128xf32, #tpu.memory_space<vmem>>, vector<1x128x128xf32>
      %swap3A_775 = vector.shape_cast %swap3A_774 : vector<1x128x128xf32> to vector<128x128xf32>
      %swap3A_776 = vector.shape_cast %mul3A_770 : vector<128x128xf32> to vector<1x128x128xf32>
      tpu.vector_store %arg15[%swap3A_771, %swap3A_772, %swap3A_773], %swap3A_776 {strides = array<i32>} : memref<20x128x128xf32, #tpu.memory_space<vmem>>, vector<1x128x128xf32>,
      scf.yield %mul3A_770, %add3A_768 : vector<128x128xf32>, vector<128x128xf32>
    }
    %scan3A_21 = arith.constant 20 : i32
    %get3A_22 = arith.constant 0 : index
    %get3A_23 = arith.constant 1 : index
    %get3A_24 = arith.constant 0 : index
    %get3A_25 = arith.constant 0 : index
    %get3A_26 = vector.load %arg3[%get3A_22, %get3A_23, %get3A_24, %get3A_25] : memref<2x2x256x512xf32, #tpu.memory_space<vmem>>, vector<1x1x256x512xf32>
    %get3A_27 = vector.shape_cast %get3A_26 : vector<1x1x256x512xf32> to vector<256x512xf32>
    %get3A_28 = arith.constant 0 : index
    %get3A_29 = arith.constant 1 : index
    %get3A_30 = arith.constant 0 : index
    %get3A_31 = arith.constant 0 : index
    %get3A_32 = vector.load %arg4[%get3A_28, %get3A_29, %get3A_30, %get3A_31] : memref<2x2x128x512xf32, #tpu.memory_space<vmem>>, vector<1x1x128x512xf32>
    %get3A_33 = vector.shape_cast %get3A_32 : vector<1x1x128x512xf32> to vector<128x512xf32>
    %get3A_34 = arith.constant 0 : index
    %get3A_35 = arith.constant 1 : index
    %get3A_36 = arith.constant 0 : index
    %get3A_37 = vector.load %arg5[%get3A_34, %get3A_35, %get3A_36] : memref<2x2x512xf32, #tpu.memory_space<vmem>>, vector<1x1x512xf32>
    %get3A_38 = vector.shape_cast %get3A_37 : vector<1x1x512xf32> to vector<512xf32>
    %broadcast_in_dim3A_39 = arith.constant 0.000000e+00 : f32
    %broadcast_in_dim3A_40 = vector.broadcast %broadcast_in_dim3A_39 : f32 to vector<128x128xf32>
    %scan3A_41 = arith.constant 0 : i32
    %scan3A_42 = arith.constant 20 : i32
    %scan3A_43 = arith.addi %scan3A_41, %scan3A_42 : i32
    %scan3A_44 = arith.constant 1 : i32
    %scan3A_45:2 = scf.for %scan3A_728 = %scan3A_41 to %scan3A_43 step %scan3A_44 iter_args(%scan3A_729 = %broadcast_in_dim3A_40, %scan3A_730 = %broadcast_in_dim3A_40) -> (vector<128x128xf32>, vector<128x128xf32>)  : i32 {
      %sub3A = arith.constant 19 : i32
      %sub3A_731 = arith.subi %sub3A, %scan3A_728 : i32
      %get3A_732 = arith.index_cast %sub3A_731 : i32 to index
      %get3A_733 = arith.constant 0 : index
      %get3A_734 = arith.constant 0 : index
      %get3A_735 = vector.load %arg1[%get3A_732, %get3A_733, %get3A_734] : memref<20x128x256xf32, #tpu.memory_space<vmem>>, vector<1x128x256xf32>
      %get3A_736 = vector.shape_cast %get3A_735 : vector<1x128x256xf32> to vector<128x256xf32>
      %dot_general3A_737 = arith.constant dense<0.000000e+00> : vector<128x512xf32>
      %dot_general3A_738 = tpu.matmul %get3A_736, %get3A_27, %dot_general3A_737 {dimension_numbers = #tpu.dot_dimension_numbers<[1], [0], [0], [1], [0, 0, 1, 1], [], []>, transpose_lhs_hint = false} : vector<128x256xf32>, vector<256x512xf32>, vector<128x512xf32> -> vector<128x512xf32>
      %dot_general3A_739 = arith.constant dense<0.000000e+00> : vector<128x512xf32>
      %dot_general3A_740 = tpu.matmul %scan3A_729, %get3A_33, %dot_general3A_739 {dimension_numbers = #tpu.dot_dimension_numbers<[1], [0], [0], [1], [0, 0, 1, 1], [], []>, transpose_lhs_hint = false} : vector<128x128xf32>, vector<128x512xf32>, vector<128x512xf32> -> vector<128x512xf32>
      %add3A_741 = arith.addf %dot_general3A_738, %dot_general3A_740 : vector<128x512xf32>
      %broadcast_in_dim3A_742 = vector.shape_cast %get3A_38 : vector<512xf32> to vector<1x512xf32>
      %add3A_743 = vector.broadcast %broadcast_in_dim3A_742 : vector<1x512xf32> to vector<128x512xf32>
      %add3A_744 = arith.addf %add3A_741, %add3A_743 : vector<128x512xf32>
      %slice3A_745 = vector.extract_strided_slice %add3A_744 {offsets = [0, 0], sizes = [128, 128], strides = [1, 1]} : vector<128x512xf32> to vector<128x128xf32>
      %logistic3A = arith.negf %slice3A_745 : vector<128x128xf32>
      %logistic3A_746 = math.exp %logistic3A : vector<128x128xf32>
      %logistic3A_747 = arith.constant 1.000000e+00 : f32
      %logistic3A_748 = vector.broadcast %logistic3A_747 : f32 to vector<128x128xf32>
      %logistic3A_749 = arith.addf %logistic3A_748, %logistic3A_746 : vector<128x128xf32>
      %logistic3A_750 = arith.divf %logistic3A_748, %logistic3A_749 : vector<128x128xf32>
      %slice3A_751 = vector.extract_strided_slice %add3A_744 {offsets = [0, 128], sizes = [128, 128], strides = [1, 1]} : vector<128x512xf32> to vector<128x128xf32>
      %logistic3A_752 = arith.negf %slice3A_751 : vector<128x128xf32>
      %logistic3A_753 = math.exp %logistic3A_752 : vector<128x128xf32>
      %logistic3A_754 = arith.constant 1.000000e+00 : f32
      %logistic3A_755 = vector.broadcast %logistic3A_754 : f32 to vector<128x128xf32>
      %logistic3A_756 = arith.addf %logistic3A_755, %logistic3A_753 : vector<128x128xf32>
      %logistic3A_757 = arith.divf %logistic3A_755, %logistic3A_756 : vector<128x128xf32>
      %slice3A_758 = vector.extract_strided_slice %add3A_744 {offsets = [0, 256], sizes = [128, 128], strides = [1, 1]} : vector<128x512xf32> to vector<128x128xf32>
      %tanh3A_759 = math.tanh %slice3A_758 : vector<128x128xf32>
      %slice3A_760 = vector.extract_strided_slice %add3A_744 {offsets = [0, 384], sizes = [128, 128], strides = [1, 1]} : vector<128x512xf32> to vector<128x128xf32>
      %logistic3A_761 = arith.negf %slice3A_760 : vector<128x128xf32>
      %logistic3A_762 = math.exp %logistic3A_761 : vector<128x128xf32>
      %logistic3A_763 = arith.constant 1.000000e+00 : f32
      %logistic3A_764 = vector.broadcast %logistic3A_763 : f32 to vector<128x128xf32>
      %logistic3A_765 = arith.addf %logistic3A_764, %logistic3A_762 : vector<128x128xf32>
      %logistic3A_766 = arith.divf %logistic3A_764, %logistic3A_765 : vector<128x128xf32>
      %mul3A_767 = arith.mulf %logistic3A_757, %scan3A_730 : vector<128x128xf32>
      %mul3A_768 = arith.mulf %logistic3A_750, %tanh3A_759 : vector<128x128xf32>
      %add3A_769 = arith.addf %mul3A_767, %mul3A_768 : vector<128x128xf32>
      %tanh3A_770 = math.tanh %add3A_769 : vector<128x128xf32>
      %mul3A_771 = arith.mulf %logistic3A_766, %tanh3A_770 : vector<128x128xf32>
      %swap3A_772 = arith.index_cast %sub3A_731 : i32 to index
      %swap3A_773 = arith.constant 0 : index
      %swap3A_774 = arith.constant 0 : index
      %swap3A_775 = vector.load %arg16[%swap3A_772, %swap3A_773, %swap3A_774] : memref<20x128x128xf32, #tpu.memory_space<vmem>>, vector<1x128x128xf32>
      %swap3A_776 = vector.shape_cast %swap3A_775 : vector<1x128x128xf32> to vector<128x128xf32>
      %swap3A_777 = vector.shape_cast %mul3A_771 : vector<128x128xf32> to vector<1x128x128xf32>
      tpu.vector_store %arg16[%swap3A_772, %swap3A_773, %swap3A_774], %swap3A_777 {strides = array<i32>} : memref<20x128x128xf32, #tpu.memory_space<vmem>>, vector<1x128x128xf32>,
      scf.yield %mul3A_771, %add3A_769 : vector<128x128xf32>, vector<128x128xf32>
    }
    %scan3A_46 = arith.constant 20 : i32
    %get3A_47 = arith.constant 0 : index
    %get3A_48 = arith.constant 0 : index
    %get3A_49 = arith.constant 0 : index
    %get3A_50 = vector.load %arg15[%get3A_47, %get3A_48, %get3A_49] : memref<20x128x128xf32, #tpu.memory_space<vmem>>, vector<20x128x128xf32>
    %get3A_51 = arith.constant 0 : index
    %get3A_52 = arith.constant 0 : index
    %get3A_53 = arith.constant 0 : index
    %get3A_54 = vector.load %arg16[%get3A_51, %get3A_52, %get3A_53] : memref<20x128x128xf32, #tpu.memory_space<vmem>>, vector<20x128x128xf32>
    %concatenate3A = tpu.concatenate %get3A_50, %get3A_54 in 2 : vector<20x128x128xf32>, vector<20x128x128xf32> -> vector<20x128x256xf32>
    %swap3A = arith.constant 0 : index
    %swap3A_55 = arith.constant 0 : index
    %swap3A_56 = arith.constant 0 : index
    %swap3A_57 = vector.load %arg17[%swap3A, %swap3A_55, %swap3A_56] : memref<20x128x256xf32, #tpu.memory_space<vmem>>, vector<20x128x256xf32>
    tpu.vector_store %arg17[%swap3A, %swap3A_55, %swap3A_56], %concatenate3A {strides = array<i32>} : memref<20x128x256xf32, #tpu.memory_space<vmem>>, vector<20x128x256xf32>,
    %get3A_58 = arith.constant 1 : index
    %get3A_59 = arith.constant 0 : index
    %get3A_60 = arith.constant 0 : index
    %get3A_61 = arith.constant 0 : index
    %get3A_62 = vector.load %arg3[%get3A_58, %get3A_59, %get3A_60, %get3A_61] : memref<2x2x256x512xf32, #tpu.memory_space<vmem>>, vector<1x1x256x512xf32>
    %get3A_63 = vector.shape_cast %get3A_62 : vector<1x1x256x512xf32> to vector<256x512xf32>
    %get3A_64 = arith.constant 1 : index
    %get3A_65 = arith.constant 0 : index
    %get3A_66 = arith.constant 0 : index
    %get3A_67 = arith.constant 0 : index
    %get3A_68 = vector.load %arg4[%get3A_64, %get3A_65, %get3A_66, %get3A_67] : memref<2x2x128x512xf32, #tpu.memory_space<vmem>>, vector<1x1x128x512xf32>
    %get3A_69 = vector.shape_cast %get3A_68 : vector<1x1x128x512xf32> to vector<128x512xf32>
    %get3A_70 = arith.constant 1 : index
    %get3A_71 = arith.constant 0 : index
    %get3A_72 = arith.constant 0 : index
    %get3A_73 = vector.load %arg5[%get3A_70, %get3A_71, %get3A_72] : memref<2x2x512xf32, #tpu.memory_space<vmem>>, vector<1x1x512xf32>
    %get3A_74 = vector.shape_cast %get3A_73 : vector<1x1x512xf32> to vector<512xf32>
    %broadcast_in_dim3A_75 = arith.constant 0.000000e+00 : f32
    %broadcast_in_dim3A_76 = vector.broadcast %broadcast_in_dim3A_75 : f32 to vector<128x128xf32>
    %scan3A_77 = arith.constant 0 : i32
    %scan3A_78 = arith.constant 20 : i32
    %scan3A_79 = arith.addi %scan3A_77, %scan3A_78 : i32
    %scan3A_80 = arith.constant 1 : i32
    %scan3A_81:2 = scf.for %scan3A_728 = %scan3A_77 to %scan3A_79 step %scan3A_80 iter_args(%scan3A_729 = %broadcast_in_dim3A_76, %scan3A_730 = %broadcast_in_dim3A_76) -> (vector<128x128xf32>, vector<128x128xf32>)  : i32 {
      %get3A_731 = arith.index_cast %scan3A_728 : i32 to index
      %get3A_732 = arith.constant 0 : index
      %get3A_733 = arith.constant 0 : index
      %get3A_734 = vector.load %arg17[%get3A_731, %get3A_732, %get3A_733] : memref<20x128x256xf32, #tpu.memory_space<vmem>>, vector<1x128x256xf32>
      %get3A_735 = vector.shape_cast %get3A_734 : vector<1x128x256xf32> to vector<128x256xf32>
      %dot_general3A_736 = arith.constant dense<0.000000e+00> : vector<128x512xf32>
      %dot_general3A_737 = tpu.matmul %get3A_735, %get3A_63, %dot_general3A_736 {dimension_numbers = #tpu.dot_dimension_numbers<[1], [0], [0], [1], [0, 0, 1, 1], [], []>, transpose_lhs_hint = false} : vector<128x256xf32>, vector<256x512xf32>, vector<128x512xf32> -> vector<128x512xf32>
      %dot_general3A_738 = arith.constant dense<0.000000e+00> : vector<128x512xf32>
      %dot_general3A_739 = tpu.matmul %scan3A_729, %get3A_69, %dot_general3A_738 {dimension_numbers = #tpu.dot_dimension_numbers<[1], [0], [0], [1], [0, 0, 1, 1], [], []>, transpose_lhs_hint = false} : vector<128x128xf32>, vector<128x512xf32>, vector<128x512xf32> -> vector<128x512xf32>
      %add3A_740 = arith.addf %dot_general3A_737, %dot_general3A_739 : vector<128x512xf32>
      %broadcast_in_dim3A_741 = vector.shape_cast %get3A_74 : vector<512xf32> to vector<1x512xf32>
      %add3A_742 = vector.broadcast %broadcast_in_dim3A_741 : vector<1x512xf32> to vector<128x512xf32>
      %add3A_743 = arith.addf %add3A_740, %add3A_742 : vector<128x512xf32>
      %slice3A_744 = vector.extract_strided_slice %add3A_743 {offsets = [0, 0], sizes = [128, 128], strides = [1, 1]} : vector<128x512xf32> to vector<128x128xf32>
      %logistic3A = arith.negf %slice3A_744 : vector<128x128xf32>
      %logistic3A_745 = math.exp %logistic3A : vector<128x128xf32>
      %logistic3A_746 = arith.constant 1.000000e+00 : f32
      %logistic3A_747 = vector.broadcast %logistic3A_746 : f32 to vector<128x128xf32>
      %logistic3A_748 = arith.addf %logistic3A_747, %logistic3A_745 : vector<128x128xf32>
      %logistic3A_749 = arith.divf %logistic3A_747, %logistic3A_748 : vector<128x128xf32>
      %slice3A_750 = vector.extract_strided_slice %add3A_743 {offsets = [0, 128], sizes = [128, 128], strides = [1, 1]} : vector<128x512xf32> to vector<128x128xf32>
      %logistic3A_751 = arith.negf %slice3A_750 : vector<128x128xf32>
      %logistic3A_752 = math.exp %logistic3A_751 : vector<128x128xf32>
      %logistic3A_753 = arith.constant 1.000000e+00 : f32
      %logistic3A_754 = vector.broadcast %logistic3A_753 : f32 to vector<128x128xf32>
      %logistic3A_755 = arith.addf %logistic3A_754, %logistic3A_752 : vector<128x128xf32>
      %logistic3A_756 = arith.divf %logistic3A_754, %logistic3A_755 : vector<128x128xf32>
      %slice3A_757 = vector.extract_strided_slice %add3A_743 {offsets = [0, 256], sizes = [128, 128], strides = [1, 1]} : vector<128x512xf32> to vector<128x128xf32>
      %tanh3A_758 = math.tanh %slice3A_757 : vector<128x128xf32>
      %slice3A_759 = vector.extract_strided_slice %add3A_743 {offsets = [0, 384], sizes = [128, 128], strides = [1, 1]} : vector<128x512xf32> to vector<128x128xf32>
      %logistic3A_760 = arith.negf %slice3A_759 : vector<128x128xf32>
      %logistic3A_761 = math.exp %logistic3A_760 : vector<128x128xf32>
      %logistic3A_762 = arith.constant 1.000000e+00 : f32
      %logistic3A_763 = vector.broadcast %logistic3A_762 : f32 to vector<128x128xf32>
      %logistic3A_764 = arith.addf %logistic3A_763, %logistic3A_761 : vector<128x128xf32>
      %logistic3A_765 = arith.divf %logistic3A_763, %logistic3A_764 : vector<128x128xf32>
      %mul3A_766 = arith.mulf %logistic3A_756, %scan3A_730 : vector<128x128xf32>
      %mul3A_767 = arith.mulf %logistic3A_749, %tanh3A_758 : vector<128x128xf32>
      %add3A_768 = arith.addf %mul3A_766, %mul3A_767 : vector<128x128xf32>
      %tanh3A_769 = math.tanh %add3A_768 : vector<128x128xf32>
      %mul3A_770 = arith.mulf %logistic3A_765, %tanh3A_769 : vector<128x128xf32>
      %swap3A_771 = arith.index_cast %scan3A_728 : i32 to index
      %swap3A_772 = arith.constant 0 : index
      %swap3A_773 = arith.constant 0 : index
      %swap3A_774 = vector.load %arg15[%swap3A_771, %swap3A_772, %swap3A_773] : memref<20x128x128xf32, #tpu.memory_space<vmem>>, vector<1x128x128xf32>
      %swap3A_775 = vector.shape_cast %swap3A_774 : vector<1x128x128xf32> to vector<128x128xf32>
      %swap3A_776 = vector.shape_cast %mul3A_770 : vector<128x128xf32> to vector<1x128x128xf32>
      tpu.vector_store %arg15[%swap3A_771, %swap3A_772, %swap3A_773], %swap3A_776 {strides = array<i32>} : memref<20x128x128xf32, #tpu.memory_space<vmem>>, vector<1x128x128xf32>,
      scf.yield %mul3A_770, %add3A_768 : vector<128x128xf32>, vector<128x128xf32>
    }
    %scan3A_82 = arith.constant 20 : i32
    %get3A_83 = arith.constant 1 : index
    %get3A_84 = arith.constant 1 : index
    %get3A_85 = arith.constant 0 : index
    %get3A_86 = arith.constant 0 : index
    %get3A_87 = vector.load %arg3[%get3A_83, %get3A_84, %get3A_85, %get3A_86] : memref<2x2x256x512xf32, #tpu.memory_space<vmem>>, vector<1x1x256x512xf32>
    %get3A_88 = vector.shape_cast %get3A_87 : vector<1x1x256x512xf32> to vector<256x512xf32>
    %get3A_89 = arith.constant 1 : index
    %get3A_90 = arith.constant 1 : index
    %get3A_91 = arith.constant 0 : index
    %get3A_92 = arith.constant 0 : index
    %get3A_93 = vector.load %arg4[%get3A_89, %get3A_90, %get3A_91, %get3A_92] : memref<2x2x128x512xf32, #tpu.memory_space<vmem>>, vector<1x1x128x512xf32>
    %get3A_94 = vector.shape_cast %get3A_93 : vector<1x1x128x512xf32> to vector<128x512xf32>
    %get3A_95 = arith.constant 1 : index
    %get3A_96 = arith.constant 1 : index
    %get3A_97 = arith.constant 0 : index
    %get3A_98 = vector.load %arg5[%get3A_95, %get3A_96, %get3A_97] : memref<2x2x512xf32, #tpu.memory_space<vmem>>, vector<1x1x512xf32>
    %get3A_99 = vector.shape_cast %get3A_98 : vector<1x1x512xf32> to vector<512xf32>
    %broadcast_in_dim3A_100 = arith.constant 0.000000e+00 : f32
    %broadcast_in_dim3A_101 = vector.broadcast %broadcast_in_dim3A_100 : f32 to vector<128x128xf32>
    %scan3A_102 = arith.constant 0 : i32
    %scan3A_103 = arith.constant 20 : i32
    %scan3A_104 = arith.addi %scan3A_102, %scan3A_103 : i32
    %scan3A_105 = arith.constant 1 : i32
    %scan3A_106:2 = scf.for %scan3A_728 = %scan3A_102 to %scan3A_104 step %scan3A_105 iter_args(%scan3A_729 = %broadcast_in_dim3A_101, %scan3A_730 = %broadcast_in_dim3A_101) -> (vector<128x128xf32>, vector<128x128xf32>)  : i32 {
      %sub3A = arith.constant 19 : i32
      %sub3A_731 = arith.subi %sub3A, %scan3A_728 : i32
      %get3A_732 = arith.index_cast %sub3A_731 : i32 to index
      %get3A_733 = arith.constant 0 : index
      %get3A_734 = arith.constant 0 : index
      %get3A_735 = vector.load %arg17[%get3A_732, %get3A_733, %get3A_734] : memref<20x128x256xf32, #tpu.memory_space<vmem>>, vector<1x128x256xf32>
      %get3A_736 = vector.shape_cast %get3A_735 : vector<1x128x256xf32> to vector<128x256xf32>
      %dot_general3A_737 = arith.constant dense<0.000000e+00> : vector<128x512xf32>
      %dot_general3A_738 = tpu.matmul %get3A_736, %get3A_88, %dot_general3A_737 {dimension_numbers = #tpu.dot_dimension_numbers<[1], [0], [0], [1], [0, 0, 1, 1], [], []>, transpose_lhs_hint = false} : vector<128x256xf32>, vector<256x512xf32>, vector<128x512xf32> -> vector<128x512xf32>
      %dot_general3A_739 = arith.constant dense<0.000000e+00> : vector<128x512xf32>
      %dot_general3A_740 = tpu.matmul %scan3A_729, %get3A_94, %dot_general3A_739 {dimension_numbers = #tpu.dot_dimension_numbers<[1], [0], [0], [1], [0, 0, 1, 1], [], []>, transpose_lhs_hint = false} : vector<128x128xf32>, vector<128x512xf32>, vector<128x512xf32> -> vector<128x512xf32>
      %add3A_741 = arith.addf %dot_general3A_738, %dot_general3A_740 : vector<128x512xf32>
      %broadcast_in_dim3A_742 = vector.shape_cast %get3A_99 : vector<512xf32> to vector<1x512xf32>
      %add3A_743 = vector.broadcast %broadcast_in_dim3A_742 : vector<1x512xf32> to vector<128x512xf32>
      %add3A_744 = arith.addf %add3A_741, %add3A_743 : vector<128x512xf32>
      %slice3A_745 = vector.extract_strided_slice %add3A_744 {offsets = [0, 0], sizes = [128, 128], strides = [1, 1]} : vector<128x512xf32> to vector<128x128xf32>
      %logistic3A = arith.negf %slice3A_745 : vector<128x128xf32>
      %logistic3A_746 = math.exp %logistic3A : vector<128x128xf32>
      %logistic3A_747 = arith.constant 1.000000e+00 : f32
      %logistic3A_748 = vector.broadcast %logistic3A_747 : f32 to vector<128x128xf32>
      %logistic3A_749 = arith.addf %logistic3A_748, %logistic3A_746 : vector<128x128xf32>
      %logistic3A_750 = arith.divf %logistic3A_748, %logistic3A_749 : vector<128x128xf32>
      %slice3A_751 = vector.extract_strided_slice %add3A_744 {offsets = [0, 128], sizes = [128, 128], strides = [1, 1]} : vector<128x512xf32> to vector<128x128xf32>
      %logistic3A_752 = arith.negf %slice3A_751 : vector<128x128xf32>
      %logistic3A_753 = math.exp %logistic3A_752 : vector<128x128xf32>
      %logistic3A_754 = arith.constant 1.000000e+00 : f32
      %logistic3A_755 = vector.broadcast %logistic3A_754 : f32 to vector<128x128xf32>
      %logistic3A_756 = arith.addf %logistic3A_755, %logistic3A_753 : vector<128x128xf32>
      %logistic3A_757 = arith.divf %logistic3A_755, %logistic3A_756 : vector<128x128xf32>
      %slice3A_758 = vector.extract_strided_slice %add3A_744 {offsets = [0, 256], sizes = [128, 128], strides = [1, 1]} : vector<128x512xf32> to vector<128x128xf32>
      %tanh3A_759 = math.tanh %slice3A_758 : vector<128x128xf32>
      %slice3A_760 = vector.extract_strided_slice %add3A_744 {offsets = [0, 384], sizes = [128, 128], strides = [1, 1]} : vector<128x512xf32> to vector<128x128xf32>
      %logistic3A_761 = arith.negf %slice3A_760 : vector<128x128xf32>
      %logistic3A_762 = math.exp %logistic3A_761 : vector<128x128xf32>
      %logistic3A_763 = arith.constant 1.000000e+00 : f32
      %logistic3A_764 = vector.broadcast %logistic3A_763 : f32 to vector<128x128xf32>
      %logistic3A_765 = arith.addf %logistic3A_764, %logistic3A_762 : vector<128x128xf32>
      %logistic3A_766 = arith.divf %logistic3A_764, %logistic3A_765 : vector<128x128xf32>
      %mul3A_767 = arith.mulf %logistic3A_757, %scan3A_730 : vector<128x128xf32>
      %mul3A_768 = arith.mulf %logistic3A_750, %tanh3A_759 : vector<128x128xf32>
      %add3A_769 = arith.addf %mul3A_767, %mul3A_768 : vector<128x128xf32>
      %tanh3A_770 = math.tanh %add3A_769 : vector<128x128xf32>
      %mul3A_771 = arith.mulf %logistic3A_766, %tanh3A_770 : vector<128x128xf32>
      %swap3A_772 = arith.index_cast %sub3A_731 : i32 to index
      %swap3A_773 = arith.constant 0 : index
      %swap3A_774 = arith.constant 0 : index
      %swap3A_775 = vector.load %arg16[%swap3A_772, %swap3A_773, %swap3A_774] : memref<20x128x128xf32, #tpu.memory_space<vmem>>, vector<1x128x128xf32>
      %swap3A_776 = vector.shape_cast %swap3A_775 : vector<1x128x128xf32> to vector<128x128xf32>
      %swap3A_777 = vector.shape_cast %mul3A_771 : vector<128x128xf32> to vector<1x128x128xf32>
      tpu.vector_store %arg16[%swap3A_772, %swap3A_773, %swap3A_774], %swap3A_777 {strides = array<i32>} : memref<20x128x128xf32, #tpu.memory_space<vmem>>, vector<1x128x128xf32>,
      scf.yield %mul3A_771, %add3A_769 : vector<128x128xf32>, vector<128x128xf32>
    }
    %scan3A_107 = arith.constant 20 : i32
    %get3A_108 = arith.constant 0 : index
    %get3A_109 = arith.constant 0 : index
    %get3A_110 = arith.constant 0 : index
    %get3A_111 = vector.load %arg15[%get3A_108, %get3A_109, %get3A_110] : memref<20x128x128xf32, #tpu.memory_space<vmem>>, vector<20x128x128xf32>
    %get3A_112 = arith.constant 0 : index
    %get3A_113 = arith.constant 0 : index
    %get3A_114 = arith.constant 0 : index
    %get3A_115 = vector.load %arg16[%get3A_112, %get3A_113, %get3A_114] : memref<20x128x128xf32, #tpu.memory_space<vmem>>, vector<20x128x128xf32>
    %concatenate3A_116 = tpu.concatenate %get3A_111, %get3A_115 in 2 : vector<20x128x128xf32>, vector<20x128x128xf32> -> vector<20x128x256xf32>
    %swap3A_117 = arith.constant 0 : index
    %swap3A_118 = arith.constant 0 : index
    %swap3A_119 = arith.constant 0 : index
    %swap3A_120 = vector.load %arg17[%swap3A_117, %swap3A_118, %swap3A_119] : memref<20x128x256xf32, #tpu.memory_space<vmem>>, vector<20x128x256xf32>
    tpu.vector_store %arg17[%swap3A_117, %swap3A_118, %swap3A_119], %concatenate3A_116 {strides = array<i32>} : memref<20x128x256xf32, #tpu.memory_space<vmem>>, vector<20x128x256xf32>,
    %get3A_121 = arith.constant 0 : index
    %get3A_122 = arith.constant 0 : index
    %get3A_123 = arith.constant 0 : index
    %get3A_124 = vector.load %arg17[%get3A_121, %get3A_122, %get3A_123] : memref<20x128x256xf32, #tpu.memory_space<vmem>>, vector<20x128x256xf32>
    %reshape3A = vector.shape_cast %get3A_124 : vector<20x128x256xf32> to vector<2560x256xf32>
    %get3A_125 = arith.constant 0 : index
    %get3A_126 = arith.constant 0 : index
    %get3A_127 = arith.constant 0 : index
    %get3A_128 = vector.load %arg6[%get3A_125, %get3A_126, %get3A_127] : memref<2x256x128xf32, #tpu.memory_space<vmem>>, vector<1x256x128xf32>
    %get3A_129 = vector.shape_cast %get3A_128 : vector<1x256x128xf32> to vector<256x128xf32>
    %dot_general3A = arith.constant dense<0.000000e+00> : vector<2560x128xf32>
    %dot_general3A_130 = tpu.matmul %reshape3A, %get3A_129, %dot_general3A {dimension_numbers = #tpu.dot_dimension_numbers<[1], [0], [0], [1], [0, 0, 1, 1], [], []>, transpose_lhs_hint = false} : vector<2560x256xf32>, vector<256x128xf32>, vector<2560x128xf32> -> vector<2560x128xf32>
    %reshape3A_131 = vector.shape_cast %dot_general3A_130 : vector<2560x128xf32> to vector<20x128x128xf32>
    %get3A_132 = arith.constant 1 : index
    %get3A_133 = arith.constant 0 : index
    %get3A_134 = arith.constant 0 : index
    %get3A_135 = vector.load %arg6[%get3A_132, %get3A_133, %get3A_134] : memref<2x256x128xf32, #tpu.memory_space<vmem>>, vector<1x256x128xf32>
    %get3A_136 = vector.shape_cast %get3A_135 : vector<1x256x128xf32> to vector<256x128xf32>
    %dot_general3A_137 = arith.constant dense<0.000000e+00> : vector<2560x128xf32>
    %dot_general3A_138 = tpu.matmul %reshape3A, %get3A_136, %dot_general3A_137 {dimension_numbers = #tpu.dot_dimension_numbers<[1], [0], [0], [1], [0, 0, 1, 1], [], []>, transpose_lhs_hint = false} : vector<2560x256xf32>, vector<256x128xf32>, vector<2560x128xf32> -> vector<2560x128xf32>
    %reshape3A_139 = vector.shape_cast %dot_general3A_138 : vector<2560x128xf32> to vector<20x128x128xf32>
    %slice3A = vector.extract_strided_slice %reshape3A_131 {offsets = [0, 0, 0], sizes = [1, 128, 128], strides = [1, 1, 1]} : vector<20x128x128xf32> to vector<1x128x128xf32>
    %squeeze3A = vector.shape_cast %slice3A : vector<1x128x128xf32> to vector<128x128xf32>
    %slice3A_140 = vector.extract_strided_slice %reshape3A_139 {offsets = [1, 0, 0], sizes = [1, 128, 128], strides = [1, 1, 1]} : vector<20x128x128xf32> to vector<1x128x128xf32>
    %squeeze3A_141 = vector.shape_cast %slice3A_140 : vector<1x128x128xf32> to vector<128x128xf32>
    %add3A = arith.addf %squeeze3A, %squeeze3A_141 : vector<128x128xf32>
    %slice3A_142 = vector.extract_strided_slice %reshape3A_131 {offsets = [1, 0, 0], sizes = [1, 128, 128], strides = [1, 1, 1]} : vector<20x128x128xf32> to vector<1x128x128xf32>
    %squeeze3A_143 = vector.shape_cast %slice3A_142 : vector<1x128x128xf32> to vector<128x128xf32>
    %slice3A_144 = vector.extract_strided_slice %reshape3A_139 {offsets = [2, 0, 0], sizes = [1, 128, 128], strides = [1, 1, 1]} : vector<20x128x128xf32> to vector<1x128x128xf32>
    %squeeze3A_145 = vector.shape_cast %slice3A_144 : vector<1x128x128xf32> to vector<128x128xf32>
    %add3A_146 = arith.addf %squeeze3A_143, %squeeze3A_145 : vector<128x128xf32>
    %max3A = arith.maximumf %add3A, %add3A_146 : vector<128x128xf32>
    %slice3A_147 = vector.extract_strided_slice %reshape3A_131 {offsets = [2, 0, 0], sizes = [1, 128, 128], strides = [1, 1, 1]} : vector<20x128x128xf32> to vector<1x128x128xf32>
    %squeeze3A_148 = vector.shape_cast %slice3A_147 : vector<1x128x128xf32> to vector<128x128xf32>
    %slice3A_149 = vector.extract_strided_slice %reshape3A_139 {offsets = [3, 0, 0], sizes = [1, 128, 128], strides = [1, 1, 1]} : vector<20x128x128xf32> to vector<1x128x128xf32>
    %squeeze3A_150 = vector.shape_cast %slice3A_149 : vector<1x128x128xf32> to vector<128x128xf32>
    %add3A_151 = arith.addf %squeeze3A_148, %squeeze3A_150 : vector<128x128xf32>
    %max3A_152 = arith.maximumf %max3A, %add3A_151 : vector<128x128xf32>
    %slice3A_153 = vector.extract_strided_slice %reshape3A_131 {offsets = [3, 0, 0], sizes = [1, 128, 128], strides = [1, 1, 1]} : vector<20x128x128xf32> to vector<1x128x128xf32>
    %squeeze3A_154 = vector.shape_cast %slice3A_153 : vector<1x128x128xf32> to vector<128x128xf32>
    %slice3A_155 = vector.extract_strided_slice %reshape3A_139 {offsets = [4, 0, 0], sizes = [1, 128, 128], strides = [1, 1, 1]} : vector<20x128x128xf32> to vector<1x128x128xf32>
    %squeeze3A_156 = vector.shape_cast %slice3A_155 : vector<1x128x128xf32> to vector<128x128xf32>
    %add3A_157 = arith.addf %squeeze3A_154, %squeeze3A_156 : vector<128x128xf32>
    %max3A_158 = arith.maximumf %max3A_152, %add3A_157 : vector<128x128xf32>
    %slice3A_159 = vector.extract_strided_slice %reshape3A_131 {offsets = [4, 0, 0], sizes = [1, 128, 128], strides = [1, 1, 1]} : vector<20x128x128xf32> to vector<1x128x128xf32>
    %squeeze3A_160 = vector.shape_cast %slice3A_159 : vector<1x128x128xf32> to vector<128x128xf32>
    %slice3A_161 = vector.extract_strided_slice %reshape3A_139 {offsets = [5, 0, 0], sizes = [1, 128, 128], strides = [1, 1, 1]} : vector<20x128x128xf32> to vector<1x128x128xf32>
    %squeeze3A_162 = vector.shape_cast %slice3A_161 : vector<1x128x128xf32> to vector<128x128xf32>
    %add3A_163 = arith.addf %squeeze3A_160, %squeeze3A_162 : vector<128x128xf32>
    %max3A_164 = arith.maximumf %max3A_158, %add3A_163 : vector<128x128xf32>
    %slice3A_165 = vector.extract_strided_slice %reshape3A_131 {offsets = [5, 0, 0], sizes = [1, 128, 128], strides = [1, 1, 1]} : vector<20x128x128xf32> to vector<1x128x128xf32>
    %squeeze3A_166 = vector.shape_cast %slice3A_165 : vector<1x128x128xf32> to vector<128x128xf32>
    %slice3A_167 = vector.extract_strided_slice %reshape3A_139 {offsets = [6, 0, 0], sizes = [1, 128, 128], strides = [1, 1, 1]} : vector<20x128x128xf32> to vector<1x128x128xf32>
    %squeeze3A_168 = vector.shape_cast %slice3A_167 : vector<1x128x128xf32> to vector<128x128xf32>
    %add3A_169 = arith.addf %squeeze3A_166, %squeeze3A_168 : vector<128x128xf32>
    %max3A_170 = arith.maximumf %max3A_164, %add3A_169 : vector<128x128xf32>
    %slice3A_171 = vector.extract_strided_slice %reshape3A_131 {offsets = [6, 0, 0], sizes = [1, 128, 128], strides = [1, 1, 1]} : vector<20x128x128xf32> to vector<1x128x128xf32>
    %squeeze3A_172 = vector.shape_cast %slice3A_171 : vector<1x128x128xf32> to vector<128x128xf32>
    %slice3A_173 = vector.extract_strided_slice %reshape3A_139 {offsets = [7, 0, 0], sizes = [1, 128, 128], strides = [1, 1, 1]} : vector<20x128x128xf32> to vector<1x128x128xf32>
    %squeeze3A_174 = vector.shape_cast %slice3A_173 : vector<1x128x128xf32> to vector<128x128xf32>
    %add3A_175 = arith.addf %squeeze3A_172, %squeeze3A_174 : vector<128x128xf32>
    %max3A_176 = arith.maximumf %max3A_170, %add3A_175 : vector<128x128xf32>
    %slice3A_177 = vector.extract_strided_slice %reshape3A_131 {offsets = [7, 0, 0], sizes = [1, 128, 128], strides = [1, 1, 1]} : vector<20x128x128xf32> to vector<1x128x128xf32>
    %squeeze3A_178 = vector.shape_cast %slice3A_177 : vector<1x128x128xf32> to vector<128x128xf32>
    %slice3A_179 = vector.extract_strided_slice %reshape3A_139 {offsets = [8, 0, 0], sizes = [1, 128, 128], strides = [1, 1, 1]} : vector<20x128x128xf32> to vector<1x128x128xf32>
    %squeeze3A_180 = vector.shape_cast %slice3A_179 : vector<1x128x128xf32> to vector<128x128xf32>
    %add3A_181 = arith.addf %squeeze3A_178, %squeeze3A_180 : vector<128x128xf32>
    %max3A_182 = arith.maximumf %max3A_176, %add3A_181 : vector<128x128xf32>
    %slice3A_183 = vector.extract_strided_slice %reshape3A_131 {offsets = [8, 0, 0], sizes = [1, 128, 128], strides = [1, 1, 1]} : vector<20x128x128xf32> to vector<1x128x128xf32>
    %squeeze3A_184 = vector.shape_cast %slice3A_183 : vector<1x128x128xf32> to vector<128x128xf32>
    %slice3A_185 = vector.extract_strided_slice %reshape3A_139 {offsets = [9, 0, 0], sizes = [1, 128, 128], strides = [1, 1, 1]} : vector<20x128x128xf32> to vector<1x128x128xf32>
    %squeeze3A_186 = vector.shape_cast %slice3A_185 : vector<1x128x128xf32> to vector<128x128xf32>
    %add3A_187 = arith.addf %squeeze3A_184, %squeeze3A_186 : vector<128x128xf32>
    %max3A_188 = arith.maximumf %max3A_182, %add3A_187 : vector<128x128xf32>
    %slice3A_189 = vector.extract_strided_slice %reshape3A_131 {offsets = [9, 0, 0], sizes = [1, 128, 128], strides = [1, 1, 1]} : vector<20x128x128xf32> to vector<1x128x128xf32>
    %squeeze3A_190 = vector.shape_cast %slice3A_189 : vector<1x128x128xf32> to vector<128x128xf32>
    %slice3A_191 = vector.extract_strided_slice %reshape3A_139 {offsets = [10, 0, 0], sizes = [1, 128, 128], strides = [1, 1, 1]} : vector<20x128x128xf32> to vector<1x128x128xf32>
    %squeeze3A_192 = vector.shape_cast %slice3A_191 : vector<1x128x128xf32> to vector<128x128xf32>
    %add3A_193 = arith.addf %squeeze3A_190, %squeeze3A_192 : vector<128x128xf32>
    %max3A_194 = arith.maximumf %max3A_188, %add3A_193 : vector<128x128xf32>
    %slice3A_195 = vector.extract_strided_slice %reshape3A_131 {offsets = [10, 0, 0], sizes = [1, 128, 128], strides = [1, 1, 1]} : vector<20x128x128xf32> to vector<1x128x128xf32>
    %squeeze3A_196 = vector.shape_cast %slice3A_195 : vector<1x128x128xf32> to vector<128x128xf32>
    %slice3A_197 = vector.extract_strided_slice %reshape3A_139 {offsets = [11, 0, 0], sizes = [1, 128, 128], strides = [1, 1, 1]} : vector<20x128x128xf32> to vector<1x128x128xf32>
    %squeeze3A_198 = vector.shape_cast %slice3A_197 : vector<1x128x128xf32> to vector<128x128xf32>
    %add3A_199 = arith.addf %squeeze3A_196, %squeeze3A_198 : vector<128x128xf32>
    %max3A_200 = arith.maximumf %max3A_194, %add3A_199 : vector<128x128xf32>
    %slice3A_201 = vector.extract_strided_slice %reshape3A_131 {offsets = [11, 0, 0], sizes = [1, 128, 128], strides = [1, 1, 1]} : vector<20x128x128xf32> to vector<1x128x128xf32>
    %squeeze3A_202 = vector.shape_cast %slice3A_201 : vector<1x128x128xf32> to vector<128x128xf32>
    %slice3A_203 = vector.extract_strided_slice %reshape3A_139 {offsets = [12, 0, 0], sizes = [1, 128, 128], strides = [1, 1, 1]} : vector<20x128x128xf32> to vector<1x128x128xf32>
    %squeeze3A_204 = vector.shape_cast %slice3A_203 : vector<1x128x128xf32> to vector<128x128xf32>
    %add3A_205 = arith.addf %squeeze3A_202, %squeeze3A_204 : vector<128x128xf32>
    %max3A_206 = arith.maximumf %max3A_200, %add3A_205 : vector<128x128xf32>
    %slice3A_207 = vector.extract_strided_slice %reshape3A_131 {offsets = [12, 0, 0], sizes = [1, 128, 128], strides = [1, 1, 1]} : vector<20x128x128xf32> to vector<1x128x128xf32>
    %squeeze3A_208 = vector.shape_cast %slice3A_207 : vector<1x128x128xf32> to vector<128x128xf32>
    %slice3A_209 = vector.extract_strided_slice %reshape3A_139 {offsets = [13, 0, 0], sizes = [1, 128, 128], strides = [1, 1, 1]} : vector<20x128x128xf32> to vector<1x128x128xf32>
    %squeeze3A_210 = vector.shape_cast %slice3A_209 : vector<1x128x128xf32> to vector<128x128xf32>
    %add3A_211 = arith.addf %squeeze3A_208, %squeeze3A_210 : vector<128x128xf32>
    %max3A_212 = arith.maximumf %max3A_206, %add3A_211 : vector<128x128xf32>
    %slice3A_213 = vector.extract_strided_slice %reshape3A_131 {offsets = [13, 0, 0], sizes = [1, 128, 128], strides = [1, 1, 1]} : vector<20x128x128xf32> to vector<1x128x128xf32>
    %squeeze3A_214 = vector.shape_cast %slice3A_213 : vector<1x128x128xf32> to vector<128x128xf32>
    %slice3A_215 = vector.extract_strided_slice %reshape3A_139 {offsets = [14, 0, 0], sizes = [1, 128, 128], strides = [1, 1, 1]} : vector<20x128x128xf32> to vector<1x128x128xf32>
    %squeeze3A_216 = vector.shape_cast %slice3A_215 : vector<1x128x128xf32> to vector<128x128xf32>
    %add3A_217 = arith.addf %squeeze3A_214, %squeeze3A_216 : vector<128x128xf32>
    %max3A_218 = arith.maximumf %max3A_212, %add3A_217 : vector<128x128xf32>
    %slice3A_219 = vector.extract_strided_slice %reshape3A_131 {offsets = [14, 0, 0], sizes = [1, 128, 128], strides = [1, 1, 1]} : vector<20x128x128xf32> to vector<1x128x128xf32>
    %squeeze3A_220 = vector.shape_cast %slice3A_219 : vector<1x128x128xf32> to vector<128x128xf32>
    %slice3A_221 = vector.extract_strided_slice %reshape3A_139 {offsets = [15, 0, 0], sizes = [1, 128, 128], strides = [1, 1, 1]} : vector<20x128x128xf32> to vector<1x128x128xf32>
    %squeeze3A_222 = vector.shape_cast %slice3A_221 : vector<1x128x128xf32> to vector<128x128xf32>
    %add3A_223 = arith.addf %squeeze3A_220, %squeeze3A_222 : vector<128x128xf32>
    %max3A_224 = arith.maximumf %max3A_218, %add3A_223 : vector<128x128xf32>
    %slice3A_225 = vector.extract_strided_slice %reshape3A_131 {offsets = [15, 0, 0], sizes = [1, 128, 128], strides = [1, 1, 1]} : vector<20x128x128xf32> to vector<1x128x128xf32>
    %squeeze3A_226 = vector.shape_cast %slice3A_225 : vector<1x128x128xf32> to vector<128x128xf32>
    %slice3A_227 = vector.extract_strided_slice %reshape3A_139 {offsets = [16, 0, 0], sizes = [1, 128, 128], strides = [1, 1, 1]} : vector<20x128x128xf32> to vector<1x128x128xf32>
    %squeeze3A_228 = vector.shape_cast %slice3A_227 : vector<1x128x128xf32> to vector<128x128xf32>
    %add3A_229 = arith.addf %squeeze3A_226, %squeeze3A_228 : vector<128x128xf32>
    %max3A_230 = arith.maximumf %max3A_224, %add3A_229 : vector<128x128xf32>
    %slice3A_231 = vector.extract_strided_slice %reshape3A_131 {offsets = [16, 0, 0], sizes = [1, 128, 128], strides = [1, 1, 1]} : vector<20x128x128xf32> to vector<1x128x128xf32>
    %squeeze3A_232 = vector.shape_cast %slice3A_231 : vector<1x128x128xf32> to vector<128x128xf32>
    %slice3A_233 = vector.extract_strided_slice %reshape3A_139 {offsets = [17, 0, 0], sizes = [1, 128, 128], strides = [1, 1, 1]} : vector<20x128x128xf32> to vector<1x128x128xf32>
    %squeeze3A_234 = vector.shape_cast %slice3A_233 : vector<1x128x128xf32> to vector<128x128xf32>
    %add3A_235 = arith.addf %squeeze3A_232, %squeeze3A_234 : vector<128x128xf32>
    %max3A_236 = arith.maximumf %max3A_230, %add3A_235 : vector<128x128xf32>
    %slice3A_237 = vector.extract_strided_slice %reshape3A_131 {offsets = [17, 0, 0], sizes = [1, 128, 128], strides = [1, 1, 1]} : vector<20x128x128xf32> to vector<1x128x128xf32>
    %squeeze3A_238 = vector.shape_cast %slice3A_237 : vector<1x128x128xf32> to vector<128x128xf32>
    %slice3A_239 = vector.extract_strided_slice %reshape3A_139 {offsets = [18, 0, 0], sizes = [1, 128, 128], strides = [1, 1, 1]} : vector<20x128x128xf32> to vector<1x128x128xf32>
    %squeeze3A_240 = vector.shape_cast %slice3A_239 : vector<1x128x128xf32> to vector<128x128xf32>
    %add3A_241 = arith.addf %squeeze3A_238, %squeeze3A_240 : vector<128x128xf32>
    %max3A_242 = arith.maximumf %max3A_236, %add3A_241 : vector<128x128xf32>
    %slice3A_243 = vector.extract_strided_slice %reshape3A_131 {offsets = [18, 0, 0], sizes = [1, 128, 128], strides = [1, 1, 1]} : vector<20x128x128xf32> to vector<1x128x128xf32>
    %squeeze3A_244 = vector.shape_cast %slice3A_243 : vector<1x128x128xf32> to vector<128x128xf32>
    %slice3A_245 = vector.extract_strided_slice %reshape3A_139 {offsets = [19, 0, 0], sizes = [1, 128, 128], strides = [1, 1, 1]} : vector<20x128x128xf32> to vector<1x128x128xf32>
    %squeeze3A_246 = vector.shape_cast %slice3A_245 : vector<1x128x128xf32> to vector<128x128xf32>
    %add3A_247 = arith.addf %squeeze3A_244, %squeeze3A_246 : vector<128x128xf32>
    %max3A_248 = arith.maximumf %max3A_242, %add3A_247 : vector<128x128xf32>
    %get3A_249 = arith.constant 0 : index
    %get3A_250 = arith.constant 0 : index
    %get3A_251 = vector.load %arg9[%get3A_249, %get3A_250] : memref<3x128xf32, #tpu.memory_space<vmem>>, vector<1x128xf32>
    %get3A_252 = vector.shape_cast %get3A_251 : vector<1x128xf32> to vector<128xf32>
    %broadcast_in_dim3A_253 = vector.shape_cast %get3A_252 : vector<128xf32> to vector<1x128xf32>
    %add3A_254 = vector.broadcast %broadcast_in_dim3A_253 : vector<1x128xf32> to vector<128x128xf32>
    %add3A_255 = arith.addf %max3A_248, %add3A_254 : vector<128x128xf32>
    %max3A_256 = arith.constant 0.000000e+00 : f32
    %max3A_257 = vector.broadcast %max3A_256 : f32 to vector<128x128xf32>
    %max3A_258 = arith.maximumf %add3A_255, %max3A_257 : vector<128x128xf32>
    %get3A_259 = arith.constant 0 : index
    %get3A_260 = arith.constant 0 : index
    %get3A_261 = arith.constant 0 : index
    %get3A_262 = vector.load %arg7[%get3A_259, %get3A_260, %get3A_261] : memref<3x256x128xf32, #tpu.memory_space<vmem>>, vector<1x256x128xf32>
    %get3A_263 = vector.shape_cast %get3A_262 : vector<1x256x128xf32> to vector<256x128xf32>
    %dot_general3A_264 = arith.constant dense<0.000000e+00> : vector<2560x128xf32>
    %dot_general3A_265 = tpu.matmul %reshape3A, %get3A_263, %dot_general3A_264 {dimension_numbers = #tpu.dot_dimension_numbers<[1], [0], [0], [1], [0, 0, 1, 1], [], []>, transpose_lhs_hint = false} : vector<2560x256xf32>, vector<256x128xf32>, vector<2560x128xf32> -> vector<2560x128xf32>
    %reshape3A_266 = vector.shape_cast %dot_general3A_265 : vector<2560x128xf32> to vector<20x128x128xf32>
    %get3A_267 = arith.constant 1 : index
    %get3A_268 = arith.constant 0 : index
    %get3A_269 = arith.constant 0 : index
    %get3A_270 = vector.load %arg7[%get3A_267, %get3A_268, %get3A_269] : memref<3x256x128xf32, #tpu.memory_space<vmem>>, vector<1x256x128xf32>
    %get3A_271 = vector.shape_cast %get3A_270 : vector<1x256x128xf32> to vector<256x128xf32>
    %dot_general3A_272 = arith.constant dense<0.000000e+00> : vector<2560x128xf32>
    %dot_general3A_273 = tpu.matmul %reshape3A, %get3A_271, %dot_general3A_272 {dimension_numbers = #tpu.dot_dimension_numbers<[1], [0], [0], [1], [0, 0, 1, 1], [], []>, transpose_lhs_hint = false} : vector<2560x256xf32>, vector<256x128xf32>, vector<2560x128xf32> -> vector<2560x128xf32>
    %reshape3A_274 = vector.shape_cast %dot_general3A_273 : vector<2560x128xf32> to vector<20x128x128xf32>
    %get3A_275 = arith.constant 2 : index
    %get3A_276 = arith.constant 0 : index
    %get3A_277 = arith.constant 0 : index
    %get3A_278 = vector.load %arg7[%get3A_275, %get3A_276, %get3A_277] : memref<3x256x128xf32, #tpu.memory_space<vmem>>, vector<1x256x128xf32>
    %get3A_279 = vector.shape_cast %get3A_278 : vector<1x256x128xf32> to vector<256x128xf32>
    %dot_general3A_280 = arith.constant dense<0.000000e+00> : vector<2560x128xf32>
    %dot_general3A_281 = tpu.matmul %reshape3A, %get3A_279, %dot_general3A_280 {dimension_numbers = #tpu.dot_dimension_numbers<[1], [0], [0], [1], [0, 0, 1, 1], [], []>, transpose_lhs_hint = false} : vector<2560x256xf32>, vector<256x128xf32>, vector<2560x128xf32> -> vector<2560x128xf32>
    %reshape3A_282 = vector.shape_cast %dot_general3A_281 : vector<2560x128xf32> to vector<20x128x128xf32>
    %slice3A_283 = vector.extract_strided_slice %reshape3A_266 {offsets = [0, 0, 0], sizes = [1, 128, 128], strides = [1, 1, 1]} : vector<20x128x128xf32> to vector<1x128x128xf32>
    %squeeze3A_284 = vector.shape_cast %slice3A_283 : vector<1x128x128xf32> to vector<128x128xf32>
    %slice3A_285 = vector.extract_strided_slice %reshape3A_274 {offsets = [1, 0, 0], sizes = [1, 128, 128], strides = [1, 1, 1]} : vector<20x128x128xf32> to vector<1x128x128xf32>
    %squeeze3A_286 = vector.shape_cast %slice3A_285 : vector<1x128x128xf32> to vector<128x128xf32>
    %add3A_287 = arith.addf %squeeze3A_284, %squeeze3A_286 : vector<128x128xf32>
    %slice3A_288 = vector.extract_strided_slice %reshape3A_282 {offsets = [2, 0, 0], sizes = [1, 128, 128], strides = [1, 1, 1]} : vector<20x128x128xf32> to vector<1x128x128xf32>
    %squeeze3A_289 = vector.shape_cast %slice3A_288 : vector<1x128x128xf32> to vector<128x128xf32>
    %add3A_290 = arith.addf %add3A_287, %squeeze3A_289 : vector<128x128xf32>
    %slice3A_291 = vector.extract_strided_slice %reshape3A_266 {offsets = [1, 0, 0], sizes = [1, 128, 128], strides = [1, 1, 1]} : vector<20x128x128xf32> to vector<1x128x128xf32>
    %squeeze3A_292 = vector.shape_cast %slice3A_291 : vector<1x128x128xf32> to vector<128x128xf32>
    %slice3A_293 = vector.extract_strided_slice %reshape3A_274 {offsets = [2, 0, 0], sizes = [1, 128, 128], strides = [1, 1, 1]} : vector<20x128x128xf32> to vector<1x128x128xf32>
    %squeeze3A_294 = vector.shape_cast %slice3A_293 : vector<1x128x128xf32> to vector<128x128xf32>
    %add3A_295 = arith.addf %squeeze3A_292, %squeeze3A_294 : vector<128x128xf32>
    %slice3A_296 = vector.extract_strided_slice %reshape3A_282 {offsets = [3, 0, 0], sizes = [1, 128, 128], strides = [1, 1, 1]} : vector<20x128x128xf32> to vector<1x128x128xf32>
    %squeeze3A_297 = vector.shape_cast %slice3A_296 : vector<1x128x128xf32> to vector<128x128xf32>
    %add3A_298 = arith.addf %add3A_295, %squeeze3A_297 : vector<128x128xf32>
    %max3A_299 = arith.maximumf %add3A_290, %add3A_298 : vector<128x128xf32>
    %slice3A_300 = vector.extract_strided_slice %reshape3A_266 {offsets = [2, 0, 0], sizes = [1, 128, 128], strides = [1, 1, 1]} : vector<20x128x128xf32> to vector<1x128x128xf32>
    %squeeze3A_301 = vector.shape_cast %slice3A_300 : vector<1x128x128xf32> to vector<128x128xf32>
    %slice3A_302 = vector.extract_strided_slice %reshape3A_274 {offsets = [3, 0, 0], sizes = [1, 128, 128], strides = [1, 1, 1]} : vector<20x128x128xf32> to vector<1x128x128xf32>
    %squeeze3A_303 = vector.shape_cast %slice3A_302 : vector<1x128x128xf32> to vector<128x128xf32>
    %add3A_304 = arith.addf %squeeze3A_301, %squeeze3A_303 : vector<128x128xf32>
    %slice3A_305 = vector.extract_strided_slice %reshape3A_282 {offsets = [4, 0, 0], sizes = [1, 128, 128], strides = [1, 1, 1]} : vector<20x128x128xf32> to vector<1x128x128xf32>
    %squeeze3A_306 = vector.shape_cast %slice3A_305 : vector<1x128x128xf32> to vector<128x128xf32>
    %add3A_307 = arith.addf %add3A_304, %squeeze3A_306 : vector<128x128xf32>
    %max3A_308 = arith.maximumf %max3A_299, %add3A_307 : vector<128x128xf32>
    %slice3A_309 = vector.extract_strided_slice %reshape3A_266 {offsets = [3, 0, 0], sizes = [1, 128, 128], strides = [1, 1, 1]} : vector<20x128x128xf32> to vector<1x128x128xf32>
    %squeeze3A_310 = vector.shape_cast %slice3A_309 : vector<1x128x128xf32> to vector<128x128xf32>
    %slice3A_311 = vector.extract_strided_slice %reshape3A_274 {offsets = [4, 0, 0], sizes = [1, 128, 128], strides = [1, 1, 1]} : vector<20x128x128xf32> to vector<1x128x128xf32>
    %squeeze3A_312 = vector.shape_cast %slice3A_311 : vector<1x128x128xf32> to vector<128x128xf32>
    %add3A_313 = arith.addf %squeeze3A_310, %squeeze3A_312 : vector<128x128xf32>
    %slice3A_314 = vector.extract_strided_slice %reshape3A_282 {offsets = [5, 0, 0], sizes = [1, 128, 128], strides = [1, 1, 1]} : vector<20x128x128xf32> to vector<1x128x128xf32>
    %squeeze3A_315 = vector.shape_cast %slice3A_314 : vector<1x128x128xf32> to vector<128x128xf32>
    %add3A_316 = arith.addf %add3A_313, %squeeze3A_315 : vector<128x128xf32>
    %max3A_317 = arith.maximumf %max3A_308, %add3A_316 : vector<128x128xf32>
    %slice3A_318 = vector.extract_strided_slice %reshape3A_266 {offsets = [4, 0, 0], sizes = [1, 128, 128], strides = [1, 1, 1]} : vector<20x128x128xf32> to vector<1x128x128xf32>
    %squeeze3A_319 = vector.shape_cast %slice3A_318 : vector<1x128x128xf32> to vector<128x128xf32>
    %slice3A_320 = vector.extract_strided_slice %reshape3A_274 {offsets = [5, 0, 0], sizes = [1, 128, 128], strides = [1, 1, 1]} : vector<20x128x128xf32> to vector<1x128x128xf32>
    %squeeze3A_321 = vector.shape_cast %slice3A_320 : vector<1x128x128xf32> to vector<128x128xf32>
    %add3A_322 = arith.addf %squeeze3A_319, %squeeze3A_321 : vector<128x128xf32>
    %slice3A_323 = vector.extract_strided_slice %reshape3A_282 {offsets = [6, 0, 0], sizes = [1, 128, 128], strides = [1, 1, 1]} : vector<20x128x128xf32> to vector<1x128x128xf32>
    %squeeze3A_324 = vector.shape_cast %slice3A_323 : vector<1x128x128xf32> to vector<128x128xf32>
    %add3A_325 = arith.addf %add3A_322, %squeeze3A_324 : vector<128x128xf32>
    %max3A_326 = arith.maximumf %max3A_317, %add3A_325 : vector<128x128xf32>
    %slice3A_327 = vector.extract_strided_slice %reshape3A_266 {offsets = [5, 0, 0], sizes = [1, 128, 128], strides = [1, 1, 1]} : vector<20x128x128xf32> to vector<1x128x128xf32>
    %squeeze3A_328 = vector.shape_cast %slice3A_327 : vector<1x128x128xf32> to vector<128x128xf32>
    %slice3A_329 = vector.extract_strided_slice %reshape3A_274 {offsets = [6, 0, 0], sizes = [1, 128, 128], strides = [1, 1, 1]} : vector<20x128x128xf32> to vector<1x128x128xf32>
    %squeeze3A_330 = vector.shape_cast %slice3A_329 : vector<1x128x128xf32> to vector<128x128xf32>
    %add3A_331 = arith.addf %squeeze3A_328, %squeeze3A_330 : vector<128x128xf32>
    %slice3A_332 = vector.extract_strided_slice %reshape3A_282 {offsets = [7, 0, 0], sizes = [1, 128, 128], strides = [1, 1, 1]} : vector<20x128x128xf32> to vector<1x128x128xf32>
    %squeeze3A_333 = vector.shape_cast %slice3A_332 : vector<1x128x128xf32> to vector<128x128xf32>
    %add3A_334 = arith.addf %add3A_331, %squeeze3A_333 : vector<128x128xf32>
    %max3A_335 = arith.maximumf %max3A_326, %add3A_334 : vector<128x128xf32>
    %slice3A_336 = vector.extract_strided_slice %reshape3A_266 {offsets = [6, 0, 0], sizes = [1, 128, 128], strides = [1, 1, 1]} : vector<20x128x128xf32> to vector<1x128x128xf32>
    %squeeze3A_337 = vector.shape_cast %slice3A_336 : vector<1x128x128xf32> to vector<128x128xf32>
    %slice3A_338 = vector.extract_strided_slice %reshape3A_274 {offsets = [7, 0, 0], sizes = [1, 128, 128], strides = [1, 1, 1]} : vector<20x128x128xf32> to vector<1x128x128xf32>
    %squeeze3A_339 = vector.shape_cast %slice3A_338 : vector<1x128x128xf32> to vector<128x128xf32>
    %add3A_340 = arith.addf %squeeze3A_337, %squeeze3A_339 : vector<128x128xf32>
    %slice3A_341 = vector.extract_strided_slice %reshape3A_282 {offsets = [8, 0, 0], sizes = [1, 128, 128], strides = [1, 1, 1]} : vector<20x128x128xf32> to vector<1x128x128xf32>
    %squeeze3A_342 = vector.shape_cast %slice3A_341 : vector<1x128x128xf32> to vector<128x128xf32>
    %add3A_343 = arith.addf %add3A_340, %squeeze3A_342 : vector<128x128xf32>
    %max3A_344 = arith.maximumf %max3A_335, %add3A_343 : vector<128x128xf32>
    %slice3A_345 = vector.extract_strided_slice %reshape3A_266 {offsets = [7, 0, 0], sizes = [1, 128, 128], strides = [1, 1, 1]} : vector<20x128x128xf32> to vector<1x128x128xf32>
    %squeeze3A_346 = vector.shape_cast %slice3A_345 : vector<1x128x128xf32> to vector<128x128xf32>
    %slice3A_347 = vector.extract_strided_slice %reshape3A_274 {offsets = [8, 0, 0], sizes = [1, 128, 128], strides = [1, 1, 1]} : vector<20x128x128xf32> to vector<1x128x128xf32>
    %squeeze3A_348 = vector.shape_cast %slice3A_347 : vector<1x128x128xf32> to vector<128x128xf32>
    %add3A_349 = arith.addf %squeeze3A_346, %squeeze3A_348 : vector<128x128xf32>
    %slice3A_350 = vector.extract_strided_slice %reshape3A_282 {offsets = [9, 0, 0], sizes = [1, 128, 128], strides = [1, 1, 1]} : vector<20x128x128xf32> to vector<1x128x128xf32>
    %squeeze3A_351 = vector.shape_cast %slice3A_350 : vector<1x128x128xf32> to vector<128x128xf32>
    %add3A_352 = arith.addf %add3A_349, %squeeze3A_351 : vector<128x128xf32>
    %max3A_353 = arith.maximumf %max3A_344, %add3A_352 : vector<128x128xf32>
    %slice3A_354 = vector.extract_strided_slice %reshape3A_266 {offsets = [8, 0, 0], sizes = [1, 128, 128], strides = [1, 1, 1]} : vector<20x128x128xf32> to vector<1x128x128xf32>
    %squeeze3A_355 = vector.shape_cast %slice3A_354 : vector<1x128x128xf32> to vector<128x128xf32>
    %slice3A_356 = vector.extract_strided_slice %reshape3A_274 {offsets = [9, 0, 0], sizes = [1, 128, 128], strides = [1, 1, 1]} : vector<20x128x128xf32> to vector<1x128x128xf32>
    %squeeze3A_357 = vector.shape_cast %slice3A_356 : vector<1x128x128xf32> to vector<128x128xf32>
    %add3A_358 = arith.addf %squeeze3A_355, %squeeze3A_357 : vector<128x128xf32>
    %slice3A_359 = vector.extract_strided_slice %reshape3A_282 {offsets = [10, 0, 0], sizes = [1, 128, 128], strides = [1, 1, 1]} : vector<20x128x128xf32> to vector<1x128x128xf32>
    %squeeze3A_360 = vector.shape_cast %slice3A_359 : vector<1x128x128xf32> to vector<128x128xf32>
    %add3A_361 = arith.addf %add3A_358, %squeeze3A_360 : vector<128x128xf32>
    %max3A_362 = arith.maximumf %max3A_353, %add3A_361 : vector<128x128xf32>
    %slice3A_363 = vector.extract_strided_slice %reshape3A_266 {offsets = [9, 0, 0], sizes = [1, 128, 128], strides = [1, 1, 1]} : vector<20x128x128xf32> to vector<1x128x128xf32>
    %squeeze3A_364 = vector.shape_cast %slice3A_363 : vector<1x128x128xf32> to vector<128x128xf32>
    %slice3A_365 = vector.extract_strided_slice %reshape3A_274 {offsets = [10, 0, 0], sizes = [1, 128, 128], strides = [1, 1, 1]} : vector<20x128x128xf32> to vector<1x128x128xf32>
    %squeeze3A_366 = vector.shape_cast %slice3A_365 : vector<1x128x128xf32> to vector<128x128xf32>
    %add3A_367 = arith.addf %squeeze3A_364, %squeeze3A_366 : vector<128x128xf32>
    %slice3A_368 = vector.extract_strided_slice %reshape3A_282 {offsets = [11, 0, 0], sizes = [1, 128, 128], strides = [1, 1, 1]} : vector<20x128x128xf32> to vector<1x128x128xf32>
    %squeeze3A_369 = vector.shape_cast %slice3A_368 : vector<1x128x128xf32> to vector<128x128xf32>
    %add3A_370 = arith.addf %add3A_367, %squeeze3A_369 : vector<128x128xf32>
    %max3A_371 = arith.maximumf %max3A_362, %add3A_370 : vector<128x128xf32>
    %slice3A_372 = vector.extract_strided_slice %reshape3A_266 {offsets = [10, 0, 0], sizes = [1, 128, 128], strides = [1, 1, 1]} : vector<20x128x128xf32> to vector<1x128x128xf32>
    %squeeze3A_373 = vector.shape_cast %slice3A_372 : vector<1x128x128xf32> to vector<128x128xf32>
    %slice3A_374 = vector.extract_strided_slice %reshape3A_274 {offsets = [11, 0, 0], sizes = [1, 128, 128], strides = [1, 1, 1]} : vector<20x128x128xf32> to vector<1x128x128xf32>
    %squeeze3A_375 = vector.shape_cast %slice3A_374 : vector<1x128x128xf32> to vector<128x128xf32>
    %add3A_376 = arith.addf %squeeze3A_373, %squeeze3A_375 : vector<128x128xf32>
    %slice3A_377 = vector.extract_strided_slice %reshape3A_282 {offsets = [12, 0, 0], sizes = [1, 128, 128], strides = [1, 1, 1]} : vector<20x128x128xf32> to vector<1x128x128xf32>
    %squeeze3A_378 = vector.shape_cast %slice3A_377 : vector<1x128x128xf32> to vector<128x128xf32>
    %add3A_379 = arith.addf %add3A_376, %squeeze3A_378 : vector<128x128xf32>
    %max3A_380 = arith.maximumf %max3A_371, %add3A_379 : vector<128x128xf32>
    %slice3A_381 = vector.extract_strided_slice %reshape3A_266 {offsets = [11, 0, 0], sizes = [1, 128, 128], strides = [1, 1, 1]} : vector<20x128x128xf32> to vector<1x128x128xf32>
    %squeeze3A_382 = vector.shape_cast %slice3A_381 : vector<1x128x128xf32> to vector<128x128xf32>
    %slice3A_383 = vector.extract_strided_slice %reshape3A_274 {offsets = [12, 0, 0], sizes = [1, 128, 128], strides = [1, 1, 1]} : vector<20x128x128xf32> to vector<1x128x128xf32>
    %squeeze3A_384 = vector.shape_cast %slice3A_383 : vector<1x128x128xf32> to vector<128x128xf32>
    %add3A_385 = arith.addf %squeeze3A_382, %squeeze3A_384 : vector<128x128xf32>
    %slice3A_386 = vector.extract_strided_slice %reshape3A_282 {offsets = [13, 0, 0], sizes = [1, 128, 128], strides = [1, 1, 1]} : vector<20x128x128xf32> to vector<1x128x128xf32>
    %squeeze3A_387 = vector.shape_cast %slice3A_386 : vector<1x128x128xf32> to vector<128x128xf32>
    %add3A_388 = arith.addf %add3A_385, %squeeze3A_387 : vector<128x128xf32>
    %max3A_389 = arith.maximumf %max3A_380, %add3A_388 : vector<128x128xf32>
    %slice3A_390 = vector.extract_strided_slice %reshape3A_266 {offsets = [12, 0, 0], sizes = [1, 128, 128], strides = [1, 1, 1]} : vector<20x128x128xf32> to vector<1x128x128xf32>
    %squeeze3A_391 = vector.shape_cast %slice3A_390 : vector<1x128x128xf32> to vector<128x128xf32>
    %slice3A_392 = vector.extract_strided_slice %reshape3A_274 {offsets = [13, 0, 0], sizes = [1, 128, 128], strides = [1, 1, 1]} : vector<20x128x128xf32> to vector<1x128x128xf32>
    %squeeze3A_393 = vector.shape_cast %slice3A_392 : vector<1x128x128xf32> to vector<128x128xf32>
    %add3A_394 = arith.addf %squeeze3A_391, %squeeze3A_393 : vector<128x128xf32>
    %slice3A_395 = vector.extract_strided_slice %reshape3A_282 {offsets = [14, 0, 0], sizes = [1, 128, 128], strides = [1, 1, 1]} : vector<20x128x128xf32> to vector<1x128x128xf32>
    %squeeze3A_396 = vector.shape_cast %slice3A_395 : vector<1x128x128xf32> to vector<128x128xf32>
    %add3A_397 = arith.addf %add3A_394, %squeeze3A_396 : vector<128x128xf32>
    %max3A_398 = arith.maximumf %max3A_389, %add3A_397 : vector<128x128xf32>
    %slice3A_399 = vector.extract_strided_slice %reshape3A_266 {offsets = [13, 0, 0], sizes = [1, 128, 128], strides = [1, 1, 1]} : vector<20x128x128xf32> to vector<1x128x128xf32>
    %squeeze3A_400 = vector.shape_cast %slice3A_399 : vector<1x128x128xf32> to vector<128x128xf32>
    %slice3A_401 = vector.extract_strided_slice %reshape3A_274 {offsets = [14, 0, 0], sizes = [1, 128, 128], strides = [1, 1, 1]} : vector<20x128x128xf32> to vector<1x128x128xf32>
    %squeeze3A_402 = vector.shape_cast %slice3A_401 : vector<1x128x128xf32> to vector<128x128xf32>
    %add3A_403 = arith.addf %squeeze3A_400, %squeeze3A_402 : vector<128x128xf32>
    %slice3A_404 = vector.extract_strided_slice %reshape3A_282 {offsets = [15, 0, 0], sizes = [1, 128, 128], strides = [1, 1, 1]} : vector<20x128x128xf32> to vector<1x128x128xf32>
    %squeeze3A_405 = vector.shape_cast %slice3A_404 : vector<1x128x128xf32> to vector<128x128xf32>
    %add3A_406 = arith.addf %add3A_403, %squeeze3A_405 : vector<128x128xf32>
    %max3A_407 = arith.maximumf %max3A_398, %add3A_406 : vector<128x128xf32>
    %slice3A_408 = vector.extract_strided_slice %reshape3A_266 {offsets = [14, 0, 0], sizes = [1, 128, 128], strides = [1, 1, 1]} : vector<20x128x128xf32> to vector<1x128x128xf32>
    %squeeze3A_409 = vector.shape_cast %slice3A_408 : vector<1x128x128xf32> to vector<128x128xf32>
    %slice3A_410 = vector.extract_strided_slice %reshape3A_274 {offsets = [15, 0, 0], sizes = [1, 128, 128], strides = [1, 1, 1]} : vector<20x128x128xf32> to vector<1x128x128xf32>
    %squeeze3A_411 = vector.shape_cast %slice3A_410 : vector<1x128x128xf32> to vector<128x128xf32>
    %add3A_412 = arith.addf %squeeze3A_409, %squeeze3A_411 : vector<128x128xf32>
    %slice3A_413 = vector.extract_strided_slice %reshape3A_282 {offsets = [16, 0, 0], sizes = [1, 128, 128], strides = [1, 1, 1]} : vector<20x128x128xf32> to vector<1x128x128xf32>
    %squeeze3A_414 = vector.shape_cast %slice3A_413 : vector<1x128x128xf32> to vector<128x128xf32>
    %add3A_415 = arith.addf %add3A_412, %squeeze3A_414 : vector<128x128xf32>
    %max3A_416 = arith.maximumf %max3A_407, %add3A_415 : vector<128x128xf32>
    %slice3A_417 = vector.extract_strided_slice %reshape3A_266 {offsets = [15, 0, 0], sizes = [1, 128, 128], strides = [1, 1, 1]} : vector<20x128x128xf32> to vector<1x128x128xf32>
    %squeeze3A_418 = vector.shape_cast %slice3A_417 : vector<1x128x128xf32> to vector<128x128xf32>
    %slice3A_419 = vector.extract_strided_slice %reshape3A_274 {offsets = [16, 0, 0], sizes = [1, 128, 128], strides = [1, 1, 1]} : vector<20x128x128xf32> to vector<1x128x128xf32>
    %squeeze3A_420 = vector.shape_cast %slice3A_419 : vector<1x128x128xf32> to vector<128x128xf32>
    %add3A_421 = arith.addf %squeeze3A_418, %squeeze3A_420 : vector<128x128xf32>
    %slice3A_422 = vector.extract_strided_slice %reshape3A_282 {offsets = [17, 0, 0], sizes = [1, 128, 128], strides = [1, 1, 1]} : vector<20x128x128xf32> to vector<1x128x128xf32>
    %squeeze3A_423 = vector.shape_cast %slice3A_422 : vector<1x128x128xf32> to vector<128x128xf32>
    %add3A_424 = arith.addf %add3A_421, %squeeze3A_423 : vector<128x128xf32>
    %max3A_425 = arith.maximumf %max3A_416, %add3A_424 : vector<128x128xf32>
    %slice3A_426 = vector.extract_strided_slice %reshape3A_266 {offsets = [16, 0, 0], sizes = [1, 128, 128], strides = [1, 1, 1]} : vector<20x128x128xf32> to vector<1x128x128xf32>
    %squeeze3A_427 = vector.shape_cast %slice3A_426 : vector<1x128x128xf32> to vector<128x128xf32>
    %slice3A_428 = vector.extract_strided_slice %reshape3A_274 {offsets = [17, 0, 0], sizes = [1, 128, 128], strides = [1, 1, 1]} : vector<20x128x128xf32> to vector<1x128x128xf32>
    %squeeze3A_429 = vector.shape_cast %slice3A_428 : vector<1x128x128xf32> to vector<128x128xf32>
    %add3A_430 = arith.addf %squeeze3A_427, %squeeze3A_429 : vector<128x128xf32>
    %slice3A_431 = vector.extract_strided_slice %reshape3A_282 {offsets = [18, 0, 0], sizes = [1, 128, 128], strides = [1, 1, 1]} : vector<20x128x128xf32> to vector<1x128x128xf32>
    %squeeze3A_432 = vector.shape_cast %slice3A_431 : vector<1x128x128xf32> to vector<128x128xf32>
    %add3A_433 = arith.addf %add3A_430, %squeeze3A_432 : vector<128x128xf32>
    %max3A_434 = arith.maximumf %max3A_425, %add3A_433 : vector<128x128xf32>
    %slice3A_435 = vector.extract_strided_slice %reshape3A_266 {offsets = [17, 0, 0], sizes = [1, 128, 128], strides = [1, 1, 1]} : vector<20x128x128xf32> to vector<1x128x128xf32>
    %squeeze3A_436 = vector.shape_cast %slice3A_435 : vector<1x128x128xf32> to vector<128x128xf32>
    %slice3A_437 = vector.extract_strided_slice %reshape3A_274 {offsets = [18, 0, 0], sizes = [1, 128, 128], strides = [1, 1, 1]} : vector<20x128x128xf32> to vector<1x128x128xf32>
    %squeeze3A_438 = vector.shape_cast %slice3A_437 : vector<1x128x128xf32> to vector<128x128xf32>
    %add3A_439 = arith.addf %squeeze3A_436, %squeeze3A_438 : vector<128x128xf32>
    %slice3A_440 = vector.extract_strided_slice %reshape3A_282 {offsets = [19, 0, 0], sizes = [1, 128, 128], strides = [1, 1, 1]} : vector<20x128x128xf32> to vector<1x128x128xf32>
    %squeeze3A_441 = vector.shape_cast %slice3A_440 : vector<1x128x128xf32> to vector<128x128xf32>
    %add3A_442 = arith.addf %add3A_439, %squeeze3A_441 : vector<128x128xf32>
    %max3A_443 = arith.maximumf %max3A_434, %add3A_442 : vector<128x128xf32>
    %get3A_444 = arith.constant 1 : index
    %get3A_445 = arith.constant 0 : index
    %get3A_446 = vector.load %arg9[%get3A_444, %get3A_445] : memref<3x128xf32, #tpu.memory_space<vmem>>, vector<1x128xf32>
    %get3A_447 = vector.shape_cast %get3A_446 : vector<1x128xf32> to vector<128xf32>
    %broadcast_in_dim3A_448 = vector.shape_cast %get3A_447 : vector<128xf32> to vector<1x128xf32>
    %add3A_449 = vector.broadcast %broadcast_in_dim3A_448 : vector<1x128xf32> to vector<128x128xf32>
    %add3A_450 = arith.addf %max3A_443, %add3A_449 : vector<128x128xf32>
    %max3A_451 = arith.constant 0.000000e+00 : f32
    %max3A_452 = vector.broadcast %max3A_451 : f32 to vector<128x128xf32>
    %max3A_453 = arith.maximumf %add3A_450, %max3A_452 : vector<128x128xf32>
    %get3A_454 = arith.constant 0 : index
    %get3A_455 = arith.constant 0 : index
    %get3A_456 = arith.constant 0 : index
    %get3A_457 = vector.load %arg8[%get3A_454, %get3A_455, %get3A_456] : memref<4x256x128xf32, #tpu.memory_space<vmem>>, vector<1x256x128xf32>
    %get3A_458 = vector.shape_cast %get3A_457 : vector<1x256x128xf32> to vector<256x128xf32>
    %dot_general3A_459 = arith.constant dense<0.000000e+00> : vector<2560x128xf32>
    %dot_general3A_460 = tpu.matmul %reshape3A, %get3A_458, %dot_general3A_459 {dimension_numbers = #tpu.dot_dimension_numbers<[1], [0], [0], [1], [0, 0, 1, 1], [], []>, transpose_lhs_hint = false} : vector<2560x256xf32>, vector<256x128xf32>, vector<2560x128xf32> -> vector<2560x128xf32>
    %reshape3A_461 = vector.shape_cast %dot_general3A_460 : vector<2560x128xf32> to vector<20x128x128xf32>
    %get3A_462 = arith.constant 1 : index
    %get3A_463 = arith.constant 0 : index
    %get3A_464 = arith.constant 0 : index
    %get3A_465 = vector.load %arg8[%get3A_462, %get3A_463, %get3A_464] : memref<4x256x128xf32, #tpu.memory_space<vmem>>, vector<1x256x128xf32>
    %get3A_466 = vector.shape_cast %get3A_465 : vector<1x256x128xf32> to vector<256x128xf32>
    %dot_general3A_467 = arith.constant dense<0.000000e+00> : vector<2560x128xf32>
    %dot_general3A_468 = tpu.matmul %reshape3A, %get3A_466, %dot_general3A_467 {dimension_numbers = #tpu.dot_dimension_numbers<[1], [0], [0], [1], [0, 0, 1, 1], [], []>, transpose_lhs_hint = false} : vector<2560x256xf32>, vector<256x128xf32>, vector<2560x128xf32> -> vector<2560x128xf32>
    %reshape3A_469 = vector.shape_cast %dot_general3A_468 : vector<2560x128xf32> to vector<20x128x128xf32>
    %get3A_470 = arith.constant 2 : index
    %get3A_471 = arith.constant 0 : index
    %get3A_472 = arith.constant 0 : index
    %get3A_473 = vector.load %arg8[%get3A_470, %get3A_471, %get3A_472] : memref<4x256x128xf32, #tpu.memory_space<vmem>>, vector<1x256x128xf32>
    %get3A_474 = vector.shape_cast %get3A_473 : vector<1x256x128xf32> to vector<256x128xf32>
    %dot_general3A_475 = arith.constant dense<0.000000e+00> : vector<2560x128xf32>
    %dot_general3A_476 = tpu.matmul %reshape3A, %get3A_474, %dot_general3A_475 {dimension_numbers = #tpu.dot_dimension_numbers<[1], [0], [0], [1], [0, 0, 1, 1], [], []>, transpose_lhs_hint = false} : vector<2560x256xf32>, vector<256x128xf32>, vector<2560x128xf32> -> vector<2560x128xf32>
    %reshape3A_477 = vector.shape_cast %dot_general3A_476 : vector<2560x128xf32> to vector<20x128x128xf32>
    %get3A_478 = arith.constant 3 : index
    %get3A_479 = arith.constant 0 : index
    %get3A_480 = arith.constant 0 : index
    %get3A_481 = vector.load %arg8[%get3A_478, %get3A_479, %get3A_480] : memref<4x256x128xf32, #tpu.memory_space<vmem>>, vector<1x256x128xf32>
    %get3A_482 = vector.shape_cast %get3A_481 : vector<1x256x128xf32> to vector<256x128xf32>
    %dot_general3A_483 = arith.constant dense<0.000000e+00> : vector<2560x128xf32>
    %dot_general3A_484 = tpu.matmul %reshape3A, %get3A_482, %dot_general3A_483 {dimension_numbers = #tpu.dot_dimension_numbers<[1], [0], [0], [1], [0, 0, 1, 1], [], []>, transpose_lhs_hint = false} : vector<2560x256xf32>, vector<256x128xf32>, vector<2560x128xf32> -> vector<2560x128xf32>
    %reshape3A_485 = vector.shape_cast %dot_general3A_484 : vector<2560x128xf32> to vector<20x128x128xf32>
    %slice3A_486 = vector.extract_strided_slice %reshape3A_461 {offsets = [0, 0, 0], sizes = [1, 128, 128], strides = [1, 1, 1]} : vector<20x128x128xf32> to vector<1x128x128xf32>
    %squeeze3A_487 = vector.shape_cast %slice3A_486 : vector<1x128x128xf32> to vector<128x128xf32>
    %slice3A_488 = vector.extract_strided_slice %reshape3A_469 {offsets = [1, 0, 0], sizes = [1, 128, 128], strides = [1, 1, 1]} : vector<20x128x128xf32> to vector<1x128x128xf32>
    %squeeze3A_489 = vector.shape_cast %slice3A_488 : vector<1x128x128xf32> to vector<128x128xf32>
    %add3A_490 = arith.addf %squeeze3A_487, %squeeze3A_489 : vector<128x128xf32>
    %slice3A_491 = vector.extract_strided_slice %reshape3A_477 {offsets = [2, 0, 0], sizes = [1, 128, 128], strides = [1, 1, 1]} : vector<20x128x128xf32> to vector<1x128x128xf32>
    %squeeze3A_492 = vector.shape_cast %slice3A_491 : vector<1x128x128xf32> to vector<128x128xf32>
    %add3A_493 = arith.addf %add3A_490, %squeeze3A_492 : vector<128x128xf32>
    %slice3A_494 = vector.extract_strided_slice %reshape3A_485 {offsets = [3, 0, 0], sizes = [1, 128, 128], strides = [1, 1, 1]} : vector<20x128x128xf32> to vector<1x128x128xf32>
    %squeeze3A_495 = vector.shape_cast %slice3A_494 : vector<1x128x128xf32> to vector<128x128xf32>
    %add3A_496 = arith.addf %add3A_493, %squeeze3A_495 : vector<128x128xf32>
    %slice3A_497 = vector.extract_strided_slice %reshape3A_461 {offsets = [1, 0, 0], sizes = [1, 128, 128], strides = [1, 1, 1]} : vector<20x128x128xf32> to vector<1x128x128xf32>
    %squeeze3A_498 = vector.shape_cast %slice3A_497 : vector<1x128x128xf32> to vector<128x128xf32>
    %slice3A_499 = vector.extract_strided_slice %reshape3A_469 {offsets = [2, 0, 0], sizes = [1, 128, 128], strides = [1, 1, 1]} : vector<20x128x128xf32> to vector<1x128x128xf32>
    %squeeze3A_500 = vector.shape_cast %slice3A_499 : vector<1x128x128xf32> to vector<128x128xf32>
    %add3A_501 = arith.addf %squeeze3A_498, %squeeze3A_500 : vector<128x128xf32>
    %slice3A_502 = vector.extract_strided_slice %reshape3A_477 {offsets = [3, 0, 0], sizes = [1, 128, 128], strides = [1, 1, 1]} : vector<20x128x128xf32> to vector<1x128x128xf32>
    %squeeze3A_503 = vector.shape_cast %slice3A_502 : vector<1x128x128xf32> to vector<128x128xf32>
    %add3A_504 = arith.addf %add3A_501, %squeeze3A_503 : vector<128x128xf32>
    %slice3A_505 = vector.extract_strided_slice %reshape3A_485 {offsets = [4, 0, 0], sizes = [1, 128, 128], strides = [1, 1, 1]} : vector<20x128x128xf32> to vector<1x128x128xf32>
    %squeeze3A_506 = vector.shape_cast %slice3A_505 : vector<1x128x128xf32> to vector<128x128xf32>
    %add3A_507 = arith.addf %add3A_504, %squeeze3A_506 : vector<128x128xf32>
    %max3A_508 = arith.maximumf %add3A_496, %add3A_507 : vector<128x128xf32>
    %slice3A_509 = vector.extract_strided_slice %reshape3A_461 {offsets = [2, 0, 0], sizes = [1, 128, 128], strides = [1, 1, 1]} : vector<20x128x128xf32> to vector<1x128x128xf32>
    %squeeze3A_510 = vector.shape_cast %slice3A_509 : vector<1x128x128xf32> to vector<128x128xf32>
    %slice3A_511 = vector.extract_strided_slice %reshape3A_469 {offsets = [3, 0, 0], sizes = [1, 128, 128], strides = [1, 1, 1]} : vector<20x128x128xf32> to vector<1x128x128xf32>
    %squeeze3A_512 = vector.shape_cast %slice3A_511 : vector<1x128x128xf32> to vector<128x128xf32>
    %add3A_513 = arith.addf %squeeze3A_510, %squeeze3A_512 : vector<128x128xf32>
    %slice3A_514 = vector.extract_strided_slice %reshape3A_477 {offsets = [4, 0, 0], sizes = [1, 128, 128], strides = [1, 1, 1]} : vector<20x128x128xf32> to vector<1x128x128xf32>
    %squeeze3A_515 = vector.shape_cast %slice3A_514 : vector<1x128x128xf32> to vector<128x128xf32>
    %add3A_516 = arith.addf %add3A_513, %squeeze3A_515 : vector<128x128xf32>
    %slice3A_517 = vector.extract_strided_slice %reshape3A_485 {offsets = [5, 0, 0], sizes = [1, 128, 128], strides = [1, 1, 1]} : vector<20x128x128xf32> to vector<1x128x128xf32>
    %squeeze3A_518 = vector.shape_cast %slice3A_517 : vector<1x128x128xf32> to vector<128x128xf32>
    %add3A_519 = arith.addf %add3A_516, %squeeze3A_518 : vector<128x128xf32>
    %max3A_520 = arith.maximumf %max3A_508, %add3A_519 : vector<128x128xf32>
    %slice3A_521 = vector.extract_strided_slice %reshape3A_461 {offsets = [3, 0, 0], sizes = [1, 128, 128], strides = [1, 1, 1]} : vector<20x128x128xf32> to vector<1x128x128xf32>
    %squeeze3A_522 = vector.shape_cast %slice3A_521 : vector<1x128x128xf32> to vector<128x128xf32>
    %slice3A_523 = vector.extract_strided_slice %reshape3A_469 {offsets = [4, 0, 0], sizes = [1, 128, 128], strides = [1, 1, 1]} : vector<20x128x128xf32> to vector<1x128x128xf32>
    %squeeze3A_524 = vector.shape_cast %slice3A_523 : vector<1x128x128xf32> to vector<128x128xf32>
    %add3A_525 = arith.addf %squeeze3A_522, %squeeze3A_524 : vector<128x128xf32>
    %slice3A_526 = vector.extract_strided_slice %reshape3A_477 {offsets = [5, 0, 0], sizes = [1, 128, 128], strides = [1, 1, 1]} : vector<20x128x128xf32> to vector<1x128x128xf32>
    %squeeze3A_527 = vector.shape_cast %slice3A_526 : vector<1x128x128xf32> to vector<128x128xf32>
    %add3A_528 = arith.addf %add3A_525, %squeeze3A_527 : vector<128x128xf32>
    %slice3A_529 = vector.extract_strided_slice %reshape3A_485 {offsets = [6, 0, 0], sizes = [1, 128, 128], strides = [1, 1, 1]} : vector<20x128x128xf32> to vector<1x128x128xf32>
    %squeeze3A_530 = vector.shape_cast %slice3A_529 : vector<1x128x128xf32> to vector<128x128xf32>
    %add3A_531 = arith.addf %add3A_528, %squeeze3A_530 : vector<128x128xf32>
    %max3A_532 = arith.maximumf %max3A_520, %add3A_531 : vector<128x128xf32>
    %slice3A_533 = vector.extract_strided_slice %reshape3A_461 {offsets = [4, 0, 0], sizes = [1, 128, 128], strides = [1, 1, 1]} : vector<20x128x128xf32> to vector<1x128x128xf32>
    %squeeze3A_534 = vector.shape_cast %slice3A_533 : vector<1x128x128xf32> to vector<128x128xf32>
    %slice3A_535 = vector.extract_strided_slice %reshape3A_469 {offsets = [5, 0, 0], sizes = [1, 128, 128], strides = [1, 1, 1]} : vector<20x128x128xf32> to vector<1x128x128xf32>
    %squeeze3A_536 = vector.shape_cast %slice3A_535 : vector<1x128x128xf32> to vector<128x128xf32>
    %add3A_537 = arith.addf %squeeze3A_534, %squeeze3A_536 : vector<128x128xf32>
    %slice3A_538 = vector.extract_strided_slice %reshape3A_477 {offsets = [6, 0, 0], sizes = [1, 128, 128], strides = [1, 1, 1]} : vector<20x128x128xf32> to vector<1x128x128xf32>
    %squeeze3A_539 = vector.shape_cast %slice3A_538 : vector<1x128x128xf32> to vector<128x128xf32>
    %add3A_540 = arith.addf %add3A_537, %squeeze3A_539 : vector<128x128xf32>
    %slice3A_541 = vector.extract_strided_slice %reshape3A_485 {offsets = [7, 0, 0], sizes = [1, 128, 128], strides = [1, 1, 1]} : vector<20x128x128xf32> to vector<1x128x128xf32>
    %squeeze3A_542 = vector.shape_cast %slice3A_541 : vector<1x128x128xf32> to vector<128x128xf32>
    %add3A_543 = arith.addf %add3A_540, %squeeze3A_542 : vector<128x128xf32>
    %max3A_544 = arith.maximumf %max3A_532, %add3A_543 : vector<128x128xf32>
    %slice3A_545 = vector.extract_strided_slice %reshape3A_461 {offsets = [5, 0, 0], sizes = [1, 128, 128], strides = [1, 1, 1]} : vector<20x128x128xf32> to vector<1x128x128xf32>
    %squeeze3A_546 = vector.shape_cast %slice3A_545 : vector<1x128x128xf32> to vector<128x128xf32>
    %slice3A_547 = vector.extract_strided_slice %reshape3A_469 {offsets = [6, 0, 0], sizes = [1, 128, 128], strides = [1, 1, 1]} : vector<20x128x128xf32> to vector<1x128x128xf32>
    %squeeze3A_548 = vector.shape_cast %slice3A_547 : vector<1x128x128xf32> to vector<128x128xf32>
    %add3A_549 = arith.addf %squeeze3A_546, %squeeze3A_548 : vector<128x128xf32>
    %slice3A_550 = vector.extract_strided_slice %reshape3A_477 {offsets = [7, 0, 0], sizes = [1, 128, 128], strides = [1, 1, 1]} : vector<20x128x128xf32> to vector<1x128x128xf32>
    %squeeze3A_551 = vector.shape_cast %slice3A_550 : vector<1x128x128xf32> to vector<128x128xf32>
    %add3A_552 = arith.addf %add3A_549, %squeeze3A_551 : vector<128x128xf32>
    %slice3A_553 = vector.extract_strided_slice %reshape3A_485 {offsets = [8, 0, 0], sizes = [1, 128, 128], strides = [1, 1, 1]} : vector<20x128x128xf32> to vector<1x128x128xf32>
    %squeeze3A_554 = vector.shape_cast %slice3A_553 : vector<1x128x128xf32> to vector<128x128xf32>
    %add3A_555 = arith.addf %add3A_552, %squeeze3A_554 : vector<128x128xf32>
    %max3A_556 = arith.maximumf %max3A_544, %add3A_555 : vector<128x128xf32>
    %slice3A_557 = vector.extract_strided_slice %reshape3A_461 {offsets = [6, 0, 0], sizes = [1, 128, 128], strides = [1, 1, 1]} : vector<20x128x128xf32> to vector<1x128x128xf32>
    %squeeze3A_558 = vector.shape_cast %slice3A_557 : vector<1x128x128xf32> to vector<128x128xf32>
    %slice3A_559 = vector.extract_strided_slice %reshape3A_469 {offsets = [7, 0, 0], sizes = [1, 128, 128], strides = [1, 1, 1]} : vector<20x128x128xf32> to vector<1x128x128xf32>
    %squeeze3A_560 = vector.shape_cast %slice3A_559 : vector<1x128x128xf32> to vector<128x128xf32>
    %add3A_561 = arith.addf %squeeze3A_558, %squeeze3A_560 : vector<128x128xf32>
    %slice3A_562 = vector.extract_strided_slice %reshape3A_477 {offsets = [8, 0, 0], sizes = [1, 128, 128], strides = [1, 1, 1]} : vector<20x128x128xf32> to vector<1x128x128xf32>
    %squeeze3A_563 = vector.shape_cast %slice3A_562 : vector<1x128x128xf32> to vector<128x128xf32>
    %add3A_564 = arith.addf %add3A_561, %squeeze3A_563 : vector<128x128xf32>
    %slice3A_565 = vector.extract_strided_slice %reshape3A_485 {offsets = [9, 0, 0], sizes = [1, 128, 128], strides = [1, 1, 1]} : vector<20x128x128xf32> to vector<1x128x128xf32>
    %squeeze3A_566 = vector.shape_cast %slice3A_565 : vector<1x128x128xf32> to vector<128x128xf32>
    %add3A_567 = arith.addf %add3A_564, %squeeze3A_566 : vector<128x128xf32>
    %max3A_568 = arith.maximumf %max3A_556, %add3A_567 : vector<128x128xf32>
    %slice3A_569 = vector.extract_strided_slice %reshape3A_461 {offsets = [7, 0, 0], sizes = [1, 128, 128], strides = [1, 1, 1]} : vector<20x128x128xf32> to vector<1x128x128xf32>
    %squeeze3A_570 = vector.shape_cast %slice3A_569 : vector<1x128x128xf32> to vector<128x128xf32>
    %slice3A_571 = vector.extract_strided_slice %reshape3A_469 {offsets = [8, 0, 0], sizes = [1, 128, 128], strides = [1, 1, 1]} : vector<20x128x128xf32> to vector<1x128x128xf32>
    %squeeze3A_572 = vector.shape_cast %slice3A_571 : vector<1x128x128xf32> to vector<128x128xf32>
    %add3A_573 = arith.addf %squeeze3A_570, %squeeze3A_572 : vector<128x128xf32>
    %slice3A_574 = vector.extract_strided_slice %reshape3A_477 {offsets = [9, 0, 0], sizes = [1, 128, 128], strides = [1, 1, 1]} : vector<20x128x128xf32> to vector<1x128x128xf32>
    %squeeze3A_575 = vector.shape_cast %slice3A_574 : vector<1x128x128xf32> to vector<128x128xf32>
    %add3A_576 = arith.addf %add3A_573, %squeeze3A_575 : vector<128x128xf32>
    %slice3A_577 = vector.extract_strided_slice %reshape3A_485 {offsets = [10, 0, 0], sizes = [1, 128, 128], strides = [1, 1, 1]} : vector<20x128x128xf32> to vector<1x128x128xf32>
    %squeeze3A_578 = vector.shape_cast %slice3A_577 : vector<1x128x128xf32> to vector<128x128xf32>
    %add3A_579 = arith.addf %add3A_576, %squeeze3A_578 : vector<128x128xf32>
    %max3A_580 = arith.maximumf %max3A_568, %add3A_579 : vector<128x128xf32>
    %slice3A_581 = vector.extract_strided_slice %reshape3A_461 {offsets = [8, 0, 0], sizes = [1, 128, 128], strides = [1, 1, 1]} : vector<20x128x128xf32> to vector<1x128x128xf32>
    %squeeze3A_582 = vector.shape_cast %slice3A_581 : vector<1x128x128xf32> to vector<128x128xf32>
    %slice3A_583 = vector.extract_strided_slice %reshape3A_469 {offsets = [9, 0, 0], sizes = [1, 128, 128], strides = [1, 1, 1]} : vector<20x128x128xf32> to vector<1x128x128xf32>
    %squeeze3A_584 = vector.shape_cast %slice3A_583 : vector<1x128x128xf32> to vector<128x128xf32>
    %add3A_585 = arith.addf %squeeze3A_582, %squeeze3A_584 : vector<128x128xf32>
    %slice3A_586 = vector.extract_strided_slice %reshape3A_477 {offsets = [10, 0, 0], sizes = [1, 128, 128], strides = [1, 1, 1]} : vector<20x128x128xf32> to vector<1x128x128xf32>
    %squeeze3A_587 = vector.shape_cast %slice3A_586 : vector<1x128x128xf32> to vector<128x128xf32>
    %add3A_588 = arith.addf %add3A_585, %squeeze3A_587 : vector<128x128xf32>
    %slice3A_589 = vector.extract_strided_slice %reshape3A_485 {offsets = [11, 0, 0], sizes = [1, 128, 128], strides = [1, 1, 1]} : vector<20x128x128xf32> to vector<1x128x128xf32>
    %squeeze3A_590 = vector.shape_cast %slice3A_589 : vector<1x128x128xf32> to vector<128x128xf32>
    %add3A_591 = arith.addf %add3A_588, %squeeze3A_590 : vector<128x128xf32>
    %max3A_592 = arith.maximumf %max3A_580, %add3A_591 : vector<128x128xf32>
    %slice3A_593 = vector.extract_strided_slice %reshape3A_461 {offsets = [9, 0, 0], sizes = [1, 128, 128], strides = [1, 1, 1]} : vector<20x128x128xf32> to vector<1x128x128xf32>
    %squeeze3A_594 = vector.shape_cast %slice3A_593 : vector<1x128x128xf32> to vector<128x128xf32>
    %slice3A_595 = vector.extract_strided_slice %reshape3A_469 {offsets = [10, 0, 0], sizes = [1, 128, 128], strides = [1, 1, 1]} : vector<20x128x128xf32> to vector<1x128x128xf32>
    %squeeze3A_596 = vector.shape_cast %slice3A_595 : vector<1x128x128xf32> to vector<128x128xf32>
    %add3A_597 = arith.addf %squeeze3A_594, %squeeze3A_596 : vector<128x128xf32>
    %slice3A_598 = vector.extract_strided_slice %reshape3A_477 {offsets = [11, 0, 0], sizes = [1, 128, 128], strides = [1, 1, 1]} : vector<20x128x128xf32> to vector<1x128x128xf32>
    %squeeze3A_599 = vector.shape_cast %slice3A_598 : vector<1x128x128xf32> to vector<128x128xf32>
    %add3A_600 = arith.addf %add3A_597, %squeeze3A_599 : vector<128x128xf32>
    %slice3A_601 = vector.extract_strided_slice %reshape3A_485 {offsets = [12, 0, 0], sizes = [1, 128, 128], strides = [1, 1, 1]} : vector<20x128x128xf32> to vector<1x128x128xf32>
    %squeeze3A_602 = vector.shape_cast %slice3A_601 : vector<1x128x128xf32> to vector<128x128xf32>
    %add3A_603 = arith.addf %add3A_600, %squeeze3A_602 : vector<128x128xf32>
    %max3A_604 = arith.maximumf %max3A_592, %add3A_603 : vector<128x128xf32>
    %slice3A_605 = vector.extract_strided_slice %reshape3A_461 {offsets = [10, 0, 0], sizes = [1, 128, 128], strides = [1, 1, 1]} : vector<20x128x128xf32> to vector<1x128x128xf32>
    %squeeze3A_606 = vector.shape_cast %slice3A_605 : vector<1x128x128xf32> to vector<128x128xf32>
    %slice3A_607 = vector.extract_strided_slice %reshape3A_469 {offsets = [11, 0, 0], sizes = [1, 128, 128], strides = [1, 1, 1]} : vector<20x128x128xf32> to vector<1x128x128xf32>
    %squeeze3A_608 = vector.shape_cast %slice3A_607 : vector<1x128x128xf32> to vector<128x128xf32>
    %add3A_609 = arith.addf %squeeze3A_606, %squeeze3A_608 : vector<128x128xf32>
    %slice3A_610 = vector.extract_strided_slice %reshape3A_477 {offsets = [12, 0, 0], sizes = [1, 128, 128], strides = [1, 1, 1]} : vector<20x128x128xf32> to vector<1x128x128xf32>
    %squeeze3A_611 = vector.shape_cast %slice3A_610 : vector<1x128x128xf32> to vector<128x128xf32>
    %add3A_612 = arith.addf %add3A_609, %squeeze3A_611 : vector<128x128xf32>
    %slice3A_613 = vector.extract_strided_slice %reshape3A_485 {offsets = [13, 0, 0], sizes = [1, 128, 128], strides = [1, 1, 1]} : vector<20x128x128xf32> to vector<1x128x128xf32>
    %squeeze3A_614 = vector.shape_cast %slice3A_613 : vector<1x128x128xf32> to vector<128x128xf32>
    %add3A_615 = arith.addf %add3A_612, %squeeze3A_614 : vector<128x128xf32>
    %max3A_616 = arith.maximumf %max3A_604, %add3A_615 : vector<128x128xf32>
    %slice3A_617 = vector.extract_strided_slice %reshape3A_461 {offsets = [11, 0, 0], sizes = [1, 128, 128], strides = [1, 1, 1]} : vector<20x128x128xf32> to vector<1x128x128xf32>
    %squeeze3A_618 = vector.shape_cast %slice3A_617 : vector<1x128x128xf32> to vector<128x128xf32>
    %slice3A_619 = vector.extract_strided_slice %reshape3A_469 {offsets = [12, 0, 0], sizes = [1, 128, 128], strides = [1, 1, 1]} : vector<20x128x128xf32> to vector<1x128x128xf32>
    %squeeze3A_620 = vector.shape_cast %slice3A_619 : vector<1x128x128xf32> to vector<128x128xf32>
    %add3A_621 = arith.addf %squeeze3A_618, %squeeze3A_620 : vector<128x128xf32>
    %slice3A_622 = vector.extract_strided_slice %reshape3A_477 {offsets = [13, 0, 0], sizes = [1, 128, 128], strides = [1, 1, 1]} : vector<20x128x128xf32> to vector<1x128x128xf32>
    %squeeze3A_623 = vector.shape_cast %slice3A_622 : vector<1x128x128xf32> to vector<128x128xf32>
    %add3A_624 = arith.addf %add3A_621, %squeeze3A_623 : vector<128x128xf32>
    %slice3A_625 = vector.extract_strided_slice %reshape3A_485 {offsets = [14, 0, 0], sizes = [1, 128, 128], strides = [1, 1, 1]} : vector<20x128x128xf32> to vector<1x128x128xf32>
    %squeeze3A_626 = vector.shape_cast %slice3A_625 : vector<1x128x128xf32> to vector<128x128xf32>
    %add3A_627 = arith.addf %add3A_624, %squeeze3A_626 : vector<128x128xf32>
    %max3A_628 = arith.maximumf %max3A_616, %add3A_627 : vector<128x128xf32>
    %slice3A_629 = vector.extract_strided_slice %reshape3A_461 {offsets = [12, 0, 0], sizes = [1, 128, 128], strides = [1, 1, 1]} : vector<20x128x128xf32> to vector<1x128x128xf32>
    %squeeze3A_630 = vector.shape_cast %slice3A_629 : vector<1x128x128xf32> to vector<128x128xf32>
    %slice3A_631 = vector.extract_strided_slice %reshape3A_469 {offsets = [13, 0, 0], sizes = [1, 128, 128], strides = [1, 1, 1]} : vector<20x128x128xf32> to vector<1x128x128xf32>
    %squeeze3A_632 = vector.shape_cast %slice3A_631 : vector<1x128x128xf32> to vector<128x128xf32>
    %add3A_633 = arith.addf %squeeze3A_630, %squeeze3A_632 : vector<128x128xf32>
    %slice3A_634 = vector.extract_strided_slice %reshape3A_477 {offsets = [14, 0, 0], sizes = [1, 128, 128], strides = [1, 1, 1]} : vector<20x128x128xf32> to vector<1x128x128xf32>
    %squeeze3A_635 = vector.shape_cast %slice3A_634 : vector<1x128x128xf32> to vector<128x128xf32>
    %add3A_636 = arith.addf %add3A_633, %squeeze3A_635 : vector<128x128xf32>
    %slice3A_637 = vector.extract_strided_slice %reshape3A_485 {offsets = [15, 0, 0], sizes = [1, 128, 128], strides = [1, 1, 1]} : vector<20x128x128xf32> to vector<1x128x128xf32>
    %squeeze3A_638 = vector.shape_cast %slice3A_637 : vector<1x128x128xf32> to vector<128x128xf32>
    %add3A_639 = arith.addf %add3A_636, %squeeze3A_638 : vector<128x128xf32>
    %max3A_640 = arith.maximumf %max3A_628, %add3A_639 : vector<128x128xf32>
    %slice3A_641 = vector.extract_strided_slice %reshape3A_461 {offsets = [13, 0, 0], sizes = [1, 128, 128], strides = [1, 1, 1]} : vector<20x128x128xf32> to vector<1x128x128xf32>
    %squeeze3A_642 = vector.shape_cast %slice3A_641 : vector<1x128x128xf32> to vector<128x128xf32>
    %slice3A_643 = vector.extract_strided_slice %reshape3A_469 {offsets = [14, 0, 0], sizes = [1, 128, 128], strides = [1, 1, 1]} : vector<20x128x128xf32> to vector<1x128x128xf32>
    %squeeze3A_644 = vector.shape_cast %slice3A_643 : vector<1x128x128xf32> to vector<128x128xf32>
    %add3A_645 = arith.addf %squeeze3A_642, %squeeze3A_644 : vector<128x128xf32>
    %slice3A_646 = vector.extract_strided_slice %reshape3A_477 {offsets = [15, 0, 0], sizes = [1, 128, 128], strides = [1, 1, 1]} : vector<20x128x128xf32> to vector<1x128x128xf32>
    %squeeze3A_647 = vector.shape_cast %slice3A_646 : vector<1x128x128xf32> to vector<128x128xf32>
    %add3A_648 = arith.addf %add3A_645, %squeeze3A_647 : vector<128x128xf32>
    %slice3A_649 = vector.extract_strided_slice %reshape3A_485 {offsets = [16, 0, 0], sizes = [1, 128, 128], strides = [1, 1, 1]} : vector<20x128x128xf32> to vector<1x128x128xf32>
    %squeeze3A_650 = vector.shape_cast %slice3A_649 : vector<1x128x128xf32> to vector<128x128xf32>
    %add3A_651 = arith.addf %add3A_648, %squeeze3A_650 : vector<128x128xf32>
    %max3A_652 = arith.maximumf %max3A_640, %add3A_651 : vector<128x128xf32>
    %slice3A_653 = vector.extract_strided_slice %reshape3A_461 {offsets = [14, 0, 0], sizes = [1, 128, 128], strides = [1, 1, 1]} : vector<20x128x128xf32> to vector<1x128x128xf32>
    %squeeze3A_654 = vector.shape_cast %slice3A_653 : vector<1x128x128xf32> to vector<128x128xf32>
    %slice3A_655 = vector.extract_strided_slice %reshape3A_469 {offsets = [15, 0, 0], sizes = [1, 128, 128], strides = [1, 1, 1]} : vector<20x128x128xf32> to vector<1x128x128xf32>
    %squeeze3A_656 = vector.shape_cast %slice3A_655 : vector<1x128x128xf32> to vector<128x128xf32>
    %add3A_657 = arith.addf %squeeze3A_654, %squeeze3A_656 : vector<128x128xf32>
    %slice3A_658 = vector.extract_strided_slice %reshape3A_477 {offsets = [16, 0, 0], sizes = [1, 128, 128], strides = [1, 1, 1]} : vector<20x128x128xf32> to vector<1x128x128xf32>
    %squeeze3A_659 = vector.shape_cast %slice3A_658 : vector<1x128x128xf32> to vector<128x128xf32>
    %add3A_660 = arith.addf %add3A_657, %squeeze3A_659 : vector<128x128xf32>
    %slice3A_661 = vector.extract_strided_slice %reshape3A_485 {offsets = [17, 0, 0], sizes = [1, 128, 128], strides = [1, 1, 1]} : vector<20x128x128xf32> to vector<1x128x128xf32>
    %squeeze3A_662 = vector.shape_cast %slice3A_661 : vector<1x128x128xf32> to vector<128x128xf32>
    %add3A_663 = arith.addf %add3A_660, %squeeze3A_662 : vector<128x128xf32>
    %max3A_664 = arith.maximumf %max3A_652, %add3A_663 : vector<128x128xf32>
    %slice3A_665 = vector.extract_strided_slice %reshape3A_461 {offsets = [15, 0, 0], sizes = [1, 128, 128], strides = [1, 1, 1]} : vector<20x128x128xf32> to vector<1x128x128xf32>
    %squeeze3A_666 = vector.shape_cast %slice3A_665 : vector<1x128x128xf32> to vector<128x128xf32>
    %slice3A_667 = vector.extract_strided_slice %reshape3A_469 {offsets = [16, 0, 0], sizes = [1, 128, 128], strides = [1, 1, 1]} : vector<20x128x128xf32> to vector<1x128x128xf32>
    %squeeze3A_668 = vector.shape_cast %slice3A_667 : vector<1x128x128xf32> to vector<128x128xf32>
    %add3A_669 = arith.addf %squeeze3A_666, %squeeze3A_668 : vector<128x128xf32>
    %slice3A_670 = vector.extract_strided_slice %reshape3A_477 {offsets = [17, 0, 0], sizes = [1, 128, 128], strides = [1, 1, 1]} : vector<20x128x128xf32> to vector<1x128x128xf32>
    %squeeze3A_671 = vector.shape_cast %slice3A_670 : vector<1x128x128xf32> to vector<128x128xf32>
    %add3A_672 = arith.addf %add3A_669, %squeeze3A_671 : vector<128x128xf32>
    %slice3A_673 = vector.extract_strided_slice %reshape3A_485 {offsets = [18, 0, 0], sizes = [1, 128, 128], strides = [1, 1, 1]} : vector<20x128x128xf32> to vector<1x128x128xf32>
    %squeeze3A_674 = vector.shape_cast %slice3A_673 : vector<1x128x128xf32> to vector<128x128xf32>
    %add3A_675 = arith.addf %add3A_672, %squeeze3A_674 : vector<128x128xf32>
    %max3A_676 = arith.maximumf %max3A_664, %add3A_675 : vector<128x128xf32>
    %slice3A_677 = vector.extract_strided_slice %reshape3A_461 {offsets = [16, 0, 0], sizes = [1, 128, 128], strides = [1, 1, 1]} : vector<20x128x128xf32> to vector<1x128x128xf32>
    %squeeze3A_678 = vector.shape_cast %slice3A_677 : vector<1x128x128xf32> to vector<128x128xf32>
    %slice3A_679 = vector.extract_strided_slice %reshape3A_469 {offsets = [17, 0, 0], sizes = [1, 128, 128], strides = [1, 1, 1]} : vector<20x128x128xf32> to vector<1x128x128xf32>
    %squeeze3A_680 = vector.shape_cast %slice3A_679 : vector<1x128x128xf32> to vector<128x128xf32>
    %add3A_681 = arith.addf %squeeze3A_678, %squeeze3A_680 : vector<128x128xf32>
    %slice3A_682 = vector.extract_strided_slice %reshape3A_477 {offsets = [18, 0, 0], sizes = [1, 128, 128], strides = [1, 1, 1]} : vector<20x128x128xf32> to vector<1x128x128xf32>
    %squeeze3A_683 = vector.shape_cast %slice3A_682 : vector<1x128x128xf32> to vector<128x128xf32>
    %add3A_684 = arith.addf %add3A_681, %squeeze3A_683 : vector<128x128xf32>
    %slice3A_685 = vector.extract_strided_slice %reshape3A_485 {offsets = [19, 0, 0], sizes = [1, 128, 128], strides = [1, 1, 1]} : vector<20x128x128xf32> to vector<1x128x128xf32>
    %squeeze3A_686 = vector.shape_cast %slice3A_685 : vector<1x128x128xf32> to vector<128x128xf32>
    %add3A_687 = arith.addf %add3A_684, %squeeze3A_686 : vector<128x128xf32>
    %max3A_688 = arith.maximumf %max3A_676, %add3A_687 : vector<128x128xf32>
    %get3A_689 = arith.constant 2 : index
    %get3A_690 = arith.constant 0 : index
    %get3A_691 = vector.load %arg9[%get3A_689, %get3A_690] : memref<3x128xf32, #tpu.memory_space<vmem>>, vector<1x128xf32>
    %get3A_692 = vector.shape_cast %get3A_691 : vector<1x128xf32> to vector<128xf32>
    %broadcast_in_dim3A_693 = vector.shape_cast %get3A_692 : vector<128xf32> to vector<1x128xf32>
    %add3A_694 = vector.broadcast %broadcast_in_dim3A_693 : vector<1x128xf32> to vector<128x128xf32>
    %add3A_695 = arith.addf %max3A_688, %add3A_694 : vector<128x128xf32>
    %max3A_696 = arith.constant 0.000000e+00 : f32
    %max3A_697 = vector.broadcast %max3A_696 : f32 to vector<128x128xf32>
    %max3A_698 = arith.maximumf %add3A_695, %max3A_697 : vector<128x128xf32>
    %concatenate3A_699 = tpu.concatenate %max3A_258, %max3A_453, %max3A_698 in 1 : vector<128x128xf32>, vector<128x128xf32>, vector<128x128xf32> -> vector<128x384xf32>
    %get3A_700 = arith.constant 0 : index
    %get3A_701 = arith.constant 0 : index
    %get3A_702 = vector.load %arg10[%get3A_700, %get3A_701] : memref<384x128xf32, #tpu.memory_space<vmem>>, vector<384x128xf32>
    %dot_general3A_703 = arith.constant dense<0.000000e+00> : vector<128x128xf32>
    %dot_general3A_704 = tpu.matmul %concatenate3A_699, %get3A_702, %dot_general3A_703 {dimension_numbers = #tpu.dot_dimension_numbers<[1], [0], [0], [1], [0, 0, 1, 1], [], []>, transpose_lhs_hint = false} : vector<128x384xf32>, vector<384x128xf32>, vector<128x128xf32> -> vector<128x128xf32>
    %get3A_705 = arith.constant 0 : index
    %get3A_706 = arith.constant 0 : index
    %get3A_707 = vector.load %arg11[%get3A_705, %get3A_706] : memref<1x128xf32, #tpu.memory_space<vmem>>, vector<1x128xf32>
    %add3A_708 = vector.broadcast %get3A_707 : vector<1x128xf32> to vector<128x128xf32>
    %add3A_709 = arith.addf %dot_general3A_704, %add3A_708 : vector<128x128xf32>
    %tanh3A = math.tanh %add3A_709 : vector<128x128xf32>
    %get3A_710 = arith.constant 0 : index
    %get3A_711 = arith.constant 0 : index
    %get3A_712 = vector.load %arg2[%get3A_710, %get3A_711] : memref<128x1xf32, #tpu.memory_space<vmem>>, vector<128x1xf32>
    %mul3A = vector.broadcast %get3A_712 : vector<128x1xf32> to vector<128x128xf32>
    %mul3A_713 = arith.mulf %tanh3A, %mul3A : vector<128x128xf32>
    %get3A_714 = arith.constant 0 : index
    %get3A_715 = arith.constant 0 : index
    %get3A_716 = vector.load %arg12[%get3A_714, %get3A_715] : memref<128x128xf32, #tpu.memory_space<vmem>>, vector<128x128xf32>
    %dot_general3A_717 = arith.constant dense<0.000000e+00> : vector<128x128xf32>
    %dot_general3A_718 = tpu.matmul %mul3A_713, %get3A_716, %dot_general3A_717 {dimension_numbers = #tpu.dot_dimension_numbers<[1], [0], [0], [1], [0, 0, 1, 1], [], []>, transpose_lhs_hint = false} : vector<128x128xf32>, vector<128x128xf32>, vector<128x128xf32> -> vector<128x128xf32>
    %get3A_719 = arith.constant 0 : index
    %get3A_720 = arith.constant 0 : index
    %get3A_721 = vector.load %arg13[%get3A_719, %get3A_720] : memref<1x128xf32, #tpu.memory_space<vmem>>, vector<1x128xf32>
    %add3A_722 = vector.broadcast %get3A_721 : vector<1x128xf32> to vector<128x128xf32>
    %add3A_723 = arith.addf %dot_general3A_718, %add3A_722 : vector<128x128xf32>
    %tanh3A_724 = math.tanh %add3A_723 : vector<128x128xf32>
    %swap3A_725 = arith.constant 0 : index
    %swap3A_726 = arith.constant 0 : index
    %swap3A_727 = vector.load %arg14[%swap3A_725, %swap3A_726] : memref<128x128xf32, #tpu.memory_space<vmem>>, vector<128x128xf32>
    tpu.vector_store %arg14[%swap3A_725, %swap3A_726], %tanh3A_724 {strides = array<i32>} : memref<128x128xf32, #tpu.memory_space<vmem>>, vector<128x128xf32>,
    return
  }
  func.func @transform_0(%arg0: i32) -> (i32, i32, i32) {
    %c0_i32 = arith.constant 0 : i32
    %c0_i32_0 = arith.constant 0 : i32
    %c0_i32_1 = arith.constant 0 : i32
    return %c0_i32, %arg0, %c0_i32_0 : i32, i32, i32
  }
  func.func @transform_1(%arg0: i32) -> (i32, i32) {
    %c0_i32 = arith.constant 0 : i32
    %c0_i32_0 = arith.constant 0 : i32
    return %arg0, %c0_i32 : i32, i32
  }
  func.func @transform_2(%arg0: i32) -> (i32, i32, i32, i32) {
    %c0_i32 = arith.constant 0 : i32
    %c0_i32_0 = arith.constant 0 : i32
    %c0_i32_1 = arith.constant 0 : i32
    %c0_i32_2 = arith.constant 0 : i32
    %c0_i32_3 = arith.constant 0 : i32
    return %c0_i32, %c0_i32_0, %c0_i32_1, %c0_i32_2 : i32, i32, i32, i32
  }
  func.func @transform_3(%arg0: i32) -> (i32, i32, i32, i32) {
    %c0_i32 = arith.constant 0 : i32
    %c0_i32_0 = arith.constant 0 : i32
    %c0_i32_1 = arith.constant 0 : i32
    %c0_i32_2 = arith.constant 0 : i32
    %c0_i32_3 = arith.constant 0 : i32
    return %c0_i32, %c0_i32_0, %c0_i32_1, %c0_i32_2 : i32, i32, i32, i32
  }
  func.func @transform_4(%arg0: i32) -> (i32, i32, i32) {
    %c0_i32 = arith.constant 0 : i32
    %c0_i32_0 = arith.constant 0 : i32
    %c0_i32_1 = arith.constant 0 : i32
    %c0_i32_2 = arith.constant 0 : i32
    return %c0_i32, %c0_i32_0, %c0_i32_1 : i32, i32, i32
  }
  func.func @transform_5(%arg0: i32) -> (i32, i32, i32) {
    %c0_i32 = arith.constant 0 : i32
    %c0_i32_0 = arith.constant 0 : i32
    %c0_i32_1 = arith.constant 0 : i32
    %c0_i32_2 = arith.constant 0 : i32
    return %c0_i32, %c0_i32_0, %c0_i32_1 : i32, i32, i32
  }
  func.func @transform_6(%arg0: i32) -> (i32, i32, i32) {
    %c0_i32 = arith.constant 0 : i32
    %c0_i32_0 = arith.constant 0 : i32
    %c0_i32_1 = arith.constant 0 : i32
    %c0_i32_2 = arith.constant 0 : i32
    return %c0_i32, %c0_i32_0, %c0_i32_1 : i32, i32, i32
  }
  func.func @transform_7(%arg0: i32) -> (i32, i32, i32) {
    %c0_i32 = arith.constant 0 : i32
    %c0_i32_0 = arith.constant 0 : i32
    %c0_i32_1 = arith.constant 0 : i32
    %c0_i32_2 = arith.constant 0 : i32
    return %c0_i32, %c0_i32_0, %c0_i32_1 : i32, i32, i32
  }
  func.func @transform_8(%arg0: i32) -> (i32, i32) {
    %c0_i32 = arith.constant 0 : i32
    %c0_i32_0 = arith.constant 0 : i32
    %c0_i32_1 = arith.constant 0 : i32
    return %c0_i32, %c0_i32_0 : i32, i32
  }
  func.func @transform_9(%arg0: i32) -> (i32, i32) {
    %c0_i32 = arith.constant 0 : i32
    %c0_i32_0 = arith.constant 0 : i32
    %c0_i32_1 = arith.constant 0 : i32
    return %c0_i32, %c0_i32_0 : i32, i32
  }
  func.func @transform_10(%arg0: i32) -> (i32, i32) {
    %c0_i32 = arith.constant 0 : i32
    %c0_i32_0 = arith.constant 0 : i32
    %c0_i32_1 = arith.constant 0 : i32
    return %c0_i32, %c0_i32_0 : i32, i32
  }
  func.func @transform_11(%arg0: i32) -> (i32, i32) {
    %c0_i32 = arith.constant 0 : i32
    %c0_i32_0 = arith.constant 0 : i32
    %c0_i32_1 = arith.constant 0 : i32
    return %c0_i32, %c0_i32_0 : i32, i32
  }
  func.func @transform_12(%arg0: i32) -> (i32, i32) {
    %c0_i32 = arith.constant 0 : i32
    %c0_i32_0 = arith.constant 0 : i32
    %c0_i32_1 = arith.constant 0 : i32
    return %c0_i32, %c0_i32_0 : i32, i32
  }
  func.func @transform_13(%arg0: i32) -> (i32, i32) {
    %c0_i32 = arith.constant 0 : i32
    %c0_i32_0 = arith.constant 0 : i32
    return %arg0, %c0_i32 : i32, i32
  }
}

</mosaic_0001>

<sc_bundles>
// kernel: gather_offload_async_start
scs
__scs_entry_jumppad:
0x0: {  	(pc) =	sbr.rel $0x88, $3  }
0x1: {  	(tag) =	ssettag $0x0;
	lr =	simm.s32 $0x1  }
0x2: {  	[smem:$0x3F83] =	sst lr;
	_ =	strace $0xD0000000  }
0x3: {  	_ = 	snop  }
0x4: {  	_ = 	snop  }
0x5: {  	_ = 	snop  }
0x6: {  	_ = 	snop  }
0x7: {  	_ = 	snop  }
__scs_overlays_trampoline_lowered:
0x8: {  	[smem:$0x3F92] =	sst s0  }
0x9: {  	[smem:$0x3F93] =	sst s1  }
0xa: {  	[smem:$0x3F94] =	sst s2  }
0xb: {  	[smem:$0x3F95] =	sst s3  }
0xc: {  	[smem:$0x3F96] =	sst s4  }
0xd: {  	[smem:$0x3F97] =	sst s5  }
0xe: {  	[smem:$0x3F98] =	sst s6  }
0xf: {  	[smem:$0x3F99] =	sst s7  }
0x10: {  	[smem:$0x3F9A] =	sst s8  }
0x11: {  	[smem:$0x3F9B] =	sst s9;
	s0 =	simm.s32 @!p0 $0x0  }
0x12: {  	s1 =	sld [smem:$0x3F81];
	s0 =	simm.s32 @p0 $0x1  }
0x13: {  	[smem:$0x3F9C] =	sst s0;
	s0 =	simm.s32 @!p1 $0x0  }
0x14: {  	s2 =	sld [smem:$0x3F80];
	s0 =	simm.s32 @p1 $0x1  }
0x15: {  	[smem:$0x3F9D] =	sst s0;
	s0 =	simm.s32 @!p2 $0x0  }
0x16: {  	s3 =	sld [smem:$0x3FDB];
	s0 =	simm.s32 @p2 $0x1  }
0x17: {  	s4 =	simm.s32 $0x1BF5;
	[smem:$0x3F9F] =	sst s0  }
0x18: {  	s0 =	sld [smem:$0x3F82];
	_ =	swait.ge [sflag:s4], $0x0  }
0x19: {  	s7 =	sld [smem:$0x3F83]  }
0x1a: {  	s8 =	sadd.s32 $0xFFFFE003, lr  }
0x1b: {  	s9 =	sadd.s32 $0xFFFFFEF7, lr;
	s5 =	simm.s32 $0xFFFFFFFF;
	p2 =	slt.u32 s8, $0xFFFFF086  }
0x1c: {  	p1 =	slt.u32 s9, $0xF7A;
	s5 =	simm.s32 @!p2 $0x0  }
0x1d: {  	s5 =	simm.s32 @p1 $0x1;
	p0 =	seq.s32 s7, s2  }
0x1e: {  	s7 =	smul.u32 @!p0 $0xF7A, s2;
	p2 =	seq.s32 @!p0 s5, $0x0  }
0x1f: {  	s9 =	smul.u32 $0xF7A, s1;
	s8 =	simm.s32 @!p0 $0x1BF5;
	p2 =	por !p2, p0  }
0x20: {  	[sflag:s8] =	ssyncset.s32 @!p0 $0xFFFFF086;
	s6 =	sadd.s32 @!p0 s3, s7;
	s7 =	simm.s32 @!p0 $0x108  }
0x21: {  	s3 =	sadd.s32 s3, s9;
	s6 =	sadd.s32 @!p0 $0x88, s6;
	s7 =	simm.s32 @p2 $0x1082  }
0x22: {  	[simem:s7], [sflag:s8] =	dma.local @!p0 [hbm:s6], $0xF7A  }
0x23: {  	s9 =	sor.u32 $0xD0000000, s2;
	s6 =	simm.s32 $0x108;
	_ =	swait.ge @!p0 [sflag:s8], $0x0  }
0x24: {  	s3 =	sadd.s32 $0x88, s3;
	s6 =	simm.s32 @!p1 $0x1082;
	[sflag:s4] =	ssyncset.s32 $0xFFFFF086  }
0x25: {  	[simem:s6], [sflag:s4] =	dma.local [hbm:s3], $0xF7A  }
0x26: {  	[smem:$0x3F83] =	sst s1;
	(tag) =	ssettag s2;
	_ =	strace s9  }
0x27: {  	s1 =	sld [smem:$0x3F93]  }
0x28: {  	s2 =	sld [smem:$0x3F94]  }
0x29: {  	s4 =	sld [smem:$0x3F96]  }
0x2a: {  	p0 =	seq.s32 s5, $0x0;
	s5 =	sld [smem:$0x3F97]  }
0x2b: {  	s6 =	sld [smem:$0x3F98]  }
0x2c: {  	s7 =	sld [smem:$0x3F99]  }
0x2d: {  	s3 =	simm.s32 $0x108;
	s8 =	sld [smem:$0x3F9A]  }
0x2e: {  	s3 =	simm.s32 @!p0 $0x1082;
	s9 =	sld [smem:$0x3F9B]  }
0x2f: {  	lr =	sadd.s32 s0, s3;
	s0 =	sld [smem:$0x3F92]  }
0x30: {  	s3 =	sld [smem:$0x3F95]  }
0x31: {  	[smem:$0x3F9E] =	sst s10  }
0x32: {  	s10 =	sld [smem:$0x3F9C];
	_ =	sdelay $0x3  }
0x33: {  	p0 =	seq.s32 s10, $0x1;
	s10 =	sld [smem:$0x3F9E];
	_ =	sdelay $0x3  }
0x34: {  	[smem:$0x3F9E] =	sst s10  }
0x35: {  	s10 =	sld [smem:$0x3F9D];
	_ =	sdelay $0x3  }
0x36: {  	p1 =	seq.s32 s10, $0x1;
	s10 =	sld [smem:$0x3F9E];
	_ =	sdelay $0x3  }
0x37: {  	[smem:$0x3F9E] =	sst s10  }
0x38: {  	s10 =	sld [smem:$0x3F9F]  }
0x39: {  	_ = 	snop;
	(pc) =	sbr.ind lr, $3  }
0x3a: {  	_ = 	snop  }
0x3b: {  	_ = 	snop  }
0x3c: {  	p2 =	seq.s32 s10, $0x1;
	s10 =	sld [smem:$0x3F9E]  }
0x3d: {  	_ =	shalt  }
0x3e: {  	_ =	shalt  }
0x3f: {  	_ =	shalt  }
0x40: {  	_ =	shalt  }
0x41: {  	_ =	shalt  }
0x42: {  	_ =	shalt  }
0x43: {  	_ =	shalt  }
0x44: {  	_ =	shalt  }
0x45: {  	_ =	shalt  }
0x46: {  	_ =	shalt  }
0x47: {  	_ =	shalt  }
0x48: {  	_ =	shalt  }
0x49: {  	_ =	shalt  }
0x4a: {  	_ =	shalt  }
0x4b: {  	_ =	shalt  }
0x4c: {  	_ =	shalt  }
0x4d: {  	_ =	shalt  }
0x4e: {  	_ =	shalt  }
0x4f: {  	_ =	shalt  }
0x50: {  	_ =	shalt  }
0x51: {  	_ =	shalt  }
0x52: {  	_ =	shalt  }
0x53: {  	_ =	shalt  }
0x54: {  	_ =	shalt  }
0x55: {  	_ =	shalt  }
0x56: {  	_ =	shalt  }
0x57: {  	_ =	shalt  }
0x58: {  	_ =	shalt  }
0x59: {  	_ =	shalt  }
0x5a: {  	_ =	shalt  }
0x5b: {  	_ =	shalt  }
0x5c: {  	_ =	shalt  }
0x5d: {  	_ =	shalt  }
0x5e: {  	_ =	shalt  }
0x5f: {  	_ =	shalt  }
0x60: {  	_ =	shalt  }
0x61: {  	_ =	shalt  }
0x62: {  	_ =	shalt  }
0x63: {  	_ =	shalt  }
0x64: {  	_ =	shalt  }
0x65: {  	_ =	shalt  }
0x66: {  	_ =	shalt  }
0x67: {  	_ =	shalt  }
0x68: {  	_ =	shalt  }
0x69: {  	_ =	shalt  }
0x6a: {  	_ =	shalt  }
0x6b: {  	_ =	shalt  }
0x6c: {  	_ =	shalt  }
0x6d: {  	_ =	shalt  }
0x6e: {  	_ =	shalt  }
0x6f: {  	_ =	shalt  }
0x70: {  	_ =	shalt  }
0x71: {  	_ =	shalt  }
0x72: {  	_ =	shalt  }
0x73: {  	_ =	shalt  }
0x74: {  	_ =	shalt  }
0x75: {  	_ =	shalt  }
0x76: {  	_ =	shalt  }
0x77: {  	_ =	shalt  }
0x78: {  	_ =	shalt  }
0x79: {  	_ =	shalt  }
0x7a: {  	_ =	shalt  }
0x7b: {  	_ =	shalt  }
0x7c: {  	_ =	shalt  }
0x7d: {  	_ =	shalt  }
0x7e: {  	_ =	shalt  }
0x7f: {  	_ =	shalt  }
0x80: {  	_ =	shalt  }
0x81: {  	_ =	shalt  }
0x82: {  	_ =	shalt  }
0x83: {  	_ =	shalt  }
0x84: {  	_ =	shalt  }
0x85: {  	_ =	shalt  }
0x86: {  	_ =	shalt  }
0x87: {  	_ =	shalt  }
.Lfunc_end0:
.L_simem_size_0:
called_computation.3_lowered:
.L_overlay_start_0:
0x88: {  	s2 =	sld [smem:$0x3FD9]  }
0x89: {  	s3 =	sld [smem:$0x3FFE];
	_ =	sdelay $0x1  }
0x8a: {  	s1 =	srdreg.scid  }
0x8b: {  	s0 =	sand.u32 $0x1, s1  }
0x8c: {  	s17 =	sshll.u32 s0, $0xA;
	s2 =	sadd.s32 s3, s2  }
0x8d: {  	s2 =	sadd.s32 s2, s17  }
0x8e: {  	[smem:$0x3FAA] =	sst s2  }
0x8f: {  	_ = 	snop  }
0x90: {  	s2 =	sld [smem:$0x3FC5];
	(tm) =	ssettm $0x1  }
0x91: {  	s18 =	sld [smem:$0x3FFB];
	_ =	sdelay $0x3  }
0x92: {  	_ =	strace s18  }
0x93: {  	s3 =	sld [smem:$0x3FFC];
	_ =	sdelay $0x3  }
0x94: {  	_ =	strace s3  }
0x95: {  	s3 =	sld [smem:$0x3FFD];
	_ =	sdelay $0x3  }
0x96: {  	_ =	strace s3  }
0x97: {  	_ =	strace $0x8FFFFFFF  }
0x98: {  	s19 =	sld [smem:$0x3FDB];
	_ =	sdelay $0x1  }
0x99: {  	s4 =	simm.s32 $_scs_section_size  }
0x9a: {  	s5 =	simm.s32 $_size__tile_overlayer_lowered;
	s6 =	simm.s32 $_tile_overlayer_lowered  }
0x9b: {  	s22 =	simm.s32 $0x1BFF;
	s21 =	sshll.u32 s6, $0x1;
	s3 =	sadd.s32 s4, s19  }
0x9c: {  	s7 =	simm.s32 $0x0;
	s20 =	sshll.u32 s5, $0x1;
	s5 =	sadd.s32 s21, s3  }
0x9d: {  	[timem:s7], [sflag:s22] =	dma.local [hbm:s5], s20  }
0x9e: {  	_ =	swait.ge [sflag:s22], s20  }
0x9f: {  	s4 =	ssub.s32 $0x0, s20;
	[sflag:s22] =	ssyncset.done $0x0  }
0xa0: {  	[sflag:s22] =	ssyncadd.s32 s4;
	_ =	sdelay $0x1  }
0xa1: {  	s23 =	simm.s32 $0x1B8B  }
0xa2: {  	_ =	swait.ge [sflag:s23], $0x1  }
0xa3: {  	[sflag:s23] =	ssyncset.done $0x0  }
0xa4: {  	s25 =	simm.s32 $0x1B8E;
	s24 =	sld [smem:$0x3FFE];
	[sflag:s23] =	ssyncadd.s32 $0xFFFFFFFF  }
0xa5: {  	s26 =	simm.s32 $execute0_lowered;
	[smem:$0x3FD2] =	sst s25  }
0xa6: {  	s5 =	sshll.u32 s26, $0x1;
	_ =	strace $0x80000046;
	[dreg:$0x1] =	wrdreg $0xFFFFFFFF  }
0xa7: {  	s28 =	simm.s32 $_size_execute0_lowered;
	s3 =	sadd.s32 s3, s5;
	[dreg:$0x0] =	wrdreg $0x0  }
0xa8: {  	s5 =	sshll.u32 s28, $0x1;
	[dreg:$0x2] =	wrdreg s3  }
0xa9: {  	[dreg:$0x3] =	wrdreg s5  }
0xaa: {  	[dreg:$0x4] =	wrdreg $0xC0  }
0xab: {  	_ =	task [dreg:s7], $0x5FFFF  }
0xac: {  	[dreg:$0x1] =	wrdreg $0xFFFFFFFF  }
0xad: {  	[dreg:$0x0] =	wrdreg $0x60  }
0xae: {  	[dreg:$0x2] =	wrdreg s2  }
0xaf: {  	[dreg:$0x3] =	wrdreg s24  }
0xb0: {  	[dreg:$0x4] =	wrdreg $0x9  }
0xb1: {  	_ =	task.clear_ibuf [dreg:s7], $0x5FFFF;
	_ =	strace $0x90000046  }
0xb2: {  	s29 =	simm.s32 $0x9;
	_ =	strace $0x80000048  }
0xb3: {  	_ =	swait.ge [sflag:s29], $0x1  }
0xb4: {  	[sflag:s29] =	ssyncadd.s32 $0xFFFFFFFF  }
0xb5: {  	_ =	strace $0x90000048  }
0xb6: {  	_ =	sfence  }
0xb7: {  	s30 =	sld [smem:$0x0];
	_ =	sdelay $0x2  }
0xb8: {  	s31 =	sshll.u32 s1, $0xD;
	s1 =	sshrl.u32 s1, $0x2  }
0xb9: {  	s3 =	sand.u32 $0x4000, s31;
	s1 =	sadd.s32 s1, s30  }
0xba: {  	s0 =	sor.u32 s3, s0;
	s1 =	sshll.u32 s1, $0x11  }
0xbb: {  	s0 =	sor.u32 s1, s0  }
0xbc: {  	s0 =	sadd.s32 $0x8F2B, s0  }
0xbd: {  	[sflag:s0] =	ssyncadd.remote.s32 $0x1  }
0xbe: {  	_ =	sfence.sel $0xFFFF  }
0xbf: {  	[dreg:$0x0] =	wrdreg $0xFFFFFFFF;
	(pc) =	sbr.abs _section_cstart, $3  }
0xc0: {  	[dreg:$0x1] =	wrdreg $0xFFFFFFFF  }
0xc1: {  	_ =	task.clear_ibuf [dreg:s7], $0x2FFFF;
	_ =	strace $0x9FFFFFFF  }
0xc2: {  	(tm) =	ssettm $0x7FFFFFFF  }
0xc3: {  	_ =	shalt  }
tec
execute0_lowered:
.L_overlay_start_1:
0x0: {  	(tag) =	ssettag $0x1  }
0x1: {  	s0 =	srdreg.scid  }
0x2: {  	s1 =	sshll.u32 s0, $0x4  }
0x3: {  	s0 =	stileid.u32;
	s1 =	sand.u32 $0x10, s1  }
0x4: {  	s2 =	sor.u32 s0, s1  }
0x5: {  	s1 =	smul.u32 $0x27, s2  }
0x6: {  	s3 =	smin.u32 s2, $0x2  }
0x7: {  	s1 =	sadd.s32 s3, s1  }
0x8: {  	p0 =	slt.u32 s2, $0x2;
	s2 =	simm.s32 $0x1900;
	s1 =	smul.u32 $0xA0, s1  }
0x9: {  	s2 =	simm.s32 @!p0 $0x1860  }
0xa: {  	s2 =	sadd.s32 s2, s1  }
0xb: {  	s3 =	smin.u32 s2, $0x30D40  }
0xc: {  	s7 =	ssub.s32 s3, s1  }
0xd: {  	p0 =	sgt.s32 s7, $0x0  }
0xe: {  	s7 =	simm.s32 @!p0 $0x0  }
0xf: {  	s4 =	rddreg [dreg:$0x0];
	s31 =	smulhi.u32 $0x66666667, s7  }
0x10: {  	s9 =	rddreg [dreg:$0x1];
	s6 =	simm.s32 $0x1  }
0x11: {  	s11 =	simm.s32 $0x3;
	s13 =	simm.s32 $0x0;
	s8 =	sshrl.u32 s31, $0x6  }
0x12: {  	s12 =	simm.s32 $0x0;
	s5 =	sadd.s32 $0x4200, s9;
	s10 =	smul.u32 $0xA0, s8  }
.Ltmp0:
0x13: {  	s9 =	sadd.s32 $0xA400, s9;
	s2 =	rddreg [dreg:$0x2];
	(pc) =	sbr.rel .LBB2_1-.Ltmp0, $4  }
0x14: {  	_ =	strace $0x80000047;
	p0 =	sne.s32 s7, s10;
	s10 =	simm.s32 $0x1  }
0x15: {  	[sflag:s6] =	ssyncpa.u1 $0x0;
	s7 =	simm.s32 $0x2;
	s10 =	simm.s32 @!p0 $0x0  }
0x16: {  	[sflag:s7] =	ssyncpa.u1 $0x0;
	p0 =	por $0x0, $0x0;
	s8 =	sadd.s32 s10, s8  }
0x17: {  	vm0 =	vmmov $0xff;
	vm1 =	vcmask $0x3F20;
	[sflag:s11] =	ssyncpa.u1 $0x0;
	s11 =	smov.u32 s1;
	s10 =	sadd.s32 $0x1, s8  }
.LBB2_8:
0x18: {  	[hbm:s17] =	stream.linear.scatter [tilespmem:s14], [sflag:$0x3], $0x800, $0x38;
	[tilespmem:$0x14140] =	vst v63  }
.LBB2_9:
0x19: {  	s13 =	sadd.s32 $0xA0, s11  }
0x1a: {  	s15 =	smov.u32 s1;
	p2 =	slt.s32 s13, s3  }
0x1b: {  	s15 =	smov.u32 @p2 s13;
	p2 =	sne.s32 s12, s10  }
.Ltmp1:
0x1c: {  	p1 =	slt.u32 s12, $0x2;
	(pc) =	sbr.rel @!p2 .LBB2_10-.Ltmp1, $4  }
0x1d: {  	s14 =	simm.s32 @!p1 $0x3  }
0x1e: {  	s16 =	sadd.s32 $0x1, s12;
	_ =	swait.ge @!p1 [sflag:s14], $0xA000  }
0x1f: {  	p0 =	por !p0, !p0;
	s13 =	smov.u32 s11;
	[sflag:s14] =	ssyncset.done @!p1 $0x0  }
0x20: {  	s12 =	smov.u32 s16;
	s11 =	smov.u32 s15;
	[sflag:s14] =	ssyncadd.s32 @!p1 $0xFFFF6000  }
.LBB2_1:
0x21: {  	p1 =	sge.u32 s12, s8  }
0x22: {  	s14 =	sxor.u32 @!p1 $0xFFFFFFFF, s12  }
0x23: {  	s14 =	sand.u32 @!p1 $0x1, s14  }
0x24: {  	s14 =	smul.u32 @!p1 $0x280, s14  }
0x25: {  	s31 =	sadd.s32 $0xFFFFFFFF, s12;
	s15 =	sshrl.u32 @!p1 s11, $0x3  }
0x26: {  	s16 =	sand.u32 @!p1 $0x7, s11;
	s15 =	sadd.s32 @!p1 s5, s15;
	s14 =	sshrl.u32 @!p1 s14, $0x2  }
0x27: {  	[tilespmem:s14], [sflag:$0x2] =	stream.linear.gather @!p1 [hbm4b:s15+s16], $0xA0, $0x38;
	[tilespmem:$0x14140] =	vst v63  }
0x28: {  	p1 =	sge.u32 s31, s8  }
.Ltmp2:
0x29: {  	_ = 	snop;
	(pc) =	sbr.rel @p1 .LBB2_9-.Ltmp2, $1  }
0x2a: {  	_ =	sdelay $0x3  }
0x2b: {  	s14 =	simm.s32 $0x1;
	s15 =	sand.u32 $0x1, s12  }
0x2c: {  	s14 =	simm.s32 @!p0 $0x0;
	s16 =	smul.u32 $0x28000, s15  }
0x2d: {  	_ =	swait.ge [sflag:s7], $0xA0;
	s14 =	smul.u32 $0x28000, s14  }
0x2e: {  	s17 =	simm.s32 $0x0;
	[sflag:s7] =	ssyncset.done $0x0;
	s15 =	smul.u32 $0x280, s15  }
0x2f: {  	[sflag:s7] =	ssyncadd.s32 $0xFFFFFF60;
	s16 =	sshrl.u32 s16, $0x2;
	s14 =	sshrl.u32 s14, $0x2  }
0x30: {  	s15 =	sshrl.u32 s15, $0x2;
	s16 =	sor.u32 $0x140, s16;
	s14 =	sor.u32 $0x140, s14  }
.LBB2_3:
0x31: {  	s18 =	sshll.u32 s17, $0x4  }
0x32: {  	s18 =	sand.u32 $0x3FFFFFF0, s18  }
0x33: {  	s18 =	sadd.s32 s18, s15  }
0x34: {  	v0 =	vld.msk [tilespmem:s18+$0x0 ss:$0x1], $0xffff;
	_ =	sdelay $0x4  }
0x35: {  	vm2 =	vgt.s32 v0, $0x0  }
0x36: {  	v0 =	vnsel vm2, $0x0, v0  }
0x37: {  	v0 =	vmin.u32 v0, $0x1869F  }
0x38: {  	s31 =	sshll.u32 s17, $0xC;
	v1 =	vshll.u32 v0, $0x5;
	v0 =	vshll.u32 v0, $0x4  }
0x39: {  	s18 =	sand.u32 $0x3FFFF000, s31;
	v1 =	vand.u32 $0x3FFF00, v1;
	v0 =	vand.u32 $0x70, v0  }
0x3a: {  	p1 =	por $0x1, $0x1;
	s19 =	simm.s32 $0x0;
	s18 =	sadd.s32 s18, s16;
	v0 =	vor.u32 v0, v1  }
.LBB2_4:
0x3b: {  	_ =	sdelay $0x1  }
0x3c: {  	s19 =	sshra.s32 s19, $0x2;
	p2 =	por p1, p1  }
.Ltmp3:
0x3d: {  	s19 =	sadd.s32 s19, s18;
	(pc) =	sbr.rel @p2 .LBB2_4-.Ltmp3, $4  }
0x3e: {  	[tilespmem:s19], [sflag:$0x1] =	stream.indirect_vreg.gather [hbm:s4], $0x80, v0, vm0, $0x38;
	[tilespmem:$0x14140] =	vst v63  }
0x3f: {  	s19 =	sadd.s32 $0x800, s19  }
0x40: {  	[tilespmem:s19], [sflag:$0x1] =	stream.indirect_vreg.gather [hbm:s4], $0x80, v0, vm1, $0x38;
	[tilespmem:$0x14140] =	vst v63  }
0x41: {  	p1 =	por $0x0, $0x0;
	v0 =	vadd.s32 $0x80, v0;
	s19 =	simm.s32 $0x1000  }
0x42: {  	s17 =	sadd.s32 $0x1, s17  }
0x43: {  	p1 =	sne.s32 s17, $0xA  }
.Ltmp4:
0x44: {  	_ = 	snop;
	(pc) =	sbr.rel @p1 .LBB2_3-.Ltmp4, $1  }
0x45: {  	_ =	sdelay $0x3  }
0x46: {  	s15 =	sshll.u32 s13, $0x5  }
0x47: {  	s31 =	sshll.u32 s13, $0x4;
	s15 =	sand.u32 $0xFFFFFF00, s15  }
0x48: {  	_ =	swait.ge [sflag:s6], $0xA000;
	s13 =	sand.u32 $0x70, s31;
	s15 =	sadd.s32 s15, s9  }
0x49: {  	s16 =	sadd.s32 $0x800, s14;
	[sflag:s6] =	ssyncset.done $0x0;
	s13 =	sadd.s32 s13, s15  }
0x4a: {  	[sflag:s6] =	ssyncadd.s32 $0xFFFF6000;
	s15 =	simm.s32 $0x100;
	s17 =	sadd.s32 $0x0, s13  }
.LBB2_7:
0x4b: {  	[hbm:s17] =	stream.linear.scatter [tilespmem:s14], [sflag:$0x3], $0x800, $0x38;
	[tilespmem:$0x14140] =	vst v63  }
0x4c: {  	s17 =	smov.u32 s15;
	s14 =	smov.u32 s16;
	p1 =	sne.s32 s15, $0x1300  }
.Ltmp5:
0x4d: {  	s15 =	sadd.s32 $0x100, s15;
	(pc) =	sbr.rel @p1 .LBB2_7-.Ltmp5, $2  }
0x4e: {  	_ =	sdelay $0x2  }
0x4f: {  	s16 =	sadd.s32 $0x800, s16;
	s17 =	sadd.s32 s17, s13  }
.Ltmp6:
0x50: {  	_ = 	snop;
	(pc) =	sbr.rel .LBB2_8-.Ltmp6, $1  }
0x51: {  	_ =	sdelay $0x3  }
.LBB2_10:
0x52: {  	_ =	sfence.sel $0x180000  }
0x53: {  	s1 =	simm.s32 $0x2;
	[bflag:$0x0] =	sbarrier.arrive $0xFFFF  }
0x54: {  	s30 =	simm.s32 $0x3;
	[sflag:s1] =	ssyncpa.u1 $0x1  }
0x55: {  	s31 =	simm.s32 $0x1;
	[sflag:s30] =	ssyncpa.u1 $0x1  }
0x56: {  	[sflag:s31] =	ssyncpa.u1 $0x1  }
0x57: {  	p0 =	sne.s32 s0, $0x0;
	_ =	strace $0x90000047  }
0x58: {  	s0 =	sadd.s32 @!p0 $0x100000, s2;
	[bflag:$0x2] =	sbarrier.arrive $0xFFFF  }
0x59: {  	[sflag:s0] =	ssyncadd.tile.s32 @!p0 $0x1;
	_ =	shalt  }
.Lfunc_end2:
_tile_overlayer_lowered:
.L_overlay_start_2:
0x5a: {  	(tag) =	ssettag $0x2  }
0x5b: {  	s0 =	rddreg [dreg:$0x0];
	s2 =	stileid.u32  }
0x5c: {  	s1 =	rddreg [dreg:$0x1];
	p0 =	sne.s32 s2, $0x0  }
0x5d: {  	s3 =	rddreg [dreg:$0x2];
	[bflag:$0x3] =	sbarrier.arrive $0xFFFF;
	s2 =	simm.s32 @!p0 $0x1C01  }
0x5e: {  	[timem:s3], [sflag:s2] =	dma.local @!p0 [hbm:s0], s1  }
0x5f: {  	s0 =	simm.s32 @!p0 $0x1  }
0x60: {  	_ =	swait.ge @!p0 [sflag:s0], s1  }
0x61: {  	s1 =	ssub.s32 @!p0 $0x0, s1;
	[sflag:s0] =	ssyncset.done @!p0 $0x0  }
0x62: {  	[sflag:s0] =	ssyncadd.s32 @!p0 s1  }
0x63: {  	[bflag:$0x3] =	sbarrier.arrive $0xFFFF  }
0x64: {  	_ =	shalt  }

// kernel: kernel.10.cloned.1.call-start
scs
__scs_entry_jumppad:
0x0: {  	(pc) =	sbr.rel $0x88, $3  }
0x1: {  	(tag) =	ssettag $0x0;
	lr =	simm.s32 $0x1  }
0x2: {  	[smem:$0x3F83] =	sst lr;
	_ =	strace $0xD0000000  }
0x3: {  	_ = 	snop  }
0x4: {  	_ = 	snop  }
0x5: {  	_ = 	snop  }
0x6: {  	_ = 	snop  }
0x7: {  	_ = 	snop  }
__scs_overlays_trampoline_lowered:
0x8: {  	[smem:$0x3F92] =	sst s0  }
0x9: {  	[smem:$0x3F93] =	sst s1  }
0xa: {  	[smem:$0x3F94] =	sst s2  }
0xb: {  	[smem:$0x3F95] =	sst s3  }
0xc: {  	[smem:$0x3F96] =	sst s4  }
0xd: {  	[smem:$0x3F97] =	sst s5  }
0xe: {  	[smem:$0x3F98] =	sst s6  }
0xf: {  	[smem:$0x3F99] =	sst s7  }
0x10: {  	[smem:$0x3F9A] =	sst s8  }
0x11: {  	[smem:$0x3F9B] =	sst s9;
	s0 =	simm.s32 @!p0 $0x0  }
0x12: {  	s1 =	sld [smem:$0x3F81];
	s0 =	simm.s32 @p0 $0x1  }
0x13: {  	[smem:$0x3F9C] =	sst s0;
	s0 =	simm.s32 @!p1 $0x0  }
0x14: {  	s2 =	sld [smem:$0x3F80];
	s0 =	simm.s32 @p1 $0x1  }
0x15: {  	[smem:$0x3F9D] =	sst s0;
	s0 =	simm.s32 @!p2 $0x0  }
0x16: {  	s3 =	sld [smem:$0x3FDB];
	s0 =	simm.s32 @p2 $0x1  }
0x17: {  	s4 =	simm.s32 $0x1BF5;
	[smem:$0x3F9F] =	sst s0  }
0x18: {  	s0 =	sld [smem:$0x3F82];
	_ =	swait.ge [sflag:s4], $0x0  }
0x19: {  	s7 =	sld [smem:$0x3F83]  }
0x1a: {  	s8 =	sadd.s32 $0xFFFFE003, lr  }
0x1b: {  	s9 =	sadd.s32 $0xFFFFFEF7, lr;
	s5 =	simm.s32 $0xFFFFFFFF;
	p2 =	slt.u32 s8, $0xFFFFF086  }
0x1c: {  	p1 =	slt.u32 s9, $0xF7A;
	s5 =	simm.s32 @!p2 $0x0  }
0x1d: {  	s5 =	simm.s32 @p1 $0x1;
	p0 =	seq.s32 s7, s2  }
0x1e: {  	s7 =	smul.u32 @!p0 $0xF7A, s2;
	p2 =	seq.s32 @!p0 s5, $0x0  }
0x1f: {  	s9 =	smul.u32 $0xF7A, s1;
	s8 =	simm.s32 @!p0 $0x1BF5;
	p2 =	por !p2, p0  }
0x20: {  	[sflag:s8] =	ssyncset.s32 @!p0 $0xFFFFF086;
	s6 =	sadd.s32 @!p0 s3, s7;
	s7 =	simm.s32 @!p0 $0x108  }
0x21: {  	s3 =	sadd.s32 s3, s9;
	s6 =	sadd.s32 @!p0 $0x88, s6;
	s7 =	simm.s32 @p2 $0x1082  }
0x22: {  	[simem:s7], [sflag:s8] =	dma.local @!p0 [hbm:s6], $0xF7A  }
0x23: {  	s9 =	sor.u32 $0xD0000000, s2;
	s6 =	simm.s32 $0x108;
	_ =	swait.ge @!p0 [sflag:s8], $0x0  }
0x24: {  	s3 =	sadd.s32 $0x88, s3;
	s6 =	simm.s32 @!p1 $0x1082;
	[sflag:s4] =	ssyncset.s32 $0xFFFFF086  }
0x25: {  	[simem:s6], [sflag:s4] =	dma.local [hbm:s3], $0xF7A  }
0x26: {  	[smem:$0x3F83] =	sst s1;
	(tag) =	ssettag s2;
	_ =	strace s9  }
0x27: {  	s1 =	sld [smem:$0x3F93]  }
0x28: {  	s2 =	sld [smem:$0x3F94]  }
0x29: {  	s4 =	sld [smem:$0x3F96]  }
0x2a: {  	p0 =	seq.s32 s5, $0x0;
	s5 =	sld [smem:$0x3F97]  }
0x2b: {  	s6 =	sld [smem:$0x3F98]  }
0x2c: {  	s7 =	sld [smem:$0x3F99]  }
0x2d: {  	s3 =	simm.s32 $0x108;
	s8 =	sld [smem:$0x3F9A]  }
0x2e: {  	s3 =	simm.s32 @!p0 $0x1082;
	s9 =	sld [smem:$0x3F9B]  }
0x2f: {  	lr =	sadd.s32 s0, s3;
	s0 =	sld [smem:$0x3F92]  }
0x30: {  	s3 =	sld [smem:$0x3F95]  }
0x31: {  	[smem:$0x3F9E] =	sst s10  }
0x32: {  	s10 =	sld [smem:$0x3F9C];
	_ =	sdelay $0x3  }
0x33: {  	p0 =	seq.s32 s10, $0x1;
	s10 =	sld [smem:$0x3F9E];
	_ =	sdelay $0x3  }
0x34: {  	[smem:$0x3F9E] =	sst s10  }
0x35: {  	s10 =	sld [smem:$0x3F9D];
	_ =	sdelay $0x3  }
0x36: {  	p1 =	seq.s32 s10, $0x1;
	s10 =	sld [smem:$0x3F9E];
	_ =	sdelay $0x3  }
0x37: {  	[smem:$0x3F9E] =	sst s10  }
0x38: {  	s10 =	sld [smem:$0x3F9F]  }
0x39: {  	_ = 	snop;
	(pc) =	sbr.ind lr, $3  }
0x3a: {  	_ = 	snop  }
0x3b: {  	_ = 	snop  }
0x3c: {  	p2 =	seq.s32 s10, $0x1;
	s10 =	sld [smem:$0x3F9E]  }
0x3d: {  	_ =	shalt  }
0x3e: {  	_ =	shalt  }
0x3f: {  	_ =	shalt  }
0x40: {  	_ =	shalt  }
0x41: {  	_ =	shalt  }
0x42: {  	_ =	shalt  }
0x43: {  	_ =	shalt  }
0x44: {  	_ =	shalt  }
0x45: {  	_ =	shalt  }
0x46: {  	_ =	shalt  }
0x47: {  	_ =	shalt  }
0x48: {  	_ =	shalt  }
0x49: {  	_ =	shalt  }
0x4a: {  	_ =	shalt  }
0x4b: {  	_ =	shalt  }
0x4c: {  	_ =	shalt  }
0x4d: {  	_ =	shalt  }
0x4e: {  	_ =	shalt  }
0x4f: {  	_ =	shalt  }
0x50: {  	_ =	shalt  }
0x51: {  	_ =	shalt  }
0x52: {  	_ =	shalt  }
0x53: {  	_ =	shalt  }
0x54: {  	_ =	shalt  }
0x55: {  	_ =	shalt  }
0x56: {  	_ =	shalt  }
0x57: {  	_ =	shalt  }
0x58: {  	_ =	shalt  }
0x59: {  	_ =	shalt  }
0x5a: {  	_ =	shalt  }
0x5b: {  	_ =	shalt  }
0x5c: {  	_ =	shalt  }
0x5d: {  	_ =	shalt  }
0x5e: {  	_ =	shalt  }
0x5f: {  	_ =	shalt  }
0x60: {  	_ =	shalt  }
0x61: {  	_ =	shalt  }
0x62: {  	_ =	shalt  }
0x63: {  	_ =	shalt  }
0x64: {  	_ =	shalt  }
0x65: {  	_ =	shalt  }
0x66: {  	_ =	shalt  }
0x67: {  	_ =	shalt  }
0x68: {  	_ =	shalt  }
0x69: {  	_ =	shalt  }
0x6a: {  	_ =	shalt  }
0x6b: {  	_ =	shalt  }
0x6c: {  	_ =	shalt  }
0x6d: {  	_ =	shalt  }
0x6e: {  	_ =	shalt  }
0x6f: {  	_ =	shalt  }
0x70: {  	_ =	shalt  }
0x71: {  	_ =	shalt  }
0x72: {  	_ =	shalt  }
0x73: {  	_ =	shalt  }
0x74: {  	_ =	shalt  }
0x75: {  	_ =	shalt  }
0x76: {  	_ =	shalt  }
0x77: {  	_ =	shalt  }
0x78: {  	_ =	shalt  }
0x79: {  	_ =	shalt  }
0x7a: {  	_ =	shalt  }
0x7b: {  	_ =	shalt  }
0x7c: {  	_ =	shalt  }
0x7d: {  	_ =	shalt  }
0x7e: {  	_ =	shalt  }
0x7f: {  	_ =	shalt  }
0x80: {  	_ =	shalt  }
0x81: {  	_ =	shalt  }
0x82: {  	_ =	shalt  }
0x83: {  	_ =	shalt  }
0x84: {  	_ =	shalt  }
0x85: {  	_ =	shalt  }
0x86: {  	_ =	shalt  }
0x87: {  	_ =	shalt  }
.Lfunc_end0:
.L_simem_size_0:
called_computation.5_lowered:
.L_overlay_start_0:
0x88: {  	s2 =	sld [smem:$0x3FD9]  }
0x89: {  	s3 =	sld [smem:$0x3FFE];
	_ =	sdelay $0x1  }
0x8a: {  	s1 =	srdreg.scid  }
0x8b: {  	s0 =	sand.u32 $0x1, s1  }
0x8c: {  	s17 =	sshll.u32 s0, $0xA;
	s2 =	sadd.s32 s3, s2  }
0x8d: {  	s2 =	sadd.s32 s2, s17  }
0x8e: {  	[smem:$0x3FAA] =	sst s2  }
0x8f: {  	_ = 	snop  }
0x90: {  	s18 =	sld [smem:$0x3FD0];
	(tm) =	ssettm $0x1  }
0x91: {  	s19 =	sld [smem:$0x3FFB];
	_ =	sdelay $0x3  }
0x92: {  	_ =	strace s19  }
0x93: {  	s2 =	sld [smem:$0x3FFC];
	_ =	sdelay $0x3  }
0x94: {  	_ =	strace s2  }
0x95: {  	s2 =	sld [smem:$0x3FFD];
	_ =	sdelay $0x3  }
0x96: {  	_ =	strace s2  }
0x97: {  	_ =	strace $0x8FFFFFFF  }
0x98: {  	s20 =	sld [smem:$0x3FDB];
	_ =	sdelay $0x1  }
0x99: {  	s4 =	simm.s32 $_scs_section_size  }
0x9a: {  	s5 =	simm.s32 $_size__tile_overlayer_lowered;
	s6 =	simm.s32 $_tile_overlayer_lowered  }
0x9b: {  	s7 =	simm.s32 $0x1BFF;
	s21 =	sshll.u32 s6, $0x1;
	s4 =	sadd.s32 s4, s20  }
0x9c: {  	s22 =	simm.s32 $0x0;
	s5 =	sshll.u32 s5, $0x1;
	s6 =	sadd.s32 s21, s4  }
0x9d: {  	[timem:s22], [sflag:s7] =	dma.local [hbm:s6], s5  }
0x9e: {  	_ =	swait.ge [sflag:s7], s5  }
0x9f: {  	s5 =	ssub.s32 $0x0, s5;
	[sflag:s7] =	ssyncset.done $0x0  }
0xa0: {  	[sflag:s7] =	ssyncadd.s32 s5;
	_ =	sdelay $0x1  }
0xa1: {  	s23 =	simm.s32 $0x1B8B  }
0xa2: {  	_ =	swait.ge [sflag:s23], $0x1  }
0xa3: {  	[sflag:s23] =	ssyncset.done $0x0  }
0xa4: {  	[sflag:s23] =	ssyncadd.s32 $0xFFFFFFFF  }
0xa5: {  	s5 =	sld [smem:$0x0]  }
0xa6: {  	s6 =	sand.u32 $0xFFFFFFFE, s1  }
0xa7: {  	p0 =	sne.s32 s1, s6  }
0xa8: {  	s6 =	sshll.u32 @p0 s6, $0xE  }
0xa9: {  	s6 =	sadd.s32 @p0 $0x11B8D, s6;
	s7 =	sshll.u32 @p0 s5, $0x11  }
0xaa: {  	s6 =	sor.u32 @p0 s7, s6  }
0xab: {  	[sflag:s6] =	ssyncadd.remote.s32 @p0 $0x1;
	_ =	sdelay $0x1  }
0xac: {  	s6 =	simm.s32 @p0 $0x1B8D  }
0xad: {  	_ =	swait.eq @p0 [sflag:s6], $0x1  }
0xae: {  	[sflag:s6] =	ssyncadd.s32 @p0 $0xFFFFFFFF  }
0xaf: {  	s7 =	sshll.u32 @!p0 s1, $0xE  }
0xb0: {  	s7 =	sor.u32 @!p0 $0x4000, s7;
	s6 =	simm.s32 @!p0 $0x1B8D  }
0xb1: {  	s5 =	sshll.u32 @!p0 s5, $0x11;
	s7 =	sadd.s32 @!p0 $0x11B8D, s7;
	_ =	swait.eq @!p0 [sflag:s6], $0x1  }
0xb2: {  	s5 =	sor.u32 @!p0 s5, s7;
	[sflag:s6] =	ssyncadd.s32 @!p0 $0xFFFFFFFF  }
0xb3: {  	s25 =	simm.s32 $0x1B8E;
	s24 =	sld [smem:$0x3FFE];
	[sflag:s5] =	ssyncadd.remote.s32 @!p0 $0x1  }
0xb4: {  	s26 =	simm.s32 $execute0_lowered;
	[smem:$0x3FD2] =	sst s25  }
0xb5: {  	s6 =	sshll.u32 s26, $0x1;
	_ =	strace $0x8000004C;
	[dreg:$0x1] =	wrdreg $0xFFFFFFFF  }
0xb6: {  	s28 =	simm.s32 $_size_execute0_lowered;
	s4 =	sadd.s32 s4, s6;
	[dreg:$0x0] =	wrdreg $0x0  }
0xb7: {  	s6 =	sshll.u32 s28, $0x1;
	[dreg:$0x2] =	wrdreg s4  }
0xb8: {  	[dreg:$0x3] =	wrdreg s6  }
0xb9: {  	[dreg:$0x4] =	wrdreg $0xC0  }
0xba: {  	_ =	task [dreg:s22], $0x5FFFF  }
0xbb: {  	[dreg:$0x1] =	wrdreg $0xFFFFFFFF  }
0xbc: {  	[dreg:$0x0] =	wrdreg $0x60  }
0xbd: {  	[dreg:$0x2] =	wrdreg s24  }
0xbe: {  	[dreg:$0x3] =	wrdreg s18  }
0xbf: {  	[dreg:$0x4] =	wrdreg $0x40000  }
0xc0: {  	[dreg:$0x5] =	wrdreg $0xB  }
0xc1: {  	_ =	task.clear_ibuf [dreg:s22], $0x6FFFF;
	_ =	strace $0x9000004C  }
0xc2: {  	s29 =	simm.s32 $0xB;
	_ =	strace $0x8000004E  }
0xc3: {  	_ =	swait.ge [sflag:s29], $0x1  }
0xc4: {  	[sflag:s29] =	ssyncadd.s32 $0xFFFFFFFF  }
0xc5: {  	_ =	strace $0x9000004E  }
0xc6: {  	_ =	sfence  }
0xc7: {  	s30 =	sld [smem:$0x0];
	_ =	sdelay $0x2  }
0xc8: {  	s31 =	sshll.u32 s1, $0xD;
	s1 =	sshrl.u32 s1, $0x2  }
0xc9: {  	s4 =	sand.u32 $0x4000, s31;
	s1 =	sadd.s32 s1, s30  }
0xca: {  	s0 =	sor.u32 s4, s0;
	s1 =	sshll.u32 s1, $0x11  }
0xcb: {  	s0 =	sor.u32 s1, s0  }
0xcc: {  	s0 =	sadd.s32 $0x8F2B, s0  }
0xcd: {  	[sflag:s0] =	ssyncadd.remote.s32 $0x1  }
0xce: {  	_ =	sfence.sel $0xFFFF  }
0xcf: {  	[dreg:$0x0] =	wrdreg $0xFFFFFFFF;
	(pc) =	sbr.abs _section_cstart, $3  }
0xd0: {  	[dreg:$0x1] =	wrdreg $0xFFFFFFFF  }
0xd1: {  	_ =	task.clear_ibuf [dreg:s22], $0x2FFFF;
	_ =	strace $0x9FFFFFFF  }
0xd2: {  	(tm) =	ssettm $0x7FFFFFFF  }
0xd3: {  	_ =	shalt  }
tec
execute0_lowered:
.L_overlay_start_1:
0x0: {  	(tag) =	ssettag $0x1  }
0x1: {  	s6 =	rddreg [dreg:$0x0]  }
0x2: {  	s1 =	rddreg [dreg:$0x1]  }
0x3: {  	s2 =	rddreg [dreg:$0x2]  }
0x4: {  	s0 =	rddreg [dreg:$0x3];
	s4 =	simm.s32 $0x0  }
0x5: {  	s5 =	srdreg.scid;
	s3 =	stileid.u32;
	s14 =	simm.s32 $0x17C80  }
0x6: {  	s15 =	simm.s32 $0x80;
	s16 =	simm.s32 $0x1;
	s17 =	simm.s32 $0x17D00  }
0x7: {  	s18 =	simm.s32 $0x17D80;
	s19 =	simm.s32 $0x20;
	s8 =	smul.u32 $0x2780, s3  }
0x8: {  	s20 =	simm.s32 $0x0;
	[smem:$0x7FF] =	sst s4;
	s12 =	smul.u32 $0x4F000, s3  }
0x9: {  	s7 =	sand.u32 $0x1, s5;
	s5 =	sadd.s32 $0xDC6400, s6;
	s13 =	smul.u32 $0x9C40, s3  }
0xa: {  	s10 =	sshll.u32 s3, $0x1;
	s11 =	sadd.s32 $0xDB2A00, s6;
	s9 =	smul.u32 $0x27800, s7  }
0xb: {  	s10 =	sor.u32 s7, s10;
	s26 =	ssub.s32 $0x2, s7;
	s7 =	smul.u32 $0x4E20, s7  }
0xc: {  	s30 =	sshll.u32 s3, $0x6;
	_ =	strace $0x8000004D;
	s10 =	smul.u32 $0x4E20, s10  }
0xd: {  	s28 =	sshrl.u32 s26, $0x1;
	s29 =	sshrl.u32 s12, $0x2;
	s8 =	sadd.s32 s8, s9  }
0xe: {  	s9 =	ssub.s32 s26, s28;
	s12 =	sadd.s32 s29, s2;
	s13 =	sadd.s32 s7, s13  }
0xf: {  	s8 =	sadd.s32 s8, s6;
	s10 =	sshrl.u32 s10, $0x3;
	s6 =	sor.u32 $0x1C02, s30  }
0x10: {  	s31 =	sshrl.u32 s13, $0x3;
	s9 =	smax.u32 s9, $0x1;
	s10 =	sadd.s32 s11, s10  }
0x11: {  	s13 =	simm.s32 $0x17C00;
	s8 =	sadd.s32 $0xDED600, s8;
	s7 =	sadd.s32 $0x9C0, s10  }
0x12: {  	s10 =	sadd.s32 s31, s11;
	s11 =	sshrl.u32 s12, $0x3;
	s12 =	simm.s32 $0x2  }
.LBB2_1:
0x13: {  	[spmem:s11], [sflag:s6] =	dma.local [hbm:s1], $0x2780  }
0x14: {  	_ =	swait.ge [sflag:s12], $0x2780  }
0x15: {  	[sflag:s12] =	ssyncset.done $0x0  }
0x16: {  	[sflag:s12] =	ssyncadd.s32 $0xFFFFD880  }
0x17: {  	s21 =	sadd.s32 $0x0, s10;
	[bflag:$0x0] =	sbarrier.arrive $0xFFFF  }
0x18: {  	[tilespmem:s13], [sflag:$0x2] =	stream.linear.gather [hbm4b:s21+s4], $0x80, $0x38;
	[tilespmem:$0x17E00] =	vst v63  }
0x19: {  	_ =	swait.ge [sflag:s12], $0x80  }
0x1a: {  	[sflag:s12] =	ssyncset.done $0x0  }
0x1b: {  	[sflag:s12] =	ssyncadd.s32 $0xFFFFFF80  }
0x1c: {  	[tilespmem:s14], [sflag:$0x2] =	stream.linear.gather [hbm4b:s21+s4], $0x80, $0x38;
	[tilespmem:$0x17E00] =	vst v63  }
0x1d: {  	_ =	swait.ge [sflag:s12], $0x80  }
0x1e: {  	[sflag:s12] =	ssyncset.done $0x0  }
0x1f: {  	[sflag:s12] =	ssyncadd.s32 $0xFFFFFF80  }
0x20: {  	[tilespmem:s4], [sflag:$0x1] =	stream.indirect.gather [hbm4b:s5+s15], $0x80, s13, s15, $0xb8;
	[tilespmem:$0x17E00] =	vst v63  }
0x21: {  	_ =	swait.ge [sflag:s16], $0x4000  }
0x22: {  	[sflag:s16] =	ssyncset.done $0x0  }
0x23: {  	[sflag:s16] =	ssyncadd.s32 $0xFFFFC000  }
0x24: {  	[spmem:s2] =	stream.indirect.scatter.add.f32 [tilespmem:s4], [sflag:$0x2], $0x80, s14, s15, $0xb8;
	[tilespmem:$0x17E00] =	vst v63  }
0x25: {  	_ =	swait.ge [sflag:s12], $0x4000  }
0x26: {  	s22 =	simm.s32 $0x20;
	s21 =	simm.s32 $0x10;
	[sflag:s12] =	ssyncset.done $0x0  }
.LBB2_2:
0x27: {  	s23 =	sadd.s32 s21, s10  }
0x28: {  	[sflag:s12] =	ssyncadd.s32 $0xFFFFC000;
	s21 =	smov.u32 s22;
	s24 =	sadd.s32 $0x10, s22  }
0x29: {  	[tilespmem:s13], [sflag:$0x2] =	stream.linear.gather [hbm4b:s23+s4], $0x80, $0x38;
	[tilespmem:$0x17E00] =	vst v63  }
0x2a: {  	p0 =	sne.s32 s22, $0x9B0;
	_ =	swait.ge [sflag:s12], $0x80  }
0x2b: {  	[sflag:s12] =	ssyncset.done $0x0  }
0x2c: {  	[sflag:s12] =	ssyncadd.s32 $0xFFFFFF80  }
0x2d: {  	[tilespmem:s14], [sflag:$0x2] =	stream.linear.gather [hbm4b:s23+s4], $0x80, $0x38;
	[tilespmem:$0x17E00] =	vst v63  }
0x2e: {  	_ =	swait.ge [sflag:s12], $0x80  }
0x2f: {  	[sflag:s12] =	ssyncset.done $0x0  }
0x30: {  	[sflag:s12] =	ssyncadd.s32 $0xFFFFFF80  }
0x31: {  	[tilespmem:s4], [sflag:$0x1] =	stream.indirect.gather [hbm4b:s5+s15], $0x80, s13, s15, $0xb8;
	[tilespmem:$0x17E00] =	vst v63  }
0x32: {  	_ =	swait.ge [sflag:s16], $0x4000  }
.Ltmp0:
0x33: {  	[sflag:s16] =	ssyncset.done $0x0;
	(pc) =	sbr.rel @p0 .LBB2_2-.Ltmp0, $4  }
0x34: {  	[sflag:s16] =	ssyncadd.s32 $0xFFFFC000  }
0x35: {  	[spmem:s2] =	stream.indirect.scatter.add.f32 [tilespmem:s4], [sflag:$0x2], $0x80, s14, s15, $0xb8;
	[tilespmem:$0x17E00] =	vst v63  }
0x36: {  	_ =	swait.ge [sflag:s12], $0x4000  }
0x37: {  	s22 =	smov.u32 s24;
	[sflag:s12] =	ssyncset.done $0x0  }
0x38: {  	s21 =	sadd.s32 s21, s10;
	[sflag:s12] =	ssyncadd.s32 $0xFFFFC000  }
0x39: {  	[tilespmem:s13], [sflag:$0x2] =	stream.linear.gather [hbm4b:s21+s4], $0x80, $0x38;
	[tilespmem:$0x17E00] =	vst v63  }
0x3a: {  	_ =	swait.ge [sflag:s12], $0x80  }
0x3b: {  	[sflag:s12] =	ssyncset.done $0x0  }
0x3c: {  	[sflag:s12] =	ssyncadd.s32 $0xFFFFFF80  }
0x3d: {  	[tilespmem:s14], [sflag:$0x2] =	stream.linear.gather [hbm4b:s21+s4], $0x80, $0x38;
	[tilespmem:$0x17E00] =	vst v63  }
0x3e: {  	_ =	swait.ge [sflag:s12], $0x80  }
0x3f: {  	[sflag:s12] =	ssyncset.done $0x0  }
0x40: {  	[sflag:s12] =	ssyncadd.s32 $0xFFFFFF80  }
0x41: {  	[tilespmem:s4], [sflag:$0x1] =	stream.indirect.gather [hbm4b:s5+s15], $0x80, s13, s15, $0xb8;
	[tilespmem:$0x17E00] =	vst v63  }
0x42: {  	_ =	swait.ge [sflag:s16], $0x4000  }
0x43: {  	[sflag:s16] =	ssyncset.done $0x0  }
0x44: {  	[sflag:s16] =	ssyncadd.s32 $0xFFFFC000  }
0x45: {  	[spmem:s2] =	stream.indirect.scatter.add.f32 [tilespmem:s4], [sflag:$0x2], $0x80, s14, s15, $0xb8;
	[tilespmem:$0x17E00] =	vst v63  }
0x46: {  	_ =	swait.ge [sflag:s12], $0x4000  }
0x47: {  	[sflag:s12] =	ssyncset.done $0x0  }
0x48: {  	[sflag:s12] =	ssyncadd.s32 $0xFFFFC000  }
0x49: {  	[tilespmem:s17], [sflag:$0x2] =	stream.linear.gather [hbm4b:s7+s4], $0x20, $0x38;
	[tilespmem:$0x17E00] =	vst v63  }
0x4a: {  	_ =	swait.ge [sflag:s12], $0x20  }
0x4b: {  	[sflag:s12] =	ssyncset.done $0x0  }
0x4c: {  	[sflag:s12] =	ssyncadd.s32 $0xFFFFFFE0  }
0x4d: {  	[tilespmem:s18], [sflag:$0x2] =	stream.linear.gather [hbm4b:s7+s4], $0x20, $0x38;
	[tilespmem:$0x17E00] =	vst v63  }
0x4e: {  	_ =	swait.ge [sflag:s12], $0x20  }
0x4f: {  	[sflag:s12] =	ssyncset.done $0x0  }
0x50: {  	[sflag:s12] =	ssyncadd.s32 $0xFFFFFFE0  }
0x51: {  	[tilespmem:s4], [sflag:$0x1] =	stream.indirect.gather [hbm4b:s5+s19], $0x80, s17, s19, $0xb8;
	[tilespmem:$0x17E00] =	vst v63  }
0x52: {  	_ =	swait.ge [sflag:s16], $0x1000  }
0x53: {  	[sflag:s16] =	ssyncset.done $0x0  }
0x54: {  	[sflag:s16] =	ssyncadd.s32 $0xFFFFF000  }
0x55: {  	[spmem:s2] =	stream.indirect.scatter.add.f32 [tilespmem:s4], [sflag:$0x2], $0x80, s18, s19, $0xb8;
	[tilespmem:$0x17E00] =	vst v63  }
0x56: {  	_ =	swait.ge [sflag:s12], $0x1000  }
0x57: {  	s20 =	sadd.s32 $0x1, s20;
	[sflag:s12] =	ssyncset.done $0x0  }
0x58: {  	p0 =	sne.s32 s20, s9;
	[sflag:s12] =	ssyncadd.s32 $0xFFFFF000  }
.Ltmp1:
0x59: {  	[bflag:$0x0] =	sbarrier.arrive $0xFFFF;
	(pc) =	sbr.rel @p0 .LBB2_1-.Ltmp1, $4  }
0x5a: {  	[hbm:s8], [sflag:s6] =	dma.local [spmem:s11], $0x2780  }
0x5b: {  	_ =	swait.ge [sflag:s12], $0x2780  }
0x5c: {  	[sflag:s12] =	ssyncset.done $0x0  }
0x5d: {  	[sflag:s12] =	ssyncadd.s32 $0xFFFFD880  }
0x5e: {  	_ =	sfence.sel $0x180000  }
0x5f: {  	[bflag:$0x0] =	sbarrier.arrive $0xFFFF  }
0x60: {  	p0 =	sne.s32 s3, $0x0;
	_ =	strace $0x9000004D  }
0x61: {  	s0 =	sadd.s32 @!p0 $0x100000, s0;
	[bflag:$0x2] =	sbarrier.arrive $0xFFFF  }
0x62: {  	[sflag:s0] =	ssyncadd.tile.s32 @!p0 $0x1;
	_ =	shalt  }
.Lfunc_end2:
_tile_overlayer_lowered:
.L_overlay_start_2:
0x63: {  	(tag) =	ssettag $0x2  }
0x64: {  	s0 =	rddreg [dreg:$0x0];
	s2 =	stileid.u32  }
0x65: {  	s1 =	rddreg [dreg:$0x1];
	p0 =	sne.s32 s2, $0x0  }
0x66: {  	s3 =	rddreg [dreg:$0x2];
	[bflag:$0x3] =	sbarrier.arrive $0xFFFF;
	s2 =	simm.s32 @!p0 $0x1C02  }
0x67: {  	[timem:s3], [sflag:s2] =	dma.local @!p0 [hbm:s0], s1  }
0x68: {  	s0 =	simm.s32 @!p0 $0x2  }
0x69: {  	_ =	swait.ge @!p0 [sflag:s0], s1  }
0x6a: {  	s1 =	ssub.s32 @!p0 $0x0, s1;
	[sflag:s0] =	ssyncset.done @!p0 $0x0  }
0x6b: {  	[sflag:s0] =	ssyncadd.s32 @!p0 s1  }
0x6c: {  	[bflag:$0x3] =	sbarrier.arrive $0xFFFF  }
0x6d: {  	_ =	shalt  }

// kernel: kernel.13.cloned.1.call-start
scs
__scs_entry_jumppad:
0x0: {  	(pc) =	sbr.rel $0x88, $3  }
0x1: {  	(tag) =	ssettag $0x0;
	lr =	simm.s32 $0x1  }
0x2: {  	[smem:$0x3F83] =	sst lr;
	_ =	strace $0xD0000000  }
0x3: {  	_ = 	snop  }
0x4: {  	_ = 	snop  }
0x5: {  	_ = 	snop  }
0x6: {  	_ = 	snop  }
0x7: {  	_ = 	snop  }
__scs_overlays_trampoline_lowered:
0x8: {  	[smem:$0x3F92] =	sst s0  }
0x9: {  	[smem:$0x3F93] =	sst s1  }
0xa: {  	[smem:$0x3F94] =	sst s2  }
0xb: {  	[smem:$0x3F95] =	sst s3  }
0xc: {  	[smem:$0x3F96] =	sst s4  }
0xd: {  	[smem:$0x3F97] =	sst s5  }
0xe: {  	[smem:$0x3F98] =	sst s6  }
0xf: {  	[smem:$0x3F99] =	sst s7  }
0x10: {  	[smem:$0x3F9A] =	sst s8  }
0x11: {  	[smem:$0x3F9B] =	sst s9;
	s0 =	simm.s32 @!p0 $0x0  }
0x12: {  	s1 =	sld [smem:$0x3F81];
	s0 =	simm.s32 @p0 $0x1  }
0x13: {  	[smem:$0x3F9C] =	sst s0;
	s0 =	simm.s32 @!p1 $0x0  }
0x14: {  	s2 =	sld [smem:$0x3F80];
	s0 =	simm.s32 @p1 $0x1  }
0x15: {  	[smem:$0x3F9D] =	sst s0;
	s0 =	simm.s32 @!p2 $0x0  }
0x16: {  	s3 =	sld [smem:$0x3FDB];
	s0 =	simm.s32 @p2 $0x1  }
0x17: {  	s4 =	simm.s32 $0x1BF5;
	[smem:$0x3F9F] =	sst s0  }
0x18: {  	s0 =	sld [smem:$0x3F82];
	_ =	swait.ge [sflag:s4], $0x0  }
0x19: {  	s7 =	sld [smem:$0x3F83]  }
0x1a: {  	s8 =	sadd.s32 $0xFFFFE003, lr  }
0x1b: {  	s9 =	sadd.s32 $0xFFFFFEF7, lr;
	s5 =	simm.s32 $0xFFFFFFFF;
	p2 =	slt.u32 s8, $0xFFFFF086  }
0x1c: {  	p1 =	slt.u32 s9, $0xF7A;
	s5 =	simm.s32 @!p2 $0x0  }
0x1d: {  	s5 =	simm.s32 @p1 $0x1;
	p0 =	seq.s32 s7, s2  }
0x1e: {  	s7 =	smul.u32 @!p0 $0xF7A, s2;
	p2 =	seq.s32 @!p0 s5, $0x0  }
0x1f: {  	s9 =	smul.u32 $0xF7A, s1;
	s8 =	simm.s32 @!p0 $0x1BF5;
	p2 =	por !p2, p0  }
0x20: {  	[sflag:s8] =	ssyncset.s32 @!p0 $0xFFFFF086;
	s6 =	sadd.s32 @!p0 s3, s7;
	s7 =	simm.s32 @!p0 $0x108  }
0x21: {  	s3 =	sadd.s32 s3, s9;
	s6 =	sadd.s32 @!p0 $0x88, s6;
	s7 =	simm.s32 @p2 $0x1082  }
0x22: {  	[simem:s7], [sflag:s8] =	dma.local @!p0 [hbm:s6], $0xF7A  }
0x23: {  	s9 =	sor.u32 $0xD0000000, s2;
	s6 =	simm.s32 $0x108;
	_ =	swait.ge @!p0 [sflag:s8], $0x0  }
0x24: {  	s3 =	sadd.s32 $0x88, s3;
	s6 =	simm.s32 @!p1 $0x1082;
	[sflag:s4] =	ssyncset.s32 $0xFFFFF086  }
0x25: {  	[simem:s6], [sflag:s4] =	dma.local [hbm:s3], $0xF7A  }
0x26: {  	[smem:$0x3F83] =	sst s1;
	(tag) =	ssettag s2;
	_ =	strace s9  }
0x27: {  	s1 =	sld [smem:$0x3F93]  }
0x28: {  	s2 =	sld [smem:$0x3F94]  }
0x29: {  	s4 =	sld [smem:$0x3F96]  }
0x2a: {  	p0 =	seq.s32 s5, $0x0;
	s5 =	sld [smem:$0x3F97]  }
0x2b: {  	s6 =	sld [smem:$0x3F98]  }
0x2c: {  	s7 =	sld [smem:$0x3F99]  }
0x2d: {  	s3 =	simm.s32 $0x108;
	s8 =	sld [smem:$0x3F9A]  }
0x2e: {  	s3 =	simm.s32 @!p0 $0x1082;
	s9 =	sld [smem:$0x3F9B]  }
0x2f: {  	lr =	sadd.s32 s0, s3;
	s0 =	sld [smem:$0x3F92]  }
0x30: {  	s3 =	sld [smem:$0x3F95]  }
0x31: {  	[smem:$0x3F9E] =	sst s10  }
0x32: {  	s10 =	sld [smem:$0x3F9C];
	_ =	sdelay $0x3  }
0x33: {  	p0 =	seq.s32 s10, $0x1;
	s10 =	sld [smem:$0x3F9E];
	_ =	sdelay $0x3  }
0x34: {  	[smem:$0x3F9E] =	sst s10  }
0x35: {  	s10 =	sld [smem:$0x3F9D];
	_ =	sdelay $0x3  }
0x36: {  	p1 =	seq.s32 s10, $0x1;
	s10 =	sld [smem:$0x3F9E];
	_ =	sdelay $0x3  }
0x37: {  	[smem:$0x3F9E] =	sst s10  }
0x38: {  	s10 =	sld [smem:$0x3F9F]  }
0x39: {  	_ = 	snop;
	(pc) =	sbr.ind lr, $3  }
0x3a: {  	_ = 	snop  }
0x3b: {  	_ = 	snop  }
0x3c: {  	p2 =	seq.s32 s10, $0x1;
	s10 =	sld [smem:$0x3F9E]  }
0x3d: {  	_ =	shalt  }
0x3e: {  	_ =	shalt  }
0x3f: {  	_ =	shalt  }
0x40: {  	_ =	shalt  }
0x41: {  	_ =	shalt  }
0x42: {  	_ =	shalt  }
0x43: {  	_ =	shalt  }
0x44: {  	_ =	shalt  }
0x45: {  	_ =	shalt  }
0x46: {  	_ =	shalt  }
0x47: {  	_ =	shalt  }
0x48: {  	_ =	shalt  }
0x49: {  	_ =	shalt  }
0x4a: {  	_ =	shalt  }
0x4b: {  	_ =	shalt  }
0x4c: {  	_ =	shalt  }
0x4d: {  	_ =	shalt  }
0x4e: {  	_ =	shalt  }
0x4f: {  	_ =	shalt  }
0x50: {  	_ =	shalt  }
0x51: {  	_ =	shalt  }
0x52: {  	_ =	shalt  }
0x53: {  	_ =	shalt  }
0x54: {  	_ =	shalt  }
0x55: {  	_ =	shalt  }
0x56: {  	_ =	shalt  }
0x57: {  	_ =	shalt  }
0x58: {  	_ =	shalt  }
0x59: {  	_ =	shalt  }
0x5a: {  	_ =	shalt  }
0x5b: {  	_ =	shalt  }
0x5c: {  	_ =	shalt  }
0x5d: {  	_ =	shalt  }
0x5e: {  	_ =	shalt  }
0x5f: {  	_ =	shalt  }
0x60: {  	_ =	shalt  }
0x61: {  	_ =	shalt  }
0x62: {  	_ =	shalt  }
0x63: {  	_ =	shalt  }
0x64: {  	_ =	shalt  }
0x65: {  	_ =	shalt  }
0x66: {  	_ =	shalt  }
0x67: {  	_ =	shalt  }
0x68: {  	_ =	shalt  }
0x69: {  	_ =	shalt  }
0x6a: {  	_ =	shalt  }
0x6b: {  	_ =	shalt  }
0x6c: {  	_ =	shalt  }
0x6d: {  	_ =	shalt  }
0x6e: {  	_ =	shalt  }
0x6f: {  	_ =	shalt  }
0x70: {  	_ =	shalt  }
0x71: {  	_ =	shalt  }
0x72: {  	_ =	shalt  }
0x73: {  	_ =	shalt  }
0x74: {  	_ =	shalt  }
0x75: {  	_ =	shalt  }
0x76: {  	_ =	shalt  }
0x77: {  	_ =	shalt  }
0x78: {  	_ =	shalt  }
0x79: {  	_ =	shalt  }
0x7a: {  	_ =	shalt  }
0x7b: {  	_ =	shalt  }
0x7c: {  	_ =	shalt  }
0x7d: {  	_ =	shalt  }
0x7e: {  	_ =	shalt  }
0x7f: {  	_ =	shalt  }
0x80: {  	_ =	shalt  }
0x81: {  	_ =	shalt  }
0x82: {  	_ =	shalt  }
0x83: {  	_ =	shalt  }
0x84: {  	_ =	shalt  }
0x85: {  	_ =	shalt  }
0x86: {  	_ =	shalt  }
0x87: {  	_ =	shalt  }
.Lfunc_end0:
.L_simem_size_0:
called_computation.6_lowered:
.L_overlay_start_0:
0x88: {  	s2 =	sld [smem:$0x3FD9]  }
0x89: {  	s3 =	sld [smem:$0x3FFE];
	_ =	sdelay $0x1  }
0x8a: {  	s1 =	srdreg.scid  }
0x8b: {  	s0 =	sand.u32 $0x1, s1  }
0x8c: {  	s17 =	sshll.u32 s0, $0xA;
	s2 =	sadd.s32 s3, s2  }
0x8d: {  	s2 =	sadd.s32 s2, s17  }
0x8e: {  	[smem:$0x3FAA] =	sst s2  }
0x8f: {  	_ = 	snop  }
0x90: {  	s2 =	sld [smem:$0x3FD0];
	(tm) =	ssettm $0x1  }
0x91: {  	s18 =	sld [smem:$0x3FFB];
	_ =	sdelay $0x3  }
0x92: {  	_ =	strace s18  }
0x93: {  	s3 =	sld [smem:$0x3FFC];
	_ =	sdelay $0x3  }
0x94: {  	_ =	strace s3  }
0x95: {  	s3 =	sld [smem:$0x3FFD];
	_ =	sdelay $0x3  }
0x96: {  	_ =	strace s3  }
0x97: {  	_ =	strace $0x8FFFFFFF  }
0x98: {  	s19 =	sld [smem:$0x3FDB];
	_ =	sdelay $0x1  }
0x99: {  	s4 =	simm.s32 $_scs_section_size  }
0x9a: {  	s5 =	simm.s32 $_size__tile_overlayer_lowered;
	s6 =	simm.s32 $_tile_overlayer_lowered  }
0x9b: {  	s22 =	simm.s32 $0x1BFF;
	s21 =	sshll.u32 s6, $0x1;
	s3 =	sadd.s32 s4, s19  }
0x9c: {  	s7 =	simm.s32 $0x0;
	s20 =	sshll.u32 s5, $0x1;
	s5 =	sadd.s32 s21, s3  }
0x9d: {  	[timem:s7], [sflag:s22] =	dma.local [hbm:s5], s20  }
0x9e: {  	_ =	swait.ge [sflag:s22], s20  }
0x9f: {  	s4 =	ssub.s32 $0x0, s20;
	[sflag:s22] =	ssyncset.done $0x0  }
0xa0: {  	[sflag:s22] =	ssyncadd.s32 s4;
	_ =	sdelay $0x1  }
0xa1: {  	s23 =	simm.s32 $0x1B8B  }
0xa2: {  	_ =	swait.ge [sflag:s23], $0x1  }
0xa3: {  	[sflag:s23] =	ssyncset.done $0x0  }
0xa4: {  	s25 =	simm.s32 $0x1B8E;
	s24 =	sld [smem:$0x3FFE];
	[sflag:s23] =	ssyncadd.s32 $0xFFFFFFFF  }
0xa5: {  	s26 =	simm.s32 $execute0_lowered;
	[smem:$0x3FD2] =	sst s25  }
0xa6: {  	s5 =	sshll.u32 s26, $0x1;
	_ =	strace $0x80000052;
	[dreg:$0x1] =	wrdreg $0xFFFFFFFF  }
0xa7: {  	s28 =	simm.s32 $_size_execute0_lowered;
	s3 =	sadd.s32 s3, s5;
	[dreg:$0x0] =	wrdreg $0x0  }
0xa8: {  	s5 =	sshll.u32 s28, $0x1;
	[dreg:$0x2] =	wrdreg s3  }
0xa9: {  	[dreg:$0x3] =	wrdreg s5  }
0xaa: {  	[dreg:$0x4] =	wrdreg $0xC0  }
0xab: {  	_ =	task [dreg:s7], $0x5FFFF  }
0xac: {  	[dreg:$0x1] =	wrdreg $0xFFFFFFFF  }
0xad: {  	[dreg:$0x0] =	wrdreg $0x60  }
0xae: {  	[dreg:$0x2] =	wrdreg s24  }
0xaf: {  	[dreg:$0x3] =	wrdreg s2  }
0xb0: {  	[dreg:$0x4] =	wrdreg $0x40000  }
0xb1: {  	[dreg:$0x5] =	wrdreg $0x9  }
0xb2: {  	_ =	task.clear_ibuf [dreg:s7], $0x6FFFF;
	_ =	strace $0x90000052  }
0xb3: {  	s29 =	simm.s32 $0x9;
	_ =	strace $0x80000054  }
0xb4: {  	_ =	swait.ge [sflag:s29], $0x1  }
0xb5: {  	[sflag:s29] =	ssyncadd.s32 $0xFFFFFFFF  }
0xb6: {  	_ =	strace $0x90000054  }
0xb7: {  	_ =	sfence  }
0xb8: {  	s30 =	sld [smem:$0x0];
	_ =	sdelay $0x2  }
0xb9: {  	s31 =	sshll.u32 s1, $0xD;
	s1 =	sshrl.u32 s1, $0x2  }
0xba: {  	s3 =	sand.u32 $0x4000, s31;
	s1 =	sadd.s32 s1, s30  }
0xbb: {  	s0 =	sor.u32 s3, s0;
	s1 =	sshll.u32 s1, $0x11  }
0xbc: {  	s0 =	sor.u32 s1, s0  }
0xbd: {  	s0 =	sadd.s32 $0x8F2B, s0  }
0xbe: {  	[sflag:s0] =	ssyncadd.remote.s32 $0x1  }
0xbf: {  	_ =	sfence.sel $0xFFFF  }
0xc0: {  	[dreg:$0x0] =	wrdreg $0xFFFFFFFF;
	(pc) =	sbr.abs _section_cstart, $3  }
0xc1: {  	[dreg:$0x1] =	wrdreg $0xFFFFFFFF  }
0xc2: {  	_ =	task.clear_ibuf [dreg:s7], $0x2FFFF;
	_ =	strace $0x9FFFFFFF  }
0xc3: {  	(tm) =	ssettm $0x7FFFFFFF  }
tec
execute0_lowered:
.L_overlay_start_1:
0x0: {  	(tag) =	ssettag $0x1  }
0x1: {  	s6 =	rddreg [dreg:$0x0]  }
0x2: {  	s2 =	rddreg [dreg:$0x1]  }
0x3: {  	s3 =	rddreg [dreg:$0x2]  }
0x4: {  	s0 =	rddreg [dreg:$0x3];
	s5 =	srdreg.scid  }
0x5: {  	s1 =	stileid.u32;
	s4 =	simm.s32 $0x0;
	s17 =	simm.s32 $0x80  }
0x6: {  	s18 =	simm.s32 $0x1;
	s19 =	simm.s32 $0x17D00;
	s20 =	simm.s32 $0x17D80  }
0x7: {  	s21 =	simm.s32 $0x20;
	s22 =	simm.s32 $0x0;
	s7 =	sand.u32 $0x1, s5  }
0x8: {  	s8 =	smul.u32 $0x2780, s1;
	[smem:$0x7FF] =	sst s4;
	s5 =	sadd.s32 $0x4200, s6  }
0x9: {  	s12 =	sadd.s32 $0xD9F000, s6;
	s11 =	sadd.s32 $0xDB2A00, s6;
	s13 =	smul.u32 $0x4F000, s1  }
0xa: {  	s24 =	sshll.u32 s1, $0x1;
	s29 =	smul.u32 $0x9C40, s1;
	s30 =	sshll.u32 s1, $0x6  }
0xb: {  	s9 =	smul.u32 $0x27800, s7;
	_ =	strace $0x80000053;
	s10 =	ssub.s32 $0x2, s7  }
0xc: {  	s15 =	smul.u32 $0x4E20, s7;
	s25 =	sshrl.u32 s10, $0x1;
	s28 =	sshrl.u32 s13, $0x2  }
0xd: {  	s8 =	sadd.s32 s8, s9;
	s9 =	sor.u32 s7, s24;
	s10 =	ssub.s32 s10, s25  }
0xe: {  	s16 =	sadd.s32 s28, s3;
	s31 =	sadd.s32 s15, s29;
	s26 =	smul.u32 $0x4E20, s9  }
0xf: {  	s15 =	simm.s32 $0x17C00;
	s14 =	sadd.s32 s8, s6;
	s6 =	sor.u32 $0x1C02, s30  }
0x10: {  	s10 =	smax.u32 s10, $0x1;
	s13 =	sshrl.u32 s31, $0x3;
	s8 =	sshrl.u32 s26, $0x3  }
0x11: {  	s9 =	sadd.s32 $0x2B400, s14;
	s14 =	simm.s32 $0x2;
	s8 =	sadd.s32 $0x9C0, s8  }
0x12: {  	s7 =	sadd.s32 s12, s8;
	s8 =	sadd.s32 s11, s8;
	s11 =	sadd.s32 s13, s11  }
0x13: {  	s12 =	sadd.s32 s13, s12;
	s13 =	sshrl.u32 s16, $0x3;
	s16 =	simm.s32 $0x17C80  }
.LBB2_1:
0x14: {  	[spmem:s13], [sflag:s6] =	dma.local [hbm:s2], $0x2780  }
0x15: {  	_ =	swait.ge [sflag:s14], $0x2780  }
0x16: {  	[sflag:s14] =	ssyncset.done $0x0  }
0x17: {  	[sflag:s14] =	ssyncadd.s32 $0xFFFFD880  }
0x18: {  	s23 =	sadd.s32 $0x0, s12;
	[bflag:$0x0] =	sbarrier.arrive $0xFFFF  }
0x19: {  	[tilespmem:s15], [sflag:$0x2] =	stream.linear.gather [hbm4b:s23+s4], $0x80, $0x38;
	[tilespmem:$0x17E00] =	vst v63  }
0x1a: {  	_ =	swait.ge [sflag:s14], $0x80  }
0x1b: {  	[sflag:s14] =	ssyncset.done $0x0  }
0x1c: {  	s31 =	sadd.s32 $0x0, s11;
	[sflag:s14] =	ssyncadd.s32 $0xFFFFFF80  }
0x1d: {  	[tilespmem:s16], [sflag:$0x2] =	stream.linear.gather [hbm4b:s31+s4], $0x80, $0x38;
	[tilespmem:$0x17E00] =	vst v63  }
0x1e: {  	_ =	swait.ge [sflag:s14], $0x80  }
0x1f: {  	[sflag:s14] =	ssyncset.done $0x0  }
0x20: {  	[sflag:s14] =	ssyncadd.s32 $0xFFFFFF80  }
0x21: {  	[tilespmem:s4], [sflag:$0x1] =	stream.indirect.gather [hbm4b:s5+s17], $0x80, s15, s17, $0xb8;
	[tilespmem:$0x17E00] =	vst v63  }
0x22: {  	_ =	swait.ge [sflag:s18], $0x4000  }
0x23: {  	[sflag:s18] =	ssyncset.done $0x0  }
0x24: {  	[sflag:s18] =	ssyncadd.s32 $0xFFFFC000  }
0x25: {  	[spmem:s3] =	stream.indirect.scatter.add.f32 [tilespmem:s4], [sflag:$0x2], $0x80, s16, s17, $0xb8;
	[tilespmem:$0x17E00] =	vst v63  }
0x26: {  	_ =	swait.ge [sflag:s14], $0x4000  }
0x27: {  	s24 =	simm.s32 $0x20;
	s23 =	simm.s32 $0x10;
	[sflag:s14] =	ssyncset.done $0x0  }
.LBB2_2:
0x28: {  	s25 =	sadd.s32 s23, s12  }
0x29: {  	[sflag:s14] =	ssyncadd.s32 $0xFFFFC000;
	s26 =	smov.u32 s24;
	s28 =	sadd.s32 $0x10, s24  }
0x2a: {  	[tilespmem:s15], [sflag:$0x2] =	stream.linear.gather [hbm4b:s25+s4], $0x80, $0x38;
	[tilespmem:$0x17E00] =	vst v63  }
0x2b: {  	p0 =	sne.s32 s24, $0x9B0;
	_ =	swait.ge [sflag:s14], $0x80  }
0x2c: {  	[sflag:s14] =	ssyncset.done $0x0  }
0x2d: {  	s24 =	sadd.s32 s23, s11;
	s23 =	smov.u32 s26;
	[sflag:s14] =	ssyncadd.s32 $0xFFFFFF80  }
0x2e: {  	[tilespmem:s16], [sflag:$0x2] =	stream.linear.gather [hbm4b:s24+s4], $0x80, $0x38;
	[tilespmem:$0x17E00] =	vst v63  }
0x2f: {  	_ =	swait.ge [sflag:s14], $0x80  }
0x30: {  	[sflag:s14] =	ssyncset.done $0x0  }
0x31: {  	[sflag:s14] =	ssyncadd.s32 $0xFFFFFF80  }
0x32: {  	[tilespmem:s4], [sflag:$0x1] =	stream.indirect.gather [hbm4b:s5+s17], $0x80, s15, s17, $0xb8;
	[tilespmem:$0x17E00] =	vst v63  }
0x33: {  	_ =	swait.ge [sflag:s18], $0x4000  }
.Ltmp0:
0x34: {  	[sflag:s18] =	ssyncset.done $0x0;
	(pc) =	sbr.rel @p0 .LBB2_2-.Ltmp0, $4  }
0x35: {  	[sflag:s18] =	ssyncadd.s32 $0xFFFFC000  }
0x36: {  	[spmem:s3] =	stream.indirect.scatter.add.f32 [tilespmem:s4], [sflag:$0x2], $0x80, s16, s17, $0xb8;
	[tilespmem:$0x17E00] =	vst v63  }
0x37: {  	_ =	swait.ge [sflag:s14], $0x4000  }
0x38: {  	s24 =	smov.u32 s28;
	[sflag:s14] =	ssyncset.done $0x0  }
0x39: {  	s24 =	sadd.s32 s23, s12;
	[sflag:s14] =	ssyncadd.s32 $0xFFFFC000  }
0x3a: {  	[tilespmem:s15], [sflag:$0x2] =	stream.linear.gather [hbm4b:s24+s4], $0x80, $0x38;
	[tilespmem:$0x17E00] =	vst v63  }
0x3b: {  	_ =	swait.ge [sflag:s14], $0x80  }
0x3c: {  	[sflag:s14] =	ssyncset.done $0x0  }
0x3d: {  	s31 =	sadd.s32 s23, s11;
	[sflag:s14] =	ssyncadd.s32 $0xFFFFFF80  }
0x3e: {  	[tilespmem:s16], [sflag:$0x2] =	stream.linear.gather [hbm4b:s31+s4], $0x80, $0x38;
	[tilespmem:$0x17E00] =	vst v63  }
0x3f: {  	_ =	swait.ge [sflag:s14], $0x80  }
0x40: {  	[sflag:s14] =	ssyncset.done $0x0  }
0x41: {  	[sflag:s14] =	ssyncadd.s32 $0xFFFFFF80  }
0x42: {  	[tilespmem:s4], [sflag:$0x1] =	stream.indirect.gather [hbm4b:s5+s17], $0x80, s15, s17, $0xb8;
	[tilespmem:$0x17E00] =	vst v63  }
0x43: {  	_ =	swait.ge [sflag:s18], $0x4000  }
0x44: {  	[sflag:s18] =	ssyncset.done $0x0  }
0x45: {  	[sflag:s18] =	ssyncadd.s32 $0xFFFFC000  }
0x46: {  	[spmem:s3] =	stream.indirect.scatter.add.f32 [tilespmem:s4], [sflag:$0x2], $0x80, s16, s17, $0xb8;
	[tilespmem:$0x17E00] =	vst v63  }
0x47: {  	_ =	swait.ge [sflag:s14], $0x4000  }
0x48: {  	[sflag:s14] =	ssyncset.done $0x0  }
0x49: {  	[sflag:s14] =	ssyncadd.s32 $0xFFFFC000  }
0x4a: {  	[tilespmem:s19], [sflag:$0x2] =	stream.linear.gather [hbm4b:s7+s4], $0x20, $0x38;
	[tilespmem:$0x17E00] =	vst v63  }
0x4b: {  	_ =	swait.ge [sflag:s14], $0x20  }
0x4c: {  	[sflag:s14] =	ssyncset.done $0x0  }
0x4d: {  	[sflag:s14] =	ssyncadd.s32 $0xFFFFFFE0  }
0x4e: {  	[tilespmem:s20], [sflag:$0x2] =	stream.linear.gather [hbm4b:s8+s4], $0x20, $0x38;
	[tilespmem:$0x17E00] =	vst v63  }
0x4f: {  	_ =	swait.ge [sflag:s14], $0x20  }
0x50: {  	[sflag:s14] =	ssyncset.done $0x0  }
0x51: {  	[sflag:s14] =	ssyncadd.s32 $0xFFFFFFE0  }
0x52: {  	[tilespmem:s4], [sflag:$0x1] =	stream.indirect.gather [hbm4b:s5+s21], $0x80, s19, s21, $0xb8;
	[tilespmem:$0x17E00] =	vst v63  }
0x53: {  	_ =	swait.ge [sflag:s18], $0x1000  }
0x54: {  	[sflag:s18] =	ssyncset.done $0x0  }
0x55: {  	[sflag:s18] =	ssyncadd.s32 $0xFFFFF000  }
0x56: {  	[spmem:s3] =	stream.indirect.scatter.add.f32 [tilespmem:s4], [sflag:$0x2], $0x80, s20, s21, $0xb8;
	[tilespmem:$0x17E00] =	vst v63  }
0x57: {  	_ =	swait.ge [sflag:s14], $0x1000  }
0x58: {  	s22 =	sadd.s32 $0x1, s22;
	[sflag:s14] =	ssyncset.done $0x0  }
0x59: {  	p0 =	sne.s32 s22, s10;
	[sflag:s14] =	ssyncadd.s32 $0xFFFFF000  }
.Ltmp1:
0x5a: {  	[bflag:$0x0] =	sbarrier.arrive $0xFFFF;
	(pc) =	sbr.rel @p0 .LBB2_1-.Ltmp1, $4  }
0x5b: {  	[hbm:s9], [sflag:s6] =	dma.local [spmem:s13], $0x2780  }
0x5c: {  	_ =	swait.ge [sflag:s14], $0x2780  }
0x5d: {  	[sflag:s14] =	ssyncset.done $0x0  }
0x5e: {  	[sflag:s14] =	ssyncadd.s32 $0xFFFFD880  }
0x5f: {  	_ =	sfence.sel $0x180000  }
0x60: {  	[bflag:$0x0] =	sbarrier.arrive $0xFFFF  }
0x61: {  	p0 =	sne.s32 s1, $0x0;
	_ =	strace $0x90000053  }
0x62: {  	s0 =	sadd.s32 @!p0 $0x100000, s0;
	[bflag:$0x2] =	sbarrier.arrive $0xFFFF  }
0x63: {  	[sflag:s0] =	ssyncadd.tile.s32 @!p0 $0x1;
	_ =	shalt  }
.Lfunc_end2:
_tile_overlayer_lowered:
.L_overlay_start_2:
0x64: {  	(tag) =	ssettag $0x2  }
0x65: {  	s0 =	rddreg [dreg:$0x0];
	s2 =	stileid.u32  }
0x66: {  	s1 =	rddreg [dreg:$0x1];
	p0 =	sne.s32 s2, $0x0  }
0x67: {  	s3 =	rddreg [dreg:$0x2];
	[bflag:$0x3] =	sbarrier.arrive $0xFFFF;
	s2 =	simm.s32 @!p0 $0x1C02  }
0x68: {  	[timem:s3], [sflag:s2] =	dma.local @!p0 [hbm:s0], s1  }
0x69: {  	s0 =	simm.s32 @!p0 $0x2  }
0x6a: {  	_ =	swait.ge @!p0 [sflag:s0], s1  }
0x6b: {  	s1 =	ssub.s32 @!p0 $0x0, s1;
	[sflag:s0] =	ssyncset.done @!p0 $0x0  }
0x6c: {  	[sflag:s0] =	ssyncadd.s32 @!p0 s1  }
0x6d: {  	[bflag:$0x3] =	sbarrier.arrive $0xFFFF  }
0x6e: {  	_ =	shalt  }

// kernel: kernel.16.cloned.1.call-start
scs
__scs_entry_jumppad:
0x0: {  	(pc) =	sbr.rel $0x88, $3  }
0x1: {  	(tag) =	ssettag $0x0;
	lr =	simm.s32 $0x1  }
0x2: {  	[smem:$0x3F83] =	sst lr;
	_ =	strace $0xD0000000  }
0x3: {  	_ = 	snop  }
0x4: {  	_ = 	snop  }
0x5: {  	_ = 	snop  }
0x6: {  	_ = 	snop  }
0x7: {  	_ = 	snop  }
__scs_overlays_trampoline_lowered:
0x8: {  	[smem:$0x3F92] =	sst s0  }
0x9: {  	[smem:$0x3F93] =	sst s1  }
0xa: {  	[smem:$0x3F94] =	sst s2  }
0xb: {  	[smem:$0x3F95] =	sst s3  }
0xc: {  	[smem:$0x3F96] =	sst s4  }
0xd: {  	[smem:$0x3F97] =	sst s5  }
0xe: {  	[smem:$0x3F98] =	sst s6  }
0xf: {  	[smem:$0x3F99] =	sst s7  }
0x10: {  	[smem:$0x3F9A] =	sst s8  }
0x11: {  	[smem:$0x3F9B] =	sst s9;
	s0 =	simm.s32 @!p0 $0x0  }
0x12: {  	s1 =	sld [smem:$0x3F81];
	s0 =	simm.s32 @p0 $0x1  }
0x13: {  	[smem:$0x3F9C] =	sst s0;
	s0 =	simm.s32 @!p1 $0x0  }
0x14: {  	s2 =	sld [smem:$0x3F80];
	s0 =	simm.s32 @p1 $0x1  }
0x15: {  	[smem:$0x3F9D] =	sst s0;
	s0 =	simm.s32 @!p2 $0x0  }
0x16: {  	s3 =	sld [smem:$0x3FDB];
	s0 =	simm.s32 @p2 $0x1  }
0x17: {  	s4 =	simm.s32 $0x1BF5;
	[smem:$0x3F9F] =	sst s0  }
0x18: {  	s0 =	sld [smem:$0x3F82];
	_ =	swait.ge [sflag:s4], $0x0  }
0x19: {  	s7 =	sld [smem:$0x3F83]  }
0x1a: {  	s8 =	sadd.s32 $0xFFFFE003, lr  }
0x1b: {  	s9 =	sadd.s32 $0xFFFFFEF7, lr;
	s5 =	simm.s32 $0xFFFFFFFF;
	p2 =	slt.u32 s8, $0xFFFFF086  }
0x1c: {  	p1 =	slt.u32 s9, $0xF7A;
	s5 =	simm.s32 @!p2 $0x0  }
0x1d: {  	s5 =	simm.s32 @p1 $0x1;
	p0 =	seq.s32 s7, s2  }
0x1e: {  	s7 =	smul.u32 @!p0 $0xF7A, s2;
	p2 =	seq.s32 @!p0 s5, $0x0  }
0x1f: {  	s9 =	smul.u32 $0xF7A, s1;
	s8 =	simm.s32 @!p0 $0x1BF5;
	p2 =	por !p2, p0  }
0x20: {  	[sflag:s8] =	ssyncset.s32 @!p0 $0xFFFFF086;
	s6 =	sadd.s32 @!p0 s3, s7;
	s7 =	simm.s32 @!p0 $0x108  }
0x21: {  	s3 =	sadd.s32 s3, s9;
	s6 =	sadd.s32 @!p0 $0x88, s6;
	s7 =	simm.s32 @p2 $0x1082  }
0x22: {  	[simem:s7], [sflag:s8] =	dma.local @!p0 [hbm:s6], $0xF7A  }
0x23: {  	s9 =	sor.u32 $0xD0000000, s2;
	s6 =	simm.s32 $0x108;
	_ =	swait.ge @!p0 [sflag:s8], $0x0  }
0x24: {  	s3 =	sadd.s32 $0x88, s3;
	s6 =	simm.s32 @!p1 $0x1082;
	[sflag:s4] =	ssyncset.s32 $0xFFFFF086  }
0x25: {  	[simem:s6], [sflag:s4] =	dma.local [hbm:s3], $0xF7A  }
0x26: {  	[smem:$0x3F83] =	sst s1;
	(tag) =	ssettag s2;
	_ =	strace s9  }
0x27: {  	s1 =	sld [smem:$0x3F93]  }
0x28: {  	s2 =	sld [smem:$0x3F94]  }
0x29: {  	s4 =	sld [smem:$0x3F96]  }
0x2a: {  	p0 =	seq.s32 s5, $0x0;
	s5 =	sld [smem:$0x3F97]  }
0x2b: {  	s6 =	sld [smem:$0x3F98]  }
0x2c: {  	s7 =	sld [smem:$0x3F99]  }
0x2d: {  	s3 =	simm.s32 $0x108;
	s8 =	sld [smem:$0x3F9A]  }
0x2e: {  	s3 =	simm.s32 @!p0 $0x1082;
	s9 =	sld [smem:$0x3F9B]  }
0x2f: {  	lr =	sadd.s32 s0, s3;
	s0 =	sld [smem:$0x3F92]  }
0x30: {  	s3 =	sld [smem:$0x3F95]  }
0x31: {  	[smem:$0x3F9E] =	sst s10  }
0x32: {  	s10 =	sld [smem:$0x3F9C];
	_ =	sdelay $0x3  }
0x33: {  	p0 =	seq.s32 s10, $0x1;
	s10 =	sld [smem:$0x3F9E];
	_ =	sdelay $0x3  }
0x34: {  	[smem:$0x3F9E] =	sst s10  }
0x35: {  	s10 =	sld [smem:$0x3F9D];
	_ =	sdelay $0x3  }
0x36: {  	p1 =	seq.s32 s10, $0x1;
	s10 =	sld [smem:$0x3F9E];
	_ =	sdelay $0x3  }
0x37: {  	[smem:$0x3F9E] =	sst s10  }
0x38: {  	s10 =	sld [smem:$0x3F9F]  }
0x39: {  	_ = 	snop;
	(pc) =	sbr.ind lr, $3  }
0x3a: {  	_ = 	snop  }
0x3b: {  	_ = 	snop  }
0x3c: {  	p2 =	seq.s32 s10, $0x1;
	s10 =	sld [smem:$0x3F9E]  }
0x3d: {  	_ =	shalt  }
0x3e: {  	_ =	shalt  }
0x3f: {  	_ =	shalt  }
0x40: {  	_ =	shalt  }
0x41: {  	_ =	shalt  }
0x42: {  	_ =	shalt  }
0x43: {  	_ =	shalt  }
0x44: {  	_ =	shalt  }
0x45: {  	_ =	shalt  }
0x46: {  	_ =	shalt  }
0x47: {  	_ =	shalt  }
0x48: {  	_ =	shalt  }
0x49: {  	_ =	shalt  }
0x4a: {  	_ =	shalt  }
0x4b: {  	_ =	shalt  }
0x4c: {  	_ =	shalt  }
0x4d: {  	_ =	shalt  }
0x4e: {  	_ =	shalt  }
0x4f: {  	_ =	shalt  }
0x50: {  	_ =	shalt  }
0x51: {  	_ =	shalt  }
0x52: {  	_ =	shalt  }
0x53: {  	_ =	shalt  }
0x54: {  	_ =	shalt  }
0x55: {  	_ =	shalt  }
0x56: {  	_ =	shalt  }
0x57: {  	_ =	shalt  }
0x58: {  	_ =	shalt  }
0x59: {  	_ =	shalt  }
0x5a: {  	_ =	shalt  }
0x5b: {  	_ =	shalt  }
0x5c: {  	_ =	shalt  }
0x5d: {  	_ =	shalt  }
0x5e: {  	_ =	shalt  }
0x5f: {  	_ =	shalt  }
0x60: {  	_ =	shalt  }
0x61: {  	_ =	shalt  }
0x62: {  	_ =	shalt  }
0x63: {  	_ =	shalt  }
0x64: {  	_ =	shalt  }
0x65: {  	_ =	shalt  }
0x66: {  	_ =	shalt  }
0x67: {  	_ =	shalt  }
0x68: {  	_ =	shalt  }
0x69: {  	_ =	shalt  }
0x6a: {  	_ =	shalt  }
0x6b: {  	_ =	shalt  }
0x6c: {  	_ =	shalt  }
0x6d: {  	_ =	shalt  }
0x6e: {  	_ =	shalt  }
0x6f: {  	_ =	shalt  }
0x70: {  	_ =	shalt  }
0x71: {  	_ =	shalt  }
0x72: {  	_ =	shalt  }
0x73: {  	_ =	shalt  }
0x74: {  	_ =	shalt  }
0x75: {  	_ =	shalt  }
0x76: {  	_ =	shalt  }
0x77: {  	_ =	shalt  }
0x78: {  	_ =	shalt  }
0x79: {  	_ =	shalt  }
0x7a: {  	_ =	shalt  }
0x7b: {  	_ =	shalt  }
0x7c: {  	_ =	shalt  }
0x7d: {  	_ =	shalt  }
0x7e: {  	_ =	shalt  }
0x7f: {  	_ =	shalt  }
0x80: {  	_ =	shalt  }
0x81: {  	_ =	shalt  }
0x82: {  	_ =	shalt  }
0x83: {  	_ =	shalt  }
0x84: {  	_ =	shalt  }
0x85: {  	_ =	shalt  }
0x86: {  	_ =	shalt  }
0x87: {  	_ =	shalt  }
.Lfunc_end0:
.L_simem_size_0:
called_computation.7_lowered:
.L_overlay_start_0:
0x88: {  	s2 =	sld [smem:$0x3FD9]  }
0x89: {  	s3 =	sld [smem:$0x3FFE];
	_ =	sdelay $0x1  }
0x8a: {  	s1 =	srdreg.scid  }
0x8b: {  	s0 =	sand.u32 $0x1, s1  }
0x8c: {  	s17 =	sshll.u32 s0, $0xA;
	s2 =	sadd.s32 s3, s2  }
0x8d: {  	s2 =	sadd.s32 s2, s17  }
0x8e: {  	[smem:$0x3FAA] =	sst s2  }
0x8f: {  	_ = 	snop  }
0x90: {  	s2 =	sld [smem:$0x3FD0];
	(tm) =	ssettm $0x1  }
0x91: {  	s18 =	sld [smem:$0x3FFB];
	_ =	sdelay $0x3  }
0x92: {  	_ =	strace s18  }
0x93: {  	s3 =	sld [smem:$0x3FFC];
	_ =	sdelay $0x3  }
0x94: {  	_ =	strace s3  }
0x95: {  	s3 =	sld [smem:$0x3FFD];
	_ =	sdelay $0x3  }
0x96: {  	_ =	strace s3  }
0x97: {  	_ =	strace $0x8FFFFFFF  }
0x98: {  	s19 =	sld [smem:$0x3FDB];
	_ =	sdelay $0x1  }
0x99: {  	s4 =	simm.s32 $_scs_section_size  }
0x9a: {  	s5 =	simm.s32 $_size__tile_overlayer_lowered;
	s6 =	simm.s32 $_tile_overlayer_lowered  }
0x9b: {  	s22 =	simm.s32 $0x1BFF;
	s21 =	sshll.u32 s6, $0x1;
	s3 =	sadd.s32 s4, s19  }
0x9c: {  	s7 =	simm.s32 $0x0;
	s20 =	sshll.u32 s5, $0x1;
	s5 =	sadd.s32 s21, s3  }
0x9d: {  	[timem:s7], [sflag:s22] =	dma.local [hbm:s5], s20  }
0x9e: {  	_ =	swait.ge [sflag:s22], s20  }
0x9f: {  	s4 =	ssub.s32 $0x0, s20;
	[sflag:s22] =	ssyncset.done $0x0  }
0xa0: {  	[sflag:s22] =	ssyncadd.s32 s4;
	_ =	sdelay $0x1  }
0xa1: {  	s23 =	simm.s32 $0x1B8B  }
0xa2: {  	_ =	swait.ge [sflag:s23], $0x1  }
0xa3: {  	[sflag:s23] =	ssyncset.done $0x0  }
0xa4: {  	s25 =	simm.s32 $0x1B8E;
	s24 =	sld [smem:$0x3FFE];
	[sflag:s23] =	ssyncadd.s32 $0xFFFFFFFF  }
0xa5: {  	s26 =	simm.s32 $execute0_lowered;
	[smem:$0x3FD2] =	sst s25  }
0xa6: {  	s5 =	sshll.u32 s26, $0x1;
	_ =	strace $0x80000055;
	[dreg:$0x1] =	wrdreg $0xFFFFFFFF  }
0xa7: {  	s28 =	simm.s32 $_size_execute0_lowered;
	s3 =	sadd.s32 s3, s5;
	[dreg:$0x0] =	wrdreg $0x0  }
0xa8: {  	s5 =	sshll.u32 s28, $0x1;
	[dreg:$0x2] =	wrdreg s3  }
0xa9: {  	[dreg:$0x3] =	wrdreg s5  }
0xaa: {  	[dreg:$0x4] =	wrdreg $0xC0  }
0xab: {  	_ =	task [dreg:s7], $0x5FFFF  }
0xac: {  	[dreg:$0x1] =	wrdreg $0xFFFFFFFF  }
0xad: {  	[dreg:$0x0] =	wrdreg $0x60  }
0xae: {  	[dreg:$0x2] =	wrdreg s24  }
0xaf: {  	[dreg:$0x3] =	wrdreg s2  }
0xb0: {  	[dreg:$0x4] =	wrdreg $0x40000  }
0xb1: {  	[dreg:$0x5] =	wrdreg $0x9  }
0xb2: {  	_ =	task.clear_ibuf [dreg:s7], $0x6FFFF;
	_ =	strace $0x90000055  }
0xb3: {  	s29 =	simm.s32 $0x9;
	_ =	strace $0x80000057  }
0xb4: {  	_ =	swait.ge [sflag:s29], $0x1  }
0xb5: {  	[sflag:s29] =	ssyncadd.s32 $0xFFFFFFFF  }
0xb6: {  	_ =	strace $0x90000057  }
0xb7: {  	_ =	sfence  }
0xb8: {  	s30 =	sld [smem:$0x0];
	_ =	sdelay $0x2  }
0xb9: {  	s31 =	sshll.u32 s1, $0xD;
	s1 =	sshrl.u32 s1, $0x2  }
0xba: {  	s3 =	sand.u32 $0x4000, s31;
	s1 =	sadd.s32 s1, s30  }
0xbb: {  	s0 =	sor.u32 s3, s0;
	s1 =	sshll.u32 s1, $0x11  }
0xbc: {  	s0 =	sor.u32 s1, s0  }
0xbd: {  	s0 =	sadd.s32 $0x8F2B, s0  }
0xbe: {  	[sflag:s0] =	ssyncadd.remote.s32 $0x1  }
0xbf: {  	_ =	sfence.sel $0xFFFF  }
0xc0: {  	[dreg:$0x0] =	wrdreg $0xFFFFFFFF;
	(pc) =	sbr.abs _section_cstart, $3  }
0xc1: {  	[dreg:$0x1] =	wrdreg $0xFFFFFFFF  }
0xc2: {  	_ =	task.clear_ibuf [dreg:s7], $0x2FFFF;
	_ =	strace $0x9FFFFFFF  }
0xc3: {  	(tm) =	ssettm $0x7FFFFFFF  }
tec
execute0_lowered:
.L_overlay_start_1:
0x0: {  	(tag) =	ssettag $0x1  }
0x1: {  	s6 =	rddreg [dreg:$0x0]  }
0x2: {  	s2 =	rddreg [dreg:$0x1]  }
0x3: {  	s3 =	rddreg [dreg:$0x2]  }
0x4: {  	s0 =	rddreg [dreg:$0x3];
	s5 =	srdreg.scid  }
0x5: {  	s1 =	stileid.u32;
	s4 =	simm.s32 $0x0;
	s17 =	simm.s32 $0x80  }
0x6: {  	s18 =	simm.s32 $0x1;
	s19 =	simm.s32 $0x17D00;
	s20 =	simm.s32 $0x17D80  }
0x7: {  	s21 =	simm.s32 $0x20;
	s22 =	simm.s32 $0x0;
	s7 =	sand.u32 $0x1, s5  }
0x8: {  	s8 =	smul.u32 $0x2780, s1;
	[smem:$0x7FF] =	sst s4;
	s5 =	sadd.s32 $0x4200, s6  }
0x9: {  	s12 =	sadd.s32 $0xD9F000, s6;
	s11 =	sadd.s32 $0xDB2A00, s6;
	s13 =	smul.u32 $0x4F000, s1  }
0xa: {  	s24 =	sshll.u32 s1, $0x1;
	s29 =	smul.u32 $0x9C40, s1;
	s30 =	sshll.u32 s1, $0x6  }
0xb: {  	s9 =	smul.u32 $0x27800, s7;
	_ =	strace $0x80000056;
	s10 =	ssub.s32 $0x2, s7  }
0xc: {  	s15 =	smul.u32 $0x4E20, s7;
	s25 =	sshrl.u32 s10, $0x1;
	s28 =	sshrl.u32 s13, $0x2  }
0xd: {  	s8 =	sadd.s32 s8, s9;
	s9 =	sor.u32 s7, s24;
	s10 =	ssub.s32 s10, s25  }
0xe: {  	s16 =	sadd.s32 s28, s3;
	s31 =	sadd.s32 s15, s29;
	s26 =	smul.u32 $0x4E20, s9  }
0xf: {  	s15 =	simm.s32 $0x17C00;
	s14 =	sadd.s32 s8, s6;
	s6 =	sor.u32 $0x1C02, s30  }
0x10: {  	s10 =	smax.u32 s10, $0x1;
	s13 =	sshrl.u32 s31, $0x3;
	s8 =	sshrl.u32 s26, $0x3  }
0x11: {  	s9 =	sadd.s32 $0x2B400, s14;
	s14 =	simm.s32 $0x2;
	s8 =	sadd.s32 $0x9C0, s8  }
0x12: {  	s7 =	sadd.s32 s12, s8;
	s8 =	sadd.s32 s11, s8;
	s11 =	sadd.s32 s13, s11  }
0x13: {  	s12 =	sadd.s32 s13, s12;
	s13 =	sshrl.u32 s16, $0x3;
	s16 =	simm.s32 $0x17C80  }
.LBB2_1:
0x14: {  	[spmem:s13], [sflag:s6] =	dma.local [hbm:s2], $0x2780  }
0x15: {  	_ =	swait.ge [sflag:s14], $0x2780  }
0x16: {  	[sflag:s14] =	ssyncset.done $0x0  }
0x17: {  	[sflag:s14] =	ssyncadd.s32 $0xFFFFD880  }
0x18: {  	s23 =	sadd.s32 $0x0, s12;
	[bflag:$0x0] =	sbarrier.arrive $0xFFFF  }
0x19: {  	[tilespmem:s15], [sflag:$0x2] =	stream.linear.gather [hbm4b:s23+s4], $0x80, $0x38;
	[tilespmem:$0x17E00] =	vst v63  }
0x1a: {  	_ =	swait.ge [sflag:s14], $0x80  }
0x1b: {  	[sflag:s14] =	ssyncset.done $0x0  }
0x1c: {  	s31 =	sadd.s32 $0x0, s11;
	[sflag:s14] =	ssyncadd.s32 $0xFFFFFF80  }
0x1d: {  	[tilespmem:s16], [sflag:$0x2] =	stream.linear.gather [hbm4b:s31+s4], $0x80, $0x38;
	[tilespmem:$0x17E00] =	vst v63  }
0x1e: {  	_ =	swait.ge [sflag:s14], $0x80  }
0x1f: {  	[sflag:s14] =	ssyncset.done $0x0  }
0x20: {  	[sflag:s14] =	ssyncadd.s32 $0xFFFFFF80  }
0x21: {  	[tilespmem:s4], [sflag:$0x1] =	stream.indirect.gather [hbm4b:s5+s17], $0x80, s15, s17, $0xb8;
	[tilespmem:$0x17E00] =	vst v63  }
0x22: {  	_ =	swait.ge [sflag:s18], $0x4000  }
0x23: {  	[sflag:s18] =	ssyncset.done $0x0  }
0x24: {  	[sflag:s18] =	ssyncadd.s32 $0xFFFFC000  }
0x25: {  	[spmem:s3] =	stream.indirect.scatter.add.f32 [tilespmem:s4], [sflag:$0x2], $0x80, s16, s17, $0xb8;
	[tilespmem:$0x17E00] =	vst v63  }
0x26: {  	_ =	swait.ge [sflag:s14], $0x4000  }
0x27: {  	s24 =	simm.s32 $0x20;
	s23 =	simm.s32 $0x10;
	[sflag:s14] =	ssyncset.done $0x0  }
.LBB2_2:
0x28: {  	s25 =	sadd.s32 s23, s12  }
0x29: {  	[sflag:s14] =	ssyncadd.s32 $0xFFFFC000;
	s26 =	smov.u32 s24;
	s28 =	sadd.s32 $0x10, s24  }
0x2a: {  	[tilespmem:s15], [sflag:$0x2] =	stream.linear.gather [hbm4b:s25+s4], $0x80, $0x38;
	[tilespmem:$0x17E00] =	vst v63  }
0x2b: {  	p0 =	sne.s32 s24, $0x9B0;
	_ =	swait.ge [sflag:s14], $0x80  }
0x2c: {  	[sflag:s14] =	ssyncset.done $0x0  }
0x2d: {  	s24 =	sadd.s32 s23, s11;
	s23 =	smov.u32 s26;
	[sflag:s14] =	ssyncadd.s32 $0xFFFFFF80  }
0x2e: {  	[tilespmem:s16], [sflag:$0x2] =	stream.linear.gather [hbm4b:s24+s4], $0x80, $0x38;
	[tilespmem:$0x17E00] =	vst v63  }
0x2f: {  	_ =	swait.ge [sflag:s14], $0x80  }
0x30: {  	[sflag:s14] =	ssyncset.done $0x0  }
0x31: {  	[sflag:s14] =	ssyncadd.s32 $0xFFFFFF80  }
0x32: {  	[tilespmem:s4], [sflag:$0x1] =	stream.indirect.gather [hbm4b:s5+s17], $0x80, s15, s17, $0xb8;
	[tilespmem:$0x17E00] =	vst v63  }
0x33: {  	_ =	swait.ge [sflag:s18], $0x4000  }
.Ltmp0:
0x34: {  	[sflag:s18] =	ssyncset.done $0x0;
	(pc) =	sbr.rel @p0 .LBB2_2-.Ltmp0, $4  }
0x35: {  	[sflag:s18] =	ssyncadd.s32 $0xFFFFC000  }
0x36: {  	[spmem:s3] =	stream.indirect.scatter.add.f32 [tilespmem:s4], [sflag:$0x2], $0x80, s16, s17, $0xb8;
	[tilespmem:$0x17E00] =	vst v63  }
0x37: {  	_ =	swait.ge [sflag:s14], $0x4000  }
0x38: {  	s24 =	smov.u32 s28;
	[sflag:s14] =	ssyncset.done $0x0  }
0x39: {  	s24 =	sadd.s32 s23, s12;
	[sflag:s14] =	ssyncadd.s32 $0xFFFFC000  }
0x3a: {  	[tilespmem:s15], [sflag:$0x2] =	stream.linear.gather [hbm4b:s24+s4], $0x80, $0x38;
	[tilespmem:$0x17E00] =	vst v63  }
0x3b: {  	_ =	swait.ge [sflag:s14], $0x80  }
0x3c: {  	[sflag:s14] =	ssyncset.done $0x0  }
0x3d: {  	s31 =	sadd.s32 s23, s11;
	[sflag:s14] =	ssyncadd.s32 $0xFFFFFF80  }
0x3e: {  	[tilespmem:s16], [sflag:$0x2] =	stream.linear.gather [hbm4b:s31+s4], $0x80, $0x38;
	[tilespmem:$0x17E00] =	vst v63  }
0x3f: {  	_ =	swait.ge [sflag:s14], $0x80  }
0x40: {  	[sflag:s14] =	ssyncset.done $0x0  }
0x41: {  	[sflag:s14] =	ssyncadd.s32 $0xFFFFFF80  }
0x42: {  	[tilespmem:s4], [sflag:$0x1] =	stream.indirect.gather [hbm4b:s5+s17], $0x80, s15, s17, $0xb8;
	[tilespmem:$0x17E00] =	vst v63  }
0x43: {  	_ =	swait.ge [sflag:s18], $0x4000  }
0x44: {  	[sflag:s18] =	ssyncset.done $0x0  }
0x45: {  	[sflag:s18] =	ssyncadd.s32 $0xFFFFC000  }
0x46: {  	[spmem:s3] =	stream.indirect.scatter.add.f32 [tilespmem:s4], [sflag:$0x2], $0x80, s16, s17, $0xb8;
	[tilespmem:$0x17E00] =	vst v63  }
0x47: {  	_ =	swait.ge [sflag:s14], $0x4000  }
0x48: {  	[sflag:s14] =	ssyncset.done $0x0  }
0x49: {  	[sflag:s14] =	ssyncadd.s32 $0xFFFFC000  }
0x4a: {  	[tilespmem:s19], [sflag:$0x2] =	stream.linear.gather [hbm4b:s7+s4], $0x20, $0x38;
	[tilespmem:$0x17E00] =	vst v63  }
0x4b: {  	_ =	swait.ge [sflag:s14], $0x20  }
0x4c: {  	[sflag:s14] =	ssyncset.done $0x0  }
0x4d: {  	[sflag:s14] =	ssyncadd.s32 $0xFFFFFFE0  }
0x4e: {  	[tilespmem:s20], [sflag:$0x2] =	stream.linear.gather [hbm4b:s8+s4], $0x20, $0x38;
	[tilespmem:$0x17E00] =	vst v63  }
0x4f: {  	_ =	swait.ge [sflag:s14], $0x20  }
0x50: {  	[sflag:s14] =	ssyncset.done $0x0  }
0x51: {  	[sflag:s14] =	ssyncadd.s32 $0xFFFFFFE0  }
0x52: {  	[tilespmem:s4], [sflag:$0x1] =	stream.indirect.gather [hbm4b:s5+s21], $0x80, s19, s21, $0xb8;
	[tilespmem:$0x17E00] =	vst v63  }
0x53: {  	_ =	swait.ge [sflag:s18], $0x1000  }
0x54: {  	[sflag:s18] =	ssyncset.done $0x0  }
0x55: {  	[sflag:s18] =	ssyncadd.s32 $0xFFFFF000  }
0x56: {  	[spmem:s3] =	stream.indirect.scatter.add.f32 [tilespmem:s4], [sflag:$0x2], $0x80, s20, s21, $0xb8;
	[tilespmem:$0x17E00] =	vst v63  }
0x57: {  	_ =	swait.ge [sflag:s14], $0x1000  }
0x58: {  	s22 =	sadd.s32 $0x1, s22;
	[sflag:s14] =	ssyncset.done $0x0  }
0x59: {  	p0 =	sne.s32 s22, s10;
	[sflag:s14] =	ssyncadd.s32 $0xFFFFF000  }
.Ltmp1:
0x5a: {  	[bflag:$0x0] =	sbarrier.arrive $0xFFFF;
	(pc) =	sbr.rel @p0 .LBB2_1-.Ltmp1, $4  }
0x5b: {  	[hbm:s9], [sflag:s6] =	dma.local [spmem:s13], $0x2780  }
0x5c: {  	_ =	swait.ge [sflag:s14], $0x2780  }
0x5d: {  	[sflag:s14] =	ssyncset.done $0x0  }
0x5e: {  	[sflag:s14] =	ssyncadd.s32 $0xFFFFD880  }
0x5f: {  	_ =	sfence.sel $0x180000  }
0x60: {  	[bflag:$0x0] =	sbarrier.arrive $0xFFFF  }
0x61: {  	p0 =	sne.s32 s1, $0x0;
	_ =	strace $0x90000056  }
0x62: {  	s0 =	sadd.s32 @!p0 $0x100000, s0;
	[bflag:$0x2] =	sbarrier.arrive $0xFFFF  }
0x63: {  	[sflag:s0] =	ssyncadd.tile.s32 @!p0 $0x1;
	_ =	shalt  }
.Lfunc_end2:
_tile_overlayer_lowered:
.L_overlay_start_2:
0x64: {  	(tag) =	ssettag $0x2  }
0x65: {  	s0 =	rddreg [dreg:$0x0];
	s2 =	stileid.u32  }
0x66: {  	s1 =	rddreg [dreg:$0x1];
	p0 =	sne.s32 s2, $0x0  }
0x67: {  	s3 =	rddreg [dreg:$0x2];
	[bflag:$0x3] =	sbarrier.arrive $0xFFFF;
	s2 =	simm.s32 @!p0 $0x1C02  }
0x68: {  	[timem:s3], [sflag:s2] =	dma.local @!p0 [hbm:s0], s1  }
0x69: {  	s0 =	simm.s32 @!p0 $0x2  }
0x6a: {  	_ =	swait.ge @!p0 [sflag:s0], s1  }
0x6b: {  	s1 =	ssub.s32 @!p0 $0x0, s1;
	[sflag:s0] =	ssyncset.done @!p0 $0x0  }
0x6c: {  	[sflag:s0] =	ssyncadd.s32 @!p0 s1  }
0x6d: {  	[bflag:$0x3] =	sbarrier.arrive $0xFFFF  }
0x6e: {  	_ =	shalt  }

// kernel: kernel.7.cloned.1.call-start
scs
__scs_entry_jumppad:
0x0: {  	(pc) =	sbr.rel $0x88, $3  }
0x1: {  	(tag) =	ssettag $0x0;
	lr =	simm.s32 $0x1  }
0x2: {  	[smem:$0x3F83] =	sst lr;
	_ =	strace $0xD0000000  }
0x3: {  	_ = 	snop  }
0x4: {  	_ = 	snop  }
0x5: {  	_ = 	snop  }
0x6: {  	_ = 	snop  }
0x7: {  	_ = 	snop  }
__scs_overlays_trampoline_lowered:
0x8: {  	[smem:$0x3F92] =	sst s0  }
0x9: {  	[smem:$0x3F93] =	sst s1  }
0xa: {  	[smem:$0x3F94] =	sst s2  }
0xb: {  	[smem:$0x3F95] =	sst s3  }
0xc: {  	[smem:$0x3F96] =	sst s4  }
0xd: {  	[smem:$0x3F97] =	sst s5  }
0xe: {  	[smem:$0x3F98] =	sst s6  }
0xf: {  	[smem:$0x3F99] =	sst s7  }
0x10: {  	[smem:$0x3F9A] =	sst s8  }
0x11: {  	[smem:$0x3F9B] =	sst s9;
	s0 =	simm.s32 @!p0 $0x0  }
0x12: {  	s1 =	sld [smem:$0x3F81];
	s0 =	simm.s32 @p0 $0x1  }
0x13: {  	[smem:$0x3F9C] =	sst s0;
	s0 =	simm.s32 @!p1 $0x0  }
0x14: {  	s2 =	sld [smem:$0x3F80];
	s0 =	simm.s32 @p1 $0x1  }
0x15: {  	[smem:$0x3F9D] =	sst s0;
	s0 =	simm.s32 @!p2 $0x0  }
0x16: {  	s3 =	sld [smem:$0x3FDB];
	s0 =	simm.s32 @p2 $0x1  }
0x17: {  	s4 =	simm.s32 $0x1BF5;
	[smem:$0x3F9F] =	sst s0  }
0x18: {  	s0 =	sld [smem:$0x3F82];
	_ =	swait.ge [sflag:s4], $0x0  }
0x19: {  	s7 =	sld [smem:$0x3F83]  }
0x1a: {  	s8 =	sadd.s32 $0xFFFFE003, lr  }
0x1b: {  	s9 =	sadd.s32 $0xFFFFFEF7, lr;
	s5 =	simm.s32 $0xFFFFFFFF;
	p2 =	slt.u32 s8, $0xFFFFF086  }
0x1c: {  	p1 =	slt.u32 s9, $0xF7A;
	s5 =	simm.s32 @!p2 $0x0  }
0x1d: {  	s5 =	simm.s32 @p1 $0x1;
	p0 =	seq.s32 s7, s2  }
0x1e: {  	s7 =	smul.u32 @!p0 $0xF7A, s2;
	p2 =	seq.s32 @!p0 s5, $0x0  }
0x1f: {  	s9 =	smul.u32 $0xF7A, s1;
	s8 =	simm.s32 @!p0 $0x1BF5;
	p2 =	por !p2, p0  }
0x20: {  	[sflag:s8] =	ssyncset.s32 @!p0 $0xFFFFF086;
	s6 =	sadd.s32 @!p0 s3, s7;
	s7 =	simm.s32 @!p0 $0x108  }
0x21: {  	s3 =	sadd.s32 s3, s9;
	s6 =	sadd.s32 @!p0 $0x88, s6;
	s7 =	simm.s32 @p2 $0x1082  }
0x22: {  	[simem:s7], [sflag:s8] =	dma.local @!p0 [hbm:s6], $0xF7A  }
0x23: {  	s9 =	sor.u32 $0xD0000000, s2;
	s6 =	simm.s32 $0x108;
	_ =	swait.ge @!p0 [sflag:s8], $0x0  }
0x24: {  	s3 =	sadd.s32 $0x88, s3;
	s6 =	simm.s32 @!p1 $0x1082;
	[sflag:s4] =	ssyncset.s32 $0xFFFFF086  }
0x25: {  	[simem:s6], [sflag:s4] =	dma.local [hbm:s3], $0xF7A  }
0x26: {  	[smem:$0x3F83] =	sst s1;
	(tag) =	ssettag s2;
	_ =	strace s9  }
0x27: {  	s1 =	sld [smem:$0x3F93]  }
0x28: {  	s2 =	sld [smem:$0x3F94]  }
0x29: {  	s4 =	sld [smem:$0x3F96]  }
0x2a: {  	p0 =	seq.s32 s5, $0x0;
	s5 =	sld [smem:$0x3F97]  }
0x2b: {  	s6 =	sld [smem:$0x3F98]  }
0x2c: {  	s7 =	sld [smem:$0x3F99]  }
0x2d: {  	s3 =	simm.s32 $0x108;
	s8 =	sld [smem:$0x3F9A]  }
0x2e: {  	s3 =	simm.s32 @!p0 $0x1082;
	s9 =	sld [smem:$0x3F9B]  }
0x2f: {  	lr =	sadd.s32 s0, s3;
	s0 =	sld [smem:$0x3F92]  }
0x30: {  	s3 =	sld [smem:$0x3F95]  }
0x31: {  	[smem:$0x3F9E] =	sst s10  }
0x32: {  	s10 =	sld [smem:$0x3F9C];
	_ =	sdelay $0x3  }
0x33: {  	p0 =	seq.s32 s10, $0x1;
	s10 =	sld [smem:$0x3F9E];
	_ =	sdelay $0x3  }
0x34: {  	[smem:$0x3F9E] =	sst s10  }
0x35: {  	s10 =	sld [smem:$0x3F9D];
	_ =	sdelay $0x3  }
0x36: {  	p1 =	seq.s32 s10, $0x1;
	s10 =	sld [smem:$0x3F9E];
	_ =	sdelay $0x3  }
0x37: {  	[smem:$0x3F9E] =	sst s10  }
0x38: {  	s10 =	sld [smem:$0x3F9F]  }
0x39: {  	_ = 	snop;
	(pc) =	sbr.ind lr, $3  }
0x3a: {  	_ = 	snop  }
0x3b: {  	_ = 	snop  }
0x3c: {  	p2 =	seq.s32 s10, $0x1;
	s10 =	sld [smem:$0x3F9E]  }
0x3d: {  	_ =	shalt  }
0x3e: {  	_ =	shalt  }
0x3f: {  	_ =	shalt  }
0x40: {  	_ =	shalt  }
0x41: {  	_ =	shalt  }
0x42: {  	_ =	shalt  }
0x43: {  	_ =	shalt  }
0x44: {  	_ =	shalt  }
0x45: {  	_ =	shalt  }
0x46: {  	_ =	shalt  }
0x47: {  	_ =	shalt  }
0x48: {  	_ =	shalt  }
0x49: {  	_ =	shalt  }
0x4a: {  	_ =	shalt  }
0x4b: {  	_ =	shalt  }
0x4c: {  	_ =	shalt  }
0x4d: {  	_ =	shalt  }
0x4e: {  	_ =	shalt  }
0x4f: {  	_ =	shalt  }
0x50: {  	_ =	shalt  }
0x51: {  	_ =	shalt  }
0x52: {  	_ =	shalt  }
0x53: {  	_ =	shalt  }
0x54: {  	_ =	shalt  }
0x55: {  	_ =	shalt  }
0x56: {  	_ =	shalt  }
0x57: {  	_ =	shalt  }
0x58: {  	_ =	shalt  }
0x59: {  	_ =	shalt  }
0x5a: {  	_ =	shalt  }
0x5b: {  	_ =	shalt  }
0x5c: {  	_ =	shalt  }
0x5d: {  	_ =	shalt  }
0x5e: {  	_ =	shalt  }
0x5f: {  	_ =	shalt  }
0x60: {  	_ =	shalt  }
0x61: {  	_ =	shalt  }
0x62: {  	_ =	shalt  }
0x63: {  	_ =	shalt  }
0x64: {  	_ =	shalt  }
0x65: {  	_ =	shalt  }
0x66: {  	_ =	shalt  }
0x67: {  	_ =	shalt  }
0x68: {  	_ =	shalt  }
0x69: {  	_ =	shalt  }
0x6a: {  	_ =	shalt  }
0x6b: {  	_ =	shalt  }
0x6c: {  	_ =	shalt  }
0x6d: {  	_ =	shalt  }
0x6e: {  	_ =	shalt  }
0x6f: {  	_ =	shalt  }
0x70: {  	_ =	shalt  }
0x71: {  	_ =	shalt  }
0x72: {  	_ =	shalt  }
0x73: {  	_ =	shalt  }
0x74: {  	_ =	shalt  }
0x75: {  	_ =	shalt  }
0x76: {  	_ =	shalt  }
0x77: {  	_ =	shalt  }
0x78: {  	_ =	shalt  }
0x79: {  	_ =	shalt  }
0x7a: {  	_ =	shalt  }
0x7b: {  	_ =	shalt  }
0x7c: {  	_ =	shalt  }
0x7d: {  	_ =	shalt  }
0x7e: {  	_ =	shalt  }
0x7f: {  	_ =	shalt  }
0x80: {  	_ =	shalt  }
0x81: {  	_ =	shalt  }
0x82: {  	_ =	shalt  }
0x83: {  	_ =	shalt  }
0x84: {  	_ =	shalt  }
0x85: {  	_ =	shalt  }
0x86: {  	_ =	shalt  }
0x87: {  	_ =	shalt  }
.Lfunc_end0:
.L_simem_size_0:
called_computation.4_lowered:
.L_overlay_start_0:
0x88: {  	s2 =	sld [smem:$0x3FD9]  }
0x89: {  	s3 =	sld [smem:$0x3FFE];
	_ =	sdelay $0x1  }
0x8a: {  	s1 =	srdreg.scid  }
0x8b: {  	s0 =	sand.u32 $0x1, s1  }
0x8c: {  	s17 =	sshll.u32 s0, $0xA;
	s2 =	sadd.s32 s3, s2  }
0x8d: {  	s2 =	sadd.s32 s2, s17  }
0x8e: {  	[smem:$0x3FAA] =	sst s2  }
0x8f: {  	_ = 	snop  }
0x90: {  	s18 =	sld [smem:$0x3FD0];
	(tm) =	ssettm $0x1  }
0x91: {  	s19 =	sld [smem:$0x3FFB];
	_ =	sdelay $0x3  }
0x92: {  	_ =	strace s19  }
0x93: {  	s2 =	sld [smem:$0x3FFC];
	_ =	sdelay $0x3  }
0x94: {  	_ =	strace s2  }
0x95: {  	s2 =	sld [smem:$0x3FFD];
	_ =	sdelay $0x3  }
0x96: {  	_ =	strace s2  }
0x97: {  	_ =	strace $0x8FFFFFFF  }
0x98: {  	s20 =	sld [smem:$0x3FDB];
	_ =	sdelay $0x1  }
0x99: {  	s4 =	simm.s32 $_scs_section_size  }
0x9a: {  	s5 =	simm.s32 $_size__tile_overlayer_lowered;
	s6 =	simm.s32 $_tile_overlayer_lowered  }
0x9b: {  	s7 =	simm.s32 $0x1BFF;
	s21 =	sshll.u32 s6, $0x1;
	s4 =	sadd.s32 s4, s20  }
0x9c: {  	s22 =	simm.s32 $0x0;
	s5 =	sshll.u32 s5, $0x1;
	s6 =	sadd.s32 s21, s4  }
0x9d: {  	[timem:s22], [sflag:s7] =	dma.local [hbm:s6], s5  }
0x9e: {  	_ =	swait.ge [sflag:s7], s5  }
0x9f: {  	s5 =	ssub.s32 $0x0, s5;
	[sflag:s7] =	ssyncset.done $0x0  }
0xa0: {  	[sflag:s7] =	ssyncadd.s32 s5;
	_ =	sdelay $0x1  }
0xa1: {  	s23 =	simm.s32 $0x1B8B  }
0xa2: {  	_ =	swait.ge [sflag:s23], $0x1  }
0xa3: {  	[sflag:s23] =	ssyncset.done $0x0  }
0xa4: {  	[sflag:s23] =	ssyncadd.s32 $0xFFFFFFFF  }
0xa5: {  	s5 =	sld [smem:$0x0]  }
0xa6: {  	s6 =	sand.u32 $0xFFFFFFFE, s1  }
0xa7: {  	p0 =	sne.s32 s1, s6  }
0xa8: {  	s6 =	sshll.u32 @p0 s6, $0xE  }
0xa9: {  	s6 =	sadd.s32 @p0 $0x11B8D, s6;
	s7 =	sshll.u32 @p0 s5, $0x11  }
0xaa: {  	s6 =	sor.u32 @p0 s7, s6  }
0xab: {  	[sflag:s6] =	ssyncadd.remote.s32 @p0 $0x1;
	_ =	sdelay $0x1  }
0xac: {  	s6 =	simm.s32 @p0 $0x1B8D  }
0xad: {  	_ =	swait.eq @p0 [sflag:s6], $0x1  }
0xae: {  	[sflag:s6] =	ssyncadd.s32 @p0 $0xFFFFFFFF  }
0xaf: {  	s7 =	sshll.u32 @!p0 s1, $0xE  }
0xb0: {  	s7 =	sor.u32 @!p0 $0x4000, s7;
	s6 =	simm.s32 @!p0 $0x1B8D  }
0xb1: {  	s5 =	sshll.u32 @!p0 s5, $0x11;
	s7 =	sadd.s32 @!p0 $0x11B8D, s7;
	_ =	swait.eq @!p0 [sflag:s6], $0x1  }
0xb2: {  	s5 =	sor.u32 @!p0 s5, s7;
	[sflag:s6] =	ssyncadd.s32 @!p0 $0xFFFFFFFF  }
0xb3: {  	s25 =	simm.s32 $0x1B8E;
	s24 =	sld [smem:$0x3FFE];
	[sflag:s5] =	ssyncadd.remote.s32 @!p0 $0x1  }
0xb4: {  	s26 =	simm.s32 $execute0_lowered;
	[smem:$0x3FD2] =	sst s25  }
0xb5: {  	s6 =	sshll.u32 s26, $0x1;
	_ =	strace $0x8000004F;
	[dreg:$0x1] =	wrdreg $0xFFFFFFFF  }
0xb6: {  	s28 =	simm.s32 $_size_execute0_lowered;
	s4 =	sadd.s32 s4, s6;
	[dreg:$0x0] =	wrdreg $0x0  }
0xb7: {  	s6 =	sshll.u32 s28, $0x1;
	[dreg:$0x2] =	wrdreg s4  }
0xb8: {  	[dreg:$0x3] =	wrdreg s6  }
0xb9: {  	[dreg:$0x4] =	wrdreg $0xC0  }
0xba: {  	_ =	task [dreg:s22], $0x5FFFF  }
0xbb: {  	[dreg:$0x1] =	wrdreg $0xFFFFFFFF  }
0xbc: {  	[dreg:$0x0] =	wrdreg $0x60  }
0xbd: {  	[dreg:$0x2] =	wrdreg s24  }
0xbe: {  	[dreg:$0x3] =	wrdreg s18  }
0xbf: {  	[dreg:$0x4] =	wrdreg $0x40000  }
0xc0: {  	[dreg:$0x5] =	wrdreg $0xA  }
0xc1: {  	_ =	task.clear_ibuf [dreg:s22], $0x6FFFF;
	_ =	strace $0x9000004F  }
0xc2: {  	s29 =	simm.s32 $0xA;
	_ =	strace $0x80000051  }
0xc3: {  	_ =	swait.ge [sflag:s29], $0x1  }
0xc4: {  	[sflag:s29] =	ssyncadd.s32 $0xFFFFFFFF  }
0xc5: {  	_ =	strace $0x90000051  }
0xc6: {  	_ =	sfence  }
0xc7: {  	s30 =	sld [smem:$0x0];
	_ =	sdelay $0x2  }
0xc8: {  	s31 =	sshll.u32 s1, $0xD;
	s1 =	sshrl.u32 s1, $0x2  }
0xc9: {  	s4 =	sand.u32 $0x4000, s31;
	s1 =	sadd.s32 s1, s30  }
0xca: {  	s0 =	sor.u32 s4, s0;
	s1 =	sshll.u32 s1, $0x11  }
0xcb: {  	s0 =	sor.u32 s1, s0  }
0xcc: {  	s0 =	sadd.s32 $0x8F2B, s0  }
0xcd: {  	[sflag:s0] =	ssyncadd.remote.s32 $0x1  }
0xce: {  	_ =	sfence.sel $0xFFFF  }
0xcf: {  	[dreg:$0x0] =	wrdreg $0xFFFFFFFF;
	(pc) =	sbr.abs _section_cstart, $3  }
0xd0: {  	[dreg:$0x1] =	wrdreg $0xFFFFFFFF  }
0xd1: {  	_ =	task.clear_ibuf [dreg:s22], $0x2FFFF;
	_ =	strace $0x9FFFFFFF  }
0xd2: {  	(tm) =	ssettm $0x7FFFFFFF  }
0xd3: {  	_ =	shalt  }
tec
execute0_lowered:
.L_overlay_start_1:
0x0: {  	(tag) =	ssettag $0x1  }
0x1: {  	s6 =	rddreg [dreg:$0x0]  }
0x2: {  	s1 =	rddreg [dreg:$0x1]  }
0x3: {  	s2 =	rddreg [dreg:$0x2]  }
0x4: {  	s0 =	rddreg [dreg:$0x3];
	s4 =	simm.s32 $0x0  }
0x5: {  	s5 =	srdreg.scid;
	s3 =	stileid.u32;
	s14 =	simm.s32 $0x17C80  }
0x6: {  	s15 =	simm.s32 $0x80;
	s16 =	simm.s32 $0x1;
	s17 =	simm.s32 $0x17D00  }
0x7: {  	s18 =	simm.s32 $0x17D80;
	s19 =	simm.s32 $0x20;
	s8 =	smul.u32 $0x2780, s3  }
0x8: {  	s20 =	simm.s32 $0x0;
	[smem:$0x7FF] =	sst s4;
	s12 =	smul.u32 $0x4F000, s3  }
0x9: {  	s7 =	sand.u32 $0x1, s5;
	s5 =	sadd.s32 $0xDC6400, s6;
	s13 =	smul.u32 $0x9C40, s3  }
0xa: {  	s10 =	sshll.u32 s3, $0x1;
	s11 =	sadd.s32 $0xD9F000, s6;
	s9 =	smul.u32 $0x27800, s7  }
0xb: {  	s10 =	sor.u32 s7, s10;
	s26 =	ssub.s32 $0x2, s7;
	s7 =	smul.u32 $0x4E20, s7  }
0xc: {  	s30 =	sshll.u32 s3, $0x6;
	_ =	strace $0x80000050;
	s10 =	smul.u32 $0x4E20, s10  }
0xd: {  	s28 =	sshrl.u32 s26, $0x1;
	s29 =	sshrl.u32 s12, $0x2;
	s8 =	sadd.s32 s8, s9  }
0xe: {  	s9 =	ssub.s32 s26, s28;
	s12 =	sadd.s32 s29, s2;
	s13 =	sadd.s32 s7, s13  }
0xf: {  	s8 =	sadd.s32 s8, s6;
	s10 =	sshrl.u32 s10, $0x3;
	s6 =	sor.u32 $0x1C02, s30  }
0x10: {  	s31 =	sshrl.u32 s13, $0x3;
	s9 =	smax.u32 s9, $0x1;
	s10 =	sadd.s32 s11, s10  }
0x11: {  	s13 =	simm.s32 $0x17C00;
	s8 =	sadd.s32 $0xE3C600, s8;
	s7 =	sadd.s32 $0x9C0, s10  }
0x12: {  	s10 =	sadd.s32 s31, s11;
	s11 =	sshrl.u32 s12, $0x3;
	s12 =	simm.s32 $0x2  }
.LBB2_1:
0x13: {  	[spmem:s11], [sflag:s6] =	dma.local [hbm:s1], $0x2780  }
0x14: {  	_ =	swait.ge [sflag:s12], $0x2780  }
0x15: {  	[sflag:s12] =	ssyncset.done $0x0  }
0x16: {  	[sflag:s12] =	ssyncadd.s32 $0xFFFFD880  }
0x17: {  	s21 =	sadd.s32 $0x0, s10;
	[bflag:$0x0] =	sbarrier.arrive $0xFFFF  }
0x18: {  	[tilespmem:s13], [sflag:$0x2] =	stream.linear.gather [hbm4b:s21+s4], $0x80, $0x38;
	[tilespmem:$0x17E00] =	vst v63  }
0x19: {  	_ =	swait.ge [sflag:s12], $0x80  }
0x1a: {  	[sflag:s12] =	ssyncset.done $0x0  }
0x1b: {  	[sflag:s12] =	ssyncadd.s32 $0xFFFFFF80  }
0x1c: {  	[tilespmem:s14], [sflag:$0x2] =	stream.linear.gather [hbm4b:s21+s4], $0x80, $0x38;
	[tilespmem:$0x17E00] =	vst v63  }
0x1d: {  	_ =	swait.ge [sflag:s12], $0x80  }
0x1e: {  	[sflag:s12] =	ssyncset.done $0x0  }
0x1f: {  	[sflag:s12] =	ssyncadd.s32 $0xFFFFFF80  }
0x20: {  	[tilespmem:s4], [sflag:$0x1] =	stream.indirect.gather [hbm4b:s5+s15], $0x80, s13, s15, $0xb8;
	[tilespmem:$0x17E00] =	vst v63  }
0x21: {  	_ =	swait.ge [sflag:s16], $0x4000  }
0x22: {  	[sflag:s16] =	ssyncset.done $0x0  }
0x23: {  	[sflag:s16] =	ssyncadd.s32 $0xFFFFC000  }
0x24: {  	[spmem:s2] =	stream.indirect.scatter.add.f32 [tilespmem:s4], [sflag:$0x2], $0x80, s14, s15, $0xb8;
	[tilespmem:$0x17E00] =	vst v63  }
0x25: {  	_ =	swait.ge [sflag:s12], $0x4000  }
0x26: {  	s22 =	simm.s32 $0x20;
	s21 =	simm.s32 $0x10;
	[sflag:s12] =	ssyncset.done $0x0  }
.LBB2_2:
0x27: {  	s23 =	sadd.s32 s21, s10  }
0x28: {  	[sflag:s12] =	ssyncadd.s32 $0xFFFFC000;
	s21 =	smov.u32 s22;
	s24 =	sadd.s32 $0x10, s22  }
0x29: {  	[tilespmem:s13], [sflag:$0x2] =	stream.linear.gather [hbm4b:s23+s4], $0x80, $0x38;
	[tilespmem:$0x17E00] =	vst v63  }
0x2a: {  	p0 =	sne.s32 s22, $0x9B0;
	_ =	swait.ge [sflag:s12], $0x80  }
0x2b: {  	[sflag:s12] =	ssyncset.done $0x0  }
0x2c: {  	[sflag:s12] =	ssyncadd.s32 $0xFFFFFF80  }
0x2d: {  	[tilespmem:s14], [sflag:$0x2] =	stream.linear.gather [hbm4b:s23+s4], $0x80, $0x38;
	[tilespmem:$0x17E00] =	vst v63  }
0x2e: {  	_ =	swait.ge [sflag:s12], $0x80  }
0x2f: {  	[sflag:s12] =	ssyncset.done $0x0  }
0x30: {  	[sflag:s12] =	ssyncadd.s32 $0xFFFFFF80  }
0x31: {  	[tilespmem:s4], [sflag:$0x1] =	stream.indirect.gather [hbm4b:s5+s15], $0x80, s13, s15, $0xb8;
	[tilespmem:$0x17E00] =	vst v63  }
0x32: {  	_ =	swait.ge [sflag:s16], $0x4000  }
.Ltmp0:
0x33: {  	[sflag:s16] =	ssyncset.done $0x0;
	(pc) =	sbr.rel @p0 .LBB2_2-.Ltmp0, $4  }
0x34: {  	[sflag:s16] =	ssyncadd.s32 $0xFFFFC000  }
0x35: {  	[spmem:s2] =	stream.indirect.scatter.add.f32 [tilespmem:s4], [sflag:$0x2], $0x80, s14, s15, $0xb8;
	[tilespmem:$0x17E00] =	vst v63  }
0x36: {  	_ =	swait.ge [sflag:s12], $0x4000  }
0x37: {  	s22 =	smov.u32 s24;
	[sflag:s12] =	ssyncset.done $0x0  }
0x38: {  	s21 =	sadd.s32 s21, s10;
	[sflag:s12] =	ssyncadd.s32 $0xFFFFC000  }
0x39: {  	[tilespmem:s13], [sflag:$0x2] =	stream.linear.gather [hbm4b:s21+s4], $0x80, $0x38;
	[tilespmem:$0x17E00] =	vst v63  }
0x3a: {  	_ =	swait.ge [sflag:s12], $0x80  }
0x3b: {  	[sflag:s12] =	ssyncset.done $0x0  }
0x3c: {  	[sflag:s12] =	ssyncadd.s32 $0xFFFFFF80  }
0x3d: {  	[tilespmem:s14], [sflag:$0x2] =	stream.linear.gather [hbm4b:s21+s4], $0x80, $0x38;
	[tilespmem:$0x17E00] =	vst v63  }
0x3e: {  	_ =	swait.ge [sflag:s12], $0x80  }
0x3f: {  	[sflag:s12] =	ssyncset.done $0x0  }
0x40: {  	[sflag:s12] =	ssyncadd.s32 $0xFFFFFF80  }
0x41: {  	[tilespmem:s4], [sflag:$0x1] =	stream.indirect.gather [hbm4b:s5+s15], $0x80, s13, s15, $0xb8;
	[tilespmem:$0x17E00] =	vst v63  }
0x42: {  	_ =	swait.ge [sflag:s16], $0x4000  }
0x43: {  	[sflag:s16] =	ssyncset.done $0x0  }
0x44: {  	[sflag:s16] =	ssyncadd.s32 $0xFFFFC000  }
0x45: {  	[spmem:s2] =	stream.indirect.scatter.add.f32 [tilespmem:s4], [sflag:$0x2], $0x80, s14, s15, $0xb8;
	[tilespmem:$0x17E00] =	vst v63  }
0x46: {  	_ =	swait.ge [sflag:s12], $0x4000  }
0x47: {  	[sflag:s12] =	ssyncset.done $0x0  }
0x48: {  	[sflag:s12] =	ssyncadd.s32 $0xFFFFC000  }
0x49: {  	[tilespmem:s17], [sflag:$0x2] =	stream.linear.gather [hbm4b:s7+s4], $0x20, $0x38;
	[tilespmem:$0x17E00] =	vst v63  }
0x4a: {  	_ =	swait.ge [sflag:s12], $0x20  }
0x4b: {  	[sflag:s12] =	ssyncset.done $0x0  }
0x4c: {  	[sflag:s12] =	ssyncadd.s32 $0xFFFFFFE0  }
0x4d: {  	[tilespmem:s18], [sflag:$0x2] =	stream.linear.gather [hbm4b:s7+s4], $0x20, $0x38;
	[tilespmem:$0x17E00] =	vst v63  }
0x4e: {  	_ =	swait.ge [sflag:s12], $0x20  }
0x4f: {  	[sflag:s12] =	ssyncset.done $0x0  }
0x50: {  	[sflag:s12] =	ssyncadd.s32 $0xFFFFFFE0  }
0x51: {  	[tilespmem:s4], [sflag:$0x1] =	stream.indirect.gather [hbm4b:s5+s19], $0x80, s17, s19, $0xb8;
	[tilespmem:$0x17E00] =	vst v63  }
0x52: {  	_ =	swait.ge [sflag:s16], $0x1000  }
0x53: {  	[sflag:s16] =	ssyncset.done $0x0  }
0x54: {  	[sflag:s16] =	ssyncadd.s32 $0xFFFFF000  }
0x55: {  	[spmem:s2] =	stream.indirect.scatter.add.f32 [tilespmem:s4], [sflag:$0x2], $0x80, s18, s19, $0xb8;
	[tilespmem:$0x17E00] =	vst v63  }
0x56: {  	_ =	swait.ge [sflag:s12], $0x1000  }
0x57: {  	s20 =	sadd.s32 $0x1, s20;
	[sflag:s12] =	ssyncset.done $0x0  }
0x58: {  	p0 =	sne.s32 s20, s9;
	[sflag:s12] =	ssyncadd.s32 $0xFFFFF000  }
.Ltmp1:
0x59: {  	[bflag:$0x0] =	sbarrier.arrive $0xFFFF;
	(pc) =	sbr.rel @p0 .LBB2_1-.Ltmp1, $4  }
0x5a: {  	[hbm:s8], [sflag:s6] =	dma.local [spmem:s11], $0x2780  }
0x5b: {  	_ =	swait.ge [sflag:s12], $0x2780  }
0x5c: {  	[sflag:s12] =	ssyncset.done $0x0  }
0x5d: {  	[sflag:s12] =	ssyncadd.s32 $0xFFFFD880  }
0x5e: {  	_ =	sfence.sel $0x180000  }
0x5f: {  	[bflag:$0x0] =	sbarrier.arrive $0xFFFF  }
0x60: {  	p0 =	sne.s32 s3, $0x0;
	_ =	strace $0x90000050  }
0x61: {  	s0 =	sadd.s32 @!p0 $0x100000, s0;
	[bflag:$0x2] =	sbarrier.arrive $0xFFFF  }
0x62: {  	[sflag:s0] =	ssyncadd.tile.s32 @!p0 $0x1;
	_ =	shalt  }
.Lfunc_end2:
_tile_overlayer_lowered:
.L_overlay_start_2:
0x63: {  	(tag) =	ssettag $0x2  }
0x64: {  	s0 =	rddreg [dreg:$0x0];
	s2 =	stileid.u32  }
0x65: {  	s1 =	rddreg [dreg:$0x1];
	p0 =	sne.s32 s2, $0x0  }
0x66: {  	s3 =	rddreg [dreg:$0x2];
	[bflag:$0x3] =	sbarrier.arrive $0xFFFF;
	s2 =	simm.s32 @!p0 $0x1C02  }
0x67: {  	[timem:s3], [sflag:s2] =	dma.local @!p0 [hbm:s0], s1  }
0x68: {  	s0 =	simm.s32 @!p0 $0x2  }
0x69: {  	_ =	swait.ge @!p0 [sflag:s0], s1  }
0x6a: {  	s1 =	ssub.s32 @!p0 $0x0, s1;
	[sflag:s0] =	ssyncset.done @!p0 $0x0  }
0x6b: {  	[sflag:s0] =	ssyncadd.s32 @!p0 s1  }
0x6c: {  	[bflag:$0x3] =	sbarrier.arrive $0xFFFF  }
0x6d: {  	_ =	shalt  }

// kernel: scatter_offload_async_start.1
scs
__scs_entry_jumppad:
0x0: {  	(pc) =	sbr.rel $0x88, $3  }
0x1: {  	(tag) =	ssettag $0x0;
	lr =	simm.s32 $0x1  }
0x2: {  	[smem:$0x3F83] =	sst lr;
	_ =	strace $0xD0000000  }
0x3: {  	_ = 	snop  }
0x4: {  	_ = 	snop  }
0x5: {  	_ = 	snop  }
0x6: {  	_ = 	snop  }
0x7: {  	_ = 	snop  }
__scs_overlays_trampoline_lowered:
0x8: {  	[smem:$0x3F92] =	sst s0  }
0x9: {  	[smem:$0x3F93] =	sst s1  }
0xa: {  	[smem:$0x3F94] =	sst s2  }
0xb: {  	[smem:$0x3F95] =	sst s3  }
0xc: {  	[smem:$0x3F96] =	sst s4  }
0xd: {  	[smem:$0x3F97] =	sst s5  }
0xe: {  	[smem:$0x3F98] =	sst s6  }
0xf: {  	[smem:$0x3F99] =	sst s7  }
0x10: {  	[smem:$0x3F9A] =	sst s8  }
0x11: {  	[smem:$0x3F9B] =	sst s9;
	s0 =	simm.s32 @!p0 $0x0  }
0x12: {  	s1 =	sld [smem:$0x3F81];
	s0 =	simm.s32 @p0 $0x1  }
0x13: {  	[smem:$0x3F9C] =	sst s0;
	s0 =	simm.s32 @!p1 $0x0  }
0x14: {  	s2 =	sld [smem:$0x3F80];
	s0 =	simm.s32 @p1 $0x1  }
0x15: {  	[smem:$0x3F9D] =	sst s0;
	s0 =	simm.s32 @!p2 $0x0  }
0x16: {  	s3 =	sld [smem:$0x3FDB];
	s0 =	simm.s32 @p2 $0x1  }
0x17: {  	s4 =	simm.s32 $0x1BF5;
	[smem:$0x3F9F] =	sst s0  }
0x18: {  	s0 =	sld [smem:$0x3F82];
	_ =	swait.ge [sflag:s4], $0x0  }
0x19: {  	s7 =	sld [smem:$0x3F83]  }
0x1a: {  	s8 =	sadd.s32 $0xFFFFE003, lr  }
0x1b: {  	s9 =	sadd.s32 $0xFFFFFEF7, lr;
	s5 =	simm.s32 $0xFFFFFFFF;
	p2 =	slt.u32 s8, $0xFFFFF086  }
0x1c: {  	p1 =	slt.u32 s9, $0xF7A;
	s5 =	simm.s32 @!p2 $0x0  }
0x1d: {  	s5 =	simm.s32 @p1 $0x1;
	p0 =	seq.s32 s7, s2  }
0x1e: {  	s7 =	smul.u32 @!p0 $0xF7A, s2;
	p2 =	seq.s32 @!p0 s5, $0x0  }
0x1f: {  	s9 =	smul.u32 $0xF7A, s1;
	s8 =	simm.s32 @!p0 $0x1BF5;
	p2 =	por !p2, p0  }
0x20: {  	[sflag:s8] =	ssyncset.s32 @!p0 $0xFFFFF086;
	s6 =	sadd.s32 @!p0 s3, s7;
	s7 =	simm.s32 @!p0 $0x108  }
0x21: {  	s3 =	sadd.s32 s3, s9;
	s6 =	sadd.s32 @!p0 $0x88, s6;
	s7 =	simm.s32 @p2 $0x1082  }
0x22: {  	[simem:s7], [sflag:s8] =	dma.local @!p0 [hbm:s6], $0xF7A  }
0x23: {  	s9 =	sor.u32 $0xD0000000, s2;
	s6 =	simm.s32 $0x108;
	_ =	swait.ge @!p0 [sflag:s8], $0x0  }
0x24: {  	s3 =	sadd.s32 $0x88, s3;
	s6 =	simm.s32 @!p1 $0x1082;
	[sflag:s4] =	ssyncset.s32 $0xFFFFF086  }
0x25: {  	[simem:s6], [sflag:s4] =	dma.local [hbm:s3], $0xF7A  }
0x26: {  	[smem:$0x3F83] =	sst s1;
	(tag) =	ssettag s2;
	_ =	strace s9  }
0x27: {  	s1 =	sld [smem:$0x3F93]  }
0x28: {  	s2 =	sld [smem:$0x3F94]  }
0x29: {  	s4 =	sld [smem:$0x3F96]  }
0x2a: {  	p0 =	seq.s32 s5, $0x0;
	s5 =	sld [smem:$0x3F97]  }
0x2b: {  	s6 =	sld [smem:$0x3F98]  }
0x2c: {  	s7 =	sld [smem:$0x3F99]  }
0x2d: {  	s3 =	simm.s32 $0x108;
	s8 =	sld [smem:$0x3F9A]  }
0x2e: {  	s3 =	simm.s32 @!p0 $0x1082;
	s9 =	sld [smem:$0x3F9B]  }
0x2f: {  	lr =	sadd.s32 s0, s3;
	s0 =	sld [smem:$0x3F92]  }
0x30: {  	s3 =	sld [smem:$0x3F95]  }
0x31: {  	[smem:$0x3F9E] =	sst s10  }
0x32: {  	s10 =	sld [smem:$0x3F9C];
	_ =	sdelay $0x3  }
0x33: {  	p0 =	seq.s32 s10, $0x1;
	s10 =	sld [smem:$0x3F9E];
	_ =	sdelay $0x3  }
0x34: {  	[smem:$0x3F9E] =	sst s10  }
0x35: {  	s10 =	sld [smem:$0x3F9D];
	_ =	sdelay $0x3  }
0x36: {  	p1 =	seq.s32 s10, $0x1;
	s10 =	sld [smem:$0x3F9E];
	_ =	sdelay $0x3  }
0x37: {  	[smem:$0x3F9E] =	sst s10  }
0x38: {  	s10 =	sld [smem:$0x3F9F]  }
0x39: {  	_ = 	snop;
	(pc) =	sbr.ind lr, $3  }
0x3a: {  	_ = 	snop  }
0x3b: {  	_ = 	snop  }
0x3c: {  	p2 =	seq.s32 s10, $0x1;
	s10 =	sld [smem:$0x3F9E]  }
0x3d: {  	_ =	shalt  }
0x3e: {  	_ =	shalt  }
0x3f: {  	_ =	shalt  }
0x40: {  	_ =	shalt  }
0x41: {  	_ =	shalt  }
0x42: {  	_ =	shalt  }
0x43: {  	_ =	shalt  }
0x44: {  	_ =	shalt  }
0x45: {  	_ =	shalt  }
0x46: {  	_ =	shalt  }
0x47: {  	_ =	shalt  }
0x48: {  	_ =	shalt  }
0x49: {  	_ =	shalt  }
0x4a: {  	_ =	shalt  }
0x4b: {  	_ =	shalt  }
0x4c: {  	_ =	shalt  }
0x4d: {  	_ =	shalt  }
0x4e: {  	_ =	shalt  }
0x4f: {  	_ =	shalt  }
0x50: {  	_ =	shalt  }
0x51: {  	_ =	shalt  }
0x52: {  	_ =	shalt  }
0x53: {  	_ =	shalt  }
0x54: {  	_ =	shalt  }
0x55: {  	_ =	shalt  }
0x56: {  	_ =	shalt  }
0x57: {  	_ =	shalt  }
0x58: {  	_ =	shalt  }
0x59: {  	_ =	shalt  }
0x5a: {  	_ =	shalt  }
0x5b: {  	_ =	shalt  }
0x5c: {  	_ =	shalt  }
0x5d: {  	_ =	shalt  }
0x5e: {  	_ =	shalt  }
0x5f: {  	_ =	shalt  }
0x60: {  	_ =	shalt  }
0x61: {  	_ =	shalt  }
0x62: {  	_ =	shalt  }
0x63: {  	_ =	shalt  }
0x64: {  	_ =	shalt  }
0x65: {  	_ =	shalt  }
0x66: {  	_ =	shalt  }
0x67: {  	_ =	shalt  }
0x68: {  	_ =	shalt  }
0x69: {  	_ =	shalt  }
0x6a: {  	_ =	shalt  }
0x6b: {  	_ =	shalt  }
0x6c: {  	_ =	shalt  }
0x6d: {  	_ =	shalt  }
0x6e: {  	_ =	shalt  }
0x6f: {  	_ =	shalt  }
0x70: {  	_ =	shalt  }
0x71: {  	_ =	shalt  }
0x72: {  	_ =	shalt  }
0x73: {  	_ =	shalt  }
0x74: {  	_ =	shalt  }
0x75: {  	_ =	shalt  }
0x76: {  	_ =	shalt  }
0x77: {  	_ =	shalt  }
0x78: {  	_ =	shalt  }
0x79: {  	_ =	shalt  }
0x7a: {  	_ =	shalt  }
0x7b: {  	_ =	shalt  }
0x7c: {  	_ =	shalt  }
0x7d: {  	_ =	shalt  }
0x7e: {  	_ =	shalt  }
0x7f: {  	_ =	shalt  }
0x80: {  	_ =	shalt  }
0x81: {  	_ =	shalt  }
0x82: {  	_ =	shalt  }
0x83: {  	_ =	shalt  }
0x84: {  	_ =	shalt  }
0x85: {  	_ =	shalt  }
0x86: {  	_ =	shalt  }
0x87: {  	_ =	shalt  }
.Lfunc_end0:
.L_simem_size_0:
called_computation.1_lowered:
.L_overlay_start_0:
0x88: {  	s0 =	sld [smem:$0x3FD9]  }
0x89: {  	s1 =	sld [smem:$0x3FFE];
	_ =	sdelay $0x3  }
0x8a: {  	s0 =	sadd.s32 s1, s0  }
0x8b: {  	[smem:$0x3FAA] =	sst s0  }
0x8c: {  	_ = 	snop  }
0x8d: {  	(tm) =	ssettm $0x1  }
0x8e: {  	s15 =	sld [smem:$0x3FFB];
	_ =	sdelay $0x3  }
0x8f: {  	_ =	strace s15  }
0x90: {  	s0 =	sld [smem:$0x3FFC];
	_ =	sdelay $0x3  }
0x91: {  	_ =	strace s0  }
0x92: {  	s0 =	sld [smem:$0x3FFD];
	_ =	sdelay $0x3  }
0x93: {  	_ =	strace s0  }
0x94: {  	_ =	strace $0x8FFFFFFF  }
0x95: {  	s16 =	sld [smem:$0x3FDB];
	_ =	sdelay $0x1  }
0x96: {  	s17 =	simm.s32 $_scs_section_size  }
0x97: {  	s2 =	simm.s32 $_size__tile_overlayer_lowered;
	s3 =	simm.s32 $_tile_overlayer_lowered  }
0x98: {  	s20 =	simm.s32 $0x1BFF;
	s19 =	sshll.u32 s3, $0x1;
	s0 =	sadd.s32 s17, s16  }
0x99: {  	s4 =	simm.s32 $0x0;
	s18 =	sshll.u32 s2, $0x1;
	s2 =	sadd.s32 s19, s0  }
0x9a: {  	[timem:s4], [sflag:s20] =	dma.local [hbm:s2], s18  }
0x9b: {  	_ =	swait.ge [sflag:s20], s18  }
0x9c: {  	s1 =	ssub.s32 $0x0, s18;
	[sflag:s20] =	ssyncset.done $0x0  }
0x9d: {  	[sflag:s20] =	ssyncadd.s32 s1;
	_ =	sdelay $0x1  }
0x9e: {  	s21 =	simm.s32 $0x1B8B  }
0x9f: {  	_ =	swait.ge [sflag:s21], $0x1  }
0xa0: {  	[sflag:s21] =	ssyncset.done $0x0  }
0xa1: {  	s23 =	simm.s32 $0x1B8E;
	s22 =	sld [smem:$0x3FFE];
	[sflag:s21] =	ssyncadd.s32 $0xFFFFFFFF  }
0xa2: {  	s24 =	simm.s32 $execute0_lowered;
	[smem:$0x3FD2] =	sst s23  }
0xa3: {  	s2 =	sshll.u32 s24, $0x1;
	_ =	strace $0x8000005B;
	[dreg:$0x1] =	wrdreg $0xFFFFFFFF  }
0xa4: {  	s25 =	simm.s32 $_size_execute0_lowered;
	s0 =	sadd.s32 s0, s2;
	[dreg:$0x0] =	wrdreg $0x0  }
0xa5: {  	s2 =	sshll.u32 s25, $0x1;
	[dreg:$0x2] =	wrdreg s0  }
0xa6: {  	[dreg:$0x3] =	wrdreg s2  }
0xa7: {  	[dreg:$0x4] =	wrdreg $0xC0  }
0xa8: {  	_ =	task [dreg:s4], $0x5FFFF  }
0xa9: {  	[dreg:$0x1] =	wrdreg $0xFFFFFFFF  }
0xaa: {  	[dreg:$0x0] =	wrdreg $0x60  }
0xab: {  	[dreg:$0x2] =	wrdreg s22  }
0xac: {  	[dreg:$0x3] =	wrdreg $0x9  }
0xad: {  	_ =	task.clear_ibuf [dreg:s4], $0x4FFFF;
	_ =	strace $0x9000005B  }
0xae: {  	s26 =	simm.s32 $0x9;
	_ =	strace $0x8000005D  }
0xaf: {  	_ =	swait.ge [sflag:s26], $0x1  }
0xb0: {  	[sflag:s26] =	ssyncadd.s32 $0xFFFFFFFF  }
0xb1: {  	_ =	strace $0x9000005D  }
0xb2: {  	_ =	sfence  }
0xb3: {  	s28 =	sld [smem:$0x0];
	_ =	sdelay $0x1  }
0xb4: {  	s29 =	srdreg.scid  }
0xb5: {  	s30 =	sshll.u32 s29, $0xD;
	s31 =	sshrl.u32 s29, $0x2  }
0xb6: {  	s1 =	sand.u32 $0x1, s29;
	s2 =	sand.u32 $0x4000, s30;
	s0 =	sadd.s32 s31, s28  }
0xb7: {  	s1 =	sor.u32 s2, s1;
	s0 =	sshll.u32 s0, $0x11  }
0xb8: {  	s0 =	sor.u32 s0, s1  }
0xb9: {  	s0 =	sadd.s32 $0x8F2B, s0  }
0xba: {  	[sflag:s0] =	ssyncadd.remote.s32 $0x1  }
0xbb: {  	_ =	sfence.sel $0xFFFF  }
0xbc: {  	[dreg:$0x0] =	wrdreg $0xFFFFFFFF;
	(pc) =	sbr.abs _section_cstart, $3  }
0xbd: {  	[dreg:$0x1] =	wrdreg $0xFFFFFFFF  }
0xbe: {  	_ =	task.clear_ibuf [dreg:s4], $0x2FFFF;
	_ =	strace $0x9FFFFFFF  }
0xbf: {  	(tm) =	ssettm $0x7FFFFFFF  }
tec
execute0_lowered:
.L_overlay_start_1:
0x0: {  	(tag) =	ssettag $0x1  }
0x1: {  	s8 =	rddreg [dreg:$0x0];
	_ =	strace $0x8000005C;
	s11 =	simm.s32 $0x1  }
0x2: {  	v0 =	vimm.s32 $0x0;
	[sflag:s11] =	ssyncpa.u1 $0x0  }
0x3: {  	[tilespmem:$0x28] =	vst v0  }
0x4: {  	[tilespmem:$0x38] =	vst v0  }
0x5: {  	[tilespmem:$0x48] =	vst v0  }
0x6: {  	[tilespmem:$0x58] =	vst v0  }
0x7: {  	[tilespmem:$0x68] =	vst v0  }
0x8: {  	[tilespmem:$0x78] =	vst v0  }
0x9: {  	[tilespmem:$0x88] =	vst v0  }
0xa: {  	[tilespmem:$0x98] =	vst v0  }
0xb: {  	[tilespmem:$0xA8] =	vst v0  }
0xc: {  	[tilespmem:$0xB8] =	vst v0  }
0xd: {  	[tilespmem:$0xC8] =	vst v0  }
0xe: {  	[tilespmem:$0xD8] =	vst v0  }
0xf: {  	[tilespmem:$0xE8] =	vst v0  }
0x10: {  	[tilespmem:$0xF8] =	vst v0  }
0x11: {  	[tilespmem:$0x108] =	vst v0  }
0x12: {  	[tilespmem:$0x118] =	vst v0  }
0x13: {  	[tilespmem:$0x128] =	vst v0  }
0x14: {  	[tilespmem:$0x138] =	vst v0  }
0x15: {  	[tilespmem:$0x148] =	vst v0  }
0x16: {  	[tilespmem:$0x158] =	vst v0  }
0x17: {  	[tilespmem:$0x168] =	vst v0  }
0x18: {  	[tilespmem:$0x178] =	vst v0  }
0x19: {  	[tilespmem:$0x188] =	vst v0  }
0x1a: {  	[tilespmem:$0x198] =	vst v0  }
0x1b: {  	[tilespmem:$0x1A8] =	vst v0  }
0x1c: {  	[tilespmem:$0x1B8] =	vst v0  }
0x1d: {  	[tilespmem:$0x1C8] =	vst v0  }
0x1e: {  	[tilespmem:$0x1D8] =	vst v0  }
0x1f: {  	[tilespmem:$0x1E8] =	vst v0  }
0x20: {  	[tilespmem:$0x1F8] =	vst v0  }
0x21: {  	[tilespmem:$0x208] =	vst v0  }
0x22: {  	[tilespmem:$0x218] =	vst v0  }
0x23: {  	[tilespmem:$0x228] =	vst v0  }
0x24: {  	[tilespmem:$0x238] =	vst v0  }
0x25: {  	[tilespmem:$0x248] =	vst v0  }
0x26: {  	[tilespmem:$0x258] =	vst v0  }
0x27: {  	[tilespmem:$0x268] =	vst v0  }
0x28: {  	[tilespmem:$0x278] =	vst v0  }
0x29: {  	[tilespmem:$0x288] =	vst v0  }
0x2a: {  	[tilespmem:$0x298] =	vst v0  }
0x2b: {  	[tilespmem:$0x2A8] =	vst v0  }
0x2c: {  	[tilespmem:$0x2B8] =	vst v0  }
0x2d: {  	[tilespmem:$0x2C8] =	vst v0  }
0x2e: {  	[tilespmem:$0x2D8] =	vst v0  }
0x2f: {  	[tilespmem:$0x2E8] =	vst v0  }
0x30: {  	[tilespmem:$0x2F8] =	vst v0  }
0x31: {  	[tilespmem:$0x308] =	vst v0  }
0x32: {  	[tilespmem:$0x318] =	vst v0  }
0x33: {  	[tilespmem:$0x328] =	vst v0  }
0x34: {  	[tilespmem:$0x338] =	vst v0  }
0x35: {  	[tilespmem:$0x348] =	vst v0  }
0x36: {  	[tilespmem:$0x358] =	vst v0  }
0x37: {  	[tilespmem:$0x368] =	vst v0  }
0x38: {  	[tilespmem:$0x378] =	vst v0  }
0x39: {  	[tilespmem:$0x388] =	vst v0  }
0x3a: {  	[tilespmem:$0x398] =	vst v0  }
0x3b: {  	[tilespmem:$0x3A8] =	vst v0  }
0x3c: {  	[tilespmem:$0x3B8] =	vst v0  }
0x3d: {  	[tilespmem:$0x3C8] =	vst v0  }
0x3e: {  	[tilespmem:$0x3D8] =	vst v0  }
0x3f: {  	[tilespmem:$0x3E8] =	vst v0  }
0x40: {  	[tilespmem:$0x3F8] =	vst v0  }
0x41: {  	[tilespmem:$0x408] =	vst v0  }
0x42: {  	[tilespmem:$0x418] =	vst v0  }
0x43: {  	[tilespmem:$0x428] =	vst v0  }
0x44: {  	[tilespmem:$0x438] =	vst v0  }
0x45: {  	[tilespmem:$0x448] =	vst v0  }
0x46: {  	[tilespmem:$0x458] =	vst v0  }
0x47: {  	[tilespmem:$0x468] =	vst v0  }
0x48: {  	[tilespmem:$0x478] =	vst v0  }
0x49: {  	[tilespmem:$0x488] =	vst v0  }
0x4a: {  	[tilespmem:$0x498] =	vst v0  }
0x4b: {  	[tilespmem:$0x4A8] =	vst v0  }
0x4c: {  	[tilespmem:$0x4B8] =	vst v0  }
0x4d: {  	[tilespmem:$0x4C8] =	vst v0  }
0x4e: {  	[tilespmem:$0x4D8] =	vst v0  }
0x4f: {  	[tilespmem:$0x4E8] =	vst v0  }
0x50: {  	[tilespmem:$0x4F8] =	vst v0  }
0x51: {  	[tilespmem:$0x508] =	vst v0  }
0x52: {  	[tilespmem:$0x518] =	vst v0  }
0x53: {  	[tilespmem:$0x528] =	vst v0  }
0x54: {  	[tilespmem:$0x538] =	vst v0  }
0x55: {  	[tilespmem:$0x548] =	vst v0  }
0x56: {  	[tilespmem:$0x558] =	vst v0  }
0x57: {  	[tilespmem:$0x568] =	vst v0  }
0x58: {  	[tilespmem:$0x578] =	vst v0  }
0x59: {  	[tilespmem:$0x588] =	vst v0  }
0x5a: {  	[tilespmem:$0x598] =	vst v0  }
0x5b: {  	[tilespmem:$0x5A8] =	vst v0  }
0x5c: {  	[tilespmem:$0x5B8] =	vst v0  }
0x5d: {  	[tilespmem:$0x5C8] =	vst v0  }
0x5e: {  	[tilespmem:$0x5D8] =	vst v0  }
0x5f: {  	[tilespmem:$0x5E8] =	vst v0  }
0x60: {  	[tilespmem:$0x5F8] =	vst v0  }
0x61: {  	[tilespmem:$0x608] =	vst v0  }
0x62: {  	[tilespmem:$0x618] =	vst v0  }
0x63: {  	[tilespmem:$0x628] =	vst v0  }
0x64: {  	[tilespmem:$0x638] =	vst v0  }
0x65: {  	[tilespmem:$0x648] =	vst v0  }
0x66: {  	[tilespmem:$0x658] =	vst v0  }
0x67: {  	[tilespmem:$0x668] =	vst v0  }
0x68: {  	[tilespmem:$0x678] =	vst v0  }
0x69: {  	[tilespmem:$0x688] =	vst v0  }
0x6a: {  	[tilespmem:$0x698] =	vst v0  }
0x6b: {  	[tilespmem:$0x6A8] =	vst v0  }
0x6c: {  	[tilespmem:$0x6B8] =	vst v0  }
0x6d: {  	[tilespmem:$0x6C8] =	vst v0  }
0x6e: {  	[tilespmem:$0x6D8] =	vst v0  }
0x6f: {  	[tilespmem:$0x6E8] =	vst v0  }
0x70: {  	[tilespmem:$0x6F8] =	vst v0  }
0x71: {  	[tilespmem:$0x708] =	vst v0  }
0x72: {  	[tilespmem:$0x718] =	vst v0  }
0x73: {  	[tilespmem:$0x728] =	vst v0  }
0x74: {  	[tilespmem:$0x738] =	vst v0  }
0x75: {  	[tilespmem:$0x748] =	vst v0  }
0x76: {  	[tilespmem:$0x758] =	vst v0  }
0x77: {  	[tilespmem:$0x768] =	vst v0  }
0x78: {  	[tilespmem:$0x778] =	vst v0  }
0x79: {  	[tilespmem:$0x788] =	vst v0  }
0x7a: {  	[tilespmem:$0x798] =	vst v0  }
0x7b: {  	[tilespmem:$0x7A8] =	vst v0  }
0x7c: {  	[tilespmem:$0x7B8] =	vst v0  }
0x7d: {  	[tilespmem:$0x7C8] =	vst v0  }
0x7e: {  	[tilespmem:$0x7D8] =	vst v0  }
0x7f: {  	[tilespmem:$0x7E8] =	vst v0  }
0x80: {  	[tilespmem:$0x7F8] =	vst v0  }
0x81: {  	[tilespmem:$0x808] =	vst v0  }
0x82: {  	[tilespmem:$0x818] =	vst v0  }
0x83: {  	[tilespmem:$0x828] =	vst v0  }
0x84: {  	[tilespmem:$0x838] =	vst v0  }
0x85: {  	[tilespmem:$0x848] =	vst v0  }
0x86: {  	[tilespmem:$0x858] =	vst v0  }
0x87: {  	[tilespmem:$0x868] =	vst v0  }
0x88: {  	[tilespmem:$0x878] =	vst v0  }
0x89: {  	[tilespmem:$0x888] =	vst v0  }
0x8a: {  	[tilespmem:$0x898] =	vst v0  }
0x8b: {  	[tilespmem:$0x8A8] =	vst v0  }
0x8c: {  	[tilespmem:$0x8B8] =	vst v0  }
0x8d: {  	[tilespmem:$0x8C8] =	vst v0  }
0x8e: {  	[tilespmem:$0x8D8] =	vst v0  }
0x8f: {  	[tilespmem:$0x8E8] =	vst v0  }
0x90: {  	[tilespmem:$0x8F8] =	vst v0  }
0x91: {  	[tilespmem:$0x908] =	vst v0  }
0x92: {  	[tilespmem:$0x918] =	vst v0  }
0x93: {  	[tilespmem:$0x928] =	vst v0  }
0x94: {  	[tilespmem:$0x938] =	vst v0  }
0x95: {  	[tilespmem:$0x948] =	vst v0  }
0x96: {  	[tilespmem:$0x958] =	vst v0  }
0x97: {  	[tilespmem:$0x968] =	vst v0  }
0x98: {  	[tilespmem:$0x978] =	vst v0  }
0x99: {  	[tilespmem:$0x988] =	vst v0  }
0x9a: {  	[tilespmem:$0x998] =	vst v0  }
0x9b: {  	[tilespmem:$0x9A8] =	vst v0  }
0x9c: {  	[tilespmem:$0x9B8] =	vst v0  }
0x9d: {  	[tilespmem:$0x9C8] =	vst v0  }
0x9e: {  	[tilespmem:$0x9D8] =	vst v0  }
0x9f: {  	[tilespmem:$0x9E8] =	vst v0  }
0xa0: {  	[tilespmem:$0x9F8] =	vst v0  }
0xa1: {  	[tilespmem:$0xA08] =	vst v0  }
0xa2: {  	[tilespmem:$0xA18] =	vst v0  }
0xa3: {  	[tilespmem:$0xA28] =	vst v0  }
0xa4: {  	[tilespmem:$0xA38] =	vst v0  }
0xa5: {  	[tilespmem:$0xA48] =	vst v0  }
0xa6: {  	[tilespmem:$0xA58] =	vst v0  }
0xa7: {  	[tilespmem:$0xA68] =	vst v0  }
0xa8: {  	[tilespmem:$0xA78] =	vst v0  }
0xa9: {  	[tilespmem:$0xA88] =	vst v0  }
0xaa: {  	[tilespmem:$0xA98] =	vst v0  }
0xab: {  	[tilespmem:$0xAA8] =	vst v0  }
0xac: {  	[tilespmem:$0xAB8] =	vst v0  }
0xad: {  	[tilespmem:$0xAC8] =	vst v0  }
0xae: {  	[tilespmem:$0xAD8] =	vst v0  }
0xaf: {  	[tilespmem:$0xAE8] =	vst v0  }
0xb0: {  	[tilespmem:$0xAF8] =	vst v0  }
0xb1: {  	[tilespmem:$0xB08] =	vst v0  }
0xb2: {  	[tilespmem:$0xB18] =	vst v0  }
0xb3: {  	[tilespmem:$0xB28] =	vst v0  }
0xb4: {  	[tilespmem:$0xB38] =	vst v0  }
0xb5: {  	[tilespmem:$0xB48] =	vst v0  }
0xb6: {  	[tilespmem:$0xB58] =	vst v0  }
0xb7: {  	[tilespmem:$0xB68] =	vst v0  }
0xb8: {  	[tilespmem:$0xB78] =	vst v0  }
0xb9: {  	[tilespmem:$0xB88] =	vst v0  }
0xba: {  	[tilespmem:$0xB98] =	vst v0  }
0xbb: {  	[tilespmem:$0xBA8] =	vst v0  }
0xbc: {  	[tilespmem:$0xBB8] =	vst v0  }
0xbd: {  	[tilespmem:$0xBC8] =	vst v0  }
0xbe: {  	[tilespmem:$0xBD8] =	vst v0  }
0xbf: {  	[tilespmem:$0xBE8] =	vst v0  }
0xc0: {  	[tilespmem:$0xBF8] =	vst v0  }
0xc1: {  	[tilespmem:$0xC08] =	vst v0  }
0xc2: {  	[tilespmem:$0xC18] =	vst v0  }
0xc3: {  	[tilespmem:$0xC28] =	vst v0  }
0xc4: {  	[tilespmem:$0xC38] =	vst v0  }
0xc5: {  	[tilespmem:$0xC48] =	vst v0  }
0xc6: {  	[tilespmem:$0xC58] =	vst v0  }
0xc7: {  	[tilespmem:$0xC68] =	vst v0  }
0xc8: {  	[tilespmem:$0xC78] =	vst v0  }
0xc9: {  	[tilespmem:$0xC88] =	vst v0  }
0xca: {  	[tilespmem:$0xC98] =	vst v0  }
0xcb: {  	[tilespmem:$0xCA8] =	vst v0  }
0xcc: {  	[tilespmem:$0xCB8] =	vst v0  }
0xcd: {  	[tilespmem:$0xCC8] =	vst v0  }
0xce: {  	[tilespmem:$0xCD8] =	vst v0  }
0xcf: {  	[tilespmem:$0xCE8] =	vst v0  }
0xd0: {  	[tilespmem:$0xCF8] =	vst v0  }
0xd1: {  	[tilespmem:$0xD08] =	vst v0  }
0xd2: {  	[tilespmem:$0xD18] =	vst v0  }
0xd3: {  	[tilespmem:$0xD28] =	vst v0  }
0xd4: {  	[tilespmem:$0xD38] =	vst v0  }
0xd5: {  	[tilespmem:$0xD48] =	vst v0  }
0xd6: {  	[tilespmem:$0xD58] =	vst v0  }
0xd7: {  	[tilespmem:$0xD68] =	vst v0  }
0xd8: {  	[tilespmem:$0xD78] =	vst v0  }
0xd9: {  	[tilespmem:$0xD88] =	vst v0  }
0xda: {  	[tilespmem:$0xD98] =	vst v0  }
0xdb: {  	[tilespmem:$0xDA8] =	vst v0  }
0xdc: {  	[tilespmem:$0xDB8] =	vst v0  }
0xdd: {  	[tilespmem:$0xDC8] =	vst v0  }
0xde: {  	[tilespmem:$0xDD8] =	vst v0  }
0xdf: {  	[tilespmem:$0xDE8] =	vst v0  }
0xe0: {  	[tilespmem:$0xDF8] =	vst v0  }
0xe1: {  	[tilespmem:$0xE08] =	vst v0  }
0xe2: {  	[tilespmem:$0xE18] =	vst v0  }
0xe3: {  	[tilespmem:$0xE28] =	vst v0  }
0xe4: {  	[tilespmem:$0xE38] =	vst v0  }
0xe5: {  	[tilespmem:$0xE48] =	vst v0  }
0xe6: {  	[tilespmem:$0xE58] =	vst v0  }
0xe7: {  	[tilespmem:$0xE68] =	vst v0  }
0xe8: {  	[tilespmem:$0xE78] =	vst v0  }
0xe9: {  	[tilespmem:$0xE88] =	vst v0  }
0xea: {  	[tilespmem:$0xE98] =	vst v0  }
0xeb: {  	[tilespmem:$0xEA8] =	vst v0  }
0xec: {  	[tilespmem:$0xEB8] =	vst v0  }
0xed: {  	[tilespmem:$0xEC8] =	vst v0  }
0xee: {  	[tilespmem:$0xED8] =	vst v0  }
0xef: {  	[tilespmem:$0xEE8] =	vst v0  }
0xf0: {  	[tilespmem:$0xEF8] =	vst v0  }
0xf1: {  	[tilespmem:$0xF08] =	vst v0  }
0xf2: {  	[tilespmem:$0xF18] =	vst v0  }
0xf3: {  	[tilespmem:$0xF28] =	vst v0  }
0xf4: {  	[tilespmem:$0xF38] =	vst v0  }
0xf5: {  	[tilespmem:$0xF48] =	vst v0  }
0xf6: {  	[tilespmem:$0xF58] =	vst v0  }
0xf7: {  	[tilespmem:$0xF68] =	vst v0  }
0xf8: {  	[tilespmem:$0xF78] =	vst v0  }
0xf9: {  	[tilespmem:$0xF88] =	vst v0  }
0xfa: {  	[tilespmem:$0xF98] =	vst v0  }
0xfb: {  	[tilespmem:$0xFA8] =	vst v0  }
0xfc: {  	[tilespmem:$0xFB8] =	vst v0  }
0xfd: {  	[tilespmem:$0xFC8] =	vst v0  }
0xfe: {  	[tilespmem:$0xFD8] =	vst v0  }
0xff: {  	[tilespmem:$0xFE8] =	vst v0  }
0x100: {  	[tilespmem:$0xFF8] =	vst v0  }
0x101: {  	[tilespmem:$0x1018] =	vst v0  }
0x102: {  	[tilespmem:$0x10D8] =	vst v0  }
0x103: {  	[tilespmem:$0x1B28] =	vst v0  }
0x104: {  	[tilespmem:$0x1B18] =	vst v0  }
0x105: {  	[tilespmem:$0x1B08] =	vst v0  }
0x106: {  	[tilespmem:$0x1AF8] =	vst v0  }
0x107: {  	[tilespmem:$0x1AE8] =	vst v0  }
0x108: {  	[tilespmem:$0x1AD8] =	vst v0  }
0x109: {  	[tilespmem:$0x1AC8] =	vst v0  }
0x10a: {  	[tilespmem:$0x1AB8] =	vst v0  }
0x10b: {  	[tilespmem:$0x1AA8] =	vst v0  }
0x10c: {  	[tilespmem:$0x1A98] =	vst v0  }
0x10d: {  	[tilespmem:$0x1A88] =	vst v0  }
0x10e: {  	[tilespmem:$0x1A78] =	vst v0  }
0x10f: {  	[tilespmem:$0x1A68] =	vst v0  }
0x110: {  	[tilespmem:$0x1A58] =	vst v0  }
0x111: {  	[tilespmem:$0x1A48] =	vst v0  }
0x112: {  	[tilespmem:$0x1A38] =	vst v0  }
0x113: {  	[tilespmem:$0x1A28] =	vst v0  }
0x114: {  	[tilespmem:$0x1A18] =	vst v0  }
0x115: {  	[tilespmem:$0x1A08] =	vst v0  }
0x116: {  	[tilespmem:$0x19F8] =	vst v0  }
0x117: {  	[tilespmem:$0x19E8] =	vst v0  }
0x118: {  	[tilespmem:$0x19D8] =	vst v0  }
0x119: {  	[tilespmem:$0x19C8] =	vst v0  }
0x11a: {  	[tilespmem:$0x19B8] =	vst v0  }
0x11b: {  	[tilespmem:$0x19A8] =	vst v0  }
0x11c: {  	[tilespmem:$0x1998] =	vst v0  }
0x11d: {  	[tilespmem:$0x1988] =	vst v0  }
0x11e: {  	[tilespmem:$0x1978] =	vst v0  }
0x11f: {  	[tilespmem:$0x1968] =	vst v0  }
0x120: {  	[tilespmem:$0x1958] =	vst v0  }
0x121: {  	[tilespmem:$0x1948] =	vst v0  }
0x122: {  	[tilespmem:$0x1938] =	vst v0  }
0x123: {  	[tilespmem:$0x1928] =	vst v0  }
0x124: {  	[tilespmem:$0x1918] =	vst v0  }
0x125: {  	[tilespmem:$0x1908] =	vst v0  }
0x126: {  	[tilespmem:$0x18F8] =	vst v0  }
0x127: {  	[tilespmem:$0x18E8] =	vst v0  }
0x128: {  	[tilespmem:$0x18D8] =	vst v0  }
0x129: {  	[tilespmem:$0x18C8] =	vst v0  }
0x12a: {  	[tilespmem:$0x18B8] =	vst v0  }
0x12b: {  	[tilespmem:$0x18A8] =	vst v0  }
0x12c: {  	[tilespmem:$0x1898] =	vst v0  }
0x12d: {  	[tilespmem:$0x1888] =	vst v0  }
0x12e: {  	[tilespmem:$0x1878] =	vst v0  }
0x12f: {  	[tilespmem:$0x1868] =	vst v0  }
0x130: {  	[tilespmem:$0x1858] =	vst v0  }
0x131: {  	[tilespmem:$0x1848] =	vst v0  }
0x132: {  	[tilespmem:$0x1838] =	vst v0  }
0x133: {  	[tilespmem:$0x1828] =	vst v0  }
0x134: {  	[tilespmem:$0x1818] =	vst v0  }
0x135: {  	[tilespmem:$0x1808] =	vst v0  }
0x136: {  	[tilespmem:$0x17F8] =	vst v0  }
0x137: {  	[tilespmem:$0x17E8] =	vst v0  }
0x138: {  	[tilespmem:$0x17D8] =	vst v0  }
0x139: {  	[tilespmem:$0x17C8] =	vst v0  }
0x13a: {  	[tilespmem:$0x17B8] =	vst v0  }
0x13b: {  	[tilespmem:$0x17A8] =	vst v0  }
0x13c: {  	[tilespmem:$0x1798] =	vst v0  }
0x13d: {  	[tilespmem:$0x1788] =	vst v0  }
0x13e: {  	[tilespmem:$0x1778] =	vst v0  }
0x13f: {  	[tilespmem:$0x1768] =	vst v0  }
0x140: {  	[tilespmem:$0x1758] =	vst v0  }
0x141: {  	[tilespmem:$0x1748] =	vst v0  }
0x142: {  	[tilespmem:$0x1738] =	vst v0  }
0x143: {  	[tilespmem:$0x1728] =	vst v0  }
0x144: {  	[tilespmem:$0x1718] =	vst v0  }
0x145: {  	[tilespmem:$0x1708] =	vst v0  }
0x146: {  	[tilespmem:$0x16F8] =	vst v0  }
0x147: {  	[tilespmem:$0x16E8] =	vst v0  }
0x148: {  	[tilespmem:$0x16D8] =	vst v0  }
0x149: {  	[tilespmem:$0x16C8] =	vst v0  }
0x14a: {  	[tilespmem:$0x16B8] =	vst v0  }
0x14b: {  	[tilespmem:$0x16A8] =	vst v0  }
0x14c: {  	[tilespmem:$0x1698] =	vst v0  }
0x14d: {  	[tilespmem:$0x1688] =	vst v0  }
0x14e: {  	[tilespmem:$0x1678] =	vst v0  }
0x14f: {  	[tilespmem:$0x1668] =	vst v0  }
0x150: {  	[tilespmem:$0x1658] =	vst v0  }
0x151: {  	[tilespmem:$0x1648] =	vst v0  }
0x152: {  	[tilespmem:$0x1638] =	vst v0  }
0x153: {  	[tilespmem:$0x1628] =	vst v0  }
0x154: {  	[tilespmem:$0x1618] =	vst v0  }
0x155: {  	[tilespmem:$0x1608] =	vst v0  }
0x156: {  	[tilespmem:$0x15F8] =	vst v0  }
0x157: {  	[tilespmem:$0x15E8] =	vst v0  }
0x158: {  	[tilespmem:$0x15D8] =	vst v0  }
0x159: {  	[tilespmem:$0x15C8] =	vst v0  }
0x15a: {  	[tilespmem:$0x15B8] =	vst v0  }
0x15b: {  	[tilespmem:$0x15A8] =	vst v0  }
0x15c: {  	[tilespmem:$0x1598] =	vst v0  }
0x15d: {  	[tilespmem:$0x1588] =	vst v0  }
0x15e: {  	[tilespmem:$0x1578] =	vst v0  }
0x15f: {  	[tilespmem:$0x1568] =	vst v0  }
0x160: {  	[tilespmem:$0x1558] =	vst v0  }
0x161: {  	[tilespmem:$0x1548] =	vst v0  }
0x162: {  	[tilespmem:$0x1538] =	vst v0  }
0x163: {  	[tilespmem:$0x1528] =	vst v0  }
0x164: {  	[tilespmem:$0x1518] =	vst v0  }
0x165: {  	[tilespmem:$0x1508] =	vst v0  }
0x166: {  	[tilespmem:$0x14F8] =	vst v0  }
0x167: {  	[tilespmem:$0x14E8] =	vst v0  }
0x168: {  	[tilespmem:$0x14D8] =	vst v0  }
0x169: {  	[tilespmem:$0x14C8] =	vst v0  }
0x16a: {  	[tilespmem:$0x14B8] =	vst v0  }
0x16b: {  	[tilespmem:$0x14A8] =	vst v0  }
0x16c: {  	[tilespmem:$0x1498] =	vst v0  }
0x16d: {  	[tilespmem:$0x1488] =	vst v0  }
0x16e: {  	[tilespmem:$0x1478] =	vst v0  }
0x16f: {  	[tilespmem:$0x1468] =	vst v0  }
0x170: {  	[tilespmem:$0x1458] =	vst v0  }
0x171: {  	[tilespmem:$0x1448] =	vst v0  }
0x172: {  	[tilespmem:$0x1438] =	vst v0  }
0x173: {  	[tilespmem:$0x1428] =	vst v0  }
0x174: {  	[tilespmem:$0x1418] =	vst v0  }
0x175: {  	[tilespmem:$0x1408] =	vst v0  }
0x176: {  	[tilespmem:$0x13F8] =	vst v0  }
0x177: {  	[tilespmem:$0x13E8] =	vst v0  }
0x178: {  	[tilespmem:$0x13D8] =	vst v0  }
0x179: {  	[tilespmem:$0x13C8] =	vst v0  }
0x17a: {  	[tilespmem:$0x13B8] =	vst v0  }
0x17b: {  	[tilespmem:$0x13A8] =	vst v0  }
0x17c: {  	[tilespmem:$0x1398] =	vst v0  }
0x17d: {  	[tilespmem:$0x1388] =	vst v0  }
0x17e: {  	[tilespmem:$0x1378] =	vst v0  }
0x17f: {  	[tilespmem:$0x1368] =	vst v0  }
0x180: {  	[tilespmem:$0x1358] =	vst v0  }
0x181: {  	[tilespmem:$0x1348] =	vst v0  }
0x182: {  	[tilespmem:$0x1338] =	vst v0  }
0x183: {  	[tilespmem:$0x1328] =	vst v0  }
0x184: {  	[tilespmem:$0x1318] =	vst v0  }
0x185: {  	[tilespmem:$0x1308] =	vst v0  }
0x186: {  	[tilespmem:$0x12F8] =	vst v0  }
0x187: {  	[tilespmem:$0x12E8] =	vst v0  }
0x188: {  	[tilespmem:$0x12D8] =	vst v0  }
0x189: {  	[tilespmem:$0x12C8] =	vst v0  }
0x18a: {  	[tilespmem:$0x12B8] =	vst v0  }
0x18b: {  	[tilespmem:$0x12A8] =	vst v0  }
0x18c: {  	[tilespmem:$0x1298] =	vst v0  }
0x18d: {  	[tilespmem:$0x1288] =	vst v0  }
0x18e: {  	[tilespmem:$0x1278] =	vst v0  }
0x18f: {  	[tilespmem:$0x1268] =	vst v0  }
0x190: {  	[tilespmem:$0x1258] =	vst v0  }
0x191: {  	[tilespmem:$0x1248] =	vst v0  }
0x192: {  	[tilespmem:$0x1238] =	vst v0  }
0x193: {  	[tilespmem:$0x1228] =	vst v0  }
0x194: {  	[tilespmem:$0x1218] =	vst v0  }
0x195: {  	[tilespmem:$0x1208] =	vst v0  }
0x196: {  	[tilespmem:$0x11F8] =	vst v0  }
0x197: {  	[tilespmem:$0x11E8] =	vst v0  }
0x198: {  	[tilespmem:$0x11D8] =	vst v0  }
0x199: {  	[tilespmem:$0x11C8] =	vst v0  }
0x19a: {  	[tilespmem:$0x11B8] =	vst v0  }
0x19b: {  	[tilespmem:$0x11A8] =	vst v0  }
0x19c: {  	[tilespmem:$0x1198] =	vst v0  }
0x19d: {  	[tilespmem:$0x1188] =	vst v0  }
0x19e: {  	[tilespmem:$0x1178] =	vst v0  }
0x19f: {  	[tilespmem:$0x1168] =	vst v0  }
0x1a0: {  	[tilespmem:$0x1158] =	vst v0  }
0x1a1: {  	[tilespmem:$0x1148] =	vst v0  }
0x1a2: {  	[tilespmem:$0x1138] =	vst v0  }
0x1a3: {  	[tilespmem:$0x1128] =	vst v0  }
0x1a4: {  	[tilespmem:$0x1118] =	vst v0  }
0x1a5: {  	s2 =	stileid.u32;
	[tilespmem:$0x1108] =	vst v0  }
0x1a6: {  	s0 =	simm.s32 $0x1;
	p0 =	sne.s32 s2, $0x0;
	s1 =	smul.u32 $0x5E, s2;
	[tilespmem:$0x10F8] =	vst v0  }
0x1a7: {  	[tilespmem:$0x10E8] =	vst v0;
	s0 =	simm.s32 @!p0 $0x0;
	s3 =	simm.s32 @!p0 $0x0  }
0x1a8: {  	[tilespmem:$0x10B8] =	vst v0;
	s3 =	simm.s32 @p0 $0x1;
	s0 =	sor.u32 s0, s1;
	s1 =	simm.s32 $0xA050  }
0x1a9: {  	[tilespmem:$0x10C8] =	vst v0;
	p0 =	seq.s32 s2, $0x0;
	[smem:$0x7FD] =	sst s3;
	s3 =	smul.u32 $0x1B0, s0  }
0x1aa: {  	s1 =	simm.s32 @!p0 $0x9EA0;
	[tilespmem:$0x10A8] =	vst v0  }
0x1ab: {  	[tilespmem:$0x1038] =	vst v0;
	s0 =	sadd.s32 s1, s3  }
0x1ac: {  	[tilespmem:$0x1098] =	vst v0;
	s4 =	smin.u32 s0, $0x9EB10  }
0x1ad: {  	[tilespmem:$0x1088] =	vst v0;
	s0 =	ssub.s32 s4, s3  }
0x1ae: {  	s5 =	simm.s32 $0x2;
	s29 =	simm.s32 $0x7;
	[tilespmem:$0x1078] =	vst v0;
	p0 =	sgt.s32 s0, $0x0  }
0x1af: {  	s13 =	simm.s32 $0x8;
	s30 =	simm.s32 $0x9;
	[tilespmem:$0x1068] =	vst v0;
	s0 =	simm.s32 @!p0 $0x0  }
0x1b0: {  	p1 =	por $0x1, $0x1;
	p2 =	por $0x0, $0x0;
	[tilespmem:$0x1058] =	vst v0;
	s6 =	smulhi.u32 $0x4BDA12F7, s0  }
0x1b1: {  	s14 =	simm.s32 $0xA;
	s18 =	simm.s32 $0x0;
	s15 =	simm.s32 $0x0;
	[tilespmem:$0x1048] =	vst v0  }
0x1b2: {  	s17 =	simm.s32 $0x0;
	s7 =	sadd.s32 $0x179E00, s8;
	[tilespmem:$0x1028] =	vst v0;
	s12 =	sshrl.u32 s6, $0x7  }
0x1b3: {  	s31 =	sshll.u32 s2, $0x5;
	[tilespmem:$0x1008] =	vst v0;
	[sflag:s5] =	ssyncpa.u1 $0x0;
	v0 =	vimm.s32 $0xFFFFFFFF;
	s10 =	smul.u32 $0x1B0, s12  }
.Ltmp0:
0x1b4: {  	s5 =	sadd.s32 $0xA2000, s8;
	[tilespmem:$0x3648] =	vst v0;
	[sflag:s29] =	ssyncpa.u1 $0x0;
	(pc) =	sbr.rel .LBB2_1-.Ltmp0, $4  }
0x1b5: {  	[dreg:$0x2] =	wrdreg s31;
	[sflag:s13] =	ssyncpa.u1 $0x0;
	p0 =	sne.s32 s0, s10  }
0x1b6: {  	s13 =	simm.s32 $0x0;
	[sflag:s30] =	ssyncpa.u1 $0x0;
	s11 =	simm.s32 @!p0 $0x0  }
0x1b7: {  	s1 =	sadd.s32 $0x4200, s8;
	s16 =	smov.u32 s3;
	s11 =	sadd.s32 s11, s12  }
0x1b8: {  	v0 =	vlaneseq.u32;
	[dreg:$0x3] =	wrdreg s3;
	s6 =	sadd.s32 $0x8E200, s8;
	s8 =	sadd.s32 $0x1, s11  }
.LBB2_18:
0x1b9: {  	s0 =	simm.s32 $0x2  }
0x1ba: {  	_ =	swait.ge [sflag:s0], $0x0  }
0x1bb: {  	[sflag:s0] =	ssyncset.done $0x0;
	s0 =	simm.s32 $0x0  }
.LBB2_19:
0x1bc: {  	_ =	swait.ge [sflag:s14], s0  }
0x1bd: {  	s31 =	ssub.s32 $0x0, s0;
	v1 =	vmov s20;
	vm0 =	veq.s32 v0, $0x0;
	[sflag:s14] =	ssyncset.done $0x0  }
0x1be: {  	vm15 =	veq.s32 v0, $0x2;
	v1 =	vsel vm0, s24, v1;
	[sflag:s14] =	ssyncadd.s32 s31  }
0x1bf: {  	v1 =	vsel vm15, s18, v1;
	[sflag:s14] =	ssyncpa.u1 $0x1  }
0x1c0: {  	[tilespmem:$0x3648] =	vst v1  }
.LBB2_20:
0x1c1: {  	s0 =	sadd.s32 $0x1B0, s16  }
0x1c2: {  	s2 =	smov.u32 s3;
	p0 =	slt.s32 s0, s4  }
0x1c3: {  	s2 =	smov.u32 @p0 s0;
	p0 =	sne.s32 s17, s8  }
.Ltmp1:
0x1c4: {  	_ = 	snop;
	(pc) =	sbr.rel @!p0 .LBB2_21-.Ltmp1, $4  }
0x1c5: {  	_ = 	snop  }
0x1c6: {  	s18 =	smov.u32 s15  }
0x1c7: {  	s31 =	sadd.s32 $0x1, s17;
	s15 =	smov.u32 s16;
	p1 =	por !p1, !p1  }
0x1c8: {  	p2 =	por !p2, !p2;
	s17 =	smov.u32 s31;
	s16 =	smov.u32 s2  }
.LBB2_1:
0x1c9: {  	p3 =	sge.u32 s17, s11  }
0x1ca: {  	s0 =	smulhi.u32 @!p3 $0xAAAAAAAB, s17  }
0x1cb: {  	s19 =	smov.u32 s16;
	p0 =	sgt.s32 @!p3 s16, $0x9E960  }
0x1cc: {  	s20 =	sshra.s32 @!p3 s16, $0x1F;
	p0 =	por !p0, p3;
	s0 =	sshrl.u32 @!p3 s0, $0x1  }
0x1cd: {  	s20 =	sand.u32 @!p3 s20, s16;
	s19 =	simm.s32 @p0 $0x9E960;
	s0 =	smul.u32 @!p3 $0x3, s0  }
0x1ce: {  	s19 =	ssub.s32 @!p3 s19, s20  }
0x1cf: {  	s19 =	sadd.s32 @!p3 $0xFFF616A0, s19;
	s0 =	ssub.s32 @!p3 s17, s0  }
0x1d0: {  	s20 =	sshll.u32 @!p3 s19, $0x2;
	p0 =	sgt.s32 @!p3 s19, $0x1AF;
	s0 =	smul.u32 @!p3 $0x6C0, s0  }
0x1d1: {  	s21 =	sand.u32 @!p3 $0x7, s16;
	s19 =	ssub.s32 @!p3 $0x6C0, s20;
	p0 =	por !p0, p3  }
0x1d2: {  	s20 =	sshrl.u32 @!p3 s16, $0x3;
	s19 =	sshrl.u32 @!p3 s19, $0x2;
	s0 =	sshrl.u32 @!p3 s0, $0x2  }
0x1d3: {  	s20 =	sadd.s32 @!p3 s5, s20;
	s19 =	simm.s32 @!p0 $0x0;
	s0 =	sadd.s32 @!p3 $0x3878, s0  }
0x1d4: {  	[tilespmem:s0], [sflag:$0x8] =	stream.linear.gather @!p3 [hbm4b:s20+s21], s19, $0x38;
	[tilespmem:$0x1F0E8] =	vst v63  }
0x1d5: {  	s20 =	sadd.s32 $0xFFFFFFFF, s17  }
0x1d6: {  	p3 =	sge.u32 s20, s11  }
0x1d7: {  	p0 =	sgt.s32 @!p3 s15, $0x9E960  }
0x1d8: {  	s0 =	smov.u32 s15;
	s19 =	sshra.s32 @!p3 s15, $0x1F;
	p0 =	por !p0, p3  }
0x1d9: {  	s19 =	sand.u32 @!p3 s19, s15;
	s0 =	simm.s32 @p0 $0x9E960  }
0x1da: {  	s0 =	ssub.s32 @!p3 s0, s19  }
0x1db: {  	s0 =	sadd.s32 @!p3 $0xFFF616A0, s0  }
0x1dc: {  	s19 =	sshll.u32 @!p3 s0, $0x2  }
0x1dd: {  	p0 =	sgt.s32 @!p3 s0, $0x1AF;
	s0 =	ssub.s32 @!p3 $0x6C0, s19  }
0x1de: {  	p0 =	por !p0, p3;
	s0 =	sshrl.u32 @!p3 s0, $0x2  }
0x1df: {  	s21 =	simm.s32 @!p3 $0x8;
	s19 =	sand.u32 @!p3 $0x1, s20;
	s0 =	simm.s32 @!p0 $0x0  }
0x1e0: {  	s19 =	smul.u32 @!p3 $0x6C0, s19;
	_ =	swait.ge @!p3 [sflag:s21], s0  }
0x1e1: {  	s22 =	ssub.s32 @!p3 $0x0, s0;
	[sflag:s21] =	ssyncset.done @!p3 $0x0  }
0x1e2: {  	s19 =	sshrl.u32 @!p3 s19, $0x2;
	[sflag:s21] =	ssyncadd.s32 @!p3 s22;
	s21 =	sshrl.u32 @!p3 s15, $0x3  }
0x1e3: {  	s19 =	sadd.s32 @!p3 $0x3D88, s19;
	s22 =	sand.u32 @!p3 $0x7, s15;
	s21 =	sadd.s32 @!p3 s6, s21  }
0x1e4: {  	[tilespmem:s19], [sflag:$0x9] =	stream.linear.gather @!p3 [hbm4b:s21+s22], s0, $0x38;
	[tilespmem:$0x1F0E8] =	vst v63  }
0x1e5: {  	s19 =	ssub.s32 @!p3 $0x9EB10, s15  }
0x1e6: {  	p0 =	slt.s32 @!p3 s19, $0x1  }
0x1e7: {  	p0 =	por p3, p0  }
.Ltmp2:
0x1e8: {  	_ = 	snop;
	(pc) =	sbr.rel @p0 .LBB2_7-.Ltmp2, $1  }
0x1e9: {  	_ =	sdelay $0x3  }
0x1ea: {  	s0 =	smulhi.u32 $0xAAAAAAAB, s20;
	_ =	sdelay $0x1  }
0x1eb: {  	s0 =	sshrl.u32 s0, $0x1  }
0x1ec: {  	s0 =	smul.u32 $0x3, s0;
	_ =	sdelay $0x1  }
0x1ed: {  	s0 =	ssub.s32 s20, s0  }
0x1ee: {  	s21 =	simm.s32 $0x1;
	s0 =	smul.u32 $0x6C0, s0  }
.Ltmp3:
0x1ef: {  	s21 =	simm.s32 @!p1 $0x0;
	(pc) =	sbr.rel .LBB2_4-.Ltmp3, $4  }
0x1f0: {  	s31 =	smul.u32 $0x36000, s21  }
0x1f1: {  	p0 =	slt.s32 @!p3 s19, $0x1B0;
	s0 =	sshrl.u32 s0, $0x2  }
0x1f2: {  	p0 =	por !p0, p3;
	s20 =	sshrl.u32 s31, $0x2;
	s0 =	sadd.s32 $0x3878, s0  }
0x1f3: {  	s19 =	simm.s32 @p0 $0x1B0;
	s21 =	simm.s32 $0x0;
	s20 =	sadd.s32 $0x40E8, s20;
	v1 =	vmov s0  }
.LBB2_3:
0x1f4: {  	p0 =	sge.s32 s21, s19  }
.Ltmp4:
0x1f5: {  	_ = 	snop;
	(pc) =	sbr.rel @p0 .LBB2_7-.Ltmp4, $2  }
0x1f6: {  	_ =	sdelay $0x2  }
0x1f7: {  	s20 =	sadd.s32 $0x800, s20  }
.LBB2_4:
0x1f8: {  	p0 =	sle.s32 s19, s21  }
.Ltmp5:
0x1f9: {  	_ = 	snop;
	(pc) =	sbr.rel @p0 .LBB2_3-.Ltmp5, $2  }
0x1fa: {  	_ =	sdelay $0x2  }
0x1fb: {  	s22 =	smov.u32 s21;
	s21 =	sadd.s32 $0x10, s21  }
0x1fc: {  	s0 =	ssub.s32 s19, s22  }
0x1fd: {  	p0 =	slt.s32 s0, $0x10  }
0x1fe: {  	s0 =	simm.s32 @!p0 $0x10  }
0x1ff: {  	v2 =	vmov s0  }
0x200: {  	vm0 =	vgt.s32 v2, v0;
	_ =	sdelay $0x5  }
0x201: {  	v2 =	vld.idx.msk [tilespmem:v1+s22+$0x0 ss:$0x1], vm0;
	_ =	sdelay $0x2  }
0x202: {  	s23 =	smov.u32 s19;
	p0 =	slt.s32 s21, s19  }
0x203: {  	s24 =	smov.u32 s20;
	s25 =	simm.s32 $0x0;
	s23 =	smov.u32 @p0 s21  }
.LBB2_6:
0x204: {  	(v2sf) =	vpush v2, s25;
	_ =	sdelay $0xc  }
0x205: {  	s25 =	sadd.s32 $0x1, s25  }
0x206: {  	s31 =	sadd.s32 s25, s22  }
0x207: {  	p0 =	slt.s32 s31, s23;
	s0 =	spop (v2sf)  }
.Ltmp6:
0x208: {  	s0 =	sshll.u32 s0, $0x4;
	(pc) =	sbr.rel @p0 .LBB2_6-.Ltmp6, $4  }
0x209: {  	s0 =	sand.u32 $0x1FFFFFF0, s0  }
0x20a: {  	s0 =	sadd.s32 s7, s0  }
0x20b: {  	[tilespmem:s24], [sflag:$0x7] =	stream.linear.gather [hbm4b:s0+s13], $0x4, $0x38;
	[tilespmem:$0x1F0E8] =	vst v63  }
0x20c: {  	s24 =	sadd.s32 $0x80, s24  }
.Ltmp7:
0x20d: {  	_ = 	snop;
	(pc) =	sbr.rel .LBB2_3-.Ltmp7, $1  }
0x20e: {  	_ =	sdelay $0x3  }
.LBB2_7:
0x20f: {  	p0 =	slt.u32 s17, $0x2  }
.Ltmp8:
0x210: {  	_ = 	snop;
	(pc) =	sbr.rel @p0 .LBB2_20-.Ltmp8, $1  }
0x211: {  	_ =	sdelay $0x3  }
0x212: {  	p0 =	sgt.s32 s18, $0x9E960;
	s0 =	smov.u32 s18  }
0x213: {  	s19 =	sshra.s32 s18, $0x1F;
	s20 =	ssub.s32 $0x9EB10, s18;
	s0 =	simm.s32 @!p0 $0x9E960  }
0x214: {  	s19 =	sand.u32 s19, s18;
	p0 =	slt.s32 s20, $0x1B0;
	s21 =	smov.u32 s20  }
0x215: {  	s0 =	ssub.s32 s0, s19;
	s21 =	simm.s32 @!p0 $0x1B0  }
0x216: {  	s0 =	sadd.s32 $0xFFF616A0, s0;
	s26 =	sshll.u32 s21, $0x2  }
0x217: {  	s2 =	simm.s32 $0x7;
	s28 =	sshll.u32 s0, $0x2;
	s19 =	sand.u32 $0x3FFFFFFC, s26  }
0x218: {  	p0 =	sgt.s32 s0, $0x1AF;
	s29 =	ssub.s32 $0x6C0, s28;
	_ =	swait.ge [sflag:s2], s19  }
0x219: {  	s19 =	ssub.s32 $0x0, s19;
	[sflag:s2] =	ssyncset.done $0x0;
	s0 =	sshrl.u32 s29, $0x2  }
0x21a: {  	s30 =	simm.s32 $0x9;
	[sflag:s2] =	ssyncadd.s32 s19;
	s0 =	simm.s32 @p0 $0x0  }
0x21b: {  	_ =	swait.ge [sflag:s30], s0  }
0x21c: {  	s0 =	ssub.s32 $0x0, s0;
	[sflag:s30] =	ssyncset.done $0x0  }
0x21d: {  	[sflag:s30] =	ssyncadd.s32 s0  }
0x21e: {  	v1 =	vld [tilespmem:$0x3648];
	_ =	sdelay $0x4  }
0x21f: {  	(v2sf) =	vpush v1, $0x0  }
0x220: {  	(v2sf) =	vpush v1, $0x1  }
0x221: {  	(v2sf) =	vpush v1, $0x2;
	_ =	sdelay $0x3  }
0x222: {  	s0 =	sadd.s32 $0x1B0, s18  }
0x223: {  	p0 =	slt.s32 s4, s0  }
0x224: {  	s0 =	smov.u32 @p0 s4;
	p0 =	sgt.s32 s20, $0x0  }
0x225: {  	s22 =	ssub.s32 s0, s18;
	s20 =	simm.s32 @!p0 $0x0  }
0x226: {  	p0 =	slt.s32 s20, s22  }
0x227: {  	s22 =	smov.u32 @p0 s20  }
0x228: {  	s21 =	simm.s32 $0x1;
	p3 =	slt.s32 s22, $0x1  }
.Ltmp9:
0x229: {  	s21 =	simm.s32 @!p2 $0x0;
	(pc) =	sbr.rel @p3 .LBB2_12-.Ltmp9, $4  }
0x22a: {  	s31 =	smul.u32 $0x6C0, s21  }
0x22b: {  	s23 =	spop (v2sf)  }
0x22c: {  	s0 =	sshrl.u32 s31, $0x2;
	s25 =	spop (v2sf)  }
0x22d: {  	s19 =	sadd.s32 $0x3D88, s0;
	s18 =	spop (v2sf)  }
0x22e: {  	s0 =	smin.u32 s22, $0x10  }
0x22f: {  	v1 =	vmov s0  }
0x230: {  	p0 =	sgt.s32 s22, $0x10;
	vm1 =	vgt.u32 v1, v0  }
.Ltmp10:
0x231: {  	_ = 	snop;
	(pc) =	sbr.rel @!p0 .LBB2_11-.Ltmp10, $2  }
0x232: {  	_ =	sdelay $0x2  }
0x233: {  	s24 =	simm.s32 $0x10;
	s26 =	sadd.s32 $0xFFFFFFF0, s22;
	s20 =	smov.u32 s19;
	vm0 =	vmmov vm1  }
.LBB2_10:
0x234: {  	s0 =	smin.u32 s26, $0x10;
	s24 =	sadd.s32 $0x10, s24;
	v1 =	vld.msk [tilespmem:s20+$0x0 ss:$0x1], vm1  }
0x235: {  	v2 =	vmov s0;
	p0 =	slt.s32 s24, s22  }
0x236: {  	vm1 =	vgt.u32 v2, v0  }
.Ltmp11:
0x237: {  	(pc) =	sbr.rel @p0 .LBB2_10-.Ltmp11, $3  }
0x238: {  	_ =	sdelay $0x1  }
0x239: {  	v1 =	vshll.u32 v1, $0x4  }
0x23a: {  	s26 =	sadd.s32 $0xFFFFFFF0, s26;
	[tilespmem:s20+$0x0] =	vst.msk vm0, v1;
	s20 =	sadd.s32 $0x10, s20;
	vm0 =	vmmov vm1  }
.LBB2_11:
0x23b: {  	_ =	sdelay $0x4  }
0x23c: {  	v1 =	vld.msk [tilespmem:s20+$0x0 ss:$0x1], vm1;
	_ =	sdelay $0x4  }
0x23d: {  	v1 =	vshll.u32 v1, $0x4  }
0x23e: {  	[tilespmem:s20+$0x0] =	vst.msk vm0, v1  }
.LBB2_12:
0x23f: {  	s0 =	sand.u32 $0x1, s17  }
0x240: {  	s0 =	smul.u32 $0x1B0, s0  }
0x241: {  	p0 =	sne.s32 s25, $0xFFFFFFFF  }
0x242: {  	v1 =	vld.msk @!p0 [tilespmem:s0+$0x3D88], $0x1;
	_ =	sdelay $0x4  }
0x243: {  	(v2sf) =	vpush @!p0 v1, $0x0;
	_ =	sdelay $0xc  }
.Ltmp12:
0x244: {  	_ = 	snop;
	(pc) =	sbr.rel @p3 .LBB2_18-.Ltmp12, $4  }
0x245: {  	_ = 	snop  }
0x246: {  	s24 =	spop @!p0 (v2sf)  }
0x247: {  	s18 =	simm.s32 @!p0 $0x0;
	s20 =	smov.u32 s24  }
0x248: {  	[sflag:s14] =	ssyncpa.u1 $0x0;
	s24 =	smov.u32 @p0 s23;
	s20 =	smov.u32 @p0 s25  }
0x249: {  	v1 =	vld.msk [tilespmem:s19+$0x0], $0x1;
	_ =	sdelay $0x4  }
0x24a: {  	(v2sf) =	vpush v1, $0x0;
	_ =	sdelay $0xd  }
0x24b: {  	s0 =	simm.s32 @!p2 $0x0  }
0x24c: {  	s26 =	smul.u32 $0x36000, s21;
	s25 =	ssub.s32 $0x0, s22;
	s28 =	spop (v2sf)  }
0x24d: {  	s0 =	simm.s32 @p2 $0x1;
	s23 =	sadd.s32 $0x1, s25;
	p3 =	seq.s32 s24, s28  }
0x24e: {  	[smem:$0x7FC] =	sst s0;
	s0 =	sshrl.u32 s26, $0x2;
	p0 =	sgt.s32 @!p3 s24, $0x0  }
0x24f: {  	s21 =	sadd.s32 $0x40E8, s0;
	s0 =	smov.u32 s24;
	p0 =	por !p0, p3  }
0x250: {  	s0 =	simm.s32 @p0 $0x0;
	p0 =	seq.s32 s23, $0x0  }
.Ltmp13:
0x251: {  	_ = 	snop;
	(pc) =	sbr.rel @p0 .LBB2_15-.Ltmp13, $4  }
0x252: {  	s3 =	smov.u32 s8;
	s12 =	smov.u32 s5;
	s8 =	smov.u32 s6  }
0x253: {  	s22 =	simm.s32 $0x0;
	s29 =	simm.s32 @!p3 $0x1;
	s0 =	smin.u32 @!p3 s0, $0x270FF  }
0x254: {  	s30 =	simm.s32 @!p3 $0x1B38;
	s29 =	smov.u32 @p3 s22;
	s26 =	sand.u32 @!p3 $0x3FFF8, s0  }
0x255: {  	s31 =	sand.u32 @!p3 $0x7, s0;
	s0 =	sadd.s32 @!p3 s1, s26;
	s26 =	sadd.s32 $0x1, s19  }
.LBB2_14:
0x256: {  	s2 =	smov.u32 s29  }
0x257: {  	[tilespmem:s30], [sflag:$0x2] =	stream.linear.gather @!p3 [hbm4b:s0+s31], $0x4, $0x38;
	[tilespmem:$0x1F0E8] =	vst v63  }
0x258: {  	s23 =	sadd.s32 $0x1, s23;
	s0 =	smov.u32 s28;
	v1 =	vld.msk [tilespmem:s26+$0x0], $0x1  }
0x259: {  	p4 =	seq.s32 s23, $0x0;
	_ =	sdelay $0x3  }
0x25a: {  	(v2sf) =	vpush v1, $0x0;
	_ =	sdelay $0xe  }
0x25b: {  	s28 =	spop (v2sf)  }
0x25c: {  	p3 =	seq.s32 s0, s28  }
0x25d: {  	p0 =	sgt.s32 @!p3 s0, $0x0;
	s30 =	sshll.u32 @!p3 s29, $0x6;
	s29 =	sadd.s32 @!p3 $0x1, s29  }
.Ltmp14:
0x25e: {  	p0 =	por !p0, p3;
	s30 =	sshra.s32 @!p3 s30, $0x2;
	(pc) =	sbr.rel @!p4 .LBB2_14-.Ltmp14, $4  }
0x25f: {  	s29 =	smov.u32 @p3 s2;
	s0 =	simm.s32 @p0 $0x0;
	s30 =	sadd.s32 @!p3 $0x1B38, s30  }
0x260: {  	s0 =	smin.u32 @!p3 s0, $0x270FF  }
0x261: {  	s2 =	sand.u32 @!p3 $0x3FFF8, s0;
	s31 =	sand.u32 @!p3 $0x7, s0  }
0x262: {  	s26 =	sadd.s32 $0x1, s26;
	s0 =	sadd.s32 @!p3 s1, s2  }
.LBB2_15:
0x263: {  	[tilespmem:s30], [sflag:$0x2] =	stream.linear.gather @!p3 [hbm4b:s0+s31], $0x4, $0x38;
	[tilespmem:$0x1F0E8] =	vst v63  }
0x264: {  	s31 =	sshll.u32 s29, $0x2  }
0x265: {  	s2 =	simm.s32 $0x2;
	s0 =	sand.u32 $0x3FFFFFFC, s31  }
0x266: {  	_ =	swait.ge [sflag:s2], s0  }
0x267: {  	s0 =	ssub.s32 $0x0, s0;
	[sflag:s2] =	ssyncset.done $0x0  }
0x268: {  	[sflag:s2] =	ssyncadd.s32 s0  }
0x269: {  	v1 =	vld.msk [tilespmem:s19+$0x0], $0x1;
	_ =	sdelay $0x4  }
0x26a: {  	(v2sf) =	vpush v1, $0x0;
	_ =	sdelay $0xe  }
0x26b: {  	s23 =	spop (v2sf)  }
0x26c: {  	p3 =	sne.s32 s24, s23  }
0x26d: {  	p5 =	sne.s32 @p3 s24, s20  }
0x26e: {  	p4 =	por !p5, !p3  }
0x26f: {  	s0 =	simm.s32 @!p4 $0x0  }
0x270: {  	v1 =	vld.msk @!p4 [tilespmem:s0+$0x1B38], $0xf  }
0x271: {  	p6 =	sgt.u32 @!p4 s24, $0x270FF  }
0x272: {  	s2 =	sshll.u32 @!p4 s18, $0x6;
	p0 =	por @p3 p6, !p5  }
0x273: {  	s2 =	sshra.s32 @!p4 s2, $0x2;
	p2 =	por p0, !p3;
	p0 =	por p5, !p3  }
0x274: {  	s26 =	sadd.s32 @!p4 $0x28, s2;
	s28 =	sand.u32 @!p2 $0x3FFF8, s24;
	s29 =	sshll.u32 @!p0 s18, $0x6  }
0x275: {  	s24 =	sand.u32 @!p2 $0x7, s24;
	[tilespmem:s2+$0x28] =	vst.add.f32.msk @!p4 $0xf, v1;
	s2 =	sadd.s32 @!p2 s1, s28;
	s28 =	sshra.s32 @!p0 s29, $0x2  }
0x276: {  	[hbm4b:s2+s24] =	stream.linear.scatter @!p2 [tilespmem:s26], [sflag:$0xA], $0x4, $0x38;
	[tilespmem:$0x1F0E8] =	vst v63  }
0x277: {  	s0 =	rddreg [dreg:$0x2];
	s2 =	sadd.s32 @!p0 $0x28, s28;
	s24 =	simm.s32 @!p0 $0x1  }
0x278: {  	[spmem:s0] =	stream.linear.scatter @!p0 [tilespmem:s2], [sflag:$0x1], $0x4, $0x38;
	[tilespmem:$0x1F0E8] =	vst v63  }
0x279: {  	s0 =	sadd.s32 @p3 $0x1, s18;
	_ =	swait.ge @!p0 [sflag:s24], $0x4  }
0x27a: {  	s2 =	sshrl.u32 @p3 s0, $0x4;
	[sflag:s24] =	ssyncset.done @!p0 $0x0  }
0x27b: {  	s2 =	smulhi.u32 @p3 $0x97B425F, s2;
	[sflag:s24] =	ssyncadd.s32 @!p0 $0xFFFFFFFC  }
0x27c: {  	s24 =	sadd.s32 $0x1, s25;
	v1 =	vld.msk @p3 [tilespmem:s21+$0x0], $0xf  }
0x27d: {  	p0 =	por @p3 !p6, !p5;
	s2 =	smul.u32 @p3 $0x1B0, s2;
	p5 =	seq.s32 s24, $0x0  }
.Ltmp15:
0x27e: {  	s25 =	simm.s32 @!p4 $0x0;
	p0 =	por !p0, !p3;
	(pc) =	sbr.rel @p5 .LBB2_17-.Ltmp15, $4  }
0x27f: {  	s26 =	sshll.u32 @!p3 s18, $0x6;
	s25 =	simm.s32 @!p0 $0x10;
	s0 =	ssub.s32 @p3 s0, s2  }
0x280: {  	s26 =	sshra.s32 @!p3 s26, $0x2;
	s28 =	sadd.s32 @!p4 $0x0, s25;
	s29 =	sshll.u32 @p3 s0, $0x4  }
0x281: {  	s2 =	simm.s32 @p3 $0x1;
	s25 =	simm.s32 $0x0;
	s28 =	smov.u32 @p4 s22;
	[tilespmem:s29+$0x28] =	vst.msk @p3 $0xf, v1  }
0x282: {  	s18 =	smov.u32 @p3 s0;
	s22 =	smov.u32 @p3 s2;
	s25 =	smov.u32 @p3 s28;
	v1 =	vld.msk @!p3 [tilespmem:s21+$0x0], $0xf  }
.LBB2_16:
0x283: {  	_ =	sdelay $0x3  }
0x284: {  	s19 =	sadd.s32 $0x1, s19;
	[tilespmem:s26+$0x28] =	vst.add.f32.msk @!p3 $0xf, v1  }
0x285: {  	v1 =	vld.msk [tilespmem:s19+$0x0], $0x1;
	_ =	sdelay $0x4  }
0x286: {  	(v2sf) =	vpush v1, $0x0;
	_ =	sdelay $0xe  }
0x287: {  	s0 =	smov.u32 s23;
	s23 =	spop (v2sf)  }
0x288: {  	p3 =	sne.s32 s0, s23  }
0x289: {  	p6 =	sne.s32 @p3 s0, s20  }
0x28a: {  	p5 =	por !p6, !p3  }
0x28b: {  	s30 =	sshll.u32 @!p5 s22, $0x6  }
0x28c: {  	s30 =	sshra.s32 @!p5 s30, $0x2  }
0x28d: {  	p0 =	sgt.u32 @!p5 s0, $0x270FF;
	v1 =	vld.msk @!p5 [tilespmem:s30+$0x1B38], $0xf  }
0x28e: {  	s31 =	sshll.u32 @!p5 s18, $0x6;
	p2 =	por @p3 p0, !p6;
	p0 =	por @p3 !p0, !p6  }
0x28f: {  	s5 =	simm.s32 @!p5 $0x0;
	s31 =	sshra.s32 @!p5 s31, $0x2;
	p0 =	por !p0, !p3  }
0x290: {  	p6 =	por p6, !p3;
	s5 =	simm.s32 @!p0 $0x10;
	p0 =	por p2, !p3  }
0x291: {  	s30 =	sadd.s32 @!p5 $0x28, s31;
	s6 =	sshll.u32 @!p6 s18, $0x6;
	s10 =	sand.u32 @!p0 $0x3FFF8, s0  }
0x292: {  	s6 =	sshra.s32 @!p6 s6, $0x2;
	s0 =	sand.u32 @!p0 $0x7, s0;
	s10 =	sadd.s32 @!p0 s1, s10;
	[tilespmem:s31+$0x28] =	vst.add.f32.msk @!p5 $0xf, v1  }
0x293: {  	[hbm4b:s10+s0] =	stream.linear.scatter @!p0 [tilespmem:s30], [sflag:$0xA], $0x4, $0x38;
	[tilespmem:$0x1F0E8] =	vst v63  }
0x294: {  	s2 =	rddreg [dreg:$0x2];
	s0 =	sadd.s32 @!p6 $0x28, s6;
	s6 =	simm.s32 @!p6 $0x1  }
0x295: {  	[spmem:s2] =	stream.linear.scatter @!p6 [tilespmem:s0], [sflag:$0x1], $0x4, $0x38;
	[tilespmem:$0x1F0E8] =	vst v63  }
0x296: {  	s28 =	sadd.s32 @p3 $0x1, s18;
	_ =	swait.ge @!p6 [sflag:s6], $0x4  }
0x297: {  	s29 =	sshrl.u32 @p3 s28, $0x4;
	[sflag:s6] =	ssyncset.done @!p6 $0x0  }
0x298: {  	s21 =	sadd.s32 $0x80, s21;
	s29 =	smulhi.u32 @p3 $0x97B425F, s29;
	[sflag:s6] =	ssyncadd.s32 @!p6 $0xFFFFFFFC  }
0x299: {  	s24 =	sadd.s32 $0x1, s24;
	v1 =	vld.msk @p3 [tilespmem:s21+$0x0], $0xf  }
0x29a: {  	p4 =	seq.s32 s24, $0x0;
	s29 =	smul.u32 @p3 $0x1B0, s29  }
.Ltmp16:
0x29b: {  	_ = 	snop;
	(pc) =	sbr.rel @!p4 .LBB2_16-.Ltmp16, $4  }
0x29c: {  	s28 =	ssub.s32 @p3 s28, s29  }
0x29d: {  	s26 =	sshll.u32 @!p3 s18, $0x6;
	s5 =	sadd.s32 @!p5 s5, s25;
	s10 =	sshll.u32 @p3 s28, $0x4  }
0x29e: {  	s9 =	sadd.s32 @p3 $0x1, s22;
	s26 =	sshra.s32 @!p3 s26, $0x2;
	s5 =	smov.u32 @p5 s25;
	[tilespmem:s10+$0x28] =	vst.msk @p3 $0xf, v1  }
0x29f: {  	s22 =	smov.u32 @p3 s9;
	s18 =	smov.u32 @p3 s28;
	s25 =	smov.u32 @p3 s5;
	v1 =	vld.msk @!p3 [tilespmem:s21+$0x0], $0xf  }
.LBB2_17:
.Ltmp17:
0x2a0: {  	_ = 	snop;
	(pc) =	sbr.rel .LBB2_19-.Ltmp17, $4  }
0x2a1: {  	s2 =	sld [smem:$0x7FC]  }
0x2a2: {  	s0 =	sshrl.u32 s25, $0x2  }
0x2a3: {  	s24 =	smov.u32 s23;
	s6 =	smov.u32 s8;
	s5 =	smov.u32 s12  }
0x2a4: {  	s8 =	smov.u32 s3;
	s3 =	rddreg [dreg:$0x3];
	p2 =	seq.s32 s2, $0x1;
	[tilespmem:s26+$0x28] =	vst.add.f32.msk @!p3 $0xf, v1  }
.LBB2_21:
0x2a5: {  	_ =	sfence.sel $0x180000  }
0x2a6: {  	s0 =	simm.s32 $0x7;
	[bflag:$0x0] =	sbarrier.arrive $0xFFFF  }
0x2a7: {  	s23 =	simm.s32 $0x8;
	[sflag:s0] =	ssyncpa.u1 $0x1  }
0x2a8: {  	s24 =	simm.s32 $0x9;
	[sflag:s23] =	ssyncpa.u1 $0x1  }
0x2a9: {  	s25 =	simm.s32 $0x2;
	[sflag:s24] =	ssyncpa.u1 $0x1  }
0x2aa: {  	[sflag:s25] =	ssyncpa.u1 $0x1  }
0x2ab: {  	v0 =	vld [tilespmem:$0x3648];
	_ =	sdelay $0x4  }
0x2ac: {  	(v2sf) =	vpush v0, $0x0  }
0x2ad: {  	(v2sf) =	vpush v0, $0x1;
	_ =	sdelay $0x1  }
0x2ae: {  	(v2sf) =	vpush v0, $0x2;
	_ =	sdelay $0xb  }
0x2af: {  	s0 =	spop (v2sf)  }
0x2b0: {  	s2 =	spop (v2sf)  }
0x2b1: {  	s3 =	smov.u32 s0;
	p0 =	sne.s32 s0, s2  }
0x2b2: {  	s4 =	spop (v2sf);
	s3 =	simm.s32 @!p0 $0xFFFFFFFF  }
0x2b3: {  	v2 =	vimm.s32 $0x1;
	v3 =	vlaneseq.u32;
	p0 =	seq.s32 s4, $0xFFFFFFFF;
	v1 =	vmov s3  }
0x2b4: {  	s26 =	stileid.u32;
	v0 =	vperm.xlane v0, v2;
	p1 =	sne.s32 @!p0 s0, s2;
	v1 =	vperm.xlane v1, v3  }
0x2b5: {  	vm0 =	vcmask $0x3F04;
	s6 =	simm.s32 $0x3648;
	s0 =	simm.s32 @!p0 $0x1;
	p1 =	por !p1, p0  }
0x2b6: {  	s3 =	sshll.u32 s26, $0x1;
	s2 =	sshll.u32 @!p0 s4, $0x6;
	s0 =	simm.s32 @p1 $0x0;
	v0 =	vsel vm0, v1, v0  }
0x2b7: {  	s5 =	sor.u32 $0x200, s3;
	s2 =	sshra.s32 @!p0 s2, $0x2;
	s0 =	sor.u32 @!p0 s0, s3;
	[tilespmem:$0x3648] =	vst v0  }
0x2b8: {  	[spmem:s5] =	stream.linear.scatter [tilespmem:s6], [sflag:$0x1], $0x2, $0x38;
	[tilespmem:$0x1F0E8] =	vst v63  }
0x2b9: {  	s2 =	sadd.s32 @!p0 $0x28, s2;
	s0 =	sshll.u32 @!p0 s0, $0x4  }
0x2ba: {  	[spmem:s0] =	stream.linear.scatter @!p0 [tilespmem:s2], [sflag:$0x1], $0x10, $0x38;
	[tilespmem:$0x1F0E8] =	vst v63  }
0x2bb: {  	s0 =	simm.s32 @!p0 $0x12  }
0x2bc: {  	s2 =	simm.s32 $0x1;
	s0 =	simm.s32 @p0 $0x2  }
0x2bd: {  	_ =	swait.ge [sflag:s2], s0  }
0x2be: {  	s0 =	ssub.s32 $0x0, s0;
	[sflag:s2] =	ssyncset.done $0x0  }
0x2bf: {  	[sflag:s2] =	ssyncadd.s32 s0  }
0x2c0: {  	_ =	sfence.stream.spmem  }
0x2c1: {  	[bflag:$0x0] =	sbarrier.arrive $0xFFFF  }
0x2c2: {  	s28 =	simm.s32 $0x3;
	s31 =	sld [smem:$0x7FD]  }
0x2c3: {  	s29 =	simm.s32 $0x4;
	[sflag:s28] =	ssyncpa.u1 $0x1  }
0x2c4: {  	s30 =	simm.s32 $0x3C;
	[sflag:s29] =	ssyncpa.u1 $0x1  }
0x2c5: {  	[sflag:s30] =	ssyncpa.u1 $0x1;
	p0 =	seq.s32 s31, $0x1  }
0x2c6: {  	_ =	sfence @p0  }
0x2c7: {  	[sflag:s2] =	ssyncpa.u1 @p0 $0x1  }
0x2c8: {  	_ =	strace @p0 $0x9000005C  }
0x2c9: {  	[bflag:$0x2] =	sbarrier.arrive @p0 $0xFFFF  }
0x2ca: {  	_ =	shalt @p0  }
.LBB2_22:
0x2cb: {  	_ =	sfence.stream.spmem;
	s0 =	simm.s32 $0x5  }
0x2cc: {  	s2 =	simm.s32 $0x200;
	s3 =	simm.s32 $0x3658;
	[sflag:s0] =	ssyncpa.u1 $0x0  }
0x2cd: {  	[tilespmem:s3], [sflag:$0x5] =	stream.linear.gather [spmem:s2], $0x20, $0x38;
	[tilespmem:$0x1F0E8] =	vst v63  }
0x2ce: {  	s30 =	simm.s32 $0x3678;
	s2 =	simm.s32 $0x0  }
0x2cf: {  	[tilespmem:s30], [sflag:$0x5] =	stream.linear.gather [spmem:s2], $0x200, $0x38;
	[tilespmem:$0x1F0E8] =	vst v63  }
.Ltmp18:
0x2d0: {  	_ = 	snop;
	(pc) =	sbr.rel .LBB2_23-.Ltmp18, $4  }
0x2d1: {  	_ =	swait.ge [sflag:s0], $0x220  }
0x2d2: {  	[sflag:s0] =	ssyncset.done $0x0  }
0x2d3: {  	s31 =	simm.s32 $0x6;
	[sflag:s0] =	ssyncadd.s32 $0xFFFFFDE0  }
0x2d4: {  	s3 =	simm.s32 $0x0;
	[sflag:s31] =	ssyncpa.u1 $0x0  }
.LBB2_28:
0x2d5: {  	p0 =	slt.u32 s4, $0x27100  }
0x2d6: {  	s0 =	sand.u32 @p0 $0x3FFF8, s4  }
0x2d7: {  	s4 =	sand.u32 @p0 $0x7, s4;
	s5 =	simm.s32 @p0 $0x3638;
	s0 =	sadd.s32 @p0 s1, s0  }
0x2d8: {  	[tilespmem:s5], [sflag:$0x6] =	stream.linear.gather @p0 [hbm4b:s0+s4], $0x4, $0x38;
	[tilespmem:$0x1F0E8] =	vst v63  }
0x2d9: {  	s0 =	simm.s32 @p0 $0x6  }
0x2da: {  	_ =	swait.ge @p0 [sflag:s0], $0x4  }
0x2db: {  	[sflag:s0] =	ssyncset.done @p0 $0x0  }
0x2dc: {  	[sflag:s0] =	ssyncadd.s32 @p0 $0xFFFFFFFC  }
0x2dd: {  	v1 =	vld @p0 [tilespmem:$0x3638];
	_ =	sdelay $0x2  }
0x2de: {  	s0 =	sshll.u32 @p0 s3, $0x6  }
0x2df: {  	s5 =	sshll.u32 @!p0 s3, $0x6;
	s4 =	sshrl.u32 @p0 s0, $0x2  }
0x2e0: {  	s5 =	smov.u32 @p0 s0;
	[tilespmem:s4+$0x3678] =	vst.add.f32.msk @p0 $0xffff, v1  }
0x2e1: {  	s0 =	sshrl.u32 s5, $0x2;
	[tilespmem:s2+$0x3658] =	vst.msk $0x1, v0  }
0x2e2: {  	v0 =	vld [tilespmem:s0+$0x3678];
	_ =	sdelay $0x2  }
0x2e3: {  	s31 =	sshll.u32 s2, $0x6  }
0x2e4: {  	s0 =	sshra.s32 s31, $0x2  }
0x2e5: {  	s2 =	sadd.s32 $0x1, s2;
	[tilespmem:s0+$0x3678] =	vst v0  }
.LBB2_30:
0x2e6: {  	s3 =	sadd.s32 $0x1, s3  }
0x2e7: {  	p0 =	sne.s32 s3, $0x20  }
.Ltmp19:
0x2e8: {  	_ = 	snop;
	(pc) =	sbr.rel @!p0 .LBB2_31-.Ltmp19, $1  }
0x2e9: {  	_ =	sdelay $0x3  }
.LBB2_23:
0x2ea: {  	v0 =	vld.msk [tilespmem:s3+$0x3658], $0x1;
	_ =	sdelay $0x4  }
0x2eb: {  	(v2sf) =	vpush v0, $0x0;
	_ =	sdelay $0xe  }
0x2ec: {  	s4 =	spop (v2sf)  }
0x2ed: {  	p0 =	seq.s32 s4, $0xFFFFFFFF  }
.Ltmp20:
0x2ee: {  	_ = 	snop;
	(pc) =	sbr.rel @p0 .LBB2_30-.Ltmp20, $1  }
0x2ef: {  	_ =	sdelay $0x3  }
0x2f0: {  	p0 =	slt.s32 s2, $0x1  }
.Ltmp21:
0x2f1: {  	_ = 	snop;
	(pc) =	sbr.rel @p0 .LBB2_28-.Ltmp21, $1  }
0x2f2: {  	_ =	sdelay $0x3  }
0x2f3: {  	s5 =	simm.s32 $0x3658;
	p0 =	por $0x0, $0x0  }
0x2f4: {  	v1 =	vld.msk @!p0 [tilespmem:s5+$0x0], $0x1;
	_ =	sdelay $0x4  }
0x2f5: {  	(v2sf) =	vpush @!p0 v1, $0x0;
	_ =	sdelay $0xd  }
0x2f6: {  	p2 =	sne.s32 s2, $0x1  }
.Ltmp22:
0x2f7: {  	s0 =	spop @!p0 (v2sf);
	(pc) =	sbr.rel @!p2 .LBB2_27-.Ltmp22, $4  }
0x2f8: {  	p1 =	seq.s32 @!p0 s4, s0  }
0x2f9: {  	s6 =	simm.s32 $0x0;
	p1 =	por !p1, p0  }
0x2fa: {  	s0 =	simm.s32 $0xFFFFFFFF;
	s6 =	simm.s32 @p1 $0xFFFFFFFF  }
0x2fb: {  	s7 =	simm.s32 $0x1;
	s6 =	smov.u32 @p0 s0  }
.LBB2_26:
0x2fc: {  	s0 =	smov.u32 s6;
	p0 =	sne.s32 s6, $0xFFFFFFFF  }
0x2fd: {  	s5 =	sadd.s32 $0x1, s5;
	s6 =	smov.u32 s7;
	s7 =	sadd.s32 $0x1, s7  }
0x2fe: {  	p1 =	sne.s32 s2, s7;
	v1 =	vld.msk @!p0 [tilespmem:s5+$0x0], $0x1;
	_ =	sdelay $0x4  }
0x2ff: {  	(v2sf) =	vpush @!p0 v1, $0x0;
	_ =	sdelay $0xe  }
.Ltmp23:
0x300: {  	s8 =	spop @!p0 (v2sf);
	(pc) =	sbr.rel @p1 .LBB2_26-.Ltmp23, $4  }
0x301: {  	p2 =	seq.s32 @!p0 s4, s8  }
0x302: {  	p2 =	por !p2, p0  }
0x303: {  	s6 =	simm.s32 @p2 $0xFFFFFFFF  }
0x304: {  	s6 =	smov.u32 @p0 s0  }
.LBB2_27:
0x305: {  	p0 =	sne.s32 s6, $0xFFFFFFFF  }
.Ltmp24:
0x306: {  	_ = 	snop;
	(pc) =	sbr.rel @!p0 .LBB2_28-.Ltmp24, $1  }
0x307: {  	_ =	sdelay $0x3  }
0x308: {  	s0 =	sshll.u32 s3, $0x4  }
0x309: {  	s0 =	sand.u32 $0x3FFFFFF0, s0  }
0x30a: {  	v0 =	vld [tilespmem:s0+$0x3678]  }
.Ltmp25:
0x30b: {  	_ = 	snop;
	(pc) =	sbr.rel .LBB2_30-.Ltmp25, $4  }
0x30c: {  	_ = 	snop  }
0x30d: {  	s31 =	sshll.u32 s6, $0x6  }
0x30e: {  	s0 =	sshra.s32 s31, $0x2  }
0x30f: {  	[tilespmem:s0+$0x3678] =	vst.add.f32.msk $0xffff, v0  }
.LBB2_31:
0x310: {  	p0 =	slt.s32 s2, $0x1  }
.Ltmp26:
0x311: {  	_ = 	snop;
	(pc) =	sbr.rel @p0 .LBB2_35-.Ltmp26, $3  }
0x312: {  	_ =	sdelay $0x1  }
0x313: {  	s0 =	simm.s32 $0x6  }
0x314: {  	s3 =	simm.s32 $0x0;
	[sflag:s0] =	ssyncpa.u1 $0x1  }
0x315: {  	s0 =	simm.s32 $0x3658  }
0x316: {  	v0 =	vld.msk [tilespmem:s0+$0x0], $0x1;
	_ =	sdelay $0x4  }
0x317: {  	(v2sf) =	vpush v0, $0x0;
	_ =	sdelay $0xd  }
0x318: {  	s2 =	sadd.s32 $0xFFFFFFFF, s2  }
0x319: {  	p1 =	sne.s32 s2, $0x0;
	s0 =	spop (v2sf)  }
.Ltmp27:
0x31a: {  	p0 =	sgt.u32 s0, $0x270FF;
	(pc) =	sbr.rel @!p1 .LBB2_34-.Ltmp27, $4  }
0x31b: {  	s4 =	simm.s32 $0x3678;
	s5 =	sand.u32 @!p0 $0x3FFF8, s0  }
0x31c: {  	s6 =	simm.s32 $0x0;
	s0 =	sand.u32 @!p0 $0x7, s0;
	s5 =	sadd.s32 @!p0 s1, s5  }
0x31d: {  	[hbm4b:s5+s0] =	stream.linear.scatter @!p0 [tilespmem:s4], [sflag:$0x5], $0x4, $0x38;
	[tilespmem:$0x1F0E8] =	vst v63  }
0x31e: {  	s6 =	simm.s32 @!p0 $0x10;
	s5 =	simm.s32 $0x3659  }
.LBB2_33:
0x31f: {  	v0 =	vld.msk [tilespmem:s5+$0x0], $0x1;
	s2 =	sadd.s32 $0xFFFFFFFF, s2;
	s3 =	sadd.s32 s3, s6  }
0x320: {  	p0 =	sne.s32 s2, $0x0;
	_ =	sdelay $0x3  }
0x321: {  	(v2sf) =	vpush v0, $0x0;
	_ =	sdelay $0xe  }
.Ltmp28:
0x322: {  	s0 =	spop (v2sf);
	(pc) =	sbr.rel @p0 .LBB2_33-.Ltmp28, $4  }
0x323: {  	s6 =	simm.s32 $0x0;
	p1 =	sgt.u32 s0, $0x270FF  }
0x324: {  	s4 =	sadd.s32 $0x10, s4;
	s6 =	simm.s32 @!p1 $0x10;
	s7 =	sand.u32 @!p1 $0x3FFF8, s0  }
0x325: {  	s5 =	sadd.s32 $0x1, s5;
	s0 =	sand.u32 @!p1 $0x7, s0;
	s7 =	sadd.s32 @!p1 s1, s7  }
0x326: {  	[hbm4b:s7+s0] =	stream.linear.scatter @!p1 [tilespmem:s4], [sflag:$0x5], $0x4, $0x38;
	[tilespmem:$0x1F0E8] =	vst v63  }
.LBB2_34:
0x327: {  	s0 =	sadd.s32 s3, s6  }
0x328: {  	s3 =	sshrl.u32 s0, $0x2  }
.LBB2_35:
0x329: {  	s0 =	simm.s32 $0x5  }
0x32a: {  	_ =	swait.ge [sflag:s0], s3  }
0x32b: {  	s1 =	ssub.s32 $0x0, s3;
	[sflag:s0] =	ssyncset.done $0x0  }
0x32c: {  	[sflag:s0] =	ssyncadd.s32 s1  }
0x32d: {  	[sflag:s0] =	ssyncpa.u1 $0x1  }
0x32e: {  	s30 =	simm.s32 $0x1;
	_ =	sfence  }
0x32f: {  	[sflag:s30] =	ssyncpa.u1 $0x1  }
0x330: {  	_ =	strace $0x9000005C  }
0x331: {  	[bflag:$0x2] =	sbarrier.arrive $0xFFFF  }
0x332: {  	s31 =	rddreg [dreg:$0x1]  }
0x333: {  	s0 =	sadd.s32 $0x100000, s31  }
0x334: {  	[sflag:s0] =	ssyncadd.tile.s32 $0x1;
	_ =	shalt  }
.Lfunc_end2:
_tile_overlayer_lowered:
.L_overlay_start_2:
0x335: {  	(tag) =	ssettag $0x2  }
0x336: {  	s0 =	rddreg [dreg:$0x0];
	s2 =	stileid.u32  }
0x337: {  	s1 =	rddreg [dreg:$0x1];
	p0 =	sne.s32 s2, $0x0  }
0x338: {  	s3 =	rddreg [dreg:$0x2];
	[bflag:$0x3] =	sbarrier.arrive $0xFFFF;
	s2 =	simm.s32 @!p0 $0x1C01  }
0x339: {  	[timem:s3], [sflag:s2] =	dma.local @!p0 [hbm:s0], s1  }
0x33a: {  	s0 =	simm.s32 @!p0 $0x1  }
0x33b: {  	_ =	swait.ge @!p0 [sflag:s0], s1  }
0x33c: {  	s1 =	ssub.s32 @!p0 $0x0, s1;
	[sflag:s0] =	ssyncset.done @!p0 $0x0  }
0x33d: {  	[sflag:s0] =	ssyncadd.s32 @!p0 s1  }
0x33e: {  	[bflag:$0x3] =	sbarrier.arrive $0xFFFF  }
0x33f: {  	_ =	shalt  }

// kernel: scatter_offload_async_start
scs
__scs_entry_jumppad:
0x0: {  	(pc) =	sbr.rel $0x88, $3  }
0x1: {  	(tag) =	ssettag $0x0;
	lr =	simm.s32 $0x1  }
0x2: {  	[smem:$0x3F83] =	sst lr;
	_ =	strace $0xD0000000  }
0x3: {  	_ = 	snop  }
0x4: {  	_ = 	snop  }
0x5: {  	_ = 	snop  }
0x6: {  	_ = 	snop  }
0x7: {  	_ = 	snop  }
__scs_overlays_trampoline_lowered:
0x8: {  	[smem:$0x3F92] =	sst s0  }
0x9: {  	[smem:$0x3F93] =	sst s1  }
0xa: {  	[smem:$0x3F94] =	sst s2  }
0xb: {  	[smem:$0x3F95] =	sst s3  }
0xc: {  	[smem:$0x3F96] =	sst s4  }
0xd: {  	[smem:$0x3F97] =	sst s5  }
0xe: {  	[smem:$0x3F98] =	sst s6  }
0xf: {  	[smem:$0x3F99] =	sst s7  }
0x10: {  	[smem:$0x3F9A] =	sst s8  }
0x11: {  	[smem:$0x3F9B] =	sst s9;
	s0 =	simm.s32 @!p0 $0x0  }
0x12: {  	s1 =	sld [smem:$0x3F81];
	s0 =	simm.s32 @p0 $0x1  }
0x13: {  	[smem:$0x3F9C] =	sst s0;
	s0 =	simm.s32 @!p1 $0x0  }
0x14: {  	s2 =	sld [smem:$0x3F80];
	s0 =	simm.s32 @p1 $0x1  }
0x15: {  	[smem:$0x3F9D] =	sst s0;
	s0 =	simm.s32 @!p2 $0x0  }
0x16: {  	s3 =	sld [smem:$0x3FDB];
	s0 =	simm.s32 @p2 $0x1  }
0x17: {  	s4 =	simm.s32 $0x1BF5;
	[smem:$0x3F9F] =	sst s0  }
0x18: {  	s0 =	sld [smem:$0x3F82];
	_ =	swait.ge [sflag:s4], $0x0  }
0x19: {  	s7 =	sld [smem:$0x3F83]  }
0x1a: {  	s8 =	sadd.s32 $0xFFFFE003, lr  }
0x1b: {  	s9 =	sadd.s32 $0xFFFFFEF7, lr;
	s5 =	simm.s32 $0xFFFFFFFF;
	p2 =	slt.u32 s8, $0xFFFFF086  }
0x1c: {  	p1 =	slt.u32 s9, $0xF7A;
	s5 =	simm.s32 @!p2 $0x0  }
0x1d: {  	s5 =	simm.s32 @p1 $0x1;
	p0 =	seq.s32 s7, s2  }
0x1e: {  	s7 =	smul.u32 @!p0 $0xF7A, s2;
	p2 =	seq.s32 @!p0 s5, $0x0  }
0x1f: {  	s9 =	smul.u32 $0xF7A, s1;
	s8 =	simm.s32 @!p0 $0x1BF5;
	p2 =	por !p2, p0  }
0x20: {  	[sflag:s8] =	ssyncset.s32 @!p0 $0xFFFFF086;
	s6 =	sadd.s32 @!p0 s3, s7;
	s7 =	simm.s32 @!p0 $0x108  }
0x21: {  	s3 =	sadd.s32 s3, s9;
	s6 =	sadd.s32 @!p0 $0x88, s6;
	s7 =	simm.s32 @p2 $0x1082  }
0x22: {  	[simem:s7], [sflag:s8] =	dma.local @!p0 [hbm:s6], $0xF7A  }
0x23: {  	s9 =	sor.u32 $0xD0000000, s2;
	s6 =	simm.s32 $0x108;
	_ =	swait.ge @!p0 [sflag:s8], $0x0  }
0x24: {  	s3 =	sadd.s32 $0x88, s3;
	s6 =	simm.s32 @!p1 $0x1082;
	[sflag:s4] =	ssyncset.s32 $0xFFFFF086  }
0x25: {  	[simem:s6], [sflag:s4] =	dma.local [hbm:s3], $0xF7A  }
0x26: {  	[smem:$0x3F83] =	sst s1;
	(tag) =	ssettag s2;
	_ =	strace s9  }
0x27: {  	s1 =	sld [smem:$0x3F93]  }
0x28: {  	s2 =	sld [smem:$0x3F94]  }
0x29: {  	s4 =	sld [smem:$0x3F96]  }
0x2a: {  	p0 =	seq.s32 s5, $0x0;
	s5 =	sld [smem:$0x3F97]  }
0x2b: {  	s6 =	sld [smem:$0x3F98]  }
0x2c: {  	s7 =	sld [smem:$0x3F99]  }
0x2d: {  	s3 =	simm.s32 $0x108;
	s8 =	sld [smem:$0x3F9A]  }
0x2e: {  	s3 =	simm.s32 @!p0 $0x1082;
	s9 =	sld [smem:$0x3F9B]  }
0x2f: {  	lr =	sadd.s32 s0, s3;
	s0 =	sld [smem:$0x3F92]  }
0x30: {  	s3 =	sld [smem:$0x3F95]  }
0x31: {  	[smem:$0x3F9E] =	sst s10  }
0x32: {  	s10 =	sld [smem:$0x3F9C];
	_ =	sdelay $0x3  }
0x33: {  	p0 =	seq.s32 s10, $0x1;
	s10 =	sld [smem:$0x3F9E];
	_ =	sdelay $0x3  }
0x34: {  	[smem:$0x3F9E] =	sst s10  }
0x35: {  	s10 =	sld [smem:$0x3F9D];
	_ =	sdelay $0x3  }
0x36: {  	p1 =	seq.s32 s10, $0x1;
	s10 =	sld [smem:$0x3F9E];
	_ =	sdelay $0x3  }
0x37: {  	[smem:$0x3F9E] =	sst s10  }
0x38: {  	s10 =	sld [smem:$0x3F9F]  }
0x39: {  	_ = 	snop;
	(pc) =	sbr.ind lr, $3  }
0x3a: {  	_ = 	snop  }
0x3b: {  	_ = 	snop  }
0x3c: {  	p2 =	seq.s32 s10, $0x1;
	s10 =	sld [smem:$0x3F9E]  }
0x3d: {  	_ =	shalt  }
0x3e: {  	_ =	shalt  }
0x3f: {  	_ =	shalt  }
0x40: {  	_ =	shalt  }
0x41: {  	_ =	shalt  }
0x42: {  	_ =	shalt  }
0x43: {  	_ =	shalt  }
0x44: {  	_ =	shalt  }
0x45: {  	_ =	shalt  }
0x46: {  	_ =	shalt  }
0x47: {  	_ =	shalt  }
0x48: {  	_ =	shalt  }
0x49: {  	_ =	shalt  }
0x4a: {  	_ =	shalt  }
0x4b: {  	_ =	shalt  }
0x4c: {  	_ =	shalt  }
0x4d: {  	_ =	shalt  }
0x4e: {  	_ =	shalt  }
0x4f: {  	_ =	shalt  }
0x50: {  	_ =	shalt  }
0x51: {  	_ =	shalt  }
0x52: {  	_ =	shalt  }
0x53: {  	_ =	shalt  }
0x54: {  	_ =	shalt  }
0x55: {  	_ =	shalt  }
0x56: {  	_ =	shalt  }
0x57: {  	_ =	shalt  }
0x58: {  	_ =	shalt  }
0x59: {  	_ =	shalt  }
0x5a: {  	_ =	shalt  }
0x5b: {  	_ =	shalt  }
0x5c: {  	_ =	shalt  }
0x5d: {  	_ =	shalt  }
0x5e: {  	_ =	shalt  }
0x5f: {  	_ =	shalt  }
0x60: {  	_ =	shalt  }
0x61: {  	_ =	shalt  }
0x62: {  	_ =	shalt  }
0x63: {  	_ =	shalt  }
0x64: {  	_ =	shalt  }
0x65: {  	_ =	shalt  }
0x66: {  	_ =	shalt  }
0x67: {  	_ =	shalt  }
0x68: {  	_ =	shalt  }
0x69: {  	_ =	shalt  }
0x6a: {  	_ =	shalt  }
0x6b: {  	_ =	shalt  }
0x6c: {  	_ =	shalt  }
0x6d: {  	_ =	shalt  }
0x6e: {  	_ =	shalt  }
0x6f: {  	_ =	shalt  }
0x70: {  	_ =	shalt  }
0x71: {  	_ =	shalt  }
0x72: {  	_ =	shalt  }
0x73: {  	_ =	shalt  }
0x74: {  	_ =	shalt  }
0x75: {  	_ =	shalt  }
0x76: {  	_ =	shalt  }
0x77: {  	_ =	shalt  }
0x78: {  	_ =	shalt  }
0x79: {  	_ =	shalt  }
0x7a: {  	_ =	shalt  }
0x7b: {  	_ =	shalt  }
0x7c: {  	_ =	shalt  }
0x7d: {  	_ =	shalt  }
0x7e: {  	_ =	shalt  }
0x7f: {  	_ =	shalt  }
0x80: {  	_ =	shalt  }
0x81: {  	_ =	shalt  }
0x82: {  	_ =	shalt  }
0x83: {  	_ =	shalt  }
0x84: {  	_ =	shalt  }
0x85: {  	_ =	shalt  }
0x86: {  	_ =	shalt  }
0x87: {  	_ =	shalt  }
.Lfunc_end0:
.L_simem_size_0:
called_computation_lowered:
.L_overlay_start_0:
0x88: {  	s0 =	sld [smem:$0x3FD9]  }
0x89: {  	s1 =	sld [smem:$0x3FFE];
	_ =	sdelay $0x3  }
0x8a: {  	s0 =	sadd.s32 s1, s0  }
0x8b: {  	[smem:$0x3FAA] =	sst s0  }
0x8c: {  	_ = 	snop  }
0x8d: {  	(tm) =	ssettm $0x1  }
0x8e: {  	s15 =	sld [smem:$0x3FFB];
	_ =	sdelay $0x3  }
0x8f: {  	_ =	strace s15  }
0x90: {  	s0 =	sld [smem:$0x3FFC];
	_ =	sdelay $0x3  }
0x91: {  	_ =	strace s0  }
0x92: {  	s0 =	sld [smem:$0x3FFD];
	_ =	sdelay $0x3  }
0x93: {  	_ =	strace s0  }
0x94: {  	_ =	strace $0x8FFFFFFF  }
0x95: {  	s16 =	sld [smem:$0x3FDB];
	_ =	sdelay $0x1  }
0x96: {  	s17 =	simm.s32 $_scs_section_size  }
0x97: {  	s2 =	simm.s32 $_size__tile_overlayer_lowered;
	s3 =	simm.s32 $_tile_overlayer_lowered  }
0x98: {  	s20 =	simm.s32 $0x1BFF;
	s19 =	sshll.u32 s3, $0x1;
	s0 =	sadd.s32 s17, s16  }
0x99: {  	s4 =	simm.s32 $0x0;
	s18 =	sshll.u32 s2, $0x1;
	s2 =	sadd.s32 s19, s0  }
0x9a: {  	[timem:s4], [sflag:s20] =	dma.local [hbm:s2], s18  }
0x9b: {  	_ =	swait.ge [sflag:s20], s18  }
0x9c: {  	s1 =	ssub.s32 $0x0, s18;
	[sflag:s20] =	ssyncset.done $0x0  }
0x9d: {  	[sflag:s20] =	ssyncadd.s32 s1;
	_ =	sdelay $0x1  }
0x9e: {  	s21 =	simm.s32 $0x1B8B  }
0x9f: {  	_ =	swait.ge [sflag:s21], $0x1  }
0xa0: {  	[sflag:s21] =	ssyncset.done $0x0  }
0xa1: {  	s23 =	simm.s32 $0x1B8E;
	s22 =	sld [smem:$0x3FFE];
	[sflag:s21] =	ssyncadd.s32 $0xFFFFFFFF  }
0xa2: {  	s24 =	simm.s32 $execute0_lowered;
	[smem:$0x3FD2] =	sst s23  }
0xa3: {  	s2 =	sshll.u32 s24, $0x1;
	_ =	strace $0x80000058;
	[dreg:$0x1] =	wrdreg $0xFFFFFFFF  }
0xa4: {  	s25 =	simm.s32 $_size_execute0_lowered;
	s0 =	sadd.s32 s0, s2;
	[dreg:$0x0] =	wrdreg $0x0  }
0xa5: {  	s2 =	sshll.u32 s25, $0x1;
	[dreg:$0x2] =	wrdreg s0  }
0xa6: {  	[dreg:$0x3] =	wrdreg s2  }
0xa7: {  	[dreg:$0x4] =	wrdreg $0xC0  }
0xa8: {  	_ =	task [dreg:s4], $0x5FFFF  }
0xa9: {  	[dreg:$0x1] =	wrdreg $0xFFFFFFFF  }
0xaa: {  	[dreg:$0x0] =	wrdreg $0x60  }
0xab: {  	[dreg:$0x2] =	wrdreg s22  }
0xac: {  	[dreg:$0x3] =	wrdreg $0x9  }
0xad: {  	_ =	task.clear_ibuf [dreg:s4], $0x4FFFF;
	_ =	strace $0x90000058  }
0xae: {  	s26 =	simm.s32 $0x9;
	_ =	strace $0x8000005A  }
0xaf: {  	_ =	swait.ge [sflag:s26], $0x1  }
0xb0: {  	[sflag:s26] =	ssyncadd.s32 $0xFFFFFFFF  }
0xb1: {  	_ =	strace $0x9000005A  }
0xb2: {  	_ =	sfence  }
0xb3: {  	s28 =	sld [smem:$0x0];
	_ =	sdelay $0x1  }
0xb4: {  	s29 =	srdreg.scid  }
0xb5: {  	s30 =	sshll.u32 s29, $0xD;
	s31 =	sshrl.u32 s29, $0x2  }
0xb6: {  	s1 =	sand.u32 $0x1, s29;
	s2 =	sand.u32 $0x4000, s30;
	s0 =	sadd.s32 s31, s28  }
0xb7: {  	s1 =	sor.u32 s2, s1;
	s0 =	sshll.u32 s0, $0x11  }
0xb8: {  	s0 =	sor.u32 s0, s1  }
0xb9: {  	s0 =	sadd.s32 $0x8F2B, s0  }
0xba: {  	[sflag:s0] =	ssyncadd.remote.s32 $0x1  }
0xbb: {  	_ =	sfence.sel $0xFFFF  }
0xbc: {  	[dreg:$0x0] =	wrdreg $0xFFFFFFFF;
	(pc) =	sbr.abs _section_cstart, $3  }
0xbd: {  	[dreg:$0x1] =	wrdreg $0xFFFFFFFF  }
0xbe: {  	_ =	task.clear_ibuf [dreg:s4], $0x2FFFF;
	_ =	strace $0x9FFFFFFF  }
0xbf: {  	(tm) =	ssettm $0x7FFFFFFF  }
tec
execute0_lowered:
.L_overlay_start_1:
0x0: {  	(tag) =	ssettag $0x1  }
0x1: {  	s8 =	rddreg [dreg:$0x0];
	_ =	strace $0x80000059;
	s11 =	simm.s32 $0x1  }
0x2: {  	v0 =	vimm.s32 $0x0;
	[sflag:s11] =	ssyncpa.u1 $0x0  }
0x3: {  	[tilespmem:$0x28] =	vst v0  }
0x4: {  	[tilespmem:$0x38] =	vst v0  }
0x5: {  	[tilespmem:$0x48] =	vst v0  }
0x6: {  	[tilespmem:$0x58] =	vst v0  }
0x7: {  	[tilespmem:$0x68] =	vst v0  }
0x8: {  	[tilespmem:$0x78] =	vst v0  }
0x9: {  	[tilespmem:$0x88] =	vst v0  }
0xa: {  	[tilespmem:$0x98] =	vst v0  }
0xb: {  	[tilespmem:$0xA8] =	vst v0  }
0xc: {  	[tilespmem:$0xB8] =	vst v0  }
0xd: {  	[tilespmem:$0xC8] =	vst v0  }
0xe: {  	[tilespmem:$0xD8] =	vst v0  }
0xf: {  	[tilespmem:$0xE8] =	vst v0  }
0x10: {  	[tilespmem:$0xF8] =	vst v0  }
0x11: {  	[tilespmem:$0x108] =	vst v0  }
0x12: {  	[tilespmem:$0x118] =	vst v0  }
0x13: {  	[tilespmem:$0x128] =	vst v0  }
0x14: {  	[tilespmem:$0x138] =	vst v0  }
0x15: {  	[tilespmem:$0x148] =	vst v0  }
0x16: {  	[tilespmem:$0x158] =	vst v0  }
0x17: {  	[tilespmem:$0x168] =	vst v0  }
0x18: {  	[tilespmem:$0x178] =	vst v0  }
0x19: {  	[tilespmem:$0x188] =	vst v0  }
0x1a: {  	[tilespmem:$0x198] =	vst v0  }
0x1b: {  	[tilespmem:$0x1A8] =	vst v0  }
0x1c: {  	[tilespmem:$0x1B8] =	vst v0  }
0x1d: {  	[tilespmem:$0x1C8] =	vst v0  }
0x1e: {  	[tilespmem:$0x1D8] =	vst v0  }
0x1f: {  	[tilespmem:$0x1E8] =	vst v0  }
0x20: {  	[tilespmem:$0x1F8] =	vst v0  }
0x21: {  	[tilespmem:$0x208] =	vst v0  }
0x22: {  	[tilespmem:$0x218] =	vst v0  }
0x23: {  	[tilespmem:$0x228] =	vst v0  }
0x24: {  	[tilespmem:$0x238] =	vst v0  }
0x25: {  	[tilespmem:$0x248] =	vst v0  }
0x26: {  	[tilespmem:$0x258] =	vst v0  }
0x27: {  	[tilespmem:$0x268] =	vst v0  }
0x28: {  	[tilespmem:$0x278] =	vst v0  }
0x29: {  	[tilespmem:$0x288] =	vst v0  }
0x2a: {  	[tilespmem:$0x298] =	vst v0  }
0x2b: {  	[tilespmem:$0x2A8] =	vst v0  }
0x2c: {  	[tilespmem:$0x2B8] =	vst v0  }
0x2d: {  	[tilespmem:$0x2C8] =	vst v0  }
0x2e: {  	[tilespmem:$0x2D8] =	vst v0  }
0x2f: {  	[tilespmem:$0x2E8] =	vst v0  }
0x30: {  	[tilespmem:$0x2F8] =	vst v0  }
0x31: {  	[tilespmem:$0x308] =	vst v0  }
0x32: {  	[tilespmem:$0x318] =	vst v0  }
0x33: {  	[tilespmem:$0x328] =	vst v0  }
0x34: {  	[tilespmem:$0x338] =	vst v0  }
0x35: {  	[tilespmem:$0x348] =	vst v0  }
0x36: {  	[tilespmem:$0x358] =	vst v0  }
0x37: {  	[tilespmem:$0x368] =	vst v0  }
0x38: {  	[tilespmem:$0x378] =	vst v0  }
0x39: {  	[tilespmem:$0x388] =	vst v0  }
0x3a: {  	[tilespmem:$0x398] =	vst v0  }
0x3b: {  	[tilespmem:$0x3A8] =	vst v0  }
0x3c: {  	[tilespmem:$0x3B8] =	vst v0  }
0x3d: {  	[tilespmem:$0x3C8] =	vst v0  }
0x3e: {  	[tilespmem:$0x3D8] =	vst v0  }
0x3f: {  	[tilespmem:$0x3E8] =	vst v0  }
0x40: {  	[tilespmem:$0x3F8] =	vst v0  }
0x41: {  	[tilespmem:$0x408] =	vst v0  }
0x42: {  	[tilespmem:$0x418] =	vst v0  }
0x43: {  	[tilespmem:$0x428] =	vst v0  }
0x44: {  	[tilespmem:$0x438] =	vst v0  }
0x45: {  	[tilespmem:$0x448] =	vst v0  }
0x46: {  	[tilespmem:$0x458] =	vst v0  }
0x47: {  	[tilespmem:$0x468] =	vst v0  }
0x48: {  	[tilespmem:$0x478] =	vst v0  }
0x49: {  	[tilespmem:$0x488] =	vst v0  }
0x4a: {  	[tilespmem:$0x498] =	vst v0  }
0x4b: {  	[tilespmem:$0x4A8] =	vst v0  }
0x4c: {  	[tilespmem:$0x4B8] =	vst v0  }
0x4d: {  	[tilespmem:$0x4C8] =	vst v0  }
0x4e: {  	[tilespmem:$0x4D8] =	vst v0  }
0x4f: {  	[tilespmem:$0x4E8] =	vst v0  }
0x50: {  	[tilespmem:$0x4F8] =	vst v0  }
0x51: {  	[tilespmem:$0x508] =	vst v0  }
0x52: {  	[tilespmem:$0x518] =	vst v0  }
0x53: {  	[tilespmem:$0x528] =	vst v0  }
0x54: {  	[tilespmem:$0x538] =	vst v0  }
0x55: {  	[tilespmem:$0x548] =	vst v0  }
0x56: {  	[tilespmem:$0x558] =	vst v0  }
0x57: {  	[tilespmem:$0x568] =	vst v0  }
0x58: {  	[tilespmem:$0x578] =	vst v0  }
0x59: {  	[tilespmem:$0x588] =	vst v0  }
0x5a: {  	[tilespmem:$0x598] =	vst v0  }
0x5b: {  	[tilespmem:$0x5A8] =	vst v0  }
0x5c: {  	[tilespmem:$0x5B8] =	vst v0  }
0x5d: {  	[tilespmem:$0x5C8] =	vst v0  }
0x5e: {  	[tilespmem:$0x5D8] =	vst v0  }
0x5f: {  	[tilespmem:$0x5E8] =	vst v0  }
0x60: {  	[tilespmem:$0x5F8] =	vst v0  }
0x61: {  	[tilespmem:$0x608] =	vst v0  }
0x62: {  	[tilespmem:$0x618] =	vst v0  }
0x63: {  	[tilespmem:$0x628] =	vst v0  }
0x64: {  	[tilespmem:$0x638] =	vst v0  }
0x65: {  	[tilespmem:$0x648] =	vst v0  }
0x66: {  	[tilespmem:$0x658] =	vst v0  }
0x67: {  	[tilespmem:$0x668] =	vst v0  }
0x68: {  	[tilespmem:$0x678] =	vst v0  }
0x69: {  	[tilespmem:$0x688] =	vst v0  }
0x6a: {  	[tilespmem:$0x698] =	vst v0  }
0x6b: {  	[tilespmem:$0x6A8] =	vst v0  }
0x6c: {  	[tilespmem:$0x6B8] =	vst v0  }
0x6d: {  	[tilespmem:$0x6C8] =	vst v0  }
0x6e: {  	[tilespmem:$0x6D8] =	vst v0  }
0x6f: {  	[tilespmem:$0x6E8] =	vst v0  }
0x70: {  	[tilespmem:$0x6F8] =	vst v0  }
0x71: {  	[tilespmem:$0x708] =	vst v0  }
0x72: {  	[tilespmem:$0x718] =	vst v0  }
0x73: {  	[tilespmem:$0x728] =	vst v0  }
0x74: {  	[tilespmem:$0x738] =	vst v0  }
0x75: {  	[tilespmem:$0x748] =	vst v0  }
0x76: {  	[tilespmem:$0x758] =	vst v0  }
0x77: {  	[tilespmem:$0x768] =	vst v0  }
0x78: {  	[tilespmem:$0x778] =	vst v0  }
0x79: {  	[tilespmem:$0x788] =	vst v0  }
0x7a: {  	[tilespmem:$0x798] =	vst v0  }
0x7b: {  	[tilespmem:$0x7A8] =	vst v0  }
0x7c: {  	[tilespmem:$0x7B8] =	vst v0  }
0x7d: {  	[tilespmem:$0x7C8] =	vst v0  }
0x7e: {  	[tilespmem:$0x7D8] =	vst v0  }
0x7f: {  	[tilespmem:$0x7E8] =	vst v0  }
0x80: {  	[tilespmem:$0x7F8] =	vst v0  }
0x81: {  	[tilespmem:$0x808] =	vst v0  }
0x82: {  	[tilespmem:$0x818] =	vst v0  }
0x83: {  	[tilespmem:$0x828] =	vst v0  }
0x84: {  	[tilespmem:$0x838] =	vst v0  }
0x85: {  	[tilespmem:$0x848] =	vst v0  }
0x86: {  	[tilespmem:$0x858] =	vst v0  }
0x87: {  	[tilespmem:$0x868] =	vst v0  }
0x88: {  	[tilespmem:$0x878] =	vst v0  }
0x89: {  	[tilespmem:$0x888] =	vst v0  }
0x8a: {  	[tilespmem:$0x898] =	vst v0  }
0x8b: {  	[tilespmem:$0x8A8] =	vst v0  }
0x8c: {  	[tilespmem:$0x8B8] =	vst v0  }
0x8d: {  	[tilespmem:$0x8C8] =	vst v0  }
0x8e: {  	[tilespmem:$0x8D8] =	vst v0  }
0x8f: {  	[tilespmem:$0x8E8] =	vst v0  }
0x90: {  	[tilespmem:$0x8F8] =	vst v0  }
0x91: {  	[tilespmem:$0x908] =	vst v0  }
0x92: {  	[tilespmem:$0x918] =	vst v0  }
0x93: {  	[tilespmem:$0x928] =	vst v0  }
0x94: {  	[tilespmem:$0x938] =	vst v0  }
0x95: {  	[tilespmem:$0x948] =	vst v0  }
0x96: {  	[tilespmem:$0x958] =	vst v0  }
0x97: {  	[tilespmem:$0x968] =	vst v0  }
0x98: {  	[tilespmem:$0x978] =	vst v0  }
0x99: {  	[tilespmem:$0x988] =	vst v0  }
0x9a: {  	[tilespmem:$0x998] =	vst v0  }
0x9b: {  	[tilespmem:$0x9A8] =	vst v0  }
0x9c: {  	[tilespmem:$0x9B8] =	vst v0  }
0x9d: {  	[tilespmem:$0x9C8] =	vst v0  }
0x9e: {  	[tilespmem:$0x9D8] =	vst v0  }
0x9f: {  	[tilespmem:$0x9E8] =	vst v0  }
0xa0: {  	[tilespmem:$0x9F8] =	vst v0  }
0xa1: {  	[tilespmem:$0xA08] =	vst v0  }
0xa2: {  	[tilespmem:$0xA18] =	vst v0  }
0xa3: {  	[tilespmem:$0xA28] =	vst v0  }
0xa4: {  	[tilespmem:$0xA38] =	vst v0  }
0xa5: {  	[tilespmem:$0xA48] =	vst v0  }
0xa6: {  	[tilespmem:$0xA58] =	vst v0  }
0xa7: {  	[tilespmem:$0xA68] =	vst v0  }
0xa8: {  	[tilespmem:$0xA78] =	vst v0  }
0xa9: {  	[tilespmem:$0xA88] =	vst v0  }
0xaa: {  	[tilespmem:$0xA98] =	vst v0  }
0xab: {  	[tilespmem:$0xAA8] =	vst v0  }
0xac: {  	[tilespmem:$0xAB8] =	vst v0  }
0xad: {  	[tilespmem:$0xAC8] =	vst v0  }
0xae: {  	[tilespmem:$0xAD8] =	vst v0  }
0xaf: {  	[tilespmem:$0xAE8] =	vst v0  }
0xb0: {  	[tilespmem:$0xAF8] =	vst v0  }
0xb1: {  	[tilespmem:$0xB08] =	vst v0  }
0xb2: {  	[tilespmem:$0xB18] =	vst v0  }
0xb3: {  	[tilespmem:$0xB28] =	vst v0  }
0xb4: {  	[tilespmem:$0xB38] =	vst v0  }
0xb5: {  	[tilespmem:$0xB48] =	vst v0  }
0xb6: {  	[tilespmem:$0xB58] =	vst v0  }
0xb7: {  	[tilespmem:$0xB68] =	vst v0  }
0xb8: {  	[tilespmem:$0xB78] =	vst v0  }
0xb9: {  	[tilespmem:$0xB88] =	vst v0  }
0xba: {  	[tilespmem:$0xB98] =	vst v0  }
0xbb: {  	[tilespmem:$0xBA8] =	vst v0  }
0xbc: {  	[tilespmem:$0xBB8] =	vst v0  }
0xbd: {  	[tilespmem:$0xBC8] =	vst v0  }
0xbe: {  	[tilespmem:$0xBD8] =	vst v0  }
0xbf: {  	[tilespmem:$0xBE8] =	vst v0  }
0xc0: {  	[tilespmem:$0xBF8] =	vst v0  }
0xc1: {  	[tilespmem:$0xC08] =	vst v0  }
0xc2: {  	[tilespmem:$0xC18] =	vst v0  }
0xc3: {  	[tilespmem:$0xC28] =	vst v0  }
0xc4: {  	[tilespmem:$0xC38] =	vst v0  }
0xc5: {  	[tilespmem:$0xC48] =	vst v0  }
0xc6: {  	[tilespmem:$0xC58] =	vst v0  }
0xc7: {  	[tilespmem:$0xC68] =	vst v0  }
0xc8: {  	[tilespmem:$0xC78] =	vst v0  }
0xc9: {  	[tilespmem:$0xC88] =	vst v0  }
0xca: {  	[tilespmem:$0xC98] =	vst v0  }
0xcb: {  	[tilespmem:$0xCA8] =	vst v0  }
0xcc: {  	[tilespmem:$0xCB8] =	vst v0  }
0xcd: {  	[tilespmem:$0xCC8] =	vst v0  }
0xce: {  	[tilespmem:$0xCD8] =	vst v0  }
0xcf: {  	[tilespmem:$0xCE8] =	vst v0  }
0xd0: {  	[tilespmem:$0xCF8] =	vst v0  }
0xd1: {  	[tilespmem:$0xD08] =	vst v0  }
0xd2: {  	[tilespmem:$0xD18] =	vst v0  }
0xd3: {  	[tilespmem:$0xD28] =	vst v0  }
0xd4: {  	[tilespmem:$0xD38] =	vst v0  }
0xd5: {  	[tilespmem:$0xD48] =	vst v0  }
0xd6: {  	[tilespmem:$0xD58] =	vst v0  }
0xd7: {  	[tilespmem:$0xD68] =	vst v0  }
0xd8: {  	[tilespmem:$0xD78] =	vst v0  }
0xd9: {  	[tilespmem:$0xD88] =	vst v0  }
0xda: {  	[tilespmem:$0xD98] =	vst v0  }
0xdb: {  	[tilespmem:$0xDA8] =	vst v0  }
0xdc: {  	[tilespmem:$0xDB8] =	vst v0  }
0xdd: {  	[tilespmem:$0xDC8] =	vst v0  }
0xde: {  	[tilespmem:$0xDD8] =	vst v0  }
0xdf: {  	[tilespmem:$0xDE8] =	vst v0  }
0xe0: {  	[tilespmem:$0xDF8] =	vst v0  }
0xe1: {  	[tilespmem:$0xE08] =	vst v0  }
0xe2: {  	[tilespmem:$0xE18] =	vst v0  }
0xe3: {  	[tilespmem:$0xE28] =	vst v0  }
0xe4: {  	[tilespmem:$0xE38] =	vst v0  }
0xe5: {  	[tilespmem:$0xE48] =	vst v0  }
0xe6: {  	[tilespmem:$0xE58] =	vst v0  }
0xe7: {  	[tilespmem:$0xE68] =	vst v0  }
0xe8: {  	[tilespmem:$0xE78] =	vst v0  }
0xe9: {  	[tilespmem:$0xE88] =	vst v0  }
0xea: {  	[tilespmem:$0xE98] =	vst v0  }
0xeb: {  	[tilespmem:$0xEA8] =	vst v0  }
0xec: {  	[tilespmem:$0xEB8] =	vst v0  }
0xed: {  	[tilespmem:$0xEC8] =	vst v0  }
0xee: {  	[tilespmem:$0xED8] =	vst v0  }
0xef: {  	[tilespmem:$0xEE8] =	vst v0  }
0xf0: {  	[tilespmem:$0xEF8] =	vst v0  }
0xf1: {  	[tilespmem:$0xF08] =	vst v0  }
0xf2: {  	[tilespmem:$0xF18] =	vst v0  }
0xf3: {  	[tilespmem:$0xF28] =	vst v0  }
0xf4: {  	[tilespmem:$0xF38] =	vst v0  }
0xf5: {  	[tilespmem:$0xF48] =	vst v0  }
0xf6: {  	[tilespmem:$0xF58] =	vst v0  }
0xf7: {  	[tilespmem:$0xF68] =	vst v0  }
0xf8: {  	[tilespmem:$0xF78] =	vst v0  }
0xf9: {  	[tilespmem:$0xF88] =	vst v0  }
0xfa: {  	[tilespmem:$0xF98] =	vst v0  }
0xfb: {  	[tilespmem:$0xFA8] =	vst v0  }
0xfc: {  	[tilespmem:$0xFB8] =	vst v0  }
0xfd: {  	[tilespmem:$0xFC8] =	vst v0  }
0xfe: {  	[tilespmem:$0xFD8] =	vst v0  }
0xff: {  	[tilespmem:$0xFE8] =	vst v0  }
0x100: {  	[tilespmem:$0xFF8] =	vst v0  }
0x101: {  	[tilespmem:$0x1018] =	vst v0  }
0x102: {  	[tilespmem:$0x10D8] =	vst v0  }
0x103: {  	[tilespmem:$0x1B28] =	vst v0  }
0x104: {  	[tilespmem:$0x1B18] =	vst v0  }
0x105: {  	[tilespmem:$0x1B08] =	vst v0  }
0x106: {  	[tilespmem:$0x1AF8] =	vst v0  }
0x107: {  	[tilespmem:$0x1AE8] =	vst v0  }
0x108: {  	[tilespmem:$0x1AD8] =	vst v0  }
0x109: {  	[tilespmem:$0x1AC8] =	vst v0  }
0x10a: {  	[tilespmem:$0x1AB8] =	vst v0  }
0x10b: {  	[tilespmem:$0x1AA8] =	vst v0  }
0x10c: {  	[tilespmem:$0x1A98] =	vst v0  }
0x10d: {  	[tilespmem:$0x1A88] =	vst v0  }
0x10e: {  	[tilespmem:$0x1A78] =	vst v0  }
0x10f: {  	[tilespmem:$0x1A68] =	vst v0  }
0x110: {  	[tilespmem:$0x1A58] =	vst v0  }
0x111: {  	[tilespmem:$0x1A48] =	vst v0  }
0x112: {  	[tilespmem:$0x1A38] =	vst v0  }
0x113: {  	[tilespmem:$0x1A28] =	vst v0  }
0x114: {  	[tilespmem:$0x1A18] =	vst v0  }
0x115: {  	[tilespmem:$0x1A08] =	vst v0  }
0x116: {  	[tilespmem:$0x19F8] =	vst v0  }
0x117: {  	[tilespmem:$0x19E8] =	vst v0  }
0x118: {  	[tilespmem:$0x19D8] =	vst v0  }
0x119: {  	[tilespmem:$0x19C8] =	vst v0  }
0x11a: {  	[tilespmem:$0x19B8] =	vst v0  }
0x11b: {  	[tilespmem:$0x19A8] =	vst v0  }
0x11c: {  	[tilespmem:$0x1998] =	vst v0  }
0x11d: {  	[tilespmem:$0x1988] =	vst v0  }
0x11e: {  	[tilespmem:$0x1978] =	vst v0  }
0x11f: {  	[tilespmem:$0x1968] =	vst v0  }
0x120: {  	[tilespmem:$0x1958] =	vst v0  }
0x121: {  	[tilespmem:$0x1948] =	vst v0  }
0x122: {  	[tilespmem:$0x1938] =	vst v0  }
0x123: {  	[tilespmem:$0x1928] =	vst v0  }
0x124: {  	[tilespmem:$0x1918] =	vst v0  }
0x125: {  	[tilespmem:$0x1908] =	vst v0  }
0x126: {  	[tilespmem:$0x18F8] =	vst v0  }
0x127: {  	[tilespmem:$0x18E8] =	vst v0  }
0x128: {  	[tilespmem:$0x18D8] =	vst v0  }
0x129: {  	[tilespmem:$0x18C8] =	vst v0  }
0x12a: {  	[tilespmem:$0x18B8] =	vst v0  }
0x12b: {  	[tilespmem:$0x18A8] =	vst v0  }
0x12c: {  	[tilespmem:$0x1898] =	vst v0  }
0x12d: {  	[tilespmem:$0x1888] =	vst v0  }
0x12e: {  	[tilespmem:$0x1878] =	vst v0  }
0x12f: {  	[tilespmem:$0x1868] =	vst v0  }
0x130: {  	[tilespmem:$0x1858] =	vst v0  }
0x131: {  	[tilespmem:$0x1848] =	vst v0  }
0x132: {  	[tilespmem:$0x1838] =	vst v0  }
0x133: {  	[tilespmem:$0x1828] =	vst v0  }
0x134: {  	[tilespmem:$0x1818] =	vst v0  }
0x135: {  	[tilespmem:$0x1808] =	vst v0  }
0x136: {  	[tilespmem:$0x17F8] =	vst v0  }
0x137: {  	[tilespmem:$0x17E8] =	vst v0  }
0x138: {  	[tilespmem:$0x17D8] =	vst v0  }
0x139: {  	[tilespmem:$0x17C8] =	vst v0  }
0x13a: {  	[tilespmem:$0x17B8] =	vst v0  }
0x13b: {  	[tilespmem:$0x17A8] =	vst v0  }
0x13c: {  	[tilespmem:$0x1798] =	vst v0  }
0x13d: {  	[tilespmem:$0x1788] =	vst v0  }
0x13e: {  	[tilespmem:$0x1778] =	vst v0  }
0x13f: {  	[tilespmem:$0x1768] =	vst v0  }
0x140: {  	[tilespmem:$0x1758] =	vst v0  }
0x141: {  	[tilespmem:$0x1748] =	vst v0  }
0x142: {  	[tilespmem:$0x1738] =	vst v0  }
0x143: {  	[tilespmem:$0x1728] =	vst v0  }
0x144: {  	[tilespmem:$0x1718] =	vst v0  }
0x145: {  	[tilespmem:$0x1708] =	vst v0  }
0x146: {  	[tilespmem:$0x16F8] =	vst v0  }
0x147: {  	[tilespmem:$0x16E8] =	vst v0  }
0x148: {  	[tilespmem:$0x16D8] =	vst v0  }
0x149: {  	[tilespmem:$0x16C8] =	vst v0  }
0x14a: {  	[tilespmem:$0x16B8] =	vst v0  }
0x14b: {  	[tilespmem:$0x16A8] =	vst v0  }
0x14c: {  	[tilespmem:$0x1698] =	vst v0  }
0x14d: {  	[tilespmem:$0x1688] =	vst v0  }
0x14e: {  	[tilespmem:$0x1678] =	vst v0  }
0x14f: {  	[tilespmem:$0x1668] =	vst v0  }
0x150: {  	[tilespmem:$0x1658] =	vst v0  }
0x151: {  	[tilespmem:$0x1648] =	vst v0  }
0x152: {  	[tilespmem:$0x1638] =	vst v0  }
0x153: {  	[tilespmem:$0x1628] =	vst v0  }
0x154: {  	[tilespmem:$0x1618] =	vst v0  }
0x155: {  	[tilespmem:$0x1608] =	vst v0  }
0x156: {  	[tilespmem:$0x15F8] =	vst v0  }
0x157: {  	[tilespmem:$0x15E8] =	vst v0  }
0x158: {  	[tilespmem:$0x15D8] =	vst v0  }
0x159: {  	[tilespmem:$0x15C8] =	vst v0  }
0x15a: {  	[tilespmem:$0x15B8] =	vst v0  }
0x15b: {  	[tilespmem:$0x15A8] =	vst v0  }
0x15c: {  	[tilespmem:$0x1598] =	vst v0  }
0x15d: {  	[tilespmem:$0x1588] =	vst v0  }
0x15e: {  	[tilespmem:$0x1578] =	vst v0  }
0x15f: {  	[tilespmem:$0x1568] =	vst v0  }
0x160: {  	[tilespmem:$0x1558] =	vst v0  }
0x161: {  	[tilespmem:$0x1548] =	vst v0  }
0x162: {  	[tilespmem:$0x1538] =	vst v0  }
0x163: {  	[tilespmem:$0x1528] =	vst v0  }
0x164: {  	[tilespmem:$0x1518] =	vst v0  }
0x165: {  	[tilespmem:$0x1508] =	vst v0  }
0x166: {  	[tilespmem:$0x14F8] =	vst v0  }
0x167: {  	[tilespmem:$0x14E8] =	vst v0  }
0x168: {  	[tilespmem:$0x14D8] =	vst v0  }
0x169: {  	[tilespmem:$0x14C8] =	vst v0  }
0x16a: {  	[tilespmem:$0x14B8] =	vst v0  }
0x16b: {  	[tilespmem:$0x14A8] =	vst v0  }
0x16c: {  	[tilespmem:$0x1498] =	vst v0  }
0x16d: {  	[tilespmem:$0x1488] =	vst v0  }
0x16e: {  	[tilespmem:$0x1478] =	vst v0  }
0x16f: {  	[tilespmem:$0x1468] =	vst v0  }
0x170: {  	[tilespmem:$0x1458] =	vst v0  }
0x171: {  	[tilespmem:$0x1448] =	vst v0  }
0x172: {  	[tilespmem:$0x1438] =	vst v0  }
0x173: {  	[tilespmem:$0x1428] =	vst v0  }
0x174: {  	[tilespmem:$0x1418] =	vst v0  }
0x175: {  	[tilespmem:$0x1408] =	vst v0  }
0x176: {  	[tilespmem:$0x13F8] =	vst v0  }
0x177: {  	[tilespmem:$0x13E8] =	vst v0  }
0x178: {  	[tilespmem:$0x13D8] =	vst v0  }
0x179: {  	[tilespmem:$0x13C8] =	vst v0  }
0x17a: {  	[tilespmem:$0x13B8] =	vst v0  }
0x17b: {  	[tilespmem:$0x13A8] =	vst v0  }
0x17c: {  	[tilespmem:$0x1398] =	vst v0  }
0x17d: {  	[tilespmem:$0x1388] =	vst v0  }
0x17e: {  	[tilespmem:$0x1378] =	vst v0  }
0x17f: {  	[tilespmem:$0x1368] =	vst v0  }
0x180: {  	[tilespmem:$0x1358] =	vst v0  }
0x181: {  	[tilespmem:$0x1348] =	vst v0  }
0x182: {  	[tilespmem:$0x1338] =	vst v0  }
0x183: {  	[tilespmem:$0x1328] =	vst v0  }
0x184: {  	[tilespmem:$0x1318] =	vst v0  }
0x185: {  	[tilespmem:$0x1308] =	vst v0  }
0x186: {  	[tilespmem:$0x12F8] =	vst v0  }
0x187: {  	[tilespmem:$0x12E8] =	vst v0  }
0x188: {  	[tilespmem:$0x12D8] =	vst v0  }
0x189: {  	[tilespmem:$0x12C8] =	vst v0  }
0x18a: {  	[tilespmem:$0x12B8] =	vst v0  }
0x18b: {  	[tilespmem:$0x12A8] =	vst v0  }
0x18c: {  	[tilespmem:$0x1298] =	vst v0  }
0x18d: {  	[tilespmem:$0x1288] =	vst v0  }
0x18e: {  	[tilespmem:$0x1278] =	vst v0  }
0x18f: {  	[tilespmem:$0x1268] =	vst v0  }
0x190: {  	[tilespmem:$0x1258] =	vst v0  }
0x191: {  	[tilespmem:$0x1248] =	vst v0  }
0x192: {  	[tilespmem:$0x1238] =	vst v0  }
0x193: {  	[tilespmem:$0x1228] =	vst v0  }
0x194: {  	[tilespmem:$0x1218] =	vst v0  }
0x195: {  	[tilespmem:$0x1208] =	vst v0  }
0x196: {  	[tilespmem:$0x11F8] =	vst v0  }
0x197: {  	[tilespmem:$0x11E8] =	vst v0  }
0x198: {  	[tilespmem:$0x11D8] =	vst v0  }
0x199: {  	[tilespmem:$0x11C8] =	vst v0  }
0x19a: {  	[tilespmem:$0x11B8] =	vst v0  }
0x19b: {  	[tilespmem:$0x11A8] =	vst v0  }
0x19c: {  	[tilespmem:$0x1198] =	vst v0  }
0x19d: {  	[tilespmem:$0x1188] =	vst v0  }
0x19e: {  	[tilespmem:$0x1178] =	vst v0  }
0x19f: {  	[tilespmem:$0x1168] =	vst v0  }
0x1a0: {  	[tilespmem:$0x1158] =	vst v0  }
0x1a1: {  	[tilespmem:$0x1148] =	vst v0  }
0x1a2: {  	[tilespmem:$0x1138] =	vst v0  }
0x1a3: {  	[tilespmem:$0x1128] =	vst v0  }
0x1a4: {  	[tilespmem:$0x1118] =	vst v0  }
0x1a5: {  	s2 =	stileid.u32;
	[tilespmem:$0x1108] =	vst v0  }
0x1a6: {  	s0 =	simm.s32 $0x1;
	p0 =	sne.s32 s2, $0x0;
	s1 =	smul.u32 $0x5E, s2;
	[tilespmem:$0x10F8] =	vst v0  }
0x1a7: {  	[tilespmem:$0x10E8] =	vst v0;
	s0 =	simm.s32 @!p0 $0x0;
	s3 =	simm.s32 @!p0 $0x0  }
0x1a8: {  	[tilespmem:$0x10B8] =	vst v0;
	s3 =	simm.s32 @p0 $0x1;
	s0 =	sor.u32 s0, s1;
	s1 =	simm.s32 $0xA050  }
0x1a9: {  	[tilespmem:$0x10C8] =	vst v0;
	p0 =	seq.s32 s2, $0x0;
	[smem:$0x7FD] =	sst s3;
	s3 =	smul.u32 $0x1B0, s0  }
0x1aa: {  	s1 =	simm.s32 @!p0 $0x9EA0;
	[tilespmem:$0x10A8] =	vst v0  }
0x1ab: {  	[tilespmem:$0x1038] =	vst v0;
	s0 =	sadd.s32 s1, s3  }
0x1ac: {  	[tilespmem:$0x1098] =	vst v0;
	s4 =	smin.u32 s0, $0x9EB10  }
0x1ad: {  	[tilespmem:$0x1088] =	vst v0;
	s0 =	ssub.s32 s4, s3  }
0x1ae: {  	s5 =	simm.s32 $0x2;
	[tilespmem:$0x1078] =	vst v0;
	p0 =	sgt.s32 s0, $0x0  }
0x1af: {  	s29 =	simm.s32 $0x7;
	s13 =	simm.s32 $0x8;
	[tilespmem:$0x1068] =	vst v0;
	s0 =	simm.s32 @!p0 $0x0  }
0x1b0: {  	s30 =	simm.s32 $0x9;
	p1 =	por $0x1, $0x1;
	[tilespmem:$0x1058] =	vst v0;
	s6 =	smulhi.u32 $0x4BDA12F7, s0  }
0x1b1: {  	p2 =	por $0x0, $0x0;
	s14 =	simm.s32 $0xA;
	s18 =	simm.s32 $0x0;
	[tilespmem:$0x1048] =	vst v0  }
0x1b2: {  	s15 =	simm.s32 $0x0;
	s17 =	simm.s32 $0x0;
	[tilespmem:$0x1028] =	vst v0;
	s12 =	sshrl.u32 s6, $0x7  }
0x1b3: {  	s7 =	sadd.s32 $0x179E00, s8;
	[tilespmem:$0x1008] =	vst v0;
	[sflag:s5] =	ssyncpa.u1 $0x0;
	v0 =	vimm.s32 $0xFFFFFFFF;
	s10 =	smul.u32 $0x1B0, s12  }
.Ltmp0:
0x1b4: {  	s31 =	sshll.u32 s2, $0x5;
	[tilespmem:$0x3648] =	vst v0;
	[sflag:s29] =	ssyncpa.u1 $0x0;
	(pc) =	sbr.rel .LBB2_1-.Ltmp0, $4  }
0x1b5: {  	[dreg:$0x2] =	wrdreg s31;
	[sflag:s13] =	ssyncpa.u1 $0x0;
	p0 =	sne.s32 s0, s10  }
0x1b6: {  	s13 =	simm.s32 $0x0;
	[sflag:s30] =	ssyncpa.u1 $0x0;
	s11 =	simm.s32 @!p0 $0x0  }
0x1b7: {  	s1 =	sadd.s32 $0x4200, s8;
	s16 =	smov.u32 s3;
	s11 =	sadd.s32 s11, s12  }
0x1b8: {  	v0 =	vlaneseq.u32;
	s6 =	sadd.s32 $0x8E200, s8;
	s8 =	sadd.s32 $0xA2000, s8;
	s12 =	sadd.s32 $0x1, s11  }
.LBB2_18:
0x1b9: {  	s0 =	simm.s32 $0x2  }
0x1ba: {  	_ =	swait.ge [sflag:s0], $0x0  }
0x1bb: {  	[sflag:s0] =	ssyncset.done $0x0;
	s0 =	simm.s32 $0x0  }
.LBB2_19:
0x1bc: {  	_ =	swait.ge [sflag:s14], s0  }
0x1bd: {  	s31 =	ssub.s32 $0x0, s0;
	v1 =	vmov s20;
	vm0 =	veq.s32 v0, $0x0;
	[sflag:s14] =	ssyncset.done $0x0  }
0x1be: {  	vm15 =	veq.s32 v0, $0x2;
	v1 =	vsel vm0, s24, v1;
	[sflag:s14] =	ssyncadd.s32 s31  }
0x1bf: {  	v1 =	vsel vm15, s18, v1;
	[sflag:s14] =	ssyncpa.u1 $0x1  }
0x1c0: {  	[tilespmem:$0x3648] =	vst v1  }
.LBB2_20:
0x1c1: {  	s0 =	sadd.s32 $0x1B0, s16  }
0x1c2: {  	s2 =	smov.u32 s3;
	p0 =	slt.s32 s0, s4  }
0x1c3: {  	s2 =	smov.u32 @p0 s0;
	p0 =	sne.s32 s17, s12  }
.Ltmp1:
0x1c4: {  	_ = 	snop;
	(pc) =	sbr.rel @!p0 .LBB2_21-.Ltmp1, $4  }
0x1c5: {  	_ = 	snop  }
0x1c6: {  	s18 =	smov.u32 s15  }
0x1c7: {  	s31 =	sadd.s32 $0x1, s17;
	s15 =	smov.u32 s16;
	p1 =	por !p1, !p1  }
0x1c8: {  	p2 =	por !p2, !p2;
	s17 =	smov.u32 s31;
	s16 =	smov.u32 s2  }
.LBB2_1:
0x1c9: {  	p0 =	sge.u32 s17, s11  }
0x1ca: {  	s0 =	smulhi.u32 @!p0 $0xAAAAAAAB, s17  }
0x1cb: {  	s19 =	smov.u32 s16;
	p3 =	sgt.s32 @!p0 s16, $0x9E960  }
0x1cc: {  	s20 =	sshra.s32 @!p0 s16, $0x1F;
	p3 =	por !p3, p0;
	s0 =	sshrl.u32 @!p0 s0, $0x1  }
0x1cd: {  	s20 =	sand.u32 @!p0 s20, s16;
	s19 =	simm.s32 @p3 $0x9E960;
	s0 =	smul.u32 @!p0 $0x3, s0  }
0x1ce: {  	s19 =	ssub.s32 @!p0 s19, s20  }
0x1cf: {  	s19 =	sadd.s32 @!p0 $0xFFF616A0, s19;
	s0 =	ssub.s32 @!p0 s17, s0  }
0x1d0: {  	s20 =	sshll.u32 @!p0 s19, $0x2;
	p3 =	sgt.s32 @!p0 s19, $0x1AF;
	s0 =	smul.u32 @!p0 $0x6C0, s0  }
0x1d1: {  	s21 =	sand.u32 @!p0 $0x7, s16;
	s19 =	ssub.s32 @!p0 $0x6C0, s20;
	p3 =	por !p3, p0  }
0x1d2: {  	s20 =	sshrl.u32 @!p0 s16, $0x3;
	s19 =	sshrl.u32 @!p0 s19, $0x2;
	s0 =	sshrl.u32 @!p0 s0, $0x2  }
0x1d3: {  	s20 =	sadd.s32 @!p0 s8, s20;
	s19 =	simm.s32 @!p3 $0x0;
	s0 =	sadd.s32 @!p0 $0x3878, s0  }
0x1d4: {  	[tilespmem:s0], [sflag:$0x8] =	stream.linear.gather @!p0 [hbm4b:s20+s21], s19, $0x38;
	[tilespmem:$0x1F0E8] =	vst v63  }
0x1d5: {  	s20 =	sadd.s32 $0xFFFFFFFF, s17  }
0x1d6: {  	p3 =	sge.u32 s20, s11  }
0x1d7: {  	p0 =	sgt.s32 @!p3 s15, $0x9E960  }
0x1d8: {  	s0 =	smov.u32 s15;
	s19 =	sshra.s32 @!p3 s15, $0x1F;
	p0 =	por !p0, p3  }
0x1d9: {  	s19 =	sand.u32 @!p3 s19, s15;
	s0 =	simm.s32 @p0 $0x9E960  }
0x1da: {  	s0 =	ssub.s32 @!p3 s0, s19  }
0x1db: {  	s0 =	sadd.s32 @!p3 $0xFFF616A0, s0  }
0x1dc: {  	s19 =	sshll.u32 @!p3 s0, $0x2  }
0x1dd: {  	p0 =	sgt.s32 @!p3 s0, $0x1AF;
	s0 =	ssub.s32 @!p3 $0x6C0, s19  }
0x1de: {  	p0 =	por !p0, p3;
	s0 =	sshrl.u32 @!p3 s0, $0x2  }
0x1df: {  	s21 =	simm.s32 @!p3 $0x8;
	s19 =	sand.u32 @!p3 $0x1, s20;
	s0 =	simm.s32 @!p0 $0x0  }
0x1e0: {  	s19 =	smul.u32 @!p3 $0x6C0, s19;
	_ =	swait.ge @!p3 [sflag:s21], s0  }
0x1e1: {  	s22 =	ssub.s32 @!p3 $0x0, s0;
	[sflag:s21] =	ssyncset.done @!p3 $0x0  }
0x1e2: {  	s19 =	sshrl.u32 @!p3 s19, $0x2;
	[sflag:s21] =	ssyncadd.s32 @!p3 s22;
	s21 =	sshrl.u32 @!p3 s15, $0x3  }
0x1e3: {  	s19 =	sadd.s32 @!p3 $0x3D88, s19;
	s22 =	sand.u32 @!p3 $0x7, s15;
	s21 =	sadd.s32 @!p3 s6, s21  }
0x1e4: {  	[tilespmem:s19], [sflag:$0x9] =	stream.linear.gather @!p3 [hbm4b:s21+s22], s0, $0x38;
	[tilespmem:$0x1F0E8] =	vst v63  }
0x1e5: {  	s19 =	ssub.s32 @!p3 $0x9EB10, s15  }
0x1e6: {  	p0 =	slt.s32 @!p3 s19, $0x1  }
0x1e7: {  	p0 =	por p3, p0  }
.Ltmp2:
0x1e8: {  	_ = 	snop;
	(pc) =	sbr.rel @p0 .LBB2_7-.Ltmp2, $1  }
0x1e9: {  	_ =	sdelay $0x3  }
0x1ea: {  	s0 =	smulhi.u32 $0xAAAAAAAB, s20;
	_ =	sdelay $0x1  }
0x1eb: {  	s0 =	sshrl.u32 s0, $0x1  }
0x1ec: {  	s0 =	smul.u32 $0x3, s0;
	_ =	sdelay $0x1  }
0x1ed: {  	s0 =	ssub.s32 s20, s0  }
0x1ee: {  	s21 =	simm.s32 $0x1;
	s0 =	smul.u32 $0x6C0, s0  }
.Ltmp3:
0x1ef: {  	s21 =	simm.s32 @!p1 $0x0;
	(pc) =	sbr.rel .LBB2_4-.Ltmp3, $4  }
0x1f0: {  	s31 =	smul.u32 $0x36000, s21  }
0x1f1: {  	p0 =	slt.s32 @!p3 s19, $0x1B0;
	s0 =	sshrl.u32 s0, $0x2  }
0x1f2: {  	p0 =	por !p0, p3;
	s20 =	sshrl.u32 s31, $0x2;
	s0 =	sadd.s32 $0x3878, s0  }
0x1f3: {  	s19 =	simm.s32 @p0 $0x1B0;
	s21 =	simm.s32 $0x0;
	s20 =	sadd.s32 $0x40E8, s20;
	v1 =	vmov s0  }
.LBB2_3:
0x1f4: {  	p0 =	sge.s32 s21, s19  }
.Ltmp4:
0x1f5: {  	_ = 	snop;
	(pc) =	sbr.rel @p0 .LBB2_7-.Ltmp4, $2  }
0x1f6: {  	_ =	sdelay $0x2  }
0x1f7: {  	s20 =	sadd.s32 $0x800, s20  }
.LBB2_4:
0x1f8: {  	p0 =	sle.s32 s19, s21  }
.Ltmp5:
0x1f9: {  	_ = 	snop;
	(pc) =	sbr.rel @p0 .LBB2_3-.Ltmp5, $2  }
0x1fa: {  	_ =	sdelay $0x2  }
0x1fb: {  	s22 =	smov.u32 s21;
	s21 =	sadd.s32 $0x10, s21  }
0x1fc: {  	s0 =	ssub.s32 s19, s22  }
0x1fd: {  	p0 =	slt.s32 s0, $0x10  }
0x1fe: {  	s0 =	simm.s32 @!p0 $0x10  }
0x1ff: {  	v2 =	vmov s0  }
0x200: {  	vm0 =	vgt.s32 v2, v0;
	_ =	sdelay $0x5  }
0x201: {  	v2 =	vld.idx.msk [tilespmem:v1+s22+$0x0 ss:$0x1], vm0;
	_ =	sdelay $0x2  }
0x202: {  	s23 =	smov.u32 s19;
	p0 =	slt.s32 s21, s19  }
0x203: {  	s24 =	smov.u32 s20;
	s25 =	simm.s32 $0x0;
	s23 =	smov.u32 @p0 s21  }
.LBB2_6:
0x204: {  	(v2sf) =	vpush v2, s25;
	_ =	sdelay $0xc  }
0x205: {  	s25 =	sadd.s32 $0x1, s25  }
0x206: {  	s31 =	sadd.s32 s25, s22  }
0x207: {  	p0 =	slt.s32 s31, s23;
	s0 =	spop (v2sf)  }
.Ltmp6:
0x208: {  	s0 =	sshll.u32 s0, $0x4;
	(pc) =	sbr.rel @p0 .LBB2_6-.Ltmp6, $4  }
0x209: {  	s0 =	sand.u32 $0x1FFFFFF0, s0  }
0x20a: {  	s0 =	sadd.s32 s7, s0  }
0x20b: {  	[tilespmem:s24], [sflag:$0x7] =	stream.linear.gather [hbm4b:s0+s13], $0x4, $0x38;
	[tilespmem:$0x1F0E8] =	vst v63  }
0x20c: {  	s24 =	sadd.s32 $0x80, s24  }
.Ltmp7:
0x20d: {  	_ = 	snop;
	(pc) =	sbr.rel .LBB2_3-.Ltmp7, $1  }
0x20e: {  	_ =	sdelay $0x3  }
.LBB2_7:
0x20f: {  	p0 =	slt.u32 s17, $0x2  }
.Ltmp8:
0x210: {  	_ = 	snop;
	(pc) =	sbr.rel @p0 .LBB2_20-.Ltmp8, $1  }
0x211: {  	_ =	sdelay $0x3  }
0x212: {  	p0 =	sgt.s32 s18, $0x9E960;
	s0 =	smov.u32 s18  }
0x213: {  	s19 =	sshra.s32 s18, $0x1F;
	s20 =	ssub.s32 $0x9EB10, s18;
	s0 =	simm.s32 @!p0 $0x9E960  }
0x214: {  	s19 =	sand.u32 s19, s18;
	p0 =	slt.s32 s20, $0x1B0;
	s21 =	smov.u32 s20  }
0x215: {  	s0 =	ssub.s32 s0, s19;
	s21 =	simm.s32 @!p0 $0x1B0  }
0x216: {  	s0 =	sadd.s32 $0xFFF616A0, s0;
	s26 =	sshll.u32 s21, $0x2  }
0x217: {  	s2 =	simm.s32 $0x7;
	s28 =	sshll.u32 s0, $0x2;
	s19 =	sand.u32 $0x3FFFFFFC, s26  }
0x218: {  	p0 =	sgt.s32 s0, $0x1AF;
	s29 =	ssub.s32 $0x6C0, s28;
	_ =	swait.ge [sflag:s2], s19  }
0x219: {  	s19 =	ssub.s32 $0x0, s19;
	[sflag:s2] =	ssyncset.done $0x0;
	s0 =	sshrl.u32 s29, $0x2  }
0x21a: {  	s30 =	simm.s32 $0x9;
	[sflag:s2] =	ssyncadd.s32 s19;
	s0 =	simm.s32 @p0 $0x0  }
0x21b: {  	_ =	swait.ge [sflag:s30], s0  }
0x21c: {  	s0 =	ssub.s32 $0x0, s0;
	[sflag:s30] =	ssyncset.done $0x0  }
0x21d: {  	[sflag:s30] =	ssyncadd.s32 s0  }
0x21e: {  	v1 =	vld [tilespmem:$0x3648];
	_ =	sdelay $0x4  }
0x21f: {  	(v2sf) =	vpush v1, $0x0  }
0x220: {  	(v2sf) =	vpush v1, $0x1  }
0x221: {  	(v2sf) =	vpush v1, $0x2;
	_ =	sdelay $0x3  }
0x222: {  	s0 =	sadd.s32 $0x1B0, s18  }
0x223: {  	p0 =	slt.s32 s4, s0  }
0x224: {  	s0 =	smov.u32 @p0 s4;
	p0 =	sgt.s32 s20, $0x0  }
0x225: {  	s22 =	ssub.s32 s0, s18;
	s20 =	simm.s32 @!p0 $0x0  }
0x226: {  	p0 =	slt.s32 s20, s22  }
0x227: {  	s22 =	smov.u32 @p0 s20  }
0x228: {  	s21 =	simm.s32 $0x1;
	p3 =	slt.s32 s22, $0x1  }
.Ltmp9:
0x229: {  	s21 =	simm.s32 @!p2 $0x0;
	(pc) =	sbr.rel @p3 .LBB2_12-.Ltmp9, $4  }
0x22a: {  	s31 =	smul.u32 $0x6C0, s21  }
0x22b: {  	s23 =	spop (v2sf)  }
0x22c: {  	s0 =	sshrl.u32 s31, $0x2;
	s25 =	spop (v2sf)  }
0x22d: {  	s19 =	sadd.s32 $0x3D88, s0;
	s18 =	spop (v2sf)  }
0x22e: {  	s0 =	smin.u32 s22, $0x10  }
0x22f: {  	v1 =	vmov s0  }
0x230: {  	p0 =	sgt.s32 s22, $0x10;
	vm1 =	vgt.u32 v1, v0  }
.Ltmp10:
0x231: {  	_ = 	snop;
	(pc) =	sbr.rel @!p0 .LBB2_11-.Ltmp10, $2  }
0x232: {  	_ =	sdelay $0x2  }
0x233: {  	s24 =	simm.s32 $0x10;
	s26 =	sadd.s32 $0xFFFFFFF0, s22;
	s20 =	smov.u32 s19;
	vm0 =	vmmov vm1  }
.LBB2_10:
0x234: {  	s0 =	smin.u32 s26, $0x10;
	s24 =	sadd.s32 $0x10, s24;
	v1 =	vld.msk [tilespmem:s20+$0x0 ss:$0x1], vm1  }
0x235: {  	v2 =	vmov s0;
	p0 =	slt.s32 s24, s22  }
0x236: {  	vm1 =	vgt.u32 v2, v0  }
.Ltmp11:
0x237: {  	(pc) =	sbr.rel @p0 .LBB2_10-.Ltmp11, $3  }
0x238: {  	_ =	sdelay $0x1  }
0x239: {  	v1 =	vshll.u32 v1, $0x4  }
0x23a: {  	s26 =	sadd.s32 $0xFFFFFFF0, s26;
	[tilespmem:s20+$0x0] =	vst.msk vm0, v1;
	s20 =	sadd.s32 $0x10, s20;
	vm0 =	vmmov vm1  }
.LBB2_11:
0x23b: {  	_ =	sdelay $0x4  }
0x23c: {  	v1 =	vld.msk [tilespmem:s20+$0x0 ss:$0x1], vm1;
	_ =	sdelay $0x4  }
0x23d: {  	v1 =	vshll.u32 v1, $0x4  }
0x23e: {  	[tilespmem:s20+$0x0] =	vst.msk vm0, v1  }
.LBB2_12:
0x23f: {  	s0 =	sand.u32 $0x1, s17  }
0x240: {  	s20 =	smul.u32 $0x1B0, s0  }
0x241: {  	p0 =	sne.s32 s25, $0xFFFFFFFF  }
0x242: {  	v1 =	vld.msk @!p0 [tilespmem:s20+$0x3D88], $0x1;
	_ =	sdelay $0x4  }
0x243: {  	(v2sf) =	vpush @!p0 v1, $0x0;
	_ =	sdelay $0x9  }
0x244: {  	s0 =	smul.u32 $0xD800, s0;
	_ =	sdelay $0x1  }
0x245: {  	v1 =	vld.msk @!p0 [tilespmem:s0+$0x40E8], $0xf  }
.Ltmp12:
0x246: {  	_ = 	snop;
	(pc) =	sbr.rel @p3 .LBB2_18-.Ltmp12, $4  }
0x247: {  	_ = 	snop  }
0x248: {  	s24 =	spop @!p0 (v2sf)  }
0x249: {  	s18 =	simm.s32 @!p0 $0x0;
	s0 =	simm.s32 @!p0 $0x28;
	s20 =	smov.u32 s24  }
0x24a: {  	[tilespmem:s0+$0x0] =	vst.msk @!p0 $0xf, v1;
	[sflag:s14] =	ssyncpa.u1 $0x0;
	s24 =	smov.u32 @p0 s23;
	s20 =	smov.u32 @p0 s25  }
0x24b: {  	v1 =	vld.msk [tilespmem:s19+$0x0], $0x1;
	_ =	sdelay $0x4  }
0x24c: {  	(v2sf) =	vpush v1, $0x0;
	_ =	sdelay $0xd  }
0x24d: {  	s0 =	simm.s32 @!p2 $0x0  }
0x24e: {  	s26 =	smul.u32 $0x36000, s21;
	s25 =	ssub.s32 $0x0, s22;
	s28 =	spop (v2sf)  }
0x24f: {  	s0 =	simm.s32 @p2 $0x1;
	s23 =	sadd.s32 $0x1, s25;
	p3 =	seq.s32 s24, s28  }
0x250: {  	[smem:$0x7FC] =	sst s0;
	s0 =	sshrl.u32 s26, $0x2;
	p0 =	sgt.s32 @!p3 s24, $0x0  }
0x251: {  	s21 =	sadd.s32 $0x40E8, s0;
	s0 =	smov.u32 s24;
	p0 =	por !p0, p3  }
0x252: {  	s0 =	simm.s32 @p0 $0x0;
	p0 =	seq.s32 s23, $0x0  }
.Ltmp13:
0x253: {  	_ = 	snop;
	(pc) =	sbr.rel @p0 .LBB2_15-.Ltmp13, $4  }
0x254: {  	_ = 	snop  }
0x255: {  	s22 =	simm.s32 $0x0;
	s29 =	simm.s32 @!p3 $0x1;
	s0 =	smin.u32 @!p3 s0, $0x270FF  }
0x256: {  	s30 =	simm.s32 @!p3 $0x1B38;
	s29 =	smov.u32 @p3 s22;
	s26 =	sand.u32 @!p3 $0x3FFF8, s0  }
0x257: {  	s31 =	sand.u32 @!p3 $0x7, s0;
	s0 =	sadd.s32 @!p3 s1, s26;
	s26 =	sadd.s32 $0x1, s19  }
.LBB2_14:
0x258: {  	s2 =	smov.u32 s29  }
0x259: {  	[tilespmem:s30], [sflag:$0x2] =	stream.linear.gather @!p3 [hbm4b:s0+s31], $0x4, $0x38;
	[tilespmem:$0x1F0E8] =	vst v63  }
0x25a: {  	s23 =	sadd.s32 $0x1, s23;
	s0 =	smov.u32 s28;
	v1 =	vld.msk [tilespmem:s26+$0x0], $0x1  }
0x25b: {  	p4 =	seq.s32 s23, $0x0;
	_ =	sdelay $0x3  }
0x25c: {  	(v2sf) =	vpush v1, $0x0;
	_ =	sdelay $0xe  }
0x25d: {  	s28 =	spop (v2sf)  }
0x25e: {  	p3 =	seq.s32 s0, s28  }
0x25f: {  	p0 =	sgt.s32 @!p3 s0, $0x0;
	s30 =	sshll.u32 @!p3 s29, $0x6;
	s29 =	sadd.s32 @!p3 $0x1, s29  }
.Ltmp14:
0x260: {  	p0 =	por !p0, p3;
	s30 =	sshra.s32 @!p3 s30, $0x2;
	(pc) =	sbr.rel @!p4 .LBB2_14-.Ltmp14, $4  }
0x261: {  	s29 =	smov.u32 @p3 s2;
	s0 =	simm.s32 @p0 $0x0;
	s30 =	sadd.s32 @!p3 $0x1B38, s30  }
0x262: {  	s0 =	smin.u32 @!p3 s0, $0x270FF  }
0x263: {  	s2 =	sand.u32 @!p3 $0x3FFF8, s0;
	s31 =	sand.u32 @!p3 $0x7, s0  }
0x264: {  	s26 =	sadd.s32 $0x1, s26;
	s0 =	sadd.s32 @!p3 s1, s2  }
.LBB2_15:
0x265: {  	[tilespmem:s30], [sflag:$0x2] =	stream.linear.gather @!p3 [hbm4b:s0+s31], $0x4, $0x38;
	[tilespmem:$0x1F0E8] =	vst v63  }
0x266: {  	s31 =	sshll.u32 s29, $0x2  }
0x267: {  	s2 =	simm.s32 $0x2;
	s0 =	sand.u32 $0x3FFFFFFC, s31  }
0x268: {  	_ =	swait.ge [sflag:s2], s0  }
0x269: {  	s0 =	ssub.s32 $0x0, s0;
	[sflag:s2] =	ssyncset.done $0x0  }
0x26a: {  	[sflag:s2] =	ssyncadd.s32 s0  }
0x26b: {  	v1 =	vld.msk [tilespmem:s19+$0x0], $0x1;
	_ =	sdelay $0x4  }
0x26c: {  	(v2sf) =	vpush v1, $0x0;
	_ =	sdelay $0xe  }
0x26d: {  	s23 =	spop (v2sf)  }
0x26e: {  	p3 =	sne.s32 s24, s23  }
0x26f: {  	p5 =	sne.s32 @p3 s24, s20  }
0x270: {  	p4 =	por !p5, !p3  }
0x271: {  	s0 =	sshll.u32 @!p4 s18, $0x6;
	s2 =	simm.s32 @!p4 $0x0  }
0x272: {  	s0 =	sshra.s32 @!p4 s0, $0x2;
	v1 =	vld.msk @!p4 [tilespmem:s2+$0x1B38], $0xf  }
0x273: {  	v2 =	vld.msk @!p4 [tilespmem:s0+$0x28], $0xf;
	_ =	sdelay $0x1  }
0x274: {  	p0 =	sgt.u32 @!p4 s24, $0x270FF  }
0x275: {  	p6 =	por @p3 p0, !p5  }
0x276: {  	p2 =	por p6, !p3;
	p6 =	por p5, !p3  }
0x277: {  	s26 =	sadd.s32 @!p4 $0x28, s0;
	s2 =	sand.u32 @!p2 $0x3FFF8, s24;
	s28 =	sshll.u32 @!p6 s18, $0x6;
	v1 =	vmax.f32 @!p4 v1, v2  }
0x278: {  	s24 =	sand.u32 @!p2 $0x7, s24;
	s2 =	sadd.s32 @!p2 s1, s2;
	[tilespmem:s0+$0x28] =	vst.msk @!p4 $0xf, v1;
	s0 =	sshra.s32 @!p6 s28, $0x2  }
0x279: {  	[hbm4b:s2+s24] =	stream.linear.scatter @!p2 [tilespmem:s26], [sflag:$0xA], $0x4, $0x38;
	[tilespmem:$0x1F0E8] =	vst v63  }
0x27a: {  	s29 =	rddreg [dreg:$0x2];
	s0 =	sadd.s32 @!p6 $0x28, s0;
	s2 =	simm.s32 @!p6 $0x1  }
0x27b: {  	[spmem:s29] =	stream.linear.scatter @!p6 [tilespmem:s0], [sflag:$0x1], $0x4, $0x38;
	[tilespmem:$0x1F0E8] =	vst v63  }
0x27c: {  	s0 =	sadd.s32 @p3 $0x1, s18;
	_ =	swait.ge @!p6 [sflag:s2], $0x4  }
0x27d: {  	s24 =	sshrl.u32 @p3 s0, $0x4;
	[sflag:s2] =	ssyncset.done @!p6 $0x0  }
0x27e: {  	s26 =	smulhi.u32 @p3 $0x97B425F, s24;
	[sflag:s2] =	ssyncadd.s32 @!p6 $0xFFFFFFFC  }
0x27f: {  	v1 =	vld.msk @p3 [tilespmem:s21+$0x0], $0xf  }
0x280: {  	p0 =	por @p3 !p0, !p5;
	s24 =	sadd.s32 $0x1, s25;
	s2 =	smul.u32 @p3 $0x1B0, s26  }
0x281: {  	p0 =	por !p0, !p3;
	p6 =	seq.s32 s24, $0x0  }
.Ltmp15:
0x282: {  	s26 =	simm.s32 @!p4 $0x0;
	s0 =	ssub.s32 @p3 s0, s2;
	(pc) =	sbr.rel @p6 .LBB2_17-.Ltmp15, $4  }
0x283: {  	s26 =	simm.s32 @!p0 $0x10;
	s28 =	sshll.u32 @p3 s0, $0x4  }
0x284: {  	s29 =	simm.s32 @p3 $0x1;
	s2 =	sshll.u32 @!p3 s18, $0x6;
	s26 =	sadd.s32 @!p4 $0x0, s26;
	[tilespmem:s28+$0x28] =	vst.msk @p3 $0xf, v1  }
0x285: {  	s25 =	simm.s32 $0x0;
	s26 =	smov.u32 @p4 s22;
	s28 =	sshra.s32 @!p3 s2, $0x2;
	v1 =	vld.msk @!p3 [tilespmem:s21+$0x0], $0xf  }
0x286: {  	s25 =	smov.u32 @p3 s29;
	s18 =	smov.u32 @p3 s0;
	s22 =	smov.u32 @p3 s26;
	v2 =	vld.msk @!p3 [tilespmem:s28+$0x28], $0xf  }
.LBB2_16:
0x287: {  	_ =	sdelay $0x3  }
0x288: {  	v1 =	vmax.f32 @!p3 v1, v2  }
0x289: {  	s19 =	sadd.s32 $0x1, s19;
	[tilespmem:s28+$0x28] =	vst.msk @!p3 $0xf, v1  }
0x28a: {  	v1 =	vld.msk [tilespmem:s19+$0x0], $0x1;
	_ =	sdelay $0x4  }
0x28b: {  	(v2sf) =	vpush v1, $0x0;
	_ =	sdelay $0xe  }
0x28c: {  	s26 =	smov.u32 s23;
	s23 =	spop (v2sf)  }
0x28d: {  	p3 =	sne.s32 s26, s23  }
0x28e: {  	p6 =	sne.s32 @p3 s26, s20  }
0x28f: {  	s0 =	sadd.s32 @p3 $0x1, s18;
	p5 =	por !p6, !p3  }
0x290: {  	s28 =	sshll.u32 @!p3 s18, $0x6;
	s29 =	sadd.s32 @p3 $0x1, s25;
	s30 =	sshll.u32 @!p5 s25, $0x6  }
0x291: {  	s2 =	sshrl.u32 @p3 s0, $0x4;
	s31 =	sshll.u32 @!p5 s18, $0x6;
	s30 =	sshra.s32 @!p5 s30, $0x2  }
0x292: {  	p2 =	sgt.u32 @!p5 s26, $0x270FF;
	s2 =	smulhi.u32 @p3 $0x97B425F, s2;
	s31 =	sshra.s32 @!p5 s31, $0x2;
	v1 =	vld.msk @!p5 [tilespmem:s30+$0x1B38], $0xf  }
0x293: {  	s5 =	simm.s32 @!p5 $0x0;
	s25 =	smov.u32 @p3 s29;
	s29 =	rddreg [dreg:$0x2];
	v2 =	vld.msk @!p5 [tilespmem:s31+$0x28], $0xf  }
0x294: {  	p0 =	por @p3 p2, !p6;
	p2 =	por @p3 !p2, !p6;
	p6 =	por p6, !p3  }
0x295: {  	s30 =	sadd.s32 @!p5 $0x28, s31;
	p0 =	por p0, !p3;
	p2 =	por !p2, !p3  }
0x296: {  	s2 =	smul.u32 @p3 $0x1B0, s2;
	s10 =	sshll.u32 @!p6 s18, $0x6;
	s5 =	simm.s32 @!p2 $0x10  }
0x297: {  	s9 =	sand.u32 @!p0 $0x3FFF8, s26;
	s26 =	sand.u32 @!p0 $0x7, s26;
	s5 =	sadd.s32 @!p5 s5, s22  }
0x298: {  	s9 =	sadd.s32 @!p0 s1, s9;
	s0 =	ssub.s32 @p3 s0, s2;
	s5 =	smov.u32 @p5 s22;
	v1 =	vmax.f32 @!p5 v1, v2  }
0x299: {  	s2 =	sshll.u32 @p3 s0, $0x4;
	s22 =	smov.u32 @p3 s5;
	s5 =	sshra.s32 @!p6 s10, $0x2;
	[tilespmem:s31+$0x28] =	vst.msk @!p5 $0xf, v1  }
0x29a: {  	[hbm4b:s9+s26] =	stream.linear.scatter @!p0 [tilespmem:s30], [sflag:$0xA], $0x4, $0x38;
	[tilespmem:$0x1F0E8] =	vst v63  }
0x29b: {  	s18 =	smov.u32 @p3 s0;
	s0 =	sadd.s32 @!p6 $0x28, s5;
	s5 =	simm.s32 @!p6 $0x1  }
0x29c: {  	[spmem:s29] =	stream.linear.scatter @!p6 [tilespmem:s0], [sflag:$0x1], $0x4, $0x38;
	[tilespmem:$0x1F0E8] =	vst v63  }
0x29d: {  	_ =	swait.ge @!p6 [sflag:s5], $0x4  }
0x29e: {  	[sflag:s5] =	ssyncset.done @!p6 $0x0  }
0x29f: {  	s21 =	sadd.s32 $0x80, s21;
	[sflag:s5] =	ssyncadd.s32 @!p6 $0xFFFFFFFC  }
0x2a0: {  	v1 =	vld.msk @p3 [tilespmem:s21+$0x0], $0xf  }
0x2a1: {  	s24 =	sadd.s32 $0x1, s24  }
0x2a2: {  	p4 =	seq.s32 s24, $0x0  }
.Ltmp16:
0x2a3: {  	_ = 	snop;
	(pc) =	sbr.rel @!p4 .LBB2_16-.Ltmp16, $4  }
0x2a4: {  	_ = 	snop  }
0x2a5: {  	[tilespmem:s2+$0x28] =	vst.msk @p3 $0xf, v1  }
0x2a6: {  	s28 =	sshra.s32 @!p3 s28, $0x2;
	v1 =	vld.msk @!p3 [tilespmem:s21+$0x0], $0xf  }
0x2a7: {  	v2 =	vld.msk @!p3 [tilespmem:s28+$0x28], $0xf  }
.LBB2_17:
0x2a8: {  	_ = 	snop  }
.Ltmp17:
0x2a9: {  	_ = 	snop;
	(pc) =	sbr.rel .LBB2_19-.Ltmp17, $3  }
0x2aa: {  	s2 =	sld [smem:$0x7FC];
	_ =	sdelay $0x1  }
0x2ab: {  	v1 =	vmax.f32 @!p3 v1, v2  }
0x2ac: {  	s0 =	sshrl.u32 s22, $0x2;
	s24 =	smov.u32 s23;
	p2 =	seq.s32 s2, $0x1;
	[tilespmem:s28+$0x28] =	vst.msk @!p3 $0xf, v1  }
.LBB2_21:
0x2ad: {  	_ =	sfence.sel $0x180000  }
0x2ae: {  	s0 =	simm.s32 $0x7;
	[bflag:$0x0] =	sbarrier.arrive $0xFFFF  }
0x2af: {  	s23 =	simm.s32 $0x8;
	[sflag:s0] =	ssyncpa.u1 $0x1  }
0x2b0: {  	s24 =	simm.s32 $0x9;
	[sflag:s23] =	ssyncpa.u1 $0x1  }
0x2b1: {  	s25 =	simm.s32 $0x2;
	[sflag:s24] =	ssyncpa.u1 $0x1  }
0x2b2: {  	[sflag:s25] =	ssyncpa.u1 $0x1  }
0x2b3: {  	v0 =	vld [tilespmem:$0x3648];
	_ =	sdelay $0x4  }
0x2b4: {  	(v2sf) =	vpush v0, $0x0  }
0x2b5: {  	(v2sf) =	vpush v0, $0x1;
	_ =	sdelay $0x1  }
0x2b6: {  	(v2sf) =	vpush v0, $0x2;
	_ =	sdelay $0xb  }
0x2b7: {  	s0 =	spop (v2sf)  }
0x2b8: {  	s2 =	spop (v2sf)  }
0x2b9: {  	s3 =	smov.u32 s0;
	p0 =	sne.s32 s0, s2  }
0x2ba: {  	s4 =	spop (v2sf);
	s3 =	simm.s32 @!p0 $0xFFFFFFFF  }
0x2bb: {  	v2 =	vimm.s32 $0x1;
	v3 =	vlaneseq.u32;
	p0 =	seq.s32 s4, $0xFFFFFFFF;
	v1 =	vmov s3  }
0x2bc: {  	s26 =	stileid.u32;
	v0 =	vperm.xlane v0, v2;
	p1 =	sne.s32 @!p0 s0, s2;
	v1 =	vperm.xlane v1, v3  }
0x2bd: {  	vm0 =	vcmask $0x3F04;
	s6 =	simm.s32 $0x3648;
	s0 =	simm.s32 @!p0 $0x1;
	p1 =	por !p1, p0  }
0x2be: {  	s3 =	sshll.u32 s26, $0x1;
	s2 =	sshll.u32 @!p0 s4, $0x6;
	s0 =	simm.s32 @p1 $0x0;
	v0 =	vsel vm0, v1, v0  }
0x2bf: {  	s5 =	sor.u32 $0x200, s3;
	s2 =	sshra.s32 @!p0 s2, $0x2;
	s0 =	sor.u32 @!p0 s0, s3;
	[tilespmem:$0x3648] =	vst v0  }
0x2c0: {  	[spmem:s5] =	stream.linear.scatter [tilespmem:s6], [sflag:$0x1], $0x2, $0x38;
	[tilespmem:$0x1F0E8] =	vst v63  }
0x2c1: {  	s2 =	sadd.s32 @!p0 $0x28, s2;
	s0 =	sshll.u32 @!p0 s0, $0x4  }
0x2c2: {  	[spmem:s0] =	stream.linear.scatter @!p0 [tilespmem:s2], [sflag:$0x1], $0x10, $0x38;
	[tilespmem:$0x1F0E8] =	vst v63  }
0x2c3: {  	s0 =	simm.s32 @!p0 $0x12  }
0x2c4: {  	s2 =	simm.s32 $0x1;
	s0 =	simm.s32 @p0 $0x2  }
0x2c5: {  	_ =	swait.ge [sflag:s2], s0  }
0x2c6: {  	s0 =	ssub.s32 $0x0, s0;
	[sflag:s2] =	ssyncset.done $0x0  }
0x2c7: {  	[sflag:s2] =	ssyncadd.s32 s0  }
0x2c8: {  	_ =	sfence.stream.spmem  }
0x2c9: {  	[bflag:$0x0] =	sbarrier.arrive $0xFFFF  }
0x2ca: {  	s28 =	simm.s32 $0x3;
	s31 =	sld [smem:$0x7FD]  }
0x2cb: {  	s29 =	simm.s32 $0x4;
	[sflag:s28] =	ssyncpa.u1 $0x1  }
0x2cc: {  	s30 =	simm.s32 $0x3C;
	[sflag:s29] =	ssyncpa.u1 $0x1  }
0x2cd: {  	[sflag:s30] =	ssyncpa.u1 $0x1;
	p0 =	seq.s32 s31, $0x1  }
0x2ce: {  	_ =	sfence @p0  }
0x2cf: {  	[sflag:s2] =	ssyncpa.u1 @p0 $0x1  }
0x2d0: {  	_ =	strace @p0 $0x90000059  }
0x2d1: {  	[bflag:$0x2] =	sbarrier.arrive @p0 $0xFFFF  }
0x2d2: {  	_ =	shalt @p0  }
.LBB2_22:
0x2d3: {  	_ =	sfence.stream.spmem;
	s0 =	simm.s32 $0x5  }
0x2d4: {  	s2 =	simm.s32 $0x200;
	s3 =	simm.s32 $0x3658;
	[sflag:s0] =	ssyncpa.u1 $0x0  }
0x2d5: {  	[tilespmem:s3], [sflag:$0x5] =	stream.linear.gather [spmem:s2], $0x20, $0x38;
	[tilespmem:$0x1F0E8] =	vst v63  }
0x2d6: {  	s30 =	simm.s32 $0x3678;
	s2 =	simm.s32 $0x0  }
0x2d7: {  	[tilespmem:s30], [sflag:$0x5] =	stream.linear.gather [spmem:s2], $0x200, $0x38;
	[tilespmem:$0x1F0E8] =	vst v63  }
.Ltmp18:
0x2d8: {  	_ = 	snop;
	(pc) =	sbr.rel .LBB2_23-.Ltmp18, $4  }
0x2d9: {  	_ =	swait.ge [sflag:s0], $0x220  }
0x2da: {  	[sflag:s0] =	ssyncset.done $0x0  }
0x2db: {  	s31 =	simm.s32 $0x6;
	[sflag:s0] =	ssyncadd.s32 $0xFFFFFDE0  }
0x2dc: {  	s3 =	simm.s32 $0x0;
	[sflag:s31] =	ssyncpa.u1 $0x0  }
.LBB2_28:
0x2dd: {  	p0 =	slt.u32 s4, $0x27100  }
0x2de: {  	s0 =	sand.u32 @p0 $0x3FFF8, s4  }
0x2df: {  	s4 =	sand.u32 @p0 $0x7, s4;
	s5 =	simm.s32 @p0 $0x3638;
	s0 =	sadd.s32 @p0 s1, s0  }
0x2e0: {  	[tilespmem:s5], [sflag:$0x6] =	stream.linear.gather @p0 [hbm4b:s0+s4], $0x4, $0x38;
	[tilespmem:$0x1F0E8] =	vst v63  }
0x2e1: {  	s0 =	simm.s32 @p0 $0x6  }
0x2e2: {  	_ =	swait.ge @p0 [sflag:s0], $0x4  }
0x2e3: {  	[sflag:s0] =	ssyncset.done @p0 $0x0  }
0x2e4: {  	[sflag:s0] =	ssyncadd.s32 @p0 $0xFFFFFFFC;
	s0 =	sshll.u32 @p0 s3, $0x6  }
0x2e5: {  	v1 =	vld @p0 [tilespmem:$0x3638];
	s4 =	sshrl.u32 @p0 s0, $0x2  }
0x2e6: {  	v2 =	vld @p0 [tilespmem:s4+$0x3678];
	_ =	sdelay $0x4  }
0x2e7: {  	s5 =	sshll.u32 @!p0 s3, $0x6;
	v1 =	vmax.f32 @p0 v1, v2  }
0x2e8: {  	s5 =	smov.u32 @p0 s0;
	[tilespmem:s4+$0x3678] =	vst @p0 v1  }
0x2e9: {  	s0 =	sshrl.u32 s5, $0x2;
	[tilespmem:s2+$0x3658] =	vst.msk $0x1, v0  }
0x2ea: {  	v0 =	vld [tilespmem:s0+$0x3678];
	_ =	sdelay $0x2  }
0x2eb: {  	s31 =	sshll.u32 s2, $0x6  }
0x2ec: {  	s0 =	sshra.s32 s31, $0x2  }
0x2ed: {  	s2 =	sadd.s32 $0x1, s2;
	[tilespmem:s0+$0x3678] =	vst v0  }
.LBB2_30:
0x2ee: {  	s3 =	sadd.s32 $0x1, s3  }
0x2ef: {  	p0 =	sne.s32 s3, $0x20  }
.Ltmp19:
0x2f0: {  	_ = 	snop;
	(pc) =	sbr.rel @!p0 .LBB2_31-.Ltmp19, $1  }
0x2f1: {  	_ =	sdelay $0x3  }
.LBB2_23:
0x2f2: {  	v0 =	vld.msk [tilespmem:s3+$0x3658], $0x1;
	_ =	sdelay $0x4  }
0x2f3: {  	(v2sf) =	vpush v0, $0x0;
	_ =	sdelay $0xe  }
0x2f4: {  	s4 =	spop (v2sf)  }
0x2f5: {  	p0 =	seq.s32 s4, $0xFFFFFFFF  }
.Ltmp20:
0x2f6: {  	_ = 	snop;
	(pc) =	sbr.rel @p0 .LBB2_30-.Ltmp20, $1  }
0x2f7: {  	_ =	sdelay $0x3  }
0x2f8: {  	p0 =	slt.s32 s2, $0x1  }
.Ltmp21:
0x2f9: {  	_ = 	snop;
	(pc) =	sbr.rel @p0 .LBB2_28-.Ltmp21, $1  }
0x2fa: {  	_ =	sdelay $0x3  }
0x2fb: {  	s5 =	simm.s32 $0x3658;
	p0 =	por $0x0, $0x0  }
0x2fc: {  	v1 =	vld.msk @!p0 [tilespmem:s5+$0x0], $0x1;
	_ =	sdelay $0x4  }
0x2fd: {  	(v2sf) =	vpush @!p0 v1, $0x0;
	_ =	sdelay $0xd  }
0x2fe: {  	p2 =	sne.s32 s2, $0x1  }
.Ltmp22:
0x2ff: {  	s0 =	spop @!p0 (v2sf);
	(pc) =	sbr.rel @!p2 .LBB2_27-.Ltmp22, $4  }
0x300: {  	p1 =	seq.s32 @!p0 s4, s0  }
0x301: {  	s6 =	simm.s32 $0x0;
	p1 =	por !p1, p0  }
0x302: {  	s0 =	simm.s32 $0xFFFFFFFF;
	s6 =	simm.s32 @p1 $0xFFFFFFFF  }
0x303: {  	s7 =	simm.s32 $0x1;
	s6 =	smov.u32 @p0 s0  }
.LBB2_26:
0x304: {  	s0 =	smov.u32 s6;
	p0 =	sne.s32 s6, $0xFFFFFFFF  }
0x305: {  	s5 =	sadd.s32 $0x1, s5;
	s6 =	smov.u32 s7;
	s7 =	sadd.s32 $0x1, s7  }
0x306: {  	p1 =	sne.s32 s2, s7;
	v1 =	vld.msk @!p0 [tilespmem:s5+$0x0], $0x1;
	_ =	sdelay $0x4  }
0x307: {  	(v2sf) =	vpush @!p0 v1, $0x0;
	_ =	sdelay $0xe  }
.Ltmp23:
0x308: {  	s8 =	spop @!p0 (v2sf);
	(pc) =	sbr.rel @p1 .LBB2_26-.Ltmp23, $4  }
0x309: {  	p2 =	seq.s32 @!p0 s4, s8  }
0x30a: {  	p2 =	por !p2, p0  }
0x30b: {  	s6 =	simm.s32 @p2 $0xFFFFFFFF  }
0x30c: {  	s6 =	smov.u32 @p0 s0  }
.LBB2_27:
0x30d: {  	p0 =	sne.s32 s6, $0xFFFFFFFF  }
.Ltmp24:
0x30e: {  	_ = 	snop;
	(pc) =	sbr.rel @!p0 .LBB2_28-.Ltmp24, $1  }
0x30f: {  	_ =	sdelay $0x3  }
0x310: {  	s0 =	sshll.u32 s3, $0x4  }
0x311: {  	s4 =	sshll.u32 s6, $0x6;
	s0 =	sand.u32 $0x3FFFFFF0, s0  }
0x312: {  	s31 =	sshra.s32 s4, $0x2;
	v0 =	vld [tilespmem:s0+$0x3678]  }
0x313: {  	v1 =	vld [tilespmem:s31+$0x3678];
	_ =	sdelay $0x1  }
.Ltmp25:
0x314: {  	_ = 	snop;
	(pc) =	sbr.rel .LBB2_30-.Ltmp25, $3  }
0x315: {  	_ =	sdelay $0x1  }
0x316: {  	v0 =	vmax.f32 v0, v1  }
0x317: {  	[tilespmem:s31+$0x3678] =	vst v0  }
.LBB2_31:
0x318: {  	p0 =	slt.s32 s2, $0x1  }
.Ltmp26:
0x319: {  	_ = 	snop;
	(pc) =	sbr.rel @p0 .LBB2_35-.Ltmp26, $3  }
0x31a: {  	_ =	sdelay $0x1  }
0x31b: {  	s0 =	simm.s32 $0x6  }
0x31c: {  	s3 =	simm.s32 $0x0;
	[sflag:s0] =	ssyncpa.u1 $0x1  }
0x31d: {  	s0 =	simm.s32 $0x3658  }
0x31e: {  	v0 =	vld.msk [tilespmem:s0+$0x0], $0x1;
	_ =	sdelay $0x4  }
0x31f: {  	(v2sf) =	vpush v0, $0x0;
	_ =	sdelay $0xd  }
0x320: {  	s2 =	sadd.s32 $0xFFFFFFFF, s2  }
0x321: {  	p1 =	sne.s32 s2, $0x0;
	s0 =	spop (v2sf)  }
.Ltmp27:
0x322: {  	p0 =	sgt.u32 s0, $0x270FF;
	(pc) =	sbr.rel @!p1 .LBB2_34-.Ltmp27, $4  }
0x323: {  	s4 =	simm.s32 $0x3678;
	s5 =	sand.u32 @!p0 $0x3FFF8, s0  }
0x324: {  	s6 =	simm.s32 $0x0;
	s0 =	sand.u32 @!p0 $0x7, s0;
	s5 =	sadd.s32 @!p0 s1, s5  }
0x325: {  	[hbm4b:s5+s0] =	stream.linear.scatter @!p0 [tilespmem:s4], [sflag:$0x5], $0x4, $0x38;
	[tilespmem:$0x1F0E8] =	vst v63  }
0x326: {  	s6 =	simm.s32 @!p0 $0x10;
	s5 =	simm.s32 $0x3659  }
.LBB2_33:
0x327: {  	v0 =	vld.msk [tilespmem:s5+$0x0], $0x1;
	s2 =	sadd.s32 $0xFFFFFFFF, s2;
	s3 =	sadd.s32 s3, s6  }
0x328: {  	p0 =	sne.s32 s2, $0x0;
	_ =	sdelay $0x3  }
0x329: {  	(v2sf) =	vpush v0, $0x0;
	_ =	sdelay $0xe  }
.Ltmp28:
0x32a: {  	s0 =	spop (v2sf);
	(pc) =	sbr.rel @p0 .LBB2_33-.Ltmp28, $4  }
0x32b: {  	s6 =	simm.s32 $0x0;
	p1 =	sgt.u32 s0, $0x270FF  }
0x32c: {  	s4 =	sadd.s32 $0x10, s4;
	s6 =	simm.s32 @!p1 $0x10;
	s7 =	sand.u32 @!p1 $0x3FFF8, s0  }
0x32d: {  	s5 =	sadd.s32 $0x1, s5;
	s0 =	sand.u32 @!p1 $0x7, s0;
	s7 =	sadd.s32 @!p1 s1, s7  }
0x32e: {  	[hbm4b:s7+s0] =	stream.linear.scatter @!p1 [tilespmem:s4], [sflag:$0x5], $0x4, $0x38;
	[tilespmem:$0x1F0E8] =	vst v63  }
.LBB2_34:
0x32f: {  	s0 =	sadd.s32 s3, s6  }
0x330: {  	s3 =	sshrl.u32 s0, $0x2  }
.LBB2_35:
0x331: {  	s0 =	simm.s32 $0x5  }
0x332: {  	_ =	swait.ge [sflag:s0], s3  }
0x333: {  	s1 =	ssub.s32 $0x0, s3;
	[sflag:s0] =	ssyncset.done $0x0  }
0x334: {  	[sflag:s0] =	ssyncadd.s32 s1  }
0x335: {  	[sflag:s0] =	ssyncpa.u1 $0x1  }
0x336: {  	s30 =	simm.s32 $0x1;
	_ =	sfence  }
0x337: {  	[sflag:s30] =	ssyncpa.u1 $0x1  }
0x338: {  	_ =	strace $0x90000059  }
0x339: {  	[bflag:$0x2] =	sbarrier.arrive $0xFFFF  }
0x33a: {  	s31 =	rddreg [dreg:$0x1]  }
0x33b: {  	s0 =	sadd.s32 $0x100000, s31  }
0x33c: {  	[sflag:s0] =	ssyncadd.tile.s32 $0x1;
	_ =	shalt  }
.Lfunc_end2:
_tile_overlayer_lowered:
.L_overlay_start_2:
0x33d: {  	(tag) =	ssettag $0x2  }
0x33e: {  	s0 =	rddreg [dreg:$0x0];
	s2 =	stileid.u32  }
0x33f: {  	s1 =	rddreg [dreg:$0x1];
	p0 =	sne.s32 s2, $0x0  }
0x340: {  	s3 =	rddreg [dreg:$0x2];
	[bflag:$0x3] =	sbarrier.arrive $0xFFFF;
	s2 =	simm.s32 @!p0 $0x1C01  }
0x341: {  	[timem:s3], [sflag:s2] =	dma.local @!p0 [hbm:s0], s1  }
0x342: {  	s0 =	simm.s32 @!p0 $0x1  }
0x343: {  	_ =	swait.ge @!p0 [sflag:s0], s1  }
0x344: {  	s1 =	ssub.s32 @!p0 $0x0, s1;
	[sflag:s0] =	ssyncset.done @!p0 $0x0  }
0x345: {  	[sflag:s0] =	ssyncadd.s32 @!p0 s1  }
0x346: {  	[bflag:$0x3] =	sbarrier.arrive $0xFFFF  }
0x347: {  	_ =	shalt  }

// kernel: sparse-core-data-format-call.cloned.1.call-start
scs
called_computation.2_lowered:
.L_overlay_start_0:
0x0: {  	s1 =	sld [smem:$0x3FD9]  }
0x1: {  	s2 =	sld [smem:$0x3FFE];
	_ =	sdelay $0x1  }
0x2: {  	s3 =	srdreg.scid  }
0x3: {  	s0 =	sand.u32 $0x1, s3  }
0x4: {  	s17 =	sshll.u32 s0, $0xA;
	s1 =	sadd.s32 s2, s1  }
0x5: {  	s1 =	sadd.s32 s1, s17  }
0x6: {  	[smem:$0x3FAA] =	sst s1  }
0x7: {  	_ = 	snop  }
0x8: {  	(tm) =	ssettm $0x1  }
0x9: {  	s18 =	sld [smem:$0x3FFB];
	_ =	sdelay $0x3  }
0xa: {  	_ =	strace s18  }
0xb: {  	s1 =	sld [smem:$0x3FFC];
	_ =	sdelay $0x3  }
0xc: {  	_ =	strace s1  }
0xd: {  	s1 =	sld [smem:$0x3FFD];
	_ =	sdelay $0x3  }
0xe: {  	_ =	strace s1  }
0xf: {  	_ =	strace $0x8FFFFFFF  }
0x10: {  	s19 =	sld [smem:$0x3FDB];
	_ =	sdelay $0x1  }
0x11: {  	s20 =	simm.s32 $_scs_section_size  }
0x12: {  	s4 =	simm.s32 $_size__tile_overlayer_lowered;
	s5 =	simm.s32 $_tile_overlayer_lowered  }
0x13: {  	s23 =	simm.s32 $0x1BFF;
	s22 =	sshll.u32 s5, $0x1;
	s1 =	sadd.s32 s20, s19  }
0x14: {  	s6 =	simm.s32 $0x0;
	s21 =	sshll.u32 s4, $0x1;
	s4 =	sadd.s32 s22, s1  }
0x15: {  	[timem:s6], [sflag:s23] =	dma.local [hbm:s4], s21  }
0x16: {  	_ =	swait.ge [sflag:s23], s21  }
0x17: {  	s2 =	ssub.s32 $0x0, s21;
	[sflag:s23] =	ssyncset.done $0x0  }
0x18: {  	[sflag:s23] =	ssyncadd.s32 s2;
	_ =	sdelay $0x1  }
0x19: {  	s24 =	simm.s32 $0x1B8B  }
0x1a: {  	_ =	swait.ge [sflag:s24], $0x1  }
0x1b: {  	[sflag:s24] =	ssyncset.done $0x0  }
0x1c: {  	s26 =	simm.s32 $0x1B8E;
	s25 =	sld [smem:$0x3FFE];
	[sflag:s24] =	ssyncadd.s32 $0xFFFFFFFF  }
0x1d: {  	s27 =	simm.s32 $execute0_lowered;
	[smem:$0x3FD2] =	sst s26  }
0x1e: {  	s4 =	sshll.u32 s27, $0x1;
	_ =	strace $0x80000049;
	[dreg:$0x1] =	wrdreg $0xFFFFFFFF  }
0x1f: {  	s28 =	simm.s32 $_size_execute0_lowered;
	s1 =	sadd.s32 s1, s4;
	[dreg:$0x0] =	wrdreg $0x0  }
0x20: {  	s4 =	sshll.u32 s28, $0x1;
	[dreg:$0x2] =	wrdreg s1  }
0x21: {  	[dreg:$0x3] =	wrdreg s4  }
0x22: {  	[dreg:$0x4] =	wrdreg $0xC0  }
0x23: {  	_ =	task [dreg:s6], $0x5FFFF  }
0x24: {  	[dreg:$0x1] =	wrdreg $0xFFFFFFFF  }
0x25: {  	[dreg:$0x0] =	wrdreg $0x60  }
0x26: {  	[dreg:$0x2] =	wrdreg s25  }
0x27: {  	[dreg:$0x3] =	wrdreg $0x9  }
0x28: {  	_ =	task.clear_ibuf [dreg:s6], $0x4FFFF;
	_ =	strace $0x90000049  }
0x29: {  	s29 =	simm.s32 $0x9;
	_ =	strace $0x8000004B  }
0x2a: {  	_ =	swait.ge [sflag:s29], $0x1  }
0x2b: {  	[sflag:s29] =	ssyncadd.s32 $0xFFFFFFFF  }
0x2c: {  	_ =	strace $0x9000004B  }
0x2d: {  	_ =	sfence  }
0x2e: {  	s30 =	sld [smem:$0x0];
	_ =	sdelay $0x2  }
0x2f: {  	s31 =	sshll.u32 s3, $0xD;
	s3 =	sshrl.u32 s3, $0x2  }
0x30: {  	s2 =	sand.u32 $0x4000, s31;
	s1 =	sadd.s32 s3, s30  }
0x31: {  	s0 =	sor.u32 s2, s0;
	s1 =	sshll.u32 s1, $0x11  }
0x32: {  	s0 =	sor.u32 s1, s0  }
0x33: {  	s0 =	sadd.s32 $0x8F2B, s0  }
0x34: {  	[sflag:s0] =	ssyncadd.remote.s32 $0x1  }
0x35: {  	_ =	sfence.sel $0xFFFF  }
0x36: {  	[dreg:$0x0] =	wrdreg $0xFFFFFFFF;
	(pc) =	sbr.abs _section_cstart, $3  }
0x37: {  	[dreg:$0x1] =	wrdreg $0xFFFFFFFF  }
0x38: {  	_ =	task.clear_ibuf [dreg:s6], $0x2FFFF;
	_ =	strace $0x9FFFFFFF  }
0x39: {  	(tm) =	ssettm $0x7FFFFFFF  }
tec
execute0_lowered:
.L_overlay_start_1:
0x0: {  	(tag) =	ssettag $0x1  }
0x1: {  	s1 =	stileid.u32  }
0x2: {  	s0 =	srdreg.scid;
	s31 =	rddreg [dreg:$0x0]  }
0x3: {  	_ =	strace $0x8000004A;
	s8 =	simm.s32 $0x2;
	s19 =	simm.s32 $0x0  }
0x4: {  	s11 =	simm.s32 $0x800;
	s12 =	simm.s32 $0x0;
	s18 =	simm.s32 $0x0  }
0x5: {  	s20 =	simm.s32 $0x0;
	s2 =	sshll.u32 s1, $0x7;
	s0 =	sshll.u32 s0, $0x7  }
0x6: {  	s13 =	simm.s32 $0x0;
	s3 =	sand.u32 $0x80, s0;
	s30 =	ssub.s32 $0x2700, s2  }
0x7: {  	s14 =	simm.s32 $0x0;
	s0 =	sshrl.u32 s30, $0xB;
	s4 =	ssub.s32 $0x100, s3  }
0x8: {  	s15 =	simm.s32 $0x0;
	s5 =	sshrl.u32 s4, $0x7;
	s0 =	smul.u32 $0x14, s0  }
.Ltmp0:
0x9: {  	s6 =	sshrl.u32 s4, $0x8;
	s5 =	sand.u32 $0x1, s5;
	(pc) =	sbr.rel .LBB1_1-.Ltmp0, $4  }
0xa: {  	s17 =	simm.s32 $0x0;
	s5 =	sadd.s32 s6, s5;
	s0 =	sadd.s32 $0x14, s0  }
0xb: {  	s7 =	sadd.s32 $0x4200, s31;
	s4 =	simm.s32 $0x1;
	s5 =	smul.u32 s0, s5  }
0xc: {  	s16 =	smov.u32 s2;
	[sflag:s4] =	ssyncpa.u1 $0x0;
	s6 =	sadd.s32 $0x624C00, s31  }
0xd: {  	[sflag:s8] =	ssyncpa.u1 $0x0;
	s8 =	sshll.u32 s3, $0x3;
	s9 =	sor.u32 $0x1, s5  }
.LBB1_9:
0xe: {  	s0 =	sshll.u32 s14, $0x8  }
0xf: {  	s1 =	sshll.u32 s20, $0x3;
	s10 =	sshll.u32 s14, $0x7;
	s0 =	sand.u32 $0xFFFFF800, s0  }
0x10: {  	s24 =	sand.u32 $0x300, s10;
	s0 =	sor.u32 s0, s1  }
0x11: {  	s0 =	sor.u32 s24, s0  }
0x12: {  	p0 =	sgt.s32 s13, $0x13;
	s1 =	smov.u32 s13;
	s0 =	sshrl.u32 s0, $0x8  }
0x13: {  	s1 =	simm.s32 @!p0 $0x13;
	s25 =	smulhi.u32 $0x1A36E3, s0  }
0x14: {  	s27 =	smul.u32 $0x4E200, s13;
	s28 =	sshll.u32 s14, $0x4;
	s1 =	sadd.s32 s21, s1  }
0x15: {  	s29 =	sshll.u32 s17, $0xE;
	s26 =	sadd.s32 $0xFFFFFFED, s1;
	s10 =	sshrl.u32 s25, $0x2  }
0x16: {  	s1 =	ssub.s32 $0x14, s1;
	p0 =	sgt.s32 s26, $0x0;
	s10 =	smul.u32 $0x2710, s10  }
0x17: {  	s31 =	simm.s32 $0x400;
	s20 =	sadd.s32 s7, s27;
	s1 =	simm.s32 @p0 $0x0  }
0x18: {  	s1 =	smul.u32 s1, s22;
	s0 =	ssub.s32 s0, s10;
	s10 =	sand.u32 $0x10, s28  }
0x19: {  	s21 =	sand.u32 $0x4000, s29;
	s0 =	sshll.u32 s0, $0x5;
	s10 =	sadd.s32 s10, s20  }
0x1a: {  	s30 =	sor.u32 $0x8000, s21;
	s1 =	sand.u32 $0x3FFFFF80, s1;
	s0 =	sadd.s32 s0, s10  }
0x1b: {  	[hbm4b:s0+s31] =	stream.strided.scatter [tilespmem:s30], [sflag:$0x2], s1, s11, s31, $0x38;
	[tilespmem:$0x10000] =	vst v63  }
.LBB1_10:
0x1c: {  	p0 =	slt.u32 s17, $0x2  }
0x1d: {  	p1 =	sgt.s32 @!p0 s19, $0x13  }
0x1e: {  	s0 =	smov.u32 s19;
	s10 =	smov.u32 s18;
	p1 =	por !p1, p0  }
0x1f: {  	s1 =	sshra.s32 @!p0 s19, $0x1F;
	s0 =	simm.s32 @p1 $0x13;
	p1 =	sgt.s32 @!p0 s18, $0x2690  }
0x20: {  	s1 =	sand.u32 @!p0 s1, s19;
	s19 =	sshra.s32 @!p0 s18, $0x1F;
	p1 =	por !p1, p0  }
0x21: {  	s0 =	ssub.s32 @!p0 s0, s1;
	s1 =	sand.u32 @!p0 s19, s18;
	s10 =	simm.s32 @p1 $0x2690  }
0x22: {  	s1 =	ssub.s32 @!p0 s10, s1  }
0x23: {  	s18 =	sadd.s32 @!p0 $0xFFFFFFED, s0;
	s0 =	ssub.s32 @!p0 $0x14, s0;
	s1 =	sadd.s32 @!p0 $0xFFFFD970, s1  }
0x24: {  	p1 =	sgt.s32 @!p0 s18, $0x0;
	p2 =	sgt.s32 @!p0 s1, $0x7F;
	s1 =	sshll.u32 @!p0 s1, $0x7  }
0x25: {  	p1 =	por !p1, p0;
	s1 =	ssub.s32 @!p0 $0x4000, s1;
	p2 =	por !p2, p0  }
0x26: {  	s0 =	simm.s32 @!p1 $0x0;
	s1 =	simm.s32 @!p2 $0x0  }
0x27: {  	s0 =	smul.u32 @!p0 s0, s1;
	s1 =	sadd.s32 $0x1, s15  }
0x28: {  	s21 =	smov.u32 s16;
	s18 =	sadd.s32 $0x800, s16;
	p1 =	sgt.s32 s1, $0x13  }
0x29: {  	s21 =	smov.u32 @p1 s18  }
0x2a: {  	s1 =	simm.s32 @p1 $0x0;
	p1 =	sgt.s32 s21, $0x270F  }
0x2b: {  	s12 =	sadd.s32 $0x4000, s12;
	s21 =	smov.u32 @p1 s2;
	p1 =	sne.s32 s17, s9  }
.Ltmp1:
0x2c: {  	s20 =	smov.u32 s3;
	s19 =	smov.u32 s13;
	(pc) =	sbr.rel @!p1 .LBB1_11-.Ltmp1, $4  }
0x2d: {  	s13 =	smov.u32 s15;
	s10 =	simm.s32 @!p0 $0x2;
	s0 =	sand.u32 @!p0 $0x3FFFFF80, s0  }
0x2e: {  	s18 =	smov.u32 s14;
	s14 =	smov.u32 s16;
	_ =	swait.ge @!p0 [sflag:s10], s0  }
0x2f: {  	s0 =	ssub.s32 @!p0 $0x0, s0;
	s15 =	smov.u32 s1;
	[sflag:s10] =	ssyncset.done @!p0 $0x0  }
0x30: {  	s17 =	sadd.s32 $0x1, s17;
	[sflag:s10] =	ssyncadd.s32 @!p0 s0;
	s16 =	smov.u32 s21  }
.LBB1_1:
0x31: {  	p0 =	sge.u32 s17, s5;
	s21 =	smov.u32 s16;
	s31 =	sadd.s32 $0xFFFFFFFF, s17  }
0x32: {  	s0 =	sshll.u32 @!p0 s15, $0x8;
	s1 =	sshll.u32 @!p0 s15, $0x7;
	p1 =	sgt.s32 @!p0 s16, $0x2690  }
0x33: {  	p2 =	sgt.s32 @!p0 s15, $0x17;
	s10 =	sshra.s32 @!p0 s15, $0x1F;
	s22 =	sshra.s32 @!p0 s16, $0x1F  }
0x34: {  	s0 =	sand.u32 @!p0 $0xFFFFF800, s0;
	s1 =	sand.u32 @!p0 $0x300, s1;
	p1 =	por !p1, p0  }
0x35: {  	p2 =	por !p2, p0;
	s22 =	sand.u32 @!p0 s22, s16;
	s0 =	sor.u32 @!p0 s8, s0  }
0x36: {  	s21 =	simm.s32 @p1 $0x2690;
	s0 =	sor.u32 @!p0 s1, s0;
	s1 =	smov.u32 s15  }
0x37: {  	s10 =	sand.u32 @!p0 s10, s15;
	s21 =	ssub.s32 @!p0 s21, s22;
	s1 =	simm.s32 @p2 $0x17  }
0x38: {  	s0 =	sshrl.u32 @!p0 s0, $0x8;
	s21 =	sadd.s32 @!p0 $0xFFFFD970, s21;
	s1 =	ssub.s32 @!p0 s1, s10  }
0x39: {  	s10 =	smulhi.u32 @!p0 $0xAAAAAAB, s0;
	p2 =	sgt.s32 @!p0 s21, $0x7F;
	s22 =	sadd.s32 @!p0 $0xFFFFFFE9, s1  }
0x3a: {  	s21 =	sshll.u32 @!p0 s21, $0x7;
	s1 =	ssub.s32 @!p0 $0x18, s1;
	p1 =	sgt.s32 @!p0 s22, $0x0  }
0x3b: {  	s21 =	ssub.s32 @!p0 $0x4000, s21;
	s10 =	smul.u32 @!p0 $0x18, s10;
	p1 =	por !p1, p0  }
0x3c: {  	s22 =	sxor.u32 @!p0 $0xFFFFFFFF, s17;
	s1 =	simm.s32 @!p1 $0x0;
	p1 =	por !p2, p0  }
0x3d: {  	s0 =	ssub.s32 @!p0 s0, s10;
	s10 =	smul.u32 @!p0 $0x300, s16;
	s21 =	simm.s32 @!p1 $0x0  }
0x3e: {  	s22 =	sshll.u32 @!p0 s22, $0xE;
	s1 =	smul.u32 @!p0 s1, s21;
	s21 =	sshll.u32 @!p0 s15, $0x4  }
0x3f: {  	s22 =	sand.u32 @!p0 $0x4000, s22;
	s10 =	sadd.s32 @!p0 s6, s10;
	s21 =	sand.u32 @!p0 $0x10, s21  }
0x40: {  	s0 =	sshll.u32 @!p0 s0, $0x5;
	s1 =	sand.u32 @!p0 $0x3FFFFF80, s1;
	s10 =	sadd.s32 @!p0 s21, s10  }
0x41: {  	s21 =	simm.s32 @!p0 $0x1800;
	s0 =	sadd.s32 @!p0 s0, s10;
	s10 =	simm.s32 @!p0 $0x80  }
0x42: {  	[tilespmem:s22], [sflag:$0x1] =	stream.strided.gather @!p0 [hbm4b:s0+s10], s1, s21, s10, $0x38;
	[tilespmem:$0x10000] =	vst v63  }
0x43: {  	p0 =	sge.u32 s31, s5  }
.Ltmp2:
0x44: {  	_ = 	snop;
	(pc) =	sbr.rel @p0 .LBB1_10-.Ltmp2, $1  }
0x45: {  	_ =	sdelay $0x3  }
0x46: {  	p0 =	sgt.s32 s14, $0x2690;
	s0 =	smov.u32 s14;
	s1 =	sshra.s32 s14, $0x1F  }
0x47: {  	s10 =	ssub.s32 $0x0, s13;
	s0 =	simm.s32 @!p0 $0x2690;
	s1 =	sand.u32 s1, s14  }
0x48: {  	s21 =	sshra.s32 s13, $0x1F;
	s22 =	smov.u32 s13;
	s0 =	ssub.s32 s0, s1  }
0x49: {  	p0 =	sgt.s32 s13, $0x17;
	s21 =	sand.u32 s10, s21;
	s0 =	sadd.s32 $0xFFFFD970, s0  }
0x4a: {  	s22 =	simm.s32 @!p0 $0x17;
	p0 =	sgt.s32 s0, $0x7F;
	s0 =	sshll.u32 s0, $0x7  }
0x4b: {  	s29 =	sadd.s32 s21, s22;
	s22 =	ssub.s32 $0x4000, s0;
	s0 =	sadd.s32 $0x80, s14  }
0x4c: {  	s10 =	sadd.s32 $0x1, s13;
	s22 =	simm.s32 @p0 $0x0;
	p0 =	slt.s32 s0, $0x2710  }
0x4d: {  	s30 =	sadd.s32 $0xFFFFFFE9, s29;
	s0 =	simm.s32 @!p0 $0x2710;
	p0 =	slt.s32 s10, $0x14  }
0x4e: {  	s1 =	ssub.s32 $0x18, s29;
	s23 =	ssub.s32 s0, s14;
	s10 =	simm.s32 @!p0 $0x14  }
0x4f: {  	p1 =	sgt.s32 s30, $0x0;
	s24 =	ssub.s32 s10, s13;
	p0 =	slt.s32 s23, $0x1  }
0x50: {  	s1 =	simm.s32 @p1 $0x0;
	p1 =	slt.s32 @!p0 s24, $0x1  }
0x51: {  	s1 =	smul.u32 s1, s22;
	p0 =	por p0, p1  }
.Ltmp3:
0x52: {  	_ = 	snop;
	(pc) =	sbr.rel @p0 .LBB1_9-.Ltmp3, $4  }
0x53: {  	s31 =	sand.u32 $0x3FFFFF80, s1  }
0x54: {  	_ =	swait.ge [sflag:s4], s31  }
0x55: {  	s0 =	ssub.s32 $0x0, s31;
	[sflag:s4] =	ssyncset.done $0x0  }
0x56: {  	[sflag:s4] =	ssyncadd.s32 s0  }
0x57: {  	s0 =	sshll.u32 s12, $0x2  }
0x58: {  	s0 =	sand.u32 $0x10000, s0  }
0x59: {  	s25 =	sshrl.u32 s0, $0x2  }
0x5a: {  	s27 =	simm.s32 $0x0;
	s28 =	simm.s32 $0x0;
	s26 =	sor.u32 $0x8000, s25  }
.LBB1_4:
0x5b: {  	s0 =	sand.u32 $0x3F80, s27  }
0x5c: {  	s30 =	simm.s32 $0x0;
	s31 =	simm.s32 $0x0;
	s10 =	sadd.s32 s0, s26  }
.LBB1_5:
0x5d: {  	s0 =	sand.u32 $0x7, s30  }
0x5e: {  	s0 =	sadd.s32 s0, s28  }
0x5f: {  	s0 =	sshll.u32 s0, $0x9  }
0x60: {  	s0 =	sshra.s32 s0, $0x2  }
0x61: {  	s29 =	smov.u32 s10;
	s1 =	sadd.s32 s0, s25;
	s0 =	simm.s32 $0xFFFFFFF0  }
.LBB1_6:
0x62: {  	s0 =	sadd.s32 $0x10, s0  }
0x63: {  	v0 =	vld [tilespmem:s1+$0x0];
	p0 =	slt.u32 s0, $0x70  }
.Ltmp4:
0x64: {  	_ = 	snop;
	(pc) =	sbr.rel @p0 .LBB1_6-.Ltmp4, $2  }
0x65: {  	_ =	sdelay $0x2  }
0x66: {  	s1 =	sadd.s32 $0x10, s1;
	[tilespmem:s29+$0x0] =	vst v0;
	s29 =	sadd.s32 $0x10, s29  }
0x67: {  	s31 =	sadd.s32 $0x1, s31  }
0x68: {  	p0 =	sne.s32 s31, s24  }
.Ltmp5:
0x69: {  	_ = 	snop;
	(pc) =	sbr.rel @p0 .LBB1_5-.Ltmp5, $2  }
0x6a: {  	_ =	sdelay $0x2  }
0x6b: {  	s10 =	sadd.s32 $0x4000, s10;
	s30 =	sadd.s32 $0x1, s30  }
0x6c: {  	s28 =	sadd.s32 $0x1, s28  }
0x6d: {  	p0 =	sne.s32 s28, s23  }
.Ltmp6:
0x6e: {  	_ = 	snop;
	(pc) =	sbr.rel @p0 .LBB1_4-.Ltmp6, $4  }
.Ltmp7:
0x6f: {  	_ = 	snop;
	(pc) =	sbr.rel @!p0 .LBB1_9-.Ltmp7, $4  }
0x70: {  	_ = 	snop  }
0x71: {  	_ = 	snop  }
0x72: {  	s27 =	sadd.s32 $0x80, s27  }
0x73: {  	_ = 	snop  }
.LBB1_11:
0x74: {  	_ =	sfence.sel $0x180000  }
0x75: {  	s0 =	simm.s32 $0x1;
	[bflag:$0x0] =	sbarrier.arrive $0xFFFF  }
0x76: {  	s30 =	simm.s32 $0x2;
	[sflag:s0] =	ssyncpa.u1 $0x1  }
0x77: {  	[sflag:s30] =	ssyncpa.u1 $0x1  }
0x78: {  	_ =	strace $0x9000004A  }
0x79: {  	s31 =	stileid.u32;
	[bflag:$0x2] =	sbarrier.arrive $0xFFFF  }
0x7a: {  	p0 =	sne.s32 s31, $0x0;
	s0 =	rddreg [dreg:$0x1]  }
0x7b: {  	s0 =	sadd.s32 @!p0 $0x100000, s0  }
0x7c: {  	[sflag:s0] =	ssyncadd.tile.s32 @!p0 $0x1;
	_ =	shalt  }
.Lfunc_end1:
_tile_overlayer_lowered:
.L_overlay_start_2:
0x7d: {  	(tag) =	ssettag $0x2  }
0x7e: {  	s0 =	rddreg [dreg:$0x0];
	s2 =	stileid.u32  }
0x7f: {  	s1 =	rddreg [dreg:$0x1];
	p0 =	sne.s32 s2, $0x0  }
0x80: {  	s3 =	rddreg [dreg:$0x2];
	[bflag:$0x3] =	sbarrier.arrive $0xFFFF;
	s2 =	simm.s32 @!p0 $0x1C01  }
0x81: {  	[timem:s3], [sflag:s2] =	dma.local @!p0 [hbm:s0], s1  }
0x82: {  	s0 =	simm.s32 @!p0 $0x1  }
0x83: {  	_ =	swait.ge @!p0 [sflag:s0], s1  }
0x84: {  	s1 =	ssub.s32 @!p0 $0x0, s1;
	[sflag:s0] =	ssyncset.done @!p0 $0x0  }
0x85: {  	[sflag:s0] =	ssyncadd.s32 @!p0 s1  }
0x86: {  	[bflag:$0x3] =	sbarrier.arrive $0xFFFF  }
0x87: {  	_ =	shalt  }

</sc_bundles>
